<compile_context>
chip_gen: v7x
topology: tpu7x:2x2x1
jax: 0.10.2.dev20260603
libtpu: 0.0.44.dev20260713+nightly
codegen_flags: <defaults>
</compile_context>

<pallas_src>
import dataclasses
import functools

import jax
import jax.numpy as jnp
from jax import lax
from jax.experimental import pallas as pl
from jax.experimental.pallas import tpu as pltpu
from jax.experimental.pallas import tpu_sc as plsc

_B = 16384
_D = 128
_L = 16
_MARGIN = 1.0
_NC, _NS = 2, 16
_NW = _NC * _NS
_PER_W = _B // _NW
_C = 32
_NCHUNK = _PER_W // _C


def _nr_sqrt(u):
    bits = lax.bitcast_convert_type(u, jnp.int32)
    seed = jnp.int32(0x5F3759DF) - lax.shift_right_logical(bits, 1)
    y = lax.bitcast_convert_type(seed, jnp.float32)
    half_u = 0.5 * u
    for _ in range(3):
        y = y * (1.5 - half_u * y * y)
    return u * y


def _sc_hinge_partials(table, idx6):
    mesh = plsc.VectorSubcoreMesh(core_axis_name="c", subcore_axis_name="s")
    cp = pltpu.CompilerParams()
    if "needs_layout_passes" in pltpu.CompilerParams.__dataclass_fields__:
        cp = dataclasses.replace(cp, needs_layout_passes=False)

    @functools.partial(
        pl.kernel,
        compiler_params=cp,
        out_type=jax.ShapeDtypeStruct((_NW * _L,), jnp.float32),
        mesh=mesh,
        scratch_types=[
            pltpu.VMEM((_PER_W,), jnp.int32),
            pltpu.VMEM((_PER_W,), jnp.int32),
            pltpu.VMEM((_PER_W,), jnp.int32),
            pltpu.VMEM((_PER_W,), jnp.int32),
            pltpu.VMEM((_PER_W,), jnp.int32),
            pltpu.VMEM((_PER_W,), jnp.int32),
            pltpu.VMEM((2, _C, _D), jnp.float32),
            pltpu.VMEM((2, _C, _D), jnp.float32),
            pltpu.VMEM((2, _C, _D), jnp.float32),
            pltpu.VMEM((2, _C, _D), jnp.float32),
            pltpu.VMEM((2, _C, _D), jnp.float32),
            pltpu.VMEM((2, _C, _D), jnp.float32),
            pltpu.VMEM((_C, _L), jnp.float32),
            pltpu.VMEM((_C, _L), jnp.float32),
            pltpu.VMEM((_L,), jnp.float32),
            pltpu.SemaphoreType.DMA,
            pltpu.SemaphoreType.DMA,
        ],
    )
    def k(table_hbm, idx_hbm, out_hbm,
          c0_v, c1_v, c2_v, c3_v, c4_v, c5_v,
          hp_v, tp_v, rp_v, hn_v, tn_v, rn_v,
          pp_v, nn_v, hacc_v, g0, g1):
        gsem = (g0, g1)
        row_bufs = (hp_v, tp_v, rp_v, hn_v, tn_v, rn_v)
        col_bufs = (c0_v, c1_v, c2_v, c3_v, c4_v, c5_v)
        wid = lax.axis_index("s") * _NC + lax.axis_index("c")

        lane = lax.iota(jnp.int32, _L)
        for s in range(6):
            pltpu.sync_copy(idx_hbm.at[pl.ds(s * _B + wid * _PER_W, _PER_W)],
                            col_bufs[s])

        hacc_v[:] = jnp.zeros((_L,), jnp.float32)

        def fire(g, buf):
            sl = pl.ds(g * _C, _C)
            return tuple(
                pltpu.async_copy(table_hbm.at[col_bufs[s].at[sl]],
                                 row_bufs[s].at[buf], gsem[buf])
                for s in range(6))

        def wait(buf):
            for s in range(6):
                pltpu.make_async_copy(
                    table_hbm.at[col_bufs[s].at[pl.ds(0, _C)]],
                    row_bufs[s].at[buf], gsem[buf]).wait()

        def compute(buf):
            hp, tp, rp = hp_v.at[buf], tp_v.at[buf], rp_v.at[buf]
            hn, tn, rn = hn_v.at[buf], tn_v.at[buf], rn_v.at[buf]

            @pl.loop(0, _C, step=2)
            def _(i):
                for ii in range(2):
                    row = i + ii
                    accp = jnp.zeros((_L,), jnp.float32)
                    accn = jnp.zeros((_L,), jnp.float32)
                    for kk in range(_D // _L):
                        ds = pl.ds(kk * _L, _L)
                        dp = hp[row, ds] + rp[row, ds] - tp[row, ds]
                        dn = hn[row, ds] + rn[row, ds] - tn[row, ds]
                        accp = accp + dp * dp
                        accn = accn + dn * dn
                    pp_v[row, :] = accp
                    nn_v[row, :] = accn

            @pl.loop(0, _C // _L)
            def _(m):
                rows = lane + m * _L
                p2 = plsc.load_gather(pp_v, [rows, jnp.zeros((_L,), jnp.int32)])
                n2 = plsc.load_gather(nn_v, [rows, jnp.zeros((_L,), jnp.int32)])
                for l in range(1, _L):
                    cl = jnp.full((_L,), l, jnp.int32)
                    p2 = p2 + plsc.load_gather(pp_v, [rows, cl])
                    n2 = n2 + plsc.load_gather(nn_v, [rows, cl])
                hinge = jnp.maximum(_MARGIN + _nr_sqrt(p2) - _nr_sqrt(n2), 0.0)
                hacc_v[:] = hacc_v[:] + hinge

        fire(0, 0)

        @pl.loop(0, _NCHUNK // 2)
        def _(p):
            g0 = 2 * p
            fire(g0 + 1, 1)
            wait(0)
            compute(0)

            @pl.when(p < _NCHUNK // 2 - 1)
            def _():
                fire(g0 + 2, 0)

            wait(1)
            compute(1)

        pltpu.sync_copy(hacc_v, out_hbm.at[pl.ds(wid * _L, _L)])

    return k(table, idx6)


def _tc_sum(parts):
    def body(p_ref, o_ref):
        o_ref[...] = jnp.sum(p_ref[...])[None, None]

    return pl.pallas_call(
        body,
        out_shape=jax.ShapeDtypeStruct((1, 1), jnp.float32),
    )(parts)


def kernel(positive_triples, negative_triples, embeddings):
    idx6 = jnp.concatenate([
        positive_triples[:, 0], positive_triples[:, 1], positive_triples[:, 2],
        negative_triples[:, 0], negative_triples[:, 1], negative_triples[:, 2],
    ]).astype(jnp.int32)
    parts = _sc_hinge_partials(embeddings, idx6)
    loss = _tc_sum(parts)
    return loss[0, 0]

# --- scband reference (transcript-rebuilt; emitter-appended) ---
"""Pipeline reference for scband-trans-e-49881750176018 (READ-ONLY COPY).

The authoritative reference and input builder live on the scoring server;
editing this copy changes nothing except your own understanding.
"""

import jax, jax.numpy as jnp
import numpy as np

NUM_ENTITIES = 100000
NUM_RELATIONS = 1000
EMBEDDING_DIM = 128
BATCH = 16384
MARGIN = 1.0
TABLE_ROWS = NUM_ENTITIES + NUM_RELATIONS


def setup_inputs(seed: int = 0) -> dict:
    key = jax.random.key(seed)
    k1, k2, k3 = jax.random.split(key, 3)
    # xavier_uniform init for the embedding table, matching nn.init.xavier_uniform_
    limit = float(np.sqrt(6.0 / (TABLE_ROWS + EMBEDDING_DIM)))
    embeddings = jax.random.uniform(
        k1, (TABLE_ROWS, EMBEDDING_DIM), minval=-limit, maxval=limit, dtype=jnp.float32
    )
    positive_triples = jax.random.randint(k2, (BATCH, 3), 0, TABLE_ROWS, dtype=jnp.int64)
    negative_triples = jax.random.randint(k3, (BATCH, 3), 0, TABLE_ROWS, dtype=jnp.int64)
    return {
        "positive_triples": positive_triples,
        "negative_triples": negative_triples,
        "embeddings": embeddings,
    }


def reference(positive_triples, negative_triples, embeddings):
    # chunk(3, dim=1) + squeeze(1) == columns 0,1,2
    h_pos = positive_triples[:, 0]
    t_pos = positive_triples[:, 1]
    r_pos = positive_triples[:, 2]
    h_neg = negative_triples[:, 0]
    t_neg = negative_triples[:, 1]
    r_neg = negative_triples[:, 2]

    h_pos_emb = jnp.take(embeddings, h_pos, axis=0)
    t_pos_emb = jnp.take(embeddings, t_pos, axis=0)
    r_pos_emb = jnp.take(embeddings, r_pos, axis=0)
    h_neg_emb = jnp.take(embeddings, h_neg, axis=0)
    t_neg_emb = jnp.take(embeddings, t_neg, axis=0)
    r_neg_emb = jnp.take(embeddings, r_neg, axis=0)

    pos_distance = jnp.linalg.norm(h_pos_emb + r_pos_emb - t_pos_emb, ord=2, axis=1)
    neg_distance = jnp.linalg.norm(h_neg_emb + r_neg_emb - t_neg_emb, ord=2, axis=1)
    loss = jnp.sum(jax.nn.relu(MARGIN + pos_distance - neg_distance))
    return loss

if __name__ == "__main__":
    import jax
    _d = setup_inputs()
    print(jax.jit(kernel)(*tuple(_d.values())))

</pallas_src>

<mosaic_0001>
#map = affine_map<(d0, d1) -> (0, 0)>
#map1 = affine_map<(d0, d1) -> (0)>
module attributes {stable_mosaic.version = 14 : i64} {
  func.func @k(%arg0: i32, %arg1: i32, %arg2: memref<101000x128xf32, #tpu.memory_space<hbm>>, %arg3: memref<98304xi32, #tpu.memory_space<hbm>>, %arg4: memref<512xf32, #tpu.memory_space<hbm>>, %arg5: memref<512xi32, #tpu.memory_space<vmem>>, %arg6: memref<512xi32, #tpu.memory_space<vmem>>, %arg7: memref<512xi32, #tpu.memory_space<vmem>>, %arg8: memref<512xi32, #tpu.memory_space<vmem>>, %arg9: memref<512xi32, #tpu.memory_space<vmem>>, %arg10: memref<512xi32, #tpu.memory_space<vmem>>, %arg11: memref<2x32x128xf32, #tpu.memory_space<vmem>>, %arg12: memref<2x32x128xf32, #tpu.memory_space<vmem>>, %arg13: memref<2x32x128xf32, #tpu.memory_space<vmem>>, %arg14: memref<2x32x128xf32, #tpu.memory_space<vmem>>, %arg15: memref<2x32x128xf32, #tpu.memory_space<vmem>>, %arg16: memref<2x32x128xf32, #tpu.memory_space<vmem>>, %arg17: memref<32x16xf32, #tpu.memory_space<vmem>>, %arg18: memref<32x16xf32, #tpu.memory_space<vmem>>, %arg19: memref<16xf32, #tpu.memory_space<vmem>>, %arg20: memref<!tpu.dma_semaphore, #tpu.memory_space<semaphore_mem>>, %arg21: memref<!tpu.dma_semaphore, #tpu.memory_space<semaphore_mem>>) attributes {dimension_semantics = [#tpu.dimension_semantics<core_parallel>, #tpu.dimension_semantics<subcore_parallel>], iteration_bounds = array<i64: 2, 16>, scalar_prefetch = 0 : i64, scratch_operands = 17 : i64, tpu.core_type = #tpu.core_type<sc_vector_subcore>, window_params = [{transform_indices = #map}, {transform_indices = #map1}, {transform_indices = #map1}]} {
    %mul3A = arith.constant 2 : i32
    %mul3A_0 = arith.muli %arg1, %mul3A : i32
    %add3A = arith.addi %mul3A_0, %arg0 : i32
    %iota3A = tpu.iota {dimensions = array<i32: 0>} : vector<16xi32>
    %mul3A_1 = arith.constant 512 : i32
    %mul3A_2 = arith.muli %add3A, %mul3A_1 : i32
    %add3A_3 = arith.constant 0 : i32
    %add3A_4 = arith.addi %add3A_3, %mul3A_2 : i32
    "tpu.region"() ({
      %run_scoped3A = tpu.sem_alloc : memref<!tpu.dma_semaphore, #tpu.memory_space<semaphore_mem>>
      %dma_start3A_92 = tpu.memref_slice %arg3[%add3A_4] : memref<98304xi32, #tpu.memory_space<hbm>> -> memref<512xi32, #tpu.memory_space<hbm>>
      %dma_start3A_93 = tpu.memref_slice %arg3[%add3A_4] : memref<98304xi32, #tpu.memory_space<hbm>> -> memref<512xi32, #tpu.memory_space<hbm>>
      tpu.enqueue_dma source(%dma_start3A_93 : memref<512xi32, #tpu.memory_space<hbm>>) target(%arg5 : memref<512xi32, #tpu.memory_space<vmem>>) target_semaphore(%run_scoped3A : memref<!tpu.dma_semaphore, #tpu.memory_space<semaphore_mem>>)
      %dma_wait3A = tpu.memref_slice %arg3[%add3A_4] : memref<98304xi32, #tpu.memory_space<hbm>> -> memref<512xi32, #tpu.memory_space<hbm>>
      %dma_wait3A_94 = tpu.memref_slice %arg3[%add3A_4] : memref<98304xi32, #tpu.memory_space<hbm>> -> memref<512xi32, #tpu.memory_space<hbm>>
      tpu.wait_dma2 semaphore(%run_scoped3A : memref<!tpu.dma_semaphore, #tpu.memory_space<semaphore_mem>>) src(%dma_wait3A_94 : memref<512xi32, #tpu.memory_space<hbm>>) dst(%arg5 : memref<512xi32, #tpu.memory_space<vmem>>)
      tpu.yield
    }) : () -> ()
    %mul3A_5 = arith.constant 512 : i32
    %mul3A_6 = arith.muli %add3A, %mul3A_5 : i32
    %add3A_7 = arith.constant 16384 : i32
    %add3A_8 = arith.addi %add3A_7, %mul3A_6 : i32
    "tpu.region"() ({
      %run_scoped3A = tpu.sem_alloc : memref<!tpu.dma_semaphore, #tpu.memory_space<semaphore_mem>>
      %dma_start3A_92 = tpu.memref_slice %arg3[%add3A_8] : memref<98304xi32, #tpu.memory_space<hbm>> -> memref<512xi32, #tpu.memory_space<hbm>>
      %dma_start3A_93 = tpu.memref_slice %arg3[%add3A_8] : memref<98304xi32, #tpu.memory_space<hbm>> -> memref<512xi32, #tpu.memory_space<hbm>>
      tpu.enqueue_dma source(%dma_start3A_93 : memref<512xi32, #tpu.memory_space<hbm>>) target(%arg6 : memref<512xi32, #tpu.memory_space<vmem>>) target_semaphore(%run_scoped3A : memref<!tpu.dma_semaphore, #tpu.memory_space<semaphore_mem>>)
      %dma_wait3A = tpu.memref_slice %arg3[%add3A_8] : memref<98304xi32, #tpu.memory_space<hbm>> -> memref<512xi32, #tpu.memory_space<hbm>>
      %dma_wait3A_94 = tpu.memref_slice %arg3[%add3A_8] : memref<98304xi32, #tpu.memory_space<hbm>> -> memref<512xi32, #tpu.memory_space<hbm>>
      tpu.wait_dma2 semaphore(%run_scoped3A : memref<!tpu.dma_semaphore, #tpu.memory_space<semaphore_mem>>) src(%dma_wait3A_94 : memref<512xi32, #tpu.memory_space<hbm>>) dst(%arg6 : memref<512xi32, #tpu.memory_space<vmem>>)
      tpu.yield
    }) : () -> ()
    %mul3A_9 = arith.constant 512 : i32
    %mul3A_10 = arith.muli %add3A, %mul3A_9 : i32
    %add3A_11 = arith.constant 32768 : i32
    %add3A_12 = arith.addi %add3A_11, %mul3A_10 : i32
    "tpu.region"() ({
      %run_scoped3A = tpu.sem_alloc : memref<!tpu.dma_semaphore, #tpu.memory_space<semaphore_mem>>
      %dma_start3A_92 = tpu.memref_slice %arg3[%add3A_12] : memref<98304xi32, #tpu.memory_space<hbm>> -> memref<512xi32, #tpu.memory_space<hbm>>
      %dma_start3A_93 = tpu.memref_slice %arg3[%add3A_12] : memref<98304xi32, #tpu.memory_space<hbm>> -> memref<512xi32, #tpu.memory_space<hbm>>
      tpu.enqueue_dma source(%dma_start3A_93 : memref<512xi32, #tpu.memory_space<hbm>>) target(%arg7 : memref<512xi32, #tpu.memory_space<vmem>>) target_semaphore(%run_scoped3A : memref<!tpu.dma_semaphore, #tpu.memory_space<semaphore_mem>>)
      %dma_wait3A = tpu.memref_slice %arg3[%add3A_12] : memref<98304xi32, #tpu.memory_space<hbm>> -> memref<512xi32, #tpu.memory_space<hbm>>
      %dma_wait3A_94 = tpu.memref_slice %arg3[%add3A_12] : memref<98304xi32, #tpu.memory_space<hbm>> -> memref<512xi32, #tpu.memory_space<hbm>>
      tpu.wait_dma2 semaphore(%run_scoped3A : memref<!tpu.dma_semaphore, #tpu.memory_space<semaphore_mem>>) src(%dma_wait3A_94 : memref<512xi32, #tpu.memory_space<hbm>>) dst(%arg7 : memref<512xi32, #tpu.memory_space<vmem>>)
      tpu.yield
    }) : () -> ()
    %mul3A_13 = arith.constant 512 : i32
    %mul3A_14 = arith.muli %add3A, %mul3A_13 : i32
    %add3A_15 = arith.constant 49152 : i32
    %add3A_16 = arith.addi %add3A_15, %mul3A_14 : i32
    "tpu.region"() ({
      %run_scoped3A = tpu.sem_alloc : memref<!tpu.dma_semaphore, #tpu.memory_space<semaphore_mem>>
      %dma_start3A_92 = tpu.memref_slice %arg3[%add3A_16] : memref<98304xi32, #tpu.memory_space<hbm>> -> memref<512xi32, #tpu.memory_space<hbm>>
      %dma_start3A_93 = tpu.memref_slice %arg3[%add3A_16] : memref<98304xi32, #tpu.memory_space<hbm>> -> memref<512xi32, #tpu.memory_space<hbm>>
      tpu.enqueue_dma source(%dma_start3A_93 : memref<512xi32, #tpu.memory_space<hbm>>) target(%arg8 : memref<512xi32, #tpu.memory_space<vmem>>) target_semaphore(%run_scoped3A : memref<!tpu.dma_semaphore, #tpu.memory_space<semaphore_mem>>)
      %dma_wait3A = tpu.memref_slice %arg3[%add3A_16] : memref<98304xi32, #tpu.memory_space<hbm>> -> memref<512xi32, #tpu.memory_space<hbm>>
      %dma_wait3A_94 = tpu.memref_slice %arg3[%add3A_16] : memref<98304xi32, #tpu.memory_space<hbm>> -> memref<512xi32, #tpu.memory_space<hbm>>
      tpu.wait_dma2 semaphore(%run_scoped3A : memref<!tpu.dma_semaphore, #tpu.memory_space<semaphore_mem>>) src(%dma_wait3A_94 : memref<512xi32, #tpu.memory_space<hbm>>) dst(%arg8 : memref<512xi32, #tpu.memory_space<vmem>>)
      tpu.yield
    }) : () -> ()
    %mul3A_17 = arith.constant 512 : i32
    %mul3A_18 = arith.muli %add3A, %mul3A_17 : i32
    %add3A_19 = arith.constant 65536 : i32
    %add3A_20 = arith.addi %add3A_19, %mul3A_18 : i32
    "tpu.region"() ({
      %run_scoped3A = tpu.sem_alloc : memref<!tpu.dma_semaphore, #tpu.memory_space<semaphore_mem>>
      %dma_start3A_92 = tpu.memref_slice %arg3[%add3A_20] : memref<98304xi32, #tpu.memory_space<hbm>> -> memref<512xi32, #tpu.memory_space<hbm>>
      %dma_start3A_93 = tpu.memref_slice %arg3[%add3A_20] : memref<98304xi32, #tpu.memory_space<hbm>> -> memref<512xi32, #tpu.memory_space<hbm>>
      tpu.enqueue_dma source(%dma_start3A_93 : memref<512xi32, #tpu.memory_space<hbm>>) target(%arg9 : memref<512xi32, #tpu.memory_space<vmem>>) target_semaphore(%run_scoped3A : memref<!tpu.dma_semaphore, #tpu.memory_space<semaphore_mem>>)
      %dma_wait3A = tpu.memref_slice %arg3[%add3A_20] : memref<98304xi32, #tpu.memory_space<hbm>> -> memref<512xi32, #tpu.memory_space<hbm>>
      %dma_wait3A_94 = tpu.memref_slice %arg3[%add3A_20] : memref<98304xi32, #tpu.memory_space<hbm>> -> memref<512xi32, #tpu.memory_space<hbm>>
      tpu.wait_dma2 semaphore(%run_scoped3A : memref<!tpu.dma_semaphore, #tpu.memory_space<semaphore_mem>>) src(%dma_wait3A_94 : memref<512xi32, #tpu.memory_space<hbm>>) dst(%arg9 : memref<512xi32, #tpu.memory_space<vmem>>)
      tpu.yield
    }) : () -> ()
    %mul3A_21 = arith.constant 512 : i32
    %mul3A_22 = arith.muli %add3A, %mul3A_21 : i32
    %add3A_23 = arith.constant 81920 : i32
    %add3A_24 = arith.addi %add3A_23, %mul3A_22 : i32
    "tpu.region"() ({
      %run_scoped3A = tpu.sem_alloc : memref<!tpu.dma_semaphore, #tpu.memory_space<semaphore_mem>>
      %dma_start3A_92 = tpu.memref_slice %arg3[%add3A_24] : memref<98304xi32, #tpu.memory_space<hbm>> -> memref<512xi32, #tpu.memory_space<hbm>>
      %dma_start3A_93 = tpu.memref_slice %arg3[%add3A_24] : memref<98304xi32, #tpu.memory_space<hbm>> -> memref<512xi32, #tpu.memory_space<hbm>>
      tpu.enqueue_dma source(%dma_start3A_93 : memref<512xi32, #tpu.memory_space<hbm>>) target(%arg10 : memref<512xi32, #tpu.memory_space<vmem>>) target_semaphore(%run_scoped3A : memref<!tpu.dma_semaphore, #tpu.memory_space<semaphore_mem>>)
      %dma_wait3A = tpu.memref_slice %arg3[%add3A_24] : memref<98304xi32, #tpu.memory_space<hbm>> -> memref<512xi32, #tpu.memory_space<hbm>>
      %dma_wait3A_94 = tpu.memref_slice %arg3[%add3A_24] : memref<98304xi32, #tpu.memory_space<hbm>> -> memref<512xi32, #tpu.memory_space<hbm>>
      tpu.wait_dma2 semaphore(%run_scoped3A : memref<!tpu.dma_semaphore, #tpu.memory_space<semaphore_mem>>) src(%dma_wait3A_94 : memref<512xi32, #tpu.memory_space<hbm>>) dst(%arg10 : memref<512xi32, #tpu.memory_space<vmem>>)
      tpu.yield
    }) : () -> ()
    %broadcast_in_dim3A = arith.constant 0.000000e+00 : f32
    %broadcast_in_dim3A_25 = vector.broadcast %broadcast_in_dim3A : f32 to vector<16xf32>
    %swap3A = arith.constant 0 : index
    %swap3A_26 = tpu.vector_load %arg19[%swap3A] {strides = array<i32>} : memref<16xf32, #tpu.memory_space<vmem>>, vector<16xf32>,
    tpu.vector_store %arg19[%swap3A], %broadcast_in_dim3A_25 {strides = array<i32>} : memref<16xf32, #tpu.memory_space<vmem>>, vector<16xf32>,
    %dma_start3A = arith.constant 0 : i32
    %dma_start3A_27 = arith.constant 0 : i32
    %dma_start3A_28 = arith.constant 0 : i32
    %dma_start3A_29 = tpu.memref_slice %arg11[%dma_start3A, %dma_start3A_27, %dma_start3A_28] : memref<2x32x128xf32, #tpu.memory_space<vmem>> -> memref<1x32x128xf32, #tpu.memory_space<vmem>>
    %dma_start3A_30 = tpu.memref_squeeze %dma_start3A_29 : memref<1x32x128xf32, #tpu.memory_space<vmem>> -> memref<32x128xf32, #tpu.memory_space<vmem>>
    %dma_start3A_31 = arith.constant 0 : i32
    %dma_start3A_32 = tpu.memref_slice %arg5[%dma_start3A_31] : memref<512xi32, #tpu.memory_space<vmem>> -> memref<32xi32, #tpu.memory_space<vmem>>
    %dma_start3A_33 = arith.constant 0 : i32
    %dma_start3A_34 = arith.constant 0 : i32
    %dma_start3A_35 = tpu.memref_slice %arg2[%dma_start3A_33, %dma_start3A_34] : memref<101000x128xf32, #tpu.memory_space<hbm>> -> memref<101000x128xf32, #tpu.memory_space<hbm>>
    tpu.enqueue_indirect_dma source(%dma_start3A_35 : memref<101000x128xf32, #tpu.memory_space<hbm>>) target(%dma_start3A_30 : memref<32x128xf32, #tpu.memory_space<vmem>>) offsets(%dma_start3A_32 : memref<32xi32, #tpu.memory_space<vmem>>) semaphore(%arg20 : memref<!tpu.dma_semaphore, #tpu.memory_space<semaphore_mem>>)
    %dma_start3A_36 = arith.constant 0 : i32
    %dma_start3A_37 = arith.constant 0 : i32
    %dma_start3A_38 = arith.constant 0 : i32
    %dma_start3A_39 = tpu.memref_slice %arg12[%dma_start3A_36, %dma_start3A_37, %dma_start3A_38] : memref<2x32x128xf32, #tpu.memory_space<vmem>> -> memref<1x32x128xf32, #tpu.memory_space<vmem>>
    %dma_start3A_40 = tpu.memref_squeeze %dma_start3A_39 : memref<1x32x128xf32, #tpu.memory_space<vmem>> -> memref<32x128xf32, #tpu.memory_space<vmem>>
    %dma_start3A_41 = arith.constant 0 : i32
    %dma_start3A_42 = tpu.memref_slice %arg6[%dma_start3A_41] : memref<512xi32, #tpu.memory_space<vmem>> -> memref<32xi32, #tpu.memory_space<vmem>>
    %dma_start3A_43 = arith.constant 0 : i32
    %dma_start3A_44 = arith.constant 0 : i32
    %dma_start3A_45 = tpu.memref_slice %arg2[%dma_start3A_43, %dma_start3A_44] : memref<101000x128xf32, #tpu.memory_space<hbm>> -> memref<101000x128xf32, #tpu.memory_space<hbm>>
    tpu.enqueue_indirect_dma source(%dma_start3A_45 : memref<101000x128xf32, #tpu.memory_space<hbm>>) target(%dma_start3A_40 : memref<32x128xf32, #tpu.memory_space<vmem>>) offsets(%dma_start3A_42 : memref<32xi32, #tpu.memory_space<vmem>>) semaphore(%arg20 : memref<!tpu.dma_semaphore, #tpu.memory_space<semaphore_mem>>)
    %dma_start3A_46 = arith.constant 0 : i32
    %dma_start3A_47 = arith.constant 0 : i32
    %dma_start3A_48 = arith.constant 0 : i32
    %dma_start3A_49 = tpu.memref_slice %arg13[%dma_start3A_46, %dma_start3A_47, %dma_start3A_48] : memref<2x32x128xf32, #tpu.memory_space<vmem>> -> memref<1x32x128xf32, #tpu.memory_space<vmem>>
    %dma_start3A_50 = tpu.memref_squeeze %dma_start3A_49 : memref<1x32x128xf32, #tpu.memory_space<vmem>> -> memref<32x128xf32, #tpu.memory_space<vmem>>
    %dma_start3A_51 = arith.constant 0 : i32
    %dma_start3A_52 = tpu.memref_slice %arg7[%dma_start3A_51] : memref<512xi32, #tpu.memory_space<vmem>> -> memref<32xi32, #tpu.memory_space<vmem>>
    %dma_start3A_53 = arith.constant 0 : i32
    %dma_start3A_54 = arith.constant 0 : i32
    %dma_start3A_55 = tpu.memref_slice %arg2[%dma_start3A_53, %dma_start3A_54] : memref<101000x128xf32, #tpu.memory_space<hbm>> -> memref<101000x128xf32, #tpu.memory_space<hbm>>
    tpu.enqueue_indirect_dma source(%dma_start3A_55 : memref<101000x128xf32, #tpu.memory_space<hbm>>) target(%dma_start3A_50 : memref<32x128xf32, #tpu.memory_space<vmem>>) offsets(%dma_start3A_52 : memref<32xi32, #tpu.memory_space<vmem>>) semaphore(%arg20 : memref<!tpu.dma_semaphore, #tpu.memory_space<semaphore_mem>>)
    %dma_start3A_56 = arith.constant 0 : i32
    %dma_start3A_57 = arith.constant 0 : i32
    %dma_start3A_58 = arith.constant 0 : i32
    %dma_start3A_59 = tpu.memref_slice %arg14[%dma_start3A_56, %dma_start3A_57, %dma_start3A_58] : memref<2x32x128xf32, #tpu.memory_space<vmem>> -> memref<1x32x128xf32, #tpu.memory_space<vmem>>
    %dma_start3A_60 = tpu.memref_squeeze %dma_start3A_59 : memref<1x32x128xf32, #tpu.memory_space<vmem>> -> memref<32x128xf32, #tpu.memory_space<vmem>>
    %dma_start3A_61 = arith.constant 0 : i32
    %dma_start3A_62 = tpu.memref_slice %arg8[%dma_start3A_61] : memref<512xi32, #tpu.memory_space<vmem>> -> memref<32xi32, #tpu.memory_space<vmem>>
    %dma_start3A_63 = arith.constant 0 : i32
    %dma_start3A_64 = arith.constant 0 : i32
    %dma_start3A_65 = tpu.memref_slice %arg2[%dma_start3A_63, %dma_start3A_64] : memref<101000x128xf32, #tpu.memory_space<hbm>> -> memref<101000x128xf32, #tpu.memory_space<hbm>>
    tpu.enqueue_indirect_dma source(%dma_start3A_65 : memref<101000x128xf32, #tpu.memory_space<hbm>>) target(%dma_start3A_60 : memref<32x128xf32, #tpu.memory_space<vmem>>) offsets(%dma_start3A_62 : memref<32xi32, #tpu.memory_space<vmem>>) semaphore(%arg20 : memref<!tpu.dma_semaphore, #tpu.memory_space<semaphore_mem>>)
    %dma_start3A_66 = arith.constant 0 : i32
    %dma_start3A_67 = arith.constant 0 : i32
    %dma_start3A_68 = arith.constant 0 : i32
    %dma_start3A_69 = tpu.memref_slice %arg15[%dma_start3A_66, %dma_start3A_67, %dma_start3A_68] : memref<2x32x128xf32, #tpu.memory_space<vmem>> -> memref<1x32x128xf32, #tpu.memory_space<vmem>>
    %dma_start3A_70 = tpu.memref_squeeze %dma_start3A_69 : memref<1x32x128xf32, #tpu.memory_space<vmem>> -> memref<32x128xf32, #tpu.memory_space<vmem>>
    %dma_start3A_71 = arith.constant 0 : i32
    %dma_start3A_72 = tpu.memref_slice %arg9[%dma_start3A_71] : memref<512xi32, #tpu.memory_space<vmem>> -> memref<32xi32, #tpu.memory_space<vmem>>
    %dma_start3A_73 = arith.constant 0 : i32
    %dma_start3A_74 = arith.constant 0 : i32
    %dma_start3A_75 = tpu.memref_slice %arg2[%dma_start3A_73, %dma_start3A_74] : memref<101000x128xf32, #tpu.memory_space<hbm>> -> memref<101000x128xf32, #tpu.memory_space<hbm>>
    tpu.enqueue_indirect_dma source(%dma_start3A_75 : memref<101000x128xf32, #tpu.memory_space<hbm>>) target(%dma_start3A_70 : memref<32x128xf32, #tpu.memory_space<vmem>>) offsets(%dma_start3A_72 : memref<32xi32, #tpu.memory_space<vmem>>) semaphore(%arg20 : memref<!tpu.dma_semaphore, #tpu.memory_space<semaphore_mem>>)
    %dma_start3A_76 = arith.constant 0 : i32
    %dma_start3A_77 = arith.constant 0 : i32
    %dma_start3A_78 = arith.constant 0 : i32
    %dma_start3A_79 = tpu.memref_slice %arg16[%dma_start3A_76, %dma_start3A_77, %dma_start3A_78] : memref<2x32x128xf32, #tpu.memory_space<vmem>> -> memref<1x32x128xf32, #tpu.memory_space<vmem>>
    %dma_start3A_80 = tpu.memref_squeeze %dma_start3A_79 : memref<1x32x128xf32, #tpu.memory_space<vmem>> -> memref<32x128xf32, #tpu.memory_space<vmem>>
    %dma_start3A_81 = arith.constant 0 : i32
    %dma_start3A_82 = tpu.memref_slice %arg10[%dma_start3A_81] : memref<512xi32, #tpu.memory_space<vmem>> -> memref<32xi32, #tpu.memory_space<vmem>>
    %dma_start3A_83 = arith.constant 0 : i32
    %dma_start3A_84 = arith.constant 0 : i32
    %dma_start3A_85 = tpu.memref_slice %arg2[%dma_start3A_83, %dma_start3A_84] : memref<101000x128xf32, #tpu.memory_space<hbm>> -> memref<101000x128xf32, #tpu.memory_space<hbm>>
    tpu.enqueue_indirect_dma source(%dma_start3A_85 : memref<101000x128xf32, #tpu.memory_space<hbm>>) target(%dma_start3A_80 : memref<32x128xf32, #tpu.memory_space<vmem>>) offsets(%dma_start3A_82 : memref<32xi32, #tpu.memory_space<vmem>>) semaphore(%arg20 : memref<!tpu.dma_semaphore, #tpu.memory_space<semaphore_mem>>)
    %scan3A = arith.constant 0 : i32
    %scan3A_86 = arith.constant 8 : i32
    %scan3A_87 = arith.addi %scan3A, %scan3A_86 : i32
    %scan3A_88 = arith.constant 1 : i32
    scf.for %scan3A_92 = %scan3A to %scan3A_87 step %scan3A_88  : i32 {
      %mul3A_93 = arith.constant 1 : i32
      %mul3A_94 = arith.muli %scan3A_92, %mul3A_93 : i32
      %add3A_95 = arith.constant 0 : i32
      %add3A_96 = arith.addi %add3A_95, %mul3A_94 : i32
      %mul3A_97 = arith.constant 2 : i32
      %mul3A_98 = arith.muli %mul3A_97, %add3A_96 : i32
      %add3A_99 = arith.constant 1 : i32
      %add3A_100 = arith.addi %mul3A_98, %add3A_99 : i32
      %mul3A_101 = arith.constant 32 : i32
      %mul3A_102 = arith.muli %add3A_100, %mul3A_101 : i32
      %dma_start3A_103 = arith.constant 1 : i32
      %dma_start3A_104 = arith.constant 0 : i32
      %dma_start3A_105 = arith.constant 0 : i32
      %dma_start3A_106 = tpu.memref_slice %arg11[%dma_start3A_103, %dma_start3A_104, %dma_start3A_105] : memref<2x32x128xf32, #tpu.memory_space<vmem>> -> memref<1x32x128xf32, #tpu.memory_space<vmem>>
      %dma_start3A_107 = tpu.memref_squeeze %dma_start3A_106 : memref<1x32x128xf32, #tpu.memory_space<vmem>> -> memref<32x128xf32, #tpu.memory_space<vmem>>
      %dma_start3A_108 = tpu.memref_slice %arg5[%mul3A_102] : memref<512xi32, #tpu.memory_space<vmem>> -> memref<32xi32, #tpu.memory_space<vmem>>
      %dma_start3A_109 = arith.constant 0 : i32
      %dma_start3A_110 = arith.constant 0 : i32
      %dma_start3A_111 = tpu.memref_slice %arg2[%dma_start3A_109, %dma_start3A_110] : memref<101000x128xf32, #tpu.memory_space<hbm>> -> memref<101000x128xf32, #tpu.memory_space<hbm>>
      tpu.enqueue_indirect_dma source(%dma_start3A_111 : memref<101000x128xf32, #tpu.memory_space<hbm>>) target(%dma_start3A_107 : memref<32x128xf32, #tpu.memory_space<vmem>>) offsets(%dma_start3A_108 : memref<32xi32, #tpu.memory_space<vmem>>) semaphore(%arg21 : memref<!tpu.dma_semaphore, #tpu.memory_space<semaphore_mem>>)
      %dma_start3A_112 = arith.constant 1 : i32
      %dma_start3A_113 = arith.constant 0 : i32
      %dma_start3A_114 = arith.constant 0 : i32
      %dma_start3A_115 = tpu.memref_slice %arg12[%dma_start3A_112, %dma_start3A_113, %dma_start3A_114] : memref<2x32x128xf32, #tpu.memory_space<vmem>> -> memref<1x32x128xf32, #tpu.memory_space<vmem>>
      %dma_start3A_116 = tpu.memref_squeeze %dma_start3A_115 : memref<1x32x128xf32, #tpu.memory_space<vmem>> -> memref<32x128xf32, #tpu.memory_space<vmem>>
      %dma_start3A_117 = tpu.memref_slice %arg6[%mul3A_102] : memref<512xi32, #tpu.memory_space<vmem>> -> memref<32xi32, #tpu.memory_space<vmem>>
      %dma_start3A_118 = arith.constant 0 : i32
      %dma_start3A_119 = arith.constant 0 : i32
      %dma_start3A_120 = tpu.memref_slice %arg2[%dma_start3A_118, %dma_start3A_119] : memref<101000x128xf32, #tpu.memory_space<hbm>> -> memref<101000x128xf32, #tpu.memory_space<hbm>>
      tpu.enqueue_indirect_dma source(%dma_start3A_120 : memref<101000x128xf32, #tpu.memory_space<hbm>>) target(%dma_start3A_116 : memref<32x128xf32, #tpu.memory_space<vmem>>) offsets(%dma_start3A_117 : memref<32xi32, #tpu.memory_space<vmem>>) semaphore(%arg21 : memref<!tpu.dma_semaphore, #tpu.memory_space<semaphore_mem>>)
      %dma_start3A_121 = arith.constant 1 : i32
      %dma_start3A_122 = arith.constant 0 : i32
      %dma_start3A_123 = arith.constant 0 : i32
      %dma_start3A_124 = tpu.memref_slice %arg13[%dma_start3A_121, %dma_start3A_122, %dma_start3A_123] : memref<2x32x128xf32, #tpu.memory_space<vmem>> -> memref<1x32x128xf32, #tpu.memory_space<vmem>>
      %dma_start3A_125 = tpu.memref_squeeze %dma_start3A_124 : memref<1x32x128xf32, #tpu.memory_space<vmem>> -> memref<32x128xf32, #tpu.memory_space<vmem>>
      %dma_start3A_126 = tpu.memref_slice %arg7[%mul3A_102] : memref<512xi32, #tpu.memory_space<vmem>> -> memref<32xi32, #tpu.memory_space<vmem>>
      %dma_start3A_127 = arith.constant 0 : i32
      %dma_start3A_128 = arith.constant 0 : i32
      %dma_start3A_129 = tpu.memref_slice %arg2[%dma_start3A_127, %dma_start3A_128] : memref<101000x128xf32, #tpu.memory_space<hbm>> -> memref<101000x128xf32, #tpu.memory_space<hbm>>
      tpu.enqueue_indirect_dma source(%dma_start3A_129 : memref<101000x128xf32, #tpu.memory_space<hbm>>) target(%dma_start3A_125 : memref<32x128xf32, #tpu.memory_space<vmem>>) offsets(%dma_start3A_126 : memref<32xi32, #tpu.memory_space<vmem>>) semaphore(%arg21 : memref<!tpu.dma_semaphore, #tpu.memory_space<semaphore_mem>>)
      %dma_start3A_130 = arith.constant 1 : i32
      %dma_start3A_131 = arith.constant 0 : i32
      %dma_start3A_132 = arith.constant 0 : i32
      %dma_start3A_133 = tpu.memref_slice %arg14[%dma_start3A_130, %dma_start3A_131, %dma_start3A_132] : memref<2x32x128xf32, #tpu.memory_space<vmem>> -> memref<1x32x128xf32, #tpu.memory_space<vmem>>
      %dma_start3A_134 = tpu.memref_squeeze %dma_start3A_133 : memref<1x32x128xf32, #tpu.memory_space<vmem>> -> memref<32x128xf32, #tpu.memory_space<vmem>>
      %dma_start3A_135 = tpu.memref_slice %arg8[%mul3A_102] : memref<512xi32, #tpu.memory_space<vmem>> -> memref<32xi32, #tpu.memory_space<vmem>>
      %dma_start3A_136 = arith.constant 0 : i32
      %dma_start3A_137 = arith.constant 0 : i32
      %dma_start3A_138 = tpu.memref_slice %arg2[%dma_start3A_136, %dma_start3A_137] : memref<101000x128xf32, #tpu.memory_space<hbm>> -> memref<101000x128xf32, #tpu.memory_space<hbm>>
      tpu.enqueue_indirect_dma source(%dma_start3A_138 : memref<101000x128xf32, #tpu.memory_space<hbm>>) target(%dma_start3A_134 : memref<32x128xf32, #tpu.memory_space<vmem>>) offsets(%dma_start3A_135 : memref<32xi32, #tpu.memory_space<vmem>>) semaphore(%arg21 : memref<!tpu.dma_semaphore, #tpu.memory_space<semaphore_mem>>)
      %dma_start3A_139 = arith.constant 1 : i32
      %dma_start3A_140 = arith.constant 0 : i32
      %dma_start3A_141 = arith.constant 0 : i32
      %dma_start3A_142 = tpu.memref_slice %arg15[%dma_start3A_139, %dma_start3A_140, %dma_start3A_141] : memref<2x32x128xf32, #tpu.memory_space<vmem>> -> memref<1x32x128xf32, #tpu.memory_space<vmem>>
      %dma_start3A_143 = tpu.memref_squeeze %dma_start3A_142 : memref<1x32x128xf32, #tpu.memory_space<vmem>> -> memref<32x128xf32, #tpu.memory_space<vmem>>
      %dma_start3A_144 = tpu.memref_slice %arg9[%mul3A_102] : memref<512xi32, #tpu.memory_space<vmem>> -> memref<32xi32, #tpu.memory_space<vmem>>
      %dma_start3A_145 = arith.constant 0 : i32
      %dma_start3A_146 = arith.constant 0 : i32
      %dma_start3A_147 = tpu.memref_slice %arg2[%dma_start3A_145, %dma_start3A_146] : memref<101000x128xf32, #tpu.memory_space<hbm>> -> memref<101000x128xf32, #tpu.memory_space<hbm>>
      tpu.enqueue_indirect_dma source(%dma_start3A_147 : memref<101000x128xf32, #tpu.memory_space<hbm>>) target(%dma_start3A_143 : memref<32x128xf32, #tpu.memory_space<vmem>>) offsets(%dma_start3A_144 : memref<32xi32, #tpu.memory_space<vmem>>) semaphore(%arg21 : memref<!tpu.dma_semaphore, #tpu.memory_space<semaphore_mem>>)
      %dma_start3A_148 = arith.constant 1 : i32
      %dma_start3A_149 = arith.constant 0 : i32
      %dma_start3A_150 = arith.constant 0 : i32
      %dma_start3A_151 = tpu.memref_slice %arg16[%dma_start3A_148, %dma_start3A_149, %dma_start3A_150] : memref<2x32x128xf32, #tpu.memory_space<vmem>> -> memref<1x32x128xf32, #tpu.memory_space<vmem>>
      %dma_start3A_152 = tpu.memref_squeeze %dma_start3A_151 : memref<1x32x128xf32, #tpu.memory_space<vmem>> -> memref<32x128xf32, #tpu.memory_space<vmem>>
      %dma_start3A_153 = tpu.memref_slice %arg10[%mul3A_102] : memref<512xi32, #tpu.memory_space<vmem>> -> memref<32xi32, #tpu.memory_space<vmem>>
      %dma_start3A_154 = arith.constant 0 : i32
      %dma_start3A_155 = arith.constant 0 : i32
      %dma_start3A_156 = tpu.memref_slice %arg2[%dma_start3A_154, %dma_start3A_155] : memref<101000x128xf32, #tpu.memory_space<hbm>> -> memref<101000x128xf32, #tpu.memory_space<hbm>>
      tpu.enqueue_indirect_dma source(%dma_start3A_156 : memref<101000x128xf32, #tpu.memory_space<hbm>>) target(%dma_start3A_152 : memref<32x128xf32, #tpu.memory_space<vmem>>) offsets(%dma_start3A_153 : memref<32xi32, #tpu.memory_space<vmem>>) semaphore(%arg21 : memref<!tpu.dma_semaphore, #tpu.memory_space<semaphore_mem>>)
      %dma_wait3A = arith.constant 0 : i32
      %dma_wait3A_157 = arith.constant 0 : i32
      %dma_wait3A_158 = arith.constant 0 : i32
      %dma_wait3A_159 = tpu.memref_slice %arg11[%dma_wait3A, %dma_wait3A_157, %dma_wait3A_158] : memref<2x32x128xf32, #tpu.memory_space<vmem>> -> memref<1x32x128xf32, #tpu.memory_space<vmem>>
      %dma_wait3A_160 = tpu.memref_squeeze %dma_wait3A_159 : memref<1x32x128xf32, #tpu.memory_space<vmem>> -> memref<32x128xf32, #tpu.memory_space<vmem>>
      %dma_wait3A_161 = arith.constant 0 : i32
      %dma_wait3A_162 = tpu.memref_slice %arg5[%dma_wait3A_161] : memref<512xi32, #tpu.memory_space<vmem>> -> memref<32xi32, #tpu.memory_space<vmem>>
      %dma_wait3A_163 = arith.constant 0 : i32
      %dma_wait3A_164 = arith.constant 0 : i32
      %dma_wait3A_165 = tpu.memref_slice %arg2[%dma_wait3A_163, %dma_wait3A_164] : memref<101000x128xf32, #tpu.memory_space<hbm>> -> memref<101000x128xf32, #tpu.memory_space<hbm>>
      tpu.wait_indirect_dma semaphore(%arg20 : memref<!tpu.dma_semaphore, #tpu.memory_space<semaphore_mem>>) src(%dma_wait3A_165 : memref<101000x128xf32, #tpu.memory_space<hbm>>) dst(%dma_wait3A_160 : memref<32x128xf32, #tpu.memory_space<vmem>>)
      %dma_wait3A_166 = arith.constant 0 : i32
      %dma_wait3A_167 = arith.constant 0 : i32
      %dma_wait3A_168 = arith.constant 0 : i32
      %dma_wait3A_169 = tpu.memref_slice %arg12[%dma_wait3A_166, %dma_wait3A_167, %dma_wait3A_168] : memref<2x32x128xf32, #tpu.memory_space<vmem>> -> memref<1x32x128xf32, #tpu.memory_space<vmem>>
      %dma_wait3A_170 = tpu.memref_squeeze %dma_wait3A_169 : memref<1x32x128xf32, #tpu.memory_space<vmem>> -> memref<32x128xf32, #tpu.memory_space<vmem>>
      %dma_wait3A_171 = arith.constant 0 : i32
      %dma_wait3A_172 = tpu.memref_slice %arg6[%dma_wait3A_171] : memref<512xi32, #tpu.memory_space<vmem>> -> memref<32xi32, #tpu.memory_space<vmem>>
      %dma_wait3A_173 = arith.constant 0 : i32
      %dma_wait3A_174 = arith.constant 0 : i32
      %dma_wait3A_175 = tpu.memref_slice %arg2[%dma_wait3A_173, %dma_wait3A_174] : memref<101000x128xf32, #tpu.memory_space<hbm>> -> memref<101000x128xf32, #tpu.memory_space<hbm>>
      tpu.wait_indirect_dma semaphore(%arg20 : memref<!tpu.dma_semaphore, #tpu.memory_space<semaphore_mem>>) src(%dma_wait3A_175 : memref<101000x128xf32, #tpu.memory_space<hbm>>) dst(%dma_wait3A_170 : memref<32x128xf32, #tpu.memory_space<vmem>>)
      %dma_wait3A_176 = arith.constant 0 : i32
      %dma_wait3A_177 = arith.constant 0 : i32
      %dma_wait3A_178 = arith.constant 0 : i32
      %dma_wait3A_179 = tpu.memref_slice %arg13[%dma_wait3A_176, %dma_wait3A_177, %dma_wait3A_178] : memref<2x32x128xf32, #tpu.memory_space<vmem>> -> memref<1x32x128xf32, #tpu.memory_space<vmem>>
      %dma_wait3A_180 = tpu.memref_squeeze %dma_wait3A_179 : memref<1x32x128xf32, #tpu.memory_space<vmem>> -> memref<32x128xf32, #tpu.memory_space<vmem>>
      %dma_wait3A_181 = arith.constant 0 : i32
      %dma_wait3A_182 = tpu.memref_slice %arg7[%dma_wait3A_181] : memref<512xi32, #tpu.memory_space<vmem>> -> memref<32xi32, #tpu.memory_space<vmem>>
      %dma_wait3A_183 = arith.constant 0 : i32
      %dma_wait3A_184 = arith.constant 0 : i32
      %dma_wait3A_185 = tpu.memref_slice %arg2[%dma_wait3A_183, %dma_wait3A_184] : memref<101000x128xf32, #tpu.memory_space<hbm>> -> memref<101000x128xf32, #tpu.memory_space<hbm>>
      tpu.wait_indirect_dma semaphore(%arg20 : memref<!tpu.dma_semaphore, #tpu.memory_space<semaphore_mem>>) src(%dma_wait3A_185 : memref<101000x128xf32, #tpu.memory_space<hbm>>) dst(%dma_wait3A_180 : memref<32x128xf32, #tpu.memory_space<vmem>>)
      %dma_wait3A_186 = arith.constant 0 : i32
      %dma_wait3A_187 = arith.constant 0 : i32
      %dma_wait3A_188 = arith.constant 0 : i32
      %dma_wait3A_189 = tpu.memref_slice %arg14[%dma_wait3A_186, %dma_wait3A_187, %dma_wait3A_188] : memref<2x32x128xf32, #tpu.memory_space<vmem>> -> memref<1x32x128xf32, #tpu.memory_space<vmem>>
      %dma_wait3A_190 = tpu.memref_squeeze %dma_wait3A_189 : memref<1x32x128xf32, #tpu.memory_space<vmem>> -> memref<32x128xf32, #tpu.memory_space<vmem>>
      %dma_wait3A_191 = arith.constant 0 : i32
      %dma_wait3A_192 = tpu.memref_slice %arg8[%dma_wait3A_191] : memref<512xi32, #tpu.memory_space<vmem>> -> memref<32xi32, #tpu.memory_space<vmem>>
      %dma_wait3A_193 = arith.constant 0 : i32
      %dma_wait3A_194 = arith.constant 0 : i32
      %dma_wait3A_195 = tpu.memref_slice %arg2[%dma_wait3A_193, %dma_wait3A_194] : memref<101000x128xf32, #tpu.memory_space<hbm>> -> memref<101000x128xf32, #tpu.memory_space<hbm>>
      tpu.wait_indirect_dma semaphore(%arg20 : memref<!tpu.dma_semaphore, #tpu.memory_space<semaphore_mem>>) src(%dma_wait3A_195 : memref<101000x128xf32, #tpu.memory_space<hbm>>) dst(%dma_wait3A_190 : memref<32x128xf32, #tpu.memory_space<vmem>>)
      %dma_wait3A_196 = arith.constant 0 : i32
      %dma_wait3A_197 = arith.constant 0 : i32
      %dma_wait3A_198 = arith.constant 0 : i32
      %dma_wait3A_199 = tpu.memref_slice %arg15[%dma_wait3A_196, %dma_wait3A_197, %dma_wait3A_198] : memref<2x32x128xf32, #tpu.memory_space<vmem>> -> memref<1x32x128xf32, #tpu.memory_space<vmem>>
      %dma_wait3A_200 = tpu.memref_squeeze %dma_wait3A_199 : memref<1x32x128xf32, #tpu.memory_space<vmem>> -> memref<32x128xf32, #tpu.memory_space<vmem>>
      %dma_wait3A_201 = arith.constant 0 : i32
      %dma_wait3A_202 = tpu.memref_slice %arg9[%dma_wait3A_201] : memref<512xi32, #tpu.memory_space<vmem>> -> memref<32xi32, #tpu.memory_space<vmem>>
      %dma_wait3A_203 = arith.constant 0 : i32
      %dma_wait3A_204 = arith.constant 0 : i32
      %dma_wait3A_205 = tpu.memref_slice %arg2[%dma_wait3A_203, %dma_wait3A_204] : memref<101000x128xf32, #tpu.memory_space<hbm>> -> memref<101000x128xf32, #tpu.memory_space<hbm>>
      tpu.wait_indirect_dma semaphore(%arg20 : memref<!tpu.dma_semaphore, #tpu.memory_space<semaphore_mem>>) src(%dma_wait3A_205 : memref<101000x128xf32, #tpu.memory_space<hbm>>) dst(%dma_wait3A_200 : memref<32x128xf32, #tpu.memory_space<vmem>>)
      %dma_wait3A_206 = arith.constant 0 : i32
      %dma_wait3A_207 = arith.constant 0 : i32
      %dma_wait3A_208 = arith.constant 0 : i32
      %dma_wait3A_209 = tpu.memref_slice %arg16[%dma_wait3A_206, %dma_wait3A_207, %dma_wait3A_208] : memref<2x32x128xf32, #tpu.memory_space<vmem>> -> memref<1x32x128xf32, #tpu.memory_space<vmem>>
      %dma_wait3A_210 = tpu.memref_squeeze %dma_wait3A_209 : memref<1x32x128xf32, #tpu.memory_space<vmem>> -> memref<32x128xf32, #tpu.memory_space<vmem>>
      %dma_wait3A_211 = arith.constant 0 : i32
      %dma_wait3A_212 = tpu.memref_slice %arg10[%dma_wait3A_211] : memref<512xi32, #tpu.memory_space<vmem>> -> memref<32xi32, #tpu.memory_space<vmem>>
      %dma_wait3A_213 = arith.constant 0 : i32
      %dma_wait3A_214 = arith.constant 0 : i32
      %dma_wait3A_215 = tpu.memref_slice %arg2[%dma_wait3A_213, %dma_wait3A_214] : memref<101000x128xf32, #tpu.memory_space<hbm>> -> memref<101000x128xf32, #tpu.memory_space<hbm>>
      tpu.wait_indirect_dma semaphore(%arg20 : memref<!tpu.dma_semaphore, #tpu.memory_space<semaphore_mem>>) src(%dma_wait3A_215 : memref<101000x128xf32, #tpu.memory_space<hbm>>) dst(%dma_wait3A_210 : memref<32x128xf32, #tpu.memory_space<vmem>>)
      %scan3A_216 = arith.constant 0 : i32
      %scan3A_217 = arith.constant 0 : i32
      %scan3A_218 = arith.constant 0 : i32
      %scan3A_219 = arith.constant 0 : i32
      %scan3A_220 = arith.constant 0 : i32
      %scan3A_221 = arith.constant 0 : i32
      %scan3A_222 = arith.constant 0 : i32
      %scan3A_223 = arith.constant 16 : i32
      %scan3A_224 = arith.addi %scan3A_222, %scan3A_223 : i32
      %scan3A_225 = arith.constant 1 : i32
      scf.for %scan3A_310 = %scan3A_222 to %scan3A_224 step %scan3A_225  : i32 {
        %mul3A_311 = arith.constant 2 : i32
        %mul3A_312 = arith.muli %scan3A_310, %mul3A_311 : i32
        %add3A_313 = arith.constant 0 : i32
        %add3A_314 = arith.addi %add3A_313, %mul3A_312 : i32
        %add3A_315 = arith.constant 0 : i32
        %add3A_316 = arith.addi %add3A_314, %add3A_315 : i32
        %broadcast_in_dim3A_317 = arith.constant 0.000000e+00 : f32
        %broadcast_in_dim3A_318 = vector.broadcast %broadcast_in_dim3A_317 : f32 to vector<16xf32>
        %broadcast_in_dim3A_319 = arith.constant 0.000000e+00 : f32
        %broadcast_in_dim3A_320 = vector.broadcast %broadcast_in_dim3A_319 : f32 to vector<16xf32>
        %get3A = arith.constant 0 : i32
        %get3A_321 = arith.constant 0 : i32
        %get3A_322 = tpu.memref_slice %arg11[%scan3A_216, %get3A, %get3A_321] : memref<2x32x128xf32, #tpu.memory_space<vmem>> -> memref<1x32x128xf32, #tpu.memory_space<vmem>>
        %get3A_323 = tpu.memref_squeeze %get3A_322 : memref<1x32x128xf32, #tpu.memory_space<vmem>> -> memref<32x128xf32, #tpu.memory_space<vmem>>
        %get3A_324 = arith.index_cast %add3A_316 : i32 to index
        %get3A_325 = arith.constant 0 : index
        %get3A_326 = tpu.vector_load %get3A_323[%get3A_324, %get3A_325] {strides = array<i32>} : memref<32x128xf32, #tpu.memory_space<vmem>>, vector<16xf32>,
        %get3A_327 = arith.constant 0 : i32
        %get3A_328 = arith.constant 0 : i32
        %get3A_329 = tpu.memref_slice %arg13[%scan3A_217, %get3A_327, %get3A_328] : memref<2x32x128xf32, #tpu.memory_space<vmem>> -> memref<1x32x128xf32, #tpu.memory_space<vmem>>
        %get3A_330 = tpu.memref_squeeze %get3A_329 : memref<1x32x128xf32, #tpu.memory_space<vmem>> -> memref<32x128xf32, #tpu.memory_space<vmem>>
        %get3A_331 = arith.index_cast %add3A_316 : i32 to index
        %get3A_332 = arith.constant 0 : index
        %get3A_333 = tpu.vector_load %get3A_330[%get3A_331, %get3A_332] {strides = array<i32>} : memref<32x128xf32, #tpu.memory_space<vmem>>, vector<16xf32>,
        %add3A_334 = arith.addf %get3A_326, %get3A_333 : vector<16xf32>
        %get3A_335 = arith.constant 0 : i32
        %get3A_336 = arith.constant 0 : i32
        %get3A_337 = tpu.memref_slice %arg12[%scan3A_218, %get3A_335, %get3A_336] : memref<2x32x128xf32, #tpu.memory_space<vmem>> -> memref<1x32x128xf32, #tpu.memory_space<vmem>>
        %get3A_338 = tpu.memref_squeeze %get3A_337 : memref<1x32x128xf32, #tpu.memory_space<vmem>> -> memref<32x128xf32, #tpu.memory_space<vmem>>
        %get3A_339 = arith.index_cast %add3A_316 : i32 to index
        %get3A_340 = arith.constant 0 : index
        %get3A_341 = tpu.vector_load %get3A_338[%get3A_339, %get3A_340] {strides = array<i32>} : memref<32x128xf32, #tpu.memory_space<vmem>>, vector<16xf32>,
        %sub3A = arith.subf %add3A_334, %get3A_341 : vector<16xf32>
        %get3A_342 = arith.constant 0 : i32
        %get3A_343 = arith.constant 0 : i32
        %get3A_344 = tpu.memref_slice %arg14[%scan3A_219, %get3A_342, %get3A_343] : memref<2x32x128xf32, #tpu.memory_space<vmem>> -> memref<1x32x128xf32, #tpu.memory_space<vmem>>
        %get3A_345 = tpu.memref_squeeze %get3A_344 : memref<1x32x128xf32, #tpu.memory_space<vmem>> -> memref<32x128xf32, #tpu.memory_space<vmem>>
        %get3A_346 = arith.index_cast %add3A_316 : i32 to index
        %get3A_347 = arith.constant 0 : index
        %get3A_348 = tpu.vector_load %get3A_345[%get3A_346, %get3A_347] {strides = array<i32>} : memref<32x128xf32, #tpu.memory_space<vmem>>, vector<16xf32>,
        %get3A_349 = arith.constant 0 : i32
        %get3A_350 = arith.constant 0 : i32
        %get3A_351 = tpu.memref_slice %arg16[%scan3A_220, %get3A_349, %get3A_350] : memref<2x32x128xf32, #tpu.memory_space<vmem>> -> memref<1x32x128xf32, #tpu.memory_space<vmem>>
        %get3A_352 = tpu.memref_squeeze %get3A_351 : memref<1x32x128xf32, #tpu.memory_space<vmem>> -> memref<32x128xf32, #tpu.memory_space<vmem>>
        %get3A_353 = arith.index_cast %add3A_316 : i32 to index
        %get3A_354 = arith.constant 0 : index
        %get3A_355 = tpu.vector_load %get3A_352[%get3A_353, %get3A_354] {strides = array<i32>} : memref<32x128xf32, #tpu.memory_space<vmem>>, vector<16xf32>,
        %add3A_356 = arith.addf %get3A_348, %get3A_355 : vector<16xf32>
        %get3A_357 = arith.constant 0 : i32
        %get3A_358 = arith.constant 0 : i32
        %get3A_359 = tpu.memref_slice %arg15[%scan3A_221, %get3A_357, %get3A_358] : memref<2x32x128xf32, #tpu.memory_space<vmem>> -> memref<1x32x128xf32, #tpu.memory_space<vmem>>
        %get3A_360 = tpu.memref_squeeze %get3A_359 : memref<1x32x128xf32, #tpu.memory_space<vmem>> -> memref<32x128xf32, #tpu.memory_space<vmem>>
        %get3A_361 = arith.index_cast %add3A_316 : i32 to index
        %get3A_362 = arith.constant 0 : index
        %get3A_363 = tpu.vector_load %get3A_360[%get3A_361, %get3A_362] {strides = array<i32>} : memref<32x128xf32, #tpu.memory_space<vmem>>, vector<16xf32>,
        %sub3A_364 = arith.subf %add3A_356, %get3A_363 : vector<16xf32>
        %mul3A_365 = arith.mulf %sub3A, %sub3A : vector<16xf32>
        %add3A_366 = arith.addf %broadcast_in_dim3A_318, %mul3A_365 : vector<16xf32>
        %mul3A_367 = arith.mulf %sub3A_364, %sub3A_364 : vector<16xf32>
        %add3A_368 = arith.addf %broadcast_in_dim3A_320, %mul3A_367 : vector<16xf32>
        %get3A_369 = arith.constant 0 : i32
        %get3A_370 = arith.constant 0 : i32
        %get3A_371 = tpu.memref_slice %arg11[%scan3A_216, %get3A_369, %get3A_370] : memref<2x32x128xf32, #tpu.memory_space<vmem>> -> memref<1x32x128xf32, #tpu.memory_space<vmem>>
        %get3A_372 = tpu.memref_squeeze %get3A_371 : memref<1x32x128xf32, #tpu.memory_space<vmem>> -> memref<32x128xf32, #tpu.memory_space<vmem>>
        %get3A_373 = arith.index_cast %add3A_316 : i32 to index
        %get3A_374 = arith.constant 16 : index
        %get3A_375 = tpu.vector_load %get3A_372[%get3A_373, %get3A_374] {strides = array<i32>} : memref<32x128xf32, #tpu.memory_space<vmem>>, vector<16xf32>,
        %get3A_376 = arith.constant 0 : i32
        %get3A_377 = arith.constant 0 : i32
        %get3A_378 = tpu.memref_slice %arg13[%scan3A_217, %get3A_376, %get3A_377] : memref<2x32x128xf32, #tpu.memory_space<vmem>> -> memref<1x32x128xf32, #tpu.memory_space<vmem>>
        %get3A_379 = tpu.memref_squeeze %get3A_378 : memref<1x32x128xf32, #tpu.memory_space<vmem>> -> memref<32x128xf32, #tpu.memory_space<vmem>>
        %get3A_380 = arith.index_cast %add3A_316 : i32 to index
        %get3A_381 = arith.constant 16 : index
        %get3A_382 = tpu.vector_load %get3A_379[%get3A_380, %get3A_381] {strides = array<i32>} : memref<32x128xf32, #tpu.memory_space<vmem>>, vector<16xf32>,
        %add3A_383 = arith.addf %get3A_375, %get3A_382 : vector<16xf32>
        %get3A_384 = arith.constant 0 : i32
        %get3A_385 = arith.constant 0 : i32
        %get3A_386 = tpu.memref_slice %arg12[%scan3A_218, %get3A_384, %get3A_385] : memref<2x32x128xf32, #tpu.memory_space<vmem>> -> memref<1x32x128xf32, #tpu.memory_space<vmem>>
        %get3A_387 = tpu.memref_squeeze %get3A_386 : memref<1x32x128xf32, #tpu.memory_space<vmem>> -> memref<32x128xf32, #tpu.memory_space<vmem>>
        %get3A_388 = arith.index_cast %add3A_316 : i32 to index
        %get3A_389 = arith.constant 16 : index
        %get3A_390 = tpu.vector_load %get3A_387[%get3A_388, %get3A_389] {strides = array<i32>} : memref<32x128xf32, #tpu.memory_space<vmem>>, vector<16xf32>,
        %sub3A_391 = arith.subf %add3A_383, %get3A_390 : vector<16xf32>
        %get3A_392 = arith.constant 0 : i32
        %get3A_393 = arith.constant 0 : i32
        %get3A_394 = tpu.memref_slice %arg14[%scan3A_219, %get3A_392, %get3A_393] : memref<2x32x128xf32, #tpu.memory_space<vmem>> -> memref<1x32x128xf32, #tpu.memory_space<vmem>>
        %get3A_395 = tpu.memref_squeeze %get3A_394 : memref<1x32x128xf32, #tpu.memory_space<vmem>> -> memref<32x128xf32, #tpu.memory_space<vmem>>
        %get3A_396 = arith.index_cast %add3A_316 : i32 to index
        %get3A_397 = arith.constant 16 : index
        %get3A_398 = tpu.vector_load %get3A_395[%get3A_396, %get3A_397] {strides = array<i32>} : memref<32x128xf32, #tpu.memory_space<vmem>>, vector<16xf32>,
        %get3A_399 = arith.constant 0 : i32
        %get3A_400 = arith.constant 0 : i32
        %get3A_401 = tpu.memref_slice %arg16[%scan3A_220, %get3A_399, %get3A_400] : memref<2x32x128xf32, #tpu.memory_space<vmem>> -> memref<1x32x128xf32, #tpu.memory_space<vmem>>
        %get3A_402 = tpu.memref_squeeze %get3A_401 : memref<1x32x128xf32, #tpu.memory_space<vmem>> -> memref<32x128xf32, #tpu.memory_space<vmem>>
        %get3A_403 = arith.index_cast %add3A_316 : i32 to index
        %get3A_404 = arith.constant 16 : index
        %get3A_405 = tpu.vector_load %get3A_402[%get3A_403, %get3A_404] {strides = array<i32>} : memref<32x128xf32, #tpu.memory_space<vmem>>, vector<16xf32>,
        %add3A_406 = arith.addf %get3A_398, %get3A_405 : vector<16xf32>
        %get3A_407 = arith.constant 0 : i32
        %get3A_408 = arith.constant 0 : i32
        %get3A_409 = tpu.memref_slice %arg15[%scan3A_221, %get3A_407, %get3A_408] : memref<2x32x128xf32, #tpu.memory_space<vmem>> -> memref<1x32x128xf32, #tpu.memory_space<vmem>>
        %get3A_410 = tpu.memref_squeeze %get3A_409 : memref<1x32x128xf32, #tpu.memory_space<vmem>> -> memref<32x128xf32, #tpu.memory_space<vmem>>
        %get3A_411 = arith.index_cast %add3A_316 : i32 to index
        %get3A_412 = arith.constant 16 : index
        %get3A_413 = tpu.vector_load %get3A_410[%get3A_411, %get3A_412] {strides = array<i32>} : memref<32x128xf32, #tpu.memory_space<vmem>>, vector<16xf32>,
        %sub3A_414 = arith.subf %add3A_406, %get3A_413 : vector<16xf32>
        %mul3A_415 = arith.mulf %sub3A_391, %sub3A_391 : vector<16xf32>
        %add3A_416 = arith.addf %add3A_366, %mul3A_415 : vector<16xf32>
        %mul3A_417 = arith.mulf %sub3A_414, %sub3A_414 : vector<16xf32>
        %add3A_418 = arith.addf %add3A_368, %mul3A_417 : vector<16xf32>
        %get3A_419 = arith.constant 0 : i32
        %get3A_420 = arith.constant 0 : i32
        %get3A_421 = tpu.memref_slice %arg11[%scan3A_216, %get3A_419, %get3A_420] : memref<2x32x128xf32, #tpu.memory_space<vmem>> -> memref<1x32x128xf32, #tpu.memory_space<vmem>>
        %get3A_422 = tpu.memref_squeeze %get3A_421 : memref<1x32x128xf32, #tpu.memory_space<vmem>> -> memref<32x128xf32, #tpu.memory_space<vmem>>
        %get3A_423 = arith.index_cast %add3A_316 : i32 to index
        %get3A_424 = arith.constant 32 : index
        %get3A_425 = tpu.vector_load %get3A_422[%get3A_423, %get3A_424] {strides = array<i32>} : memref<32x128xf32, #tpu.memory_space<vmem>>, vector<16xf32>,
        %get3A_426 = arith.constant 0 : i32
        %get3A_427 = arith.constant 0 : i32
        %get3A_428 = tpu.memref_slice %arg13[%scan3A_217, %get3A_426, %get3A_427] : memref<2x32x128xf32, #tpu.memory_space<vmem>> -> memref<1x32x128xf32, #tpu.memory_space<vmem>>
        %get3A_429 = tpu.memref_squeeze %get3A_428 : memref<1x32x128xf32, #tpu.memory_space<vmem>> -> memref<32x128xf32, #tpu.memory_space<vmem>>
        %get3A_430 = arith.index_cast %add3A_316 : i32 to index
        %get3A_431 = arith.constant 32 : index
        %get3A_432 = tpu.vector_load %get3A_429[%get3A_430, %get3A_431] {strides = array<i32>} : memref<32x128xf32, #tpu.memory_space<vmem>>, vector<16xf32>,
        %add3A_433 = arith.addf %get3A_425, %get3A_432 : vector<16xf32>
        %get3A_434 = arith.constant 0 : i32
        %get3A_435 = arith.constant 0 : i32
        %get3A_436 = tpu.memref_slice %arg12[%scan3A_218, %get3A_434, %get3A_435] : memref<2x32x128xf32, #tpu.memory_space<vmem>> -> memref<1x32x128xf32, #tpu.memory_space<vmem>>
        %get3A_437 = tpu.memref_squeeze %get3A_436 : memref<1x32x128xf32, #tpu.memory_space<vmem>> -> memref<32x128xf32, #tpu.memory_space<vmem>>
        %get3A_438 = arith.index_cast %add3A_316 : i32 to index
        %get3A_439 = arith.constant 32 : index
        %get3A_440 = tpu.vector_load %get3A_437[%get3A_438, %get3A_439] {strides = array<i32>} : memref<32x128xf32, #tpu.memory_space<vmem>>, vector<16xf32>,
        %sub3A_441 = arith.subf %add3A_433, %get3A_440 : vector<16xf32>
        %get3A_442 = arith.constant 0 : i32
        %get3A_443 = arith.constant 0 : i32
        %get3A_444 = tpu.memref_slice %arg14[%scan3A_219, %get3A_442, %get3A_443] : memref<2x32x128xf32, #tpu.memory_space<vmem>> -> memref<1x32x128xf32, #tpu.memory_space<vmem>>
        %get3A_445 = tpu.memref_squeeze %get3A_444 : memref<1x32x128xf32, #tpu.memory_space<vmem>> -> memref<32x128xf32, #tpu.memory_space<vmem>>
        %get3A_446 = arith.index_cast %add3A_316 : i32 to index
        %get3A_447 = arith.constant 32 : index
        %get3A_448 = tpu.vector_load %get3A_445[%get3A_446, %get3A_447] {strides = array<i32>} : memref<32x128xf32, #tpu.memory_space<vmem>>, vector<16xf32>,
        %get3A_449 = arith.constant 0 : i32
        %get3A_450 = arith.constant 0 : i32
        %get3A_451 = tpu.memref_slice %arg16[%scan3A_220, %get3A_449, %get3A_450] : memref<2x32x128xf32, #tpu.memory_space<vmem>> -> memref<1x32x128xf32, #tpu.memory_space<vmem>>
        %get3A_452 = tpu.memref_squeeze %get3A_451 : memref<1x32x128xf32, #tpu.memory_space<vmem>> -> memref<32x128xf32, #tpu.memory_space<vmem>>
        %get3A_453 = arith.index_cast %add3A_316 : i32 to index
        %get3A_454 = arith.constant 32 : index
        %get3A_455 = tpu.vector_load %get3A_452[%get3A_453, %get3A_454] {strides = array<i32>} : memref<32x128xf32, #tpu.memory_space<vmem>>, vector<16xf32>,
        %add3A_456 = arith.addf %get3A_448, %get3A_455 : vector<16xf32>
        %get3A_457 = arith.constant 0 : i32
        %get3A_458 = arith.constant 0 : i32
        %get3A_459 = tpu.memref_slice %arg15[%scan3A_221, %get3A_457, %get3A_458] : memref<2x32x128xf32, #tpu.memory_space<vmem>> -> memref<1x32x128xf32, #tpu.memory_space<vmem>>
        %get3A_460 = tpu.memref_squeeze %get3A_459 : memref<1x32x128xf32, #tpu.memory_space<vmem>> -> memref<32x128xf32, #tpu.memory_space<vmem>>
        %get3A_461 = arith.index_cast %add3A_316 : i32 to index
        %get3A_462 = arith.constant 32 : index
        %get3A_463 = tpu.vector_load %get3A_460[%get3A_461, %get3A_462] {strides = array<i32>} : memref<32x128xf32, #tpu.memory_space<vmem>>, vector<16xf32>,
        %sub3A_464 = arith.subf %add3A_456, %get3A_463 : vector<16xf32>
        %mul3A_465 = arith.mulf %sub3A_441, %sub3A_441 : vector<16xf32>
        %add3A_466 = arith.addf %add3A_416, %mul3A_465 : vector<16xf32>
        %mul3A_467 = arith.mulf %sub3A_464, %sub3A_464 : vector<16xf32>
        %add3A_468 = arith.addf %add3A_418, %mul3A_467 : vector<16xf32>
        %get3A_469 = arith.constant 0 : i32
        %get3A_470 = arith.constant 0 : i32
        %get3A_471 = tpu.memref_slice %arg11[%scan3A_216, %get3A_469, %get3A_470] : memref<2x32x128xf32, #tpu.memory_space<vmem>> -> memref<1x32x128xf32, #tpu.memory_space<vmem>>
        %get3A_472 = tpu.memref_squeeze %get3A_471 : memref<1x32x128xf32, #tpu.memory_space<vmem>> -> memref<32x128xf32, #tpu.memory_space<vmem>>
        %get3A_473 = arith.index_cast %add3A_316 : i32 to index
        %get3A_474 = arith.constant 48 : index
        %get3A_475 = tpu.vector_load %get3A_472[%get3A_473, %get3A_474] {strides = array<i32>} : memref<32x128xf32, #tpu.memory_space<vmem>>, vector<16xf32>,
        %get3A_476 = arith.constant 0 : i32
        %get3A_477 = arith.constant 0 : i32
        %get3A_478 = tpu.memref_slice %arg13[%scan3A_217, %get3A_476, %get3A_477] : memref<2x32x128xf32, #tpu.memory_space<vmem>> -> memref<1x32x128xf32, #tpu.memory_space<vmem>>
        %get3A_479 = tpu.memref_squeeze %get3A_478 : memref<1x32x128xf32, #tpu.memory_space<vmem>> -> memref<32x128xf32, #tpu.memory_space<vmem>>
        %get3A_480 = arith.index_cast %add3A_316 : i32 to index
        %get3A_481 = arith.constant 48 : index
        %get3A_482 = tpu.vector_load %get3A_479[%get3A_480, %get3A_481] {strides = array<i32>} : memref<32x128xf32, #tpu.memory_space<vmem>>, vector<16xf32>,
        %add3A_483 = arith.addf %get3A_475, %get3A_482 : vector<16xf32>
        %get3A_484 = arith.constant 0 : i32
        %get3A_485 = arith.constant 0 : i32
        %get3A_486 = tpu.memref_slice %arg12[%scan3A_218, %get3A_484, %get3A_485] : memref<2x32x128xf32, #tpu.memory_space<vmem>> -> memref<1x32x128xf32, #tpu.memory_space<vmem>>
        %get3A_487 = tpu.memref_squeeze %get3A_486 : memref<1x32x128xf32, #tpu.memory_space<vmem>> -> memref<32x128xf32, #tpu.memory_space<vmem>>
        %get3A_488 = arith.index_cast %add3A_316 : i32 to index
        %get3A_489 = arith.constant 48 : index
        %get3A_490 = tpu.vector_load %get3A_487[%get3A_488, %get3A_489] {strides = array<i32>} : memref<32x128xf32, #tpu.memory_space<vmem>>, vector<16xf32>,
        %sub3A_491 = arith.subf %add3A_483, %get3A_490 : vector<16xf32>
        %get3A_492 = arith.constant 0 : i32
        %get3A_493 = arith.constant 0 : i32
        %get3A_494 = tpu.memref_slice %arg14[%scan3A_219, %get3A_492, %get3A_493] : memref<2x32x128xf32, #tpu.memory_space<vmem>> -> memref<1x32x128xf32, #tpu.memory_space<vmem>>
        %get3A_495 = tpu.memref_squeeze %get3A_494 : memref<1x32x128xf32, #tpu.memory_space<vmem>> -> memref<32x128xf32, #tpu.memory_space<vmem>>
        %get3A_496 = arith.index_cast %add3A_316 : i32 to index
        %get3A_497 = arith.constant 48 : index
        %get3A_498 = tpu.vector_load %get3A_495[%get3A_496, %get3A_497] {strides = array<i32>} : memref<32x128xf32, #tpu.memory_space<vmem>>, vector<16xf32>,
        %get3A_499 = arith.constant 0 : i32
        %get3A_500 = arith.constant 0 : i32
        %get3A_501 = tpu.memref_slice %arg16[%scan3A_220, %get3A_499, %get3A_500] : memref<2x32x128xf32, #tpu.memory_space<vmem>> -> memref<1x32x128xf32, #tpu.memory_space<vmem>>
        %get3A_502 = tpu.memref_squeeze %get3A_501 : memref<1x32x128xf32, #tpu.memory_space<vmem>> -> memref<32x128xf32, #tpu.memory_space<vmem>>
        %get3A_503 = arith.index_cast %add3A_316 : i32 to index
        %get3A_504 = arith.constant 48 : index
        %get3A_505 = tpu.vector_load %get3A_502[%get3A_503, %get3A_504] {strides = array<i32>} : memref<32x128xf32, #tpu.memory_space<vmem>>, vector<16xf32>,
        %add3A_506 = arith.addf %get3A_498, %get3A_505 : vector<16xf32>
        %get3A_507 = arith.constant 0 : i32
        %get3A_508 = arith.constant 0 : i32
        %get3A_509 = tpu.memref_slice %arg15[%scan3A_221, %get3A_507, %get3A_508] : memref<2x32x128xf32, #tpu.memory_space<vmem>> -> memref<1x32x128xf32, #tpu.memory_space<vmem>>
        %get3A_510 = tpu.memref_squeeze %get3A_509 : memref<1x32x128xf32, #tpu.memory_space<vmem>> -> memref<32x128xf32, #tpu.memory_space<vmem>>
        %get3A_511 = arith.index_cast %add3A_316 : i32 to index
        %get3A_512 = arith.constant 48 : index
        %get3A_513 = tpu.vector_load %get3A_510[%get3A_511, %get3A_512] {strides = array<i32>} : memref<32x128xf32, #tpu.memory_space<vmem>>, vector<16xf32>,
        %sub3A_514 = arith.subf %add3A_506, %get3A_513 : vector<16xf32>
        %mul3A_515 = arith.mulf %sub3A_491, %sub3A_491 : vector<16xf32>
        %add3A_516 = arith.addf %add3A_466, %mul3A_515 : vector<16xf32>
        %mul3A_517 = arith.mulf %sub3A_514, %sub3A_514 : vector<16xf32>
        %add3A_518 = arith.addf %add3A_468, %mul3A_517 : vector<16xf32>
        %get3A_519 = arith.constant 0 : i32
        %get3A_520 = arith.constant 0 : i32
        %get3A_521 = tpu.memref_slice %arg11[%scan3A_216, %get3A_519, %get3A_520] : memref<2x32x128xf32, #tpu.memory_space<vmem>> -> memref<1x32x128xf32, #tpu.memory_space<vmem>>
        %get3A_522 = tpu.memref_squeeze %get3A_521 : memref<1x32x128xf32, #tpu.memory_space<vmem>> -> memref<32x128xf32, #tpu.memory_space<vmem>>
        %get3A_523 = arith.index_cast %add3A_316 : i32 to index
        %get3A_524 = arith.constant 64 : index
        %get3A_525 = tpu.vector_load %get3A_522[%get3A_523, %get3A_524] {strides = array<i32>} : memref<32x128xf32, #tpu.memory_space<vmem>>, vector<16xf32>,
        %get3A_526 = arith.constant 0 : i32
        %get3A_527 = arith.constant 0 : i32
        %get3A_528 = tpu.memref_slice %arg13[%scan3A_217, %get3A_526, %get3A_527] : memref<2x32x128xf32, #tpu.memory_space<vmem>> -> memref<1x32x128xf32, #tpu.memory_space<vmem>>
        %get3A_529 = tpu.memref_squeeze %get3A_528 : memref<1x32x128xf32, #tpu.memory_space<vmem>> -> memref<32x128xf32, #tpu.memory_space<vmem>>
        %get3A_530 = arith.index_cast %add3A_316 : i32 to index
        %get3A_531 = arith.constant 64 : index
        %get3A_532 = tpu.vector_load %get3A_529[%get3A_530, %get3A_531] {strides = array<i32>} : memref<32x128xf32, #tpu.memory_space<vmem>>, vector<16xf32>,
        %add3A_533 = arith.addf %get3A_525, %get3A_532 : vector<16xf32>
        %get3A_534 = arith.constant 0 : i32
        %get3A_535 = arith.constant 0 : i32
        %get3A_536 = tpu.memref_slice %arg12[%scan3A_218, %get3A_534, %get3A_535] : memref<2x32x128xf32, #tpu.memory_space<vmem>> -> memref<1x32x128xf32, #tpu.memory_space<vmem>>
        %get3A_537 = tpu.memref_squeeze %get3A_536 : memref<1x32x128xf32, #tpu.memory_space<vmem>> -> memref<32x128xf32, #tpu.memory_space<vmem>>
        %get3A_538 = arith.index_cast %add3A_316 : i32 to index
        %get3A_539 = arith.constant 64 : index
        %get3A_540 = tpu.vector_load %get3A_537[%get3A_538, %get3A_539] {strides = array<i32>} : memref<32x128xf32, #tpu.memory_space<vmem>>, vector<16xf32>,
        %sub3A_541 = arith.subf %add3A_533, %get3A_540 : vector<16xf32>
        %get3A_542 = arith.constant 0 : i32
        %get3A_543 = arith.constant 0 : i32
        %get3A_544 = tpu.memref_slice %arg14[%scan3A_219, %get3A_542, %get3A_543] : memref<2x32x128xf32, #tpu.memory_space<vmem>> -> memref<1x32x128xf32, #tpu.memory_space<vmem>>
        %get3A_545 = tpu.memref_squeeze %get3A_544 : memref<1x32x128xf32, #tpu.memory_space<vmem>> -> memref<32x128xf32, #tpu.memory_space<vmem>>
        %get3A_546 = arith.index_cast %add3A_316 : i32 to index
        %get3A_547 = arith.constant 64 : index
        %get3A_548 = tpu.vector_load %get3A_545[%get3A_546, %get3A_547] {strides = array<i32>} : memref<32x128xf32, #tpu.memory_space<vmem>>, vector<16xf32>,
        %get3A_549 = arith.constant 0 : i32
        %get3A_550 = arith.constant 0 : i32
        %get3A_551 = tpu.memref_slice %arg16[%scan3A_220, %get3A_549, %get3A_550] : memref<2x32x128xf32, #tpu.memory_space<vmem>> -> memref<1x32x128xf32, #tpu.memory_space<vmem>>
        %get3A_552 = tpu.memref_squeeze %get3A_551 : memref<1x32x128xf32, #tpu.memory_space<vmem>> -> memref<32x128xf32, #tpu.memory_space<vmem>>
        %get3A_553 = arith.index_cast %add3A_316 : i32 to index
        %get3A_554 = arith.constant 64 : index
        %get3A_555 = tpu.vector_load %get3A_552[%get3A_553, %get3A_554] {strides = array<i32>} : memref<32x128xf32, #tpu.memory_space<vmem>>, vector<16xf32>,
        %add3A_556 = arith.addf %get3A_548, %get3A_555 : vector<16xf32>
        %get3A_557 = arith.constant 0 : i32
        %get3A_558 = arith.constant 0 : i32
        %get3A_559 = tpu.memref_slice %arg15[%scan3A_221, %get3A_557, %get3A_558] : memref<2x32x128xf32, #tpu.memory_space<vmem>> -> memref<1x32x128xf32, #tpu.memory_space<vmem>>
        %get3A_560 = tpu.memref_squeeze %get3A_559 : memref<1x32x128xf32, #tpu.memory_space<vmem>> -> memref<32x128xf32, #tpu.memory_space<vmem>>
        %get3A_561 = arith.index_cast %add3A_316 : i32 to index
        %get3A_562 = arith.constant 64 : index
        %get3A_563 = tpu.vector_load %get3A_560[%get3A_561, %get3A_562] {strides = array<i32>} : memref<32x128xf32, #tpu.memory_space<vmem>>, vector<16xf32>,
        %sub3A_564 = arith.subf %add3A_556, %get3A_563 : vector<16xf32>
        %mul3A_565 = arith.mulf %sub3A_541, %sub3A_541 : vector<16xf32>
        %add3A_566 = arith.addf %add3A_516, %mul3A_565 : vector<16xf32>
        %mul3A_567 = arith.mulf %sub3A_564, %sub3A_564 : vector<16xf32>
        %add3A_568 = arith.addf %add3A_518, %mul3A_567 : vector<16xf32>
        %get3A_569 = arith.constant 0 : i32
        %get3A_570 = arith.constant 0 : i32
        %get3A_571 = tpu.memref_slice %arg11[%scan3A_216, %get3A_569, %get3A_570] : memref<2x32x128xf32, #tpu.memory_space<vmem>> -> memref<1x32x128xf32, #tpu.memory_space<vmem>>
        %get3A_572 = tpu.memref_squeeze %get3A_571 : memref<1x32x128xf32, #tpu.memory_space<vmem>> -> memref<32x128xf32, #tpu.memory_space<vmem>>
        %get3A_573 = arith.index_cast %add3A_316 : i32 to index
        %get3A_574 = arith.constant 80 : index
        %get3A_575 = tpu.vector_load %get3A_572[%get3A_573, %get3A_574] {strides = array<i32>} : memref<32x128xf32, #tpu.memory_space<vmem>>, vector<16xf32>,
        %get3A_576 = arith.constant 0 : i32
        %get3A_577 = arith.constant 0 : i32
        %get3A_578 = tpu.memref_slice %arg13[%scan3A_217, %get3A_576, %get3A_577] : memref<2x32x128xf32, #tpu.memory_space<vmem>> -> memref<1x32x128xf32, #tpu.memory_space<vmem>>
        %get3A_579 = tpu.memref_squeeze %get3A_578 : memref<1x32x128xf32, #tpu.memory_space<vmem>> -> memref<32x128xf32, #tpu.memory_space<vmem>>
        %get3A_580 = arith.index_cast %add3A_316 : i32 to index
        %get3A_581 = arith.constant 80 : index
        %get3A_582 = tpu.vector_load %get3A_579[%get3A_580, %get3A_581] {strides = array<i32>} : memref<32x128xf32, #tpu.memory_space<vmem>>, vector<16xf32>,
        %add3A_583 = arith.addf %get3A_575, %get3A_582 : vector<16xf32>
        %get3A_584 = arith.constant 0 : i32
        %get3A_585 = arith.constant 0 : i32
        %get3A_586 = tpu.memref_slice %arg12[%scan3A_218, %get3A_584, %get3A_585] : memref<2x32x128xf32, #tpu.memory_space<vmem>> -> memref<1x32x128xf32, #tpu.memory_space<vmem>>
        %get3A_587 = tpu.memref_squeeze %get3A_586 : memref<1x32x128xf32, #tpu.memory_space<vmem>> -> memref<32x128xf32, #tpu.memory_space<vmem>>
        %get3A_588 = arith.index_cast %add3A_316 : i32 to index
        %get3A_589 = arith.constant 80 : index
        %get3A_590 = tpu.vector_load %get3A_587[%get3A_588, %get3A_589] {strides = array<i32>} : memref<32x128xf32, #tpu.memory_space<vmem>>, vector<16xf32>,
        %sub3A_591 = arith.subf %add3A_583, %get3A_590 : vector<16xf32>
        %get3A_592 = arith.constant 0 : i32
        %get3A_593 = arith.constant 0 : i32
        %get3A_594 = tpu.memref_slice %arg14[%scan3A_219, %get3A_592, %get3A_593] : memref<2x32x128xf32, #tpu.memory_space<vmem>> -> memref<1x32x128xf32, #tpu.memory_space<vmem>>
        %get3A_595 = tpu.memref_squeeze %get3A_594 : memref<1x32x128xf32, #tpu.memory_space<vmem>> -> memref<32x128xf32, #tpu.memory_space<vmem>>
        %get3A_596 = arith.index_cast %add3A_316 : i32 to index
        %get3A_597 = arith.constant 80 : index
        %get3A_598 = tpu.vector_load %get3A_595[%get3A_596, %get3A_597] {strides = array<i32>} : memref<32x128xf32, #tpu.memory_space<vmem>>, vector<16xf32>,
        %get3A_599 = arith.constant 0 : i32
        %get3A_600 = arith.constant 0 : i32
        %get3A_601 = tpu.memref_slice %arg16[%scan3A_220, %get3A_599, %get3A_600] : memref<2x32x128xf32, #tpu.memory_space<vmem>> -> memref<1x32x128xf32, #tpu.memory_space<vmem>>
        %get3A_602 = tpu.memref_squeeze %get3A_601 : memref<1x32x128xf32, #tpu.memory_space<vmem>> -> memref<32x128xf32, #tpu.memory_space<vmem>>
        %get3A_603 = arith.index_cast %add3A_316 : i32 to index
        %get3A_604 = arith.constant 80 : index
        %get3A_605 = tpu.vector_load %get3A_602[%get3A_603, %get3A_604] {strides = array<i32>} : memref<32x128xf32, #tpu.memory_space<vmem>>, vector<16xf32>,
        %add3A_606 = arith.addf %get3A_598, %get3A_605 : vector<16xf32>
        %get3A_607 = arith.constant 0 : i32
        %get3A_608 = arith.constant 0 : i32
        %get3A_609 = tpu.memref_slice %arg15[%scan3A_221, %get3A_607, %get3A_608] : memref<2x32x128xf32, #tpu.memory_space<vmem>> -> memref<1x32x128xf32, #tpu.memory_space<vmem>>
        %get3A_610 = tpu.memref_squeeze %get3A_609 : memref<1x32x128xf32, #tpu.memory_space<vmem>> -> memref<32x128xf32, #tpu.memory_space<vmem>>
        %get3A_611 = arith.index_cast %add3A_316 : i32 to index
        %get3A_612 = arith.constant 80 : index
        %get3A_613 = tpu.vector_load %get3A_610[%get3A_611, %get3A_612] {strides = array<i32>} : memref<32x128xf32, #tpu.memory_space<vmem>>, vector<16xf32>,
        %sub3A_614 = arith.subf %add3A_606, %get3A_613 : vector<16xf32>
        %mul3A_615 = arith.mulf %sub3A_591, %sub3A_591 : vector<16xf32>
        %add3A_616 = arith.addf %add3A_566, %mul3A_615 : vector<16xf32>
        %mul3A_617 = arith.mulf %sub3A_614, %sub3A_614 : vector<16xf32>
        %add3A_618 = arith.addf %add3A_568, %mul3A_617 : vector<16xf32>
        %get3A_619 = arith.constant 0 : i32
        %get3A_620 = arith.constant 0 : i32
        %get3A_621 = tpu.memref_slice %arg11[%scan3A_216, %get3A_619, %get3A_620] : memref<2x32x128xf32, #tpu.memory_space<vmem>> -> memref<1x32x128xf32, #tpu.memory_space<vmem>>
        %get3A_622 = tpu.memref_squeeze %get3A_621 : memref<1x32x128xf32, #tpu.memory_space<vmem>> -> memref<32x128xf32, #tpu.memory_space<vmem>>
        %get3A_623 = arith.index_cast %add3A_316 : i32 to index
        %get3A_624 = arith.constant 96 : index
        %get3A_625 = tpu.vector_load %get3A_622[%get3A_623, %get3A_624] {strides = array<i32>} : memref<32x128xf32, #tpu.memory_space<vmem>>, vector<16xf32>,
        %get3A_626 = arith.constant 0 : i32
        %get3A_627 = arith.constant 0 : i32
        %get3A_628 = tpu.memref_slice %arg13[%scan3A_217, %get3A_626, %get3A_627] : memref<2x32x128xf32, #tpu.memory_space<vmem>> -> memref<1x32x128xf32, #tpu.memory_space<vmem>>
        %get3A_629 = tpu.memref_squeeze %get3A_628 : memref<1x32x128xf32, #tpu.memory_space<vmem>> -> memref<32x128xf32, #tpu.memory_space<vmem>>
        %get3A_630 = arith.index_cast %add3A_316 : i32 to index
        %get3A_631 = arith.constant 96 : index
        %get3A_632 = tpu.vector_load %get3A_629[%get3A_630, %get3A_631] {strides = array<i32>} : memref<32x128xf32, #tpu.memory_space<vmem>>, vector<16xf32>,
        %add3A_633 = arith.addf %get3A_625, %get3A_632 : vector<16xf32>
        %get3A_634 = arith.constant 0 : i32
        %get3A_635 = arith.constant 0 : i32
        %get3A_636 = tpu.memref_slice %arg12[%scan3A_218, %get3A_634, %get3A_635] : memref<2x32x128xf32, #tpu.memory_space<vmem>> -> memref<1x32x128xf32, #tpu.memory_space<vmem>>
        %get3A_637 = tpu.memref_squeeze %get3A_636 : memref<1x32x128xf32, #tpu.memory_space<vmem>> -> memref<32x128xf32, #tpu.memory_space<vmem>>
        %get3A_638 = arith.index_cast %add3A_316 : i32 to index
        %get3A_639 = arith.constant 96 : index
        %get3A_640 = tpu.vector_load %get3A_637[%get3A_638, %get3A_639] {strides = array<i32>} : memref<32x128xf32, #tpu.memory_space<vmem>>, vector<16xf32>,
        %sub3A_641 = arith.subf %add3A_633, %get3A_640 : vector<16xf32>
        %get3A_642 = arith.constant 0 : i32
        %get3A_643 = arith.constant 0 : i32
        %get3A_644 = tpu.memref_slice %arg14[%scan3A_219, %get3A_642, %get3A_643] : memref<2x32x128xf32, #tpu.memory_space<vmem>> -> memref<1x32x128xf32, #tpu.memory_space<vmem>>
        %get3A_645 = tpu.memref_squeeze %get3A_644 : memref<1x32x128xf32, #tpu.memory_space<vmem>> -> memref<32x128xf32, #tpu.memory_space<vmem>>
        %get3A_646 = arith.index_cast %add3A_316 : i32 to index
        %get3A_647 = arith.constant 96 : index
        %get3A_648 = tpu.vector_load %get3A_645[%get3A_646, %get3A_647] {strides = array<i32>} : memref<32x128xf32, #tpu.memory_space<vmem>>, vector<16xf32>,
        %get3A_649 = arith.constant 0 : i32
        %get3A_650 = arith.constant 0 : i32
        %get3A_651 = tpu.memref_slice %arg16[%scan3A_220, %get3A_649, %get3A_650] : memref<2x32x128xf32, #tpu.memory_space<vmem>> -> memref<1x32x128xf32, #tpu.memory_space<vmem>>
        %get3A_652 = tpu.memref_squeeze %get3A_651 : memref<1x32x128xf32, #tpu.memory_space<vmem>> -> memref<32x128xf32, #tpu.memory_space<vmem>>
        %get3A_653 = arith.index_cast %add3A_316 : i32 to index
        %get3A_654 = arith.constant 96 : index
        %get3A_655 = tpu.vector_load %get3A_652[%get3A_653, %get3A_654] {strides = array<i32>} : memref<32x128xf32, #tpu.memory_space<vmem>>, vector<16xf32>,
        %add3A_656 = arith.addf %get3A_648, %get3A_655 : vector<16xf32>
        %get3A_657 = arith.constant 0 : i32
        %get3A_658 = arith.constant 0 : i32
        %get3A_659 = tpu.memref_slice %arg15[%scan3A_221, %get3A_657, %get3A_658] : memref<2x32x128xf32, #tpu.memory_space<vmem>> -> memref<1x32x128xf32, #tpu.memory_space<vmem>>
        %get3A_660 = tpu.memref_squeeze %get3A_659 : memref<1x32x128xf32, #tpu.memory_space<vmem>> -> memref<32x128xf32, #tpu.memory_space<vmem>>
        %get3A_661 = arith.index_cast %add3A_316 : i32 to index
        %get3A_662 = arith.constant 96 : index
        %get3A_663 = tpu.vector_load %get3A_660[%get3A_661, %get3A_662] {strides = array<i32>} : memref<32x128xf32, #tpu.memory_space<vmem>>, vector<16xf32>,
        %sub3A_664 = arith.subf %add3A_656, %get3A_663 : vector<16xf32>
        %mul3A_665 = arith.mulf %sub3A_641, %sub3A_641 : vector<16xf32>
        %add3A_666 = arith.addf %add3A_616, %mul3A_665 : vector<16xf32>
        %mul3A_667 = arith.mulf %sub3A_664, %sub3A_664 : vector<16xf32>
        %add3A_668 = arith.addf %add3A_618, %mul3A_667 : vector<16xf32>
        %get3A_669 = arith.constant 0 : i32
        %get3A_670 = arith.constant 0 : i32
        %get3A_671 = tpu.memref_slice %arg11[%scan3A_216, %get3A_669, %get3A_670] : memref<2x32x128xf32, #tpu.memory_space<vmem>> -> memref<1x32x128xf32, #tpu.memory_space<vmem>>
        %get3A_672 = tpu.memref_squeeze %get3A_671 : memref<1x32x128xf32, #tpu.memory_space<vmem>> -> memref<32x128xf32, #tpu.memory_space<vmem>>
        %get3A_673 = arith.index_cast %add3A_316 : i32 to index
        %get3A_674 = arith.constant 112 : index
        %get3A_675 = tpu.vector_load %get3A_672[%get3A_673, %get3A_674] {strides = array<i32>} : memref<32x128xf32, #tpu.memory_space<vmem>>, vector<16xf32>,
        %get3A_676 = arith.constant 0 : i32
        %get3A_677 = arith.constant 0 : i32
        %get3A_678 = tpu.memref_slice %arg13[%scan3A_217, %get3A_676, %get3A_677] : memref<2x32x128xf32, #tpu.memory_space<vmem>> -> memref<1x32x128xf32, #tpu.memory_space<vmem>>
        %get3A_679 = tpu.memref_squeeze %get3A_678 : memref<1x32x128xf32, #tpu.memory_space<vmem>> -> memref<32x128xf32, #tpu.memory_space<vmem>>
        %get3A_680 = arith.index_cast %add3A_316 : i32 to index
        %get3A_681 = arith.constant 112 : index
        %get3A_682 = tpu.vector_load %get3A_679[%get3A_680, %get3A_681] {strides = array<i32>} : memref<32x128xf32, #tpu.memory_space<vmem>>, vector<16xf32>,
        %add3A_683 = arith.addf %get3A_675, %get3A_682 : vector<16xf32>
        %get3A_684 = arith.constant 0 : i32
        %get3A_685 = arith.constant 0 : i32
        %get3A_686 = tpu.memref_slice %arg12[%scan3A_218, %get3A_684, %get3A_685] : memref<2x32x128xf32, #tpu.memory_space<vmem>> -> memref<1x32x128xf32, #tpu.memory_space<vmem>>
        %get3A_687 = tpu.memref_squeeze %get3A_686 : memref<1x32x128xf32, #tpu.memory_space<vmem>> -> memref<32x128xf32, #tpu.memory_space<vmem>>
        %get3A_688 = arith.index_cast %add3A_316 : i32 to index
        %get3A_689 = arith.constant 112 : index
        %get3A_690 = tpu.vector_load %get3A_687[%get3A_688, %get3A_689] {strides = array<i32>} : memref<32x128xf32, #tpu.memory_space<vmem>>, vector<16xf32>,
        %sub3A_691 = arith.subf %add3A_683, %get3A_690 : vector<16xf32>
        %get3A_692 = arith.constant 0 : i32
        %get3A_693 = arith.constant 0 : i32
        %get3A_694 = tpu.memref_slice %arg14[%scan3A_219, %get3A_692, %get3A_693] : memref<2x32x128xf32, #tpu.memory_space<vmem>> -> memref<1x32x128xf32, #tpu.memory_space<vmem>>
        %get3A_695 = tpu.memref_squeeze %get3A_694 : memref<1x32x128xf32, #tpu.memory_space<vmem>> -> memref<32x128xf32, #tpu.memory_space<vmem>>
        %get3A_696 = arith.index_cast %add3A_316 : i32 to index
        %get3A_697 = arith.constant 112 : index
        %get3A_698 = tpu.vector_load %get3A_695[%get3A_696, %get3A_697] {strides = array<i32>} : memref<32x128xf32, #tpu.memory_space<vmem>>, vector<16xf32>,
        %get3A_699 = arith.constant 0 : i32
        %get3A_700 = arith.constant 0 : i32
        %get3A_701 = tpu.memref_slice %arg16[%scan3A_220, %get3A_699, %get3A_700] : memref<2x32x128xf32, #tpu.memory_space<vmem>> -> memref<1x32x128xf32, #tpu.memory_space<vmem>>
        %get3A_702 = tpu.memref_squeeze %get3A_701 : memref<1x32x128xf32, #tpu.memory_space<vmem>> -> memref<32x128xf32, #tpu.memory_space<vmem>>
        %get3A_703 = arith.index_cast %add3A_316 : i32 to index
        %get3A_704 = arith.constant 112 : index
        %get3A_705 = tpu.vector_load %get3A_702[%get3A_703, %get3A_704] {strides = array<i32>} : memref<32x128xf32, #tpu.memory_space<vmem>>, vector<16xf32>,
        %add3A_706 = arith.addf %get3A_698, %get3A_705 : vector<16xf32>
        %get3A_707 = arith.constant 0 : i32
        %get3A_708 = arith.constant 0 : i32
        %get3A_709 = tpu.memref_slice %arg15[%scan3A_221, %get3A_707, %get3A_708] : memref<2x32x128xf32, #tpu.memory_space<vmem>> -> memref<1x32x128xf32, #tpu.memory_space<vmem>>
        %get3A_710 = tpu.memref_squeeze %get3A_709 : memref<1x32x128xf32, #tpu.memory_space<vmem>> -> memref<32x128xf32, #tpu.memory_space<vmem>>
        %get3A_711 = arith.index_cast %add3A_316 : i32 to index
        %get3A_712 = arith.constant 112 : index
        %get3A_713 = tpu.vector_load %get3A_710[%get3A_711, %get3A_712] {strides = array<i32>} : memref<32x128xf32, #tpu.memory_space<vmem>>, vector<16xf32>,
        %sub3A_714 = arith.subf %add3A_706, %get3A_713 : vector<16xf32>
        %mul3A_715 = arith.mulf %sub3A_691, %sub3A_691 : vector<16xf32>
        %add3A_716 = arith.addf %add3A_666, %mul3A_715 : vector<16xf32>
        %mul3A_717 = arith.mulf %sub3A_714, %sub3A_714 : vector<16xf32>
        %add3A_718 = arith.addf %add3A_668, %mul3A_717 : vector<16xf32>
        %swap3A_719 = arith.index_cast %add3A_316 : i32 to index
        %swap3A_720 = arith.constant 0 : index
        %swap3A_721 = tpu.vector_load %arg17[%swap3A_719, %swap3A_720] {strides = array<i32>} : memref<32x16xf32, #tpu.memory_space<vmem>>, vector<16xf32>,
        tpu.vector_store %arg17[%swap3A_719, %swap3A_720], %add3A_716 {strides = array<i32>} : memref<32x16xf32, #tpu.memory_space<vmem>>, vector<16xf32>,
        %swap3A_722 = arith.index_cast %add3A_316 : i32 to index
        %swap3A_723 = arith.constant 0 : index
        %swap3A_724 = tpu.vector_load %arg18[%swap3A_722, %swap3A_723] {strides = array<i32>} : memref<32x16xf32, #tpu.memory_space<vmem>>, vector<16xf32>,
        tpu.vector_store %arg18[%swap3A_722, %swap3A_723], %add3A_718 {strides = array<i32>} : memref<32x16xf32, #tpu.memory_space<vmem>>, vector<16xf32>,
        %add3A_725 = arith.constant 1 : i32
        %add3A_726 = arith.addi %add3A_314, %add3A_725 : i32
        %broadcast_in_dim3A_727 = arith.constant 0.000000e+00 : f32
        %broadcast_in_dim3A_728 = vector.broadcast %broadcast_in_dim3A_727 : f32 to vector<16xf32>
        %broadcast_in_dim3A_729 = arith.constant 0.000000e+00 : f32
        %broadcast_in_dim3A_730 = vector.broadcast %broadcast_in_dim3A_729 : f32 to vector<16xf32>
        %get3A_731 = arith.constant 0 : i32
        %get3A_732 = arith.constant 0 : i32
        %get3A_733 = tpu.memref_slice %arg11[%scan3A_216, %get3A_731, %get3A_732] : memref<2x32x128xf32, #tpu.memory_space<vmem>> -> memref<1x32x128xf32, #tpu.memory_space<vmem>>
        %get3A_734 = tpu.memref_squeeze %get3A_733 : memref<1x32x128xf32, #tpu.memory_space<vmem>> -> memref<32x128xf32, #tpu.memory_space<vmem>>
        %get3A_735 = arith.index_cast %add3A_726 : i32 to index
        %get3A_736 = arith.constant 0 : index
        %get3A_737 = tpu.vector_load %get3A_734[%get3A_735, %get3A_736] {strides = array<i32>} : memref<32x128xf32, #tpu.memory_space<vmem>>, vector<16xf32>,
        %get3A_738 = arith.constant 0 : i32
        %get3A_739 = arith.constant 0 : i32
        %get3A_740 = tpu.memref_slice %arg13[%scan3A_217, %get3A_738, %get3A_739] : memref<2x32x128xf32, #tpu.memory_space<vmem>> -> memref<1x32x128xf32, #tpu.memory_space<vmem>>
        %get3A_741 = tpu.memref_squeeze %get3A_740 : memref<1x32x128xf32, #tpu.memory_space<vmem>> -> memref<32x128xf32, #tpu.memory_space<vmem>>
        %get3A_742 = arith.index_cast %add3A_726 : i32 to index
        %get3A_743 = arith.constant 0 : index
        %get3A_744 = tpu.vector_load %get3A_741[%get3A_742, %get3A_743] {strides = array<i32>} : memref<32x128xf32, #tpu.memory_space<vmem>>, vector<16xf32>,
        %add3A_745 = arith.addf %get3A_737, %get3A_744 : vector<16xf32>
        %get3A_746 = arith.constant 0 : i32
        %get3A_747 = arith.constant 0 : i32
        %get3A_748 = tpu.memref_slice %arg12[%scan3A_218, %get3A_746, %get3A_747] : memref<2x32x128xf32, #tpu.memory_space<vmem>> -> memref<1x32x128xf32, #tpu.memory_space<vmem>>
        %get3A_749 = tpu.memref_squeeze %get3A_748 : memref<1x32x128xf32, #tpu.memory_space<vmem>> -> memref<32x128xf32, #tpu.memory_space<vmem>>
        %get3A_750 = arith.index_cast %add3A_726 : i32 to index
        %get3A_751 = arith.constant 0 : index
        %get3A_752 = tpu.vector_load %get3A_749[%get3A_750, %get3A_751] {strides = array<i32>} : memref<32x128xf32, #tpu.memory_space<vmem>>, vector<16xf32>,
        %sub3A_753 = arith.subf %add3A_745, %get3A_752 : vector<16xf32>
        %get3A_754 = arith.constant 0 : i32
        %get3A_755 = arith.constant 0 : i32
        %get3A_756 = tpu.memref_slice %arg14[%scan3A_219, %get3A_754, %get3A_755] : memref<2x32x128xf32, #tpu.memory_space<vmem>> -> memref<1x32x128xf32, #tpu.memory_space<vmem>>
        %get3A_757 = tpu.memref_squeeze %get3A_756 : memref<1x32x128xf32, #tpu.memory_space<vmem>> -> memref<32x128xf32, #tpu.memory_space<vmem>>
        %get3A_758 = arith.index_cast %add3A_726 : i32 to index
        %get3A_759 = arith.constant 0 : index
        %get3A_760 = tpu.vector_load %get3A_757[%get3A_758, %get3A_759] {strides = array<i32>} : memref<32x128xf32, #tpu.memory_space<vmem>>, vector<16xf32>,
        %get3A_761 = arith.constant 0 : i32
        %get3A_762 = arith.constant 0 : i32
        %get3A_763 = tpu.memref_slice %arg16[%scan3A_220, %get3A_761, %get3A_762] : memref<2x32x128xf32, #tpu.memory_space<vmem>> -> memref<1x32x128xf32, #tpu.memory_space<vmem>>
        %get3A_764 = tpu.memref_squeeze %get3A_763 : memref<1x32x128xf32, #tpu.memory_space<vmem>> -> memref<32x128xf32, #tpu.memory_space<vmem>>
        %get3A_765 = arith.index_cast %add3A_726 : i32 to index
        %get3A_766 = arith.constant 0 : index
        %get3A_767 = tpu.vector_load %get3A_764[%get3A_765, %get3A_766] {strides = array<i32>} : memref<32x128xf32, #tpu.memory_space<vmem>>, vector<16xf32>,
        %add3A_768 = arith.addf %get3A_760, %get3A_767 : vector<16xf32>
        %get3A_769 = arith.constant 0 : i32
        %get3A_770 = arith.constant 0 : i32
        %get3A_771 = tpu.memref_slice %arg15[%scan3A_221, %get3A_769, %get3A_770] : memref<2x32x128xf32, #tpu.memory_space<vmem>> -> memref<1x32x128xf32, #tpu.memory_space<vmem>>
        %get3A_772 = tpu.memref_squeeze %get3A_771 : memref<1x32x128xf32, #tpu.memory_space<vmem>> -> memref<32x128xf32, #tpu.memory_space<vmem>>
        %get3A_773 = arith.index_cast %add3A_726 : i32 to index
        %get3A_774 = arith.constant 0 : index
        %get3A_775 = tpu.vector_load %get3A_772[%get3A_773, %get3A_774] {strides = array<i32>} : memref<32x128xf32, #tpu.memory_space<vmem>>, vector<16xf32>,
        %sub3A_776 = arith.subf %add3A_768, %get3A_775 : vector<16xf32>
        %mul3A_777 = arith.mulf %sub3A_753, %sub3A_753 : vector<16xf32>
        %add3A_778 = arith.addf %broadcast_in_dim3A_728, %mul3A_777 : vector<16xf32>
        %mul3A_779 = arith.mulf %sub3A_776, %sub3A_776 : vector<16xf32>
        %add3A_780 = arith.addf %broadcast_in_dim3A_730, %mul3A_779 : vector<16xf32>
        %get3A_781 = arith.constant 0 : i32
        %get3A_782 = arith.constant 0 : i32
        %get3A_783 = tpu.memref_slice %arg11[%scan3A_216, %get3A_781, %get3A_782] : memref<2x32x128xf32, #tpu.memory_space<vmem>> -> memref<1x32x128xf32, #tpu.memory_space<vmem>>
        %get3A_784 = tpu.memref_squeeze %get3A_783 : memref<1x32x128xf32, #tpu.memory_space<vmem>> -> memref<32x128xf32, #tpu.memory_space<vmem>>
        %get3A_785 = arith.index_cast %add3A_726 : i32 to index
        %get3A_786 = arith.constant 16 : index
        %get3A_787 = tpu.vector_load %get3A_784[%get3A_785, %get3A_786] {strides = array<i32>} : memref<32x128xf32, #tpu.memory_space<vmem>>, vector<16xf32>,
        %get3A_788 = arith.constant 0 : i32
        %get3A_789 = arith.constant 0 : i32
        %get3A_790 = tpu.memref_slice %arg13[%scan3A_217, %get3A_788, %get3A_789] : memref<2x32x128xf32, #tpu.memory_space<vmem>> -> memref<1x32x128xf32, #tpu.memory_space<vmem>>
        %get3A_791 = tpu.memref_squeeze %get3A_790 : memref<1x32x128xf32, #tpu.memory_space<vmem>> -> memref<32x128xf32, #tpu.memory_space<vmem>>
        %get3A_792 = arith.index_cast %add3A_726 : i32 to index
        %get3A_793 = arith.constant 16 : index
        %get3A_794 = tpu.vector_load %get3A_791[%get3A_792, %get3A_793] {strides = array<i32>} : memref<32x128xf32, #tpu.memory_space<vmem>>, vector<16xf32>,
        %add3A_795 = arith.addf %get3A_787, %get3A_794 : vector<16xf32>
        %get3A_796 = arith.constant 0 : i32
        %get3A_797 = arith.constant 0 : i32
        %get3A_798 = tpu.memref_slice %arg12[%scan3A_218, %get3A_796, %get3A_797] : memref<2x32x128xf32, #tpu.memory_space<vmem>> -> memref<1x32x128xf32, #tpu.memory_space<vmem>>
        %get3A_799 = tpu.memref_squeeze %get3A_798 : memref<1x32x128xf32, #tpu.memory_space<vmem>> -> memref<32x128xf32, #tpu.memory_space<vmem>>
        %get3A_800 = arith.index_cast %add3A_726 : i32 to index
        %get3A_801 = arith.constant 16 : index
        %get3A_802 = tpu.vector_load %get3A_799[%get3A_800, %get3A_801] {strides = array<i32>} : memref<32x128xf32, #tpu.memory_space<vmem>>, vector<16xf32>,
        %sub3A_803 = arith.subf %add3A_795, %get3A_802 : vector<16xf32>
        %get3A_804 = arith.constant 0 : i32
        %get3A_805 = arith.constant 0 : i32
        %get3A_806 = tpu.memref_slice %arg14[%scan3A_219, %get3A_804, %get3A_805] : memref<2x32x128xf32, #tpu.memory_space<vmem>> -> memref<1x32x128xf32, #tpu.memory_space<vmem>>
        %get3A_807 = tpu.memref_squeeze %get3A_806 : memref<1x32x128xf32, #tpu.memory_space<vmem>> -> memref<32x128xf32, #tpu.memory_space<vmem>>
        %get3A_808 = arith.index_cast %add3A_726 : i32 to index
        %get3A_809 = arith.constant 16 : index
        %get3A_810 = tpu.vector_load %get3A_807[%get3A_808, %get3A_809] {strides = array<i32>} : memref<32x128xf32, #tpu.memory_space<vmem>>, vector<16xf32>,
        %get3A_811 = arith.constant 0 : i32
        %get3A_812 = arith.constant 0 : i32
        %get3A_813 = tpu.memref_slice %arg16[%scan3A_220, %get3A_811, %get3A_812] : memref<2x32x128xf32, #tpu.memory_space<vmem>> -> memref<1x32x128xf32, #tpu.memory_space<vmem>>
        %get3A_814 = tpu.memref_squeeze %get3A_813 : memref<1x32x128xf32, #tpu.memory_space<vmem>> -> memref<32x128xf32, #tpu.memory_space<vmem>>
        %get3A_815 = arith.index_cast %add3A_726 : i32 to index
        %get3A_816 = arith.constant 16 : index
        %get3A_817 = tpu.vector_load %get3A_814[%get3A_815, %get3A_816] {strides = array<i32>} : memref<32x128xf32, #tpu.memory_space<vmem>>, vector<16xf32>,
        %add3A_818 = arith.addf %get3A_810, %get3A_817 : vector<16xf32>
        %get3A_819 = arith.constant 0 : i32
        %get3A_820 = arith.constant 0 : i32
        %get3A_821 = tpu.memref_slice %arg15[%scan3A_221, %get3A_819, %get3A_820] : memref<2x32x128xf32, #tpu.memory_space<vmem>> -> memref<1x32x128xf32, #tpu.memory_space<vmem>>
        %get3A_822 = tpu.memref_squeeze %get3A_821 : memref<1x32x128xf32, #tpu.memory_space<vmem>> -> memref<32x128xf32, #tpu.memory_space<vmem>>
        %get3A_823 = arith.index_cast %add3A_726 : i32 to index
        %get3A_824 = arith.constant 16 : index
        %get3A_825 = tpu.vector_load %get3A_822[%get3A_823, %get3A_824] {strides = array<i32>} : memref<32x128xf32, #tpu.memory_space<vmem>>, vector<16xf32>,
        %sub3A_826 = arith.subf %add3A_818, %get3A_825 : vector<16xf32>
        %mul3A_827 = arith.mulf %sub3A_803, %sub3A_803 : vector<16xf32>
        %add3A_828 = arith.addf %add3A_778, %mul3A_827 : vector<16xf32>
        %mul3A_829 = arith.mulf %sub3A_826, %sub3A_826 : vector<16xf32>
        %add3A_830 = arith.addf %add3A_780, %mul3A_829 : vector<16xf32>
        %get3A_831 = arith.constant 0 : i32
        %get3A_832 = arith.constant 0 : i32
        %get3A_833 = tpu.memref_slice %arg11[%scan3A_216, %get3A_831, %get3A_832] : memref<2x32x128xf32, #tpu.memory_space<vmem>> -> memref<1x32x128xf32, #tpu.memory_space<vmem>>
        %get3A_834 = tpu.memref_squeeze %get3A_833 : memref<1x32x128xf32, #tpu.memory_space<vmem>> -> memref<32x128xf32, #tpu.memory_space<vmem>>
        %get3A_835 = arith.index_cast %add3A_726 : i32 to index
        %get3A_836 = arith.constant 32 : index
        %get3A_837 = tpu.vector_load %get3A_834[%get3A_835, %get3A_836] {strides = array<i32>} : memref<32x128xf32, #tpu.memory_space<vmem>>, vector<16xf32>,
        %get3A_838 = arith.constant 0 : i32
        %get3A_839 = arith.constant 0 : i32
        %get3A_840 = tpu.memref_slice %arg13[%scan3A_217, %get3A_838, %get3A_839] : memref<2x32x128xf32, #tpu.memory_space<vmem>> -> memref<1x32x128xf32, #tpu.memory_space<vmem>>
        %get3A_841 = tpu.memref_squeeze %get3A_840 : memref<1x32x128xf32, #tpu.memory_space<vmem>> -> memref<32x128xf32, #tpu.memory_space<vmem>>
        %get3A_842 = arith.index_cast %add3A_726 : i32 to index
        %get3A_843 = arith.constant 32 : index
        %get3A_844 = tpu.vector_load %get3A_841[%get3A_842, %get3A_843] {strides = array<i32>} : memref<32x128xf32, #tpu.memory_space<vmem>>, vector<16xf32>,
        %add3A_845 = arith.addf %get3A_837, %get3A_844 : vector<16xf32>
        %get3A_846 = arith.constant 0 : i32
        %get3A_847 = arith.constant 0 : i32
        %get3A_848 = tpu.memref_slice %arg12[%scan3A_218, %get3A_846, %get3A_847] : memref<2x32x128xf32, #tpu.memory_space<vmem>> -> memref<1x32x128xf32, #tpu.memory_space<vmem>>
        %get3A_849 = tpu.memref_squeeze %get3A_848 : memref<1x32x128xf32, #tpu.memory_space<vmem>> -> memref<32x128xf32, #tpu.memory_space<vmem>>
        %get3A_850 = arith.index_cast %add3A_726 : i32 to index
        %get3A_851 = arith.constant 32 : index
        %get3A_852 = tpu.vector_load %get3A_849[%get3A_850, %get3A_851] {strides = array<i32>} : memref<32x128xf32, #tpu.memory_space<vmem>>, vector<16xf32>,
        %sub3A_853 = arith.subf %add3A_845, %get3A_852 : vector<16xf32>
        %get3A_854 = arith.constant 0 : i32
        %get3A_855 = arith.constant 0 : i32
        %get3A_856 = tpu.memref_slice %arg14[%scan3A_219, %get3A_854, %get3A_855] : memref<2x32x128xf32, #tpu.memory_space<vmem>> -> memref<1x32x128xf32, #tpu.memory_space<vmem>>
        %get3A_857 = tpu.memref_squeeze %get3A_856 : memref<1x32x128xf32, #tpu.memory_space<vmem>> -> memref<32x128xf32, #tpu.memory_space<vmem>>
        %get3A_858 = arith.index_cast %add3A_726 : i32 to index
        %get3A_859 = arith.constant 32 : index
        %get3A_860 = tpu.vector_load %get3A_857[%get3A_858, %get3A_859] {strides = array<i32>} : memref<32x128xf32, #tpu.memory_space<vmem>>, vector<16xf32>,
        %get3A_861 = arith.constant 0 : i32
        %get3A_862 = arith.constant 0 : i32
        %get3A_863 = tpu.memref_slice %arg16[%scan3A_220, %get3A_861, %get3A_862] : memref<2x32x128xf32, #tpu.memory_space<vmem>> -> memref<1x32x128xf32, #tpu.memory_space<vmem>>
        %get3A_864 = tpu.memref_squeeze %get3A_863 : memref<1x32x128xf32, #tpu.memory_space<vmem>> -> memref<32x128xf32, #tpu.memory_space<vmem>>
        %get3A_865 = arith.index_cast %add3A_726 : i32 to index
        %get3A_866 = arith.constant 32 : index
        %get3A_867 = tpu.vector_load %get3A_864[%get3A_865, %get3A_866] {strides = array<i32>} : memref<32x128xf32, #tpu.memory_space<vmem>>, vector<16xf32>,
        %add3A_868 = arith.addf %get3A_860, %get3A_867 : vector<16xf32>
        %get3A_869 = arith.constant 0 : i32
        %get3A_870 = arith.constant 0 : i32
        %get3A_871 = tpu.memref_slice %arg15[%scan3A_221, %get3A_869, %get3A_870] : memref<2x32x128xf32, #tpu.memory_space<vmem>> -> memref<1x32x128xf32, #tpu.memory_space<vmem>>
        %get3A_872 = tpu.memref_squeeze %get3A_871 : memref<1x32x128xf32, #tpu.memory_space<vmem>> -> memref<32x128xf32, #tpu.memory_space<vmem>>
        %get3A_873 = arith.index_cast %add3A_726 : i32 to index
        %get3A_874 = arith.constant 32 : index
        %get3A_875 = tpu.vector_load %get3A_872[%get3A_873, %get3A_874] {strides = array<i32>} : memref<32x128xf32, #tpu.memory_space<vmem>>, vector<16xf32>,
        %sub3A_876 = arith.subf %add3A_868, %get3A_875 : vector<16xf32>
        %mul3A_877 = arith.mulf %sub3A_853, %sub3A_853 : vector<16xf32>
        %add3A_878 = arith.addf %add3A_828, %mul3A_877 : vector<16xf32>
        %mul3A_879 = arith.mulf %sub3A_876, %sub3A_876 : vector<16xf32>
        %add3A_880 = arith.addf %add3A_830, %mul3A_879 : vector<16xf32>
        %get3A_881 = arith.constant 0 : i32
        %get3A_882 = arith.constant 0 : i32
        %get3A_883 = tpu.memref_slice %arg11[%scan3A_216, %get3A_881, %get3A_882] : memref<2x32x128xf32, #tpu.memory_space<vmem>> -> memref<1x32x128xf32, #tpu.memory_space<vmem>>
        %get3A_884 = tpu.memref_squeeze %get3A_883 : memref<1x32x128xf32, #tpu.memory_space<vmem>> -> memref<32x128xf32, #tpu.memory_space<vmem>>
        %get3A_885 = arith.index_cast %add3A_726 : i32 to index
        %get3A_886 = arith.constant 48 : index
        %get3A_887 = tpu.vector_load %get3A_884[%get3A_885, %get3A_886] {strides = array<i32>} : memref<32x128xf32, #tpu.memory_space<vmem>>, vector<16xf32>,
        %get3A_888 = arith.constant 0 : i32
        %get3A_889 = arith.constant 0 : i32
        %get3A_890 = tpu.memref_slice %arg13[%scan3A_217, %get3A_888, %get3A_889] : memref<2x32x128xf32, #tpu.memory_space<vmem>> -> memref<1x32x128xf32, #tpu.memory_space<vmem>>
        %get3A_891 = tpu.memref_squeeze %get3A_890 : memref<1x32x128xf32, #tpu.memory_space<vmem>> -> memref<32x128xf32, #tpu.memory_space<vmem>>
        %get3A_892 = arith.index_cast %add3A_726 : i32 to index
        %get3A_893 = arith.constant 48 : index
        %get3A_894 = tpu.vector_load %get3A_891[%get3A_892, %get3A_893] {strides = array<i32>} : memref<32x128xf32, #tpu.memory_space<vmem>>, vector<16xf32>,
        %add3A_895 = arith.addf %get3A_887, %get3A_894 : vector<16xf32>
        %get3A_896 = arith.constant 0 : i32
        %get3A_897 = arith.constant 0 : i32
        %get3A_898 = tpu.memref_slice %arg12[%scan3A_218, %get3A_896, %get3A_897] : memref<2x32x128xf32, #tpu.memory_space<vmem>> -> memref<1x32x128xf32, #tpu.memory_space<vmem>>
        %get3A_899 = tpu.memref_squeeze %get3A_898 : memref<1x32x128xf32, #tpu.memory_space<vmem>> -> memref<32x128xf32, #tpu.memory_space<vmem>>
        %get3A_900 = arith.index_cast %add3A_726 : i32 to index
        %get3A_901 = arith.constant 48 : index
        %get3A_902 = tpu.vector_load %get3A_899[%get3A_900, %get3A_901] {strides = array<i32>} : memref<32x128xf32, #tpu.memory_space<vmem>>, vector<16xf32>,
        %sub3A_903 = arith.subf %add3A_895, %get3A_902 : vector<16xf32>
        %get3A_904 = arith.constant 0 : i32
        %get3A_905 = arith.constant 0 : i32
        %get3A_906 = tpu.memref_slice %arg14[%scan3A_219, %get3A_904, %get3A_905] : memref<2x32x128xf32, #tpu.memory_space<vmem>> -> memref<1x32x128xf32, #tpu.memory_space<vmem>>
        %get3A_907 = tpu.memref_squeeze %get3A_906 : memref<1x32x128xf32, #tpu.memory_space<vmem>> -> memref<32x128xf32, #tpu.memory_space<vmem>>
        %get3A_908 = arith.index_cast %add3A_726 : i32 to index
        %get3A_909 = arith.constant 48 : index
        %get3A_910 = tpu.vector_load %get3A_907[%get3A_908, %get3A_909] {strides = array<i32>} : memref<32x128xf32, #tpu.memory_space<vmem>>, vector<16xf32>,
        %get3A_911 = arith.constant 0 : i32
        %get3A_912 = arith.constant 0 : i32
        %get3A_913 = tpu.memref_slice %arg16[%scan3A_220, %get3A_911, %get3A_912] : memref<2x32x128xf32, #tpu.memory_space<vmem>> -> memref<1x32x128xf32, #tpu.memory_space<vmem>>
        %get3A_914 = tpu.memref_squeeze %get3A_913 : memref<1x32x128xf32, #tpu.memory_space<vmem>> -> memref<32x128xf32, #tpu.memory_space<vmem>>
        %get3A_915 = arith.index_cast %add3A_726 : i32 to index
        %get3A_916 = arith.constant 48 : index
        %get3A_917 = tpu.vector_load %get3A_914[%get3A_915, %get3A_916] {strides = array<i32>} : memref<32x128xf32, #tpu.memory_space<vmem>>, vector<16xf32>,
        %add3A_918 = arith.addf %get3A_910, %get3A_917 : vector<16xf32>
        %get3A_919 = arith.constant 0 : i32
        %get3A_920 = arith.constant 0 : i32
        %get3A_921 = tpu.memref_slice %arg15[%scan3A_221, %get3A_919, %get3A_920] : memref<2x32x128xf32, #tpu.memory_space<vmem>> -> memref<1x32x128xf32, #tpu.memory_space<vmem>>
        %get3A_922 = tpu.memref_squeeze %get3A_921 : memref<1x32x128xf32, #tpu.memory_space<vmem>> -> memref<32x128xf32, #tpu.memory_space<vmem>>
        %get3A_923 = arith.index_cast %add3A_726 : i32 to index
        %get3A_924 = arith.constant 48 : index
        %get3A_925 = tpu.vector_load %get3A_922[%get3A_923, %get3A_924] {strides = array<i32>} : memref<32x128xf32, #tpu.memory_space<vmem>>, vector<16xf32>,
        %sub3A_926 = arith.subf %add3A_918, %get3A_925 : vector<16xf32>
        %mul3A_927 = arith.mulf %sub3A_903, %sub3A_903 : vector<16xf32>
        %add3A_928 = arith.addf %add3A_878, %mul3A_927 : vector<16xf32>
        %mul3A_929 = arith.mulf %sub3A_926, %sub3A_926 : vector<16xf32>
        %add3A_930 = arith.addf %add3A_880, %mul3A_929 : vector<16xf32>
        %get3A_931 = arith.constant 0 : i32
        %get3A_932 = arith.constant 0 : i32
        %get3A_933 = tpu.memref_slice %arg11[%scan3A_216, %get3A_931, %get3A_932] : memref<2x32x128xf32, #tpu.memory_space<vmem>> -> memref<1x32x128xf32, #tpu.memory_space<vmem>>
        %get3A_934 = tpu.memref_squeeze %get3A_933 : memref<1x32x128xf32, #tpu.memory_space<vmem>> -> memref<32x128xf32, #tpu.memory_space<vmem>>
        %get3A_935 = arith.index_cast %add3A_726 : i32 to index
        %get3A_936 = arith.constant 64 : index
        %get3A_937 = tpu.vector_load %get3A_934[%get3A_935, %get3A_936] {strides = array<i32>} : memref<32x128xf32, #tpu.memory_space<vmem>>, vector<16xf32>,
        %get3A_938 = arith.constant 0 : i32
        %get3A_939 = arith.constant 0 : i32
        %get3A_940 = tpu.memref_slice %arg13[%scan3A_217, %get3A_938, %get3A_939] : memref<2x32x128xf32, #tpu.memory_space<vmem>> -> memref<1x32x128xf32, #tpu.memory_space<vmem>>
        %get3A_941 = tpu.memref_squeeze %get3A_940 : memref<1x32x128xf32, #tpu.memory_space<vmem>> -> memref<32x128xf32, #tpu.memory_space<vmem>>
        %get3A_942 = arith.index_cast %add3A_726 : i32 to index
        %get3A_943 = arith.constant 64 : index
        %get3A_944 = tpu.vector_load %get3A_941[%get3A_942, %get3A_943] {strides = array<i32>} : memref<32x128xf32, #tpu.memory_space<vmem>>, vector<16xf32>,
        %add3A_945 = arith.addf %get3A_937, %get3A_944 : vector<16xf32>
        %get3A_946 = arith.constant 0 : i32
        %get3A_947 = arith.constant 0 : i32
        %get3A_948 = tpu.memref_slice %arg12[%scan3A_218, %get3A_946, %get3A_947] : memref<2x32x128xf32, #tpu.memory_space<vmem>> -> memref<1x32x128xf32, #tpu.memory_space<vmem>>
        %get3A_949 = tpu.memref_squeeze %get3A_948 : memref<1x32x128xf32, #tpu.memory_space<vmem>> -> memref<32x128xf32, #tpu.memory_space<vmem>>
        %get3A_950 = arith.index_cast %add3A_726 : i32 to index
        %get3A_951 = arith.constant 64 : index
        %get3A_952 = tpu.vector_load %get3A_949[%get3A_950, %get3A_951] {strides = array<i32>} : memref<32x128xf32, #tpu.memory_space<vmem>>, vector<16xf32>,
        %sub3A_953 = arith.subf %add3A_945, %get3A_952 : vector<16xf32>
        %get3A_954 = arith.constant 0 : i32
        %get3A_955 = arith.constant 0 : i32
        %get3A_956 = tpu.memref_slice %arg14[%scan3A_219, %get3A_954, %get3A_955] : memref<2x32x128xf32, #tpu.memory_space<vmem>> -> memref<1x32x128xf32, #tpu.memory_space<vmem>>
        %get3A_957 = tpu.memref_squeeze %get3A_956 : memref<1x32x128xf32, #tpu.memory_space<vmem>> -> memref<32x128xf32, #tpu.memory_space<vmem>>
        %get3A_958 = arith.index_cast %add3A_726 : i32 to index
        %get3A_959 = arith.constant 64 : index
        %get3A_960 = tpu.vector_load %get3A_957[%get3A_958, %get3A_959] {strides = array<i32>} : memref<32x128xf32, #tpu.memory_space<vmem>>, vector<16xf32>,
        %get3A_961 = arith.constant 0 : i32
        %get3A_962 = arith.constant 0 : i32
        %get3A_963 = tpu.memref_slice %arg16[%scan3A_220, %get3A_961, %get3A_962] : memref<2x32x128xf32, #tpu.memory_space<vmem>> -> memref<1x32x128xf32, #tpu.memory_space<vmem>>
        %get3A_964 = tpu.memref_squeeze %get3A_963 : memref<1x32x128xf32, #tpu.memory_space<vmem>> -> memref<32x128xf32, #tpu.memory_space<vmem>>
        %get3A_965 = arith.index_cast %add3A_726 : i32 to index
        %get3A_966 = arith.constant 64 : index
        %get3A_967 = tpu.vector_load %get3A_964[%get3A_965, %get3A_966] {strides = array<i32>} : memref<32x128xf32, #tpu.memory_space<vmem>>, vector<16xf32>,
        %add3A_968 = arith.addf %get3A_960, %get3A_967 : vector<16xf32>
        %get3A_969 = arith.constant 0 : i32
        %get3A_970 = arith.constant 0 : i32
        %get3A_971 = tpu.memref_slice %arg15[%scan3A_221, %get3A_969, %get3A_970] : memref<2x32x128xf32, #tpu.memory_space<vmem>> -> memref<1x32x128xf32, #tpu.memory_space<vmem>>
        %get3A_972 = tpu.memref_squeeze %get3A_971 : memref<1x32x128xf32, #tpu.memory_space<vmem>> -> memref<32x128xf32, #tpu.memory_space<vmem>>
        %get3A_973 = arith.index_cast %add3A_726 : i32 to index
        %get3A_974 = arith.constant 64 : index
        %get3A_975 = tpu.vector_load %get3A_972[%get3A_973, %get3A_974] {strides = array<i32>} : memref<32x128xf32, #tpu.memory_space<vmem>>, vector<16xf32>,
        %sub3A_976 = arith.subf %add3A_968, %get3A_975 : vector<16xf32>
        %mul3A_977 = arith.mulf %sub3A_953, %sub3A_953 : vector<16xf32>
        %add3A_978 = arith.addf %add3A_928, %mul3A_977 : vector<16xf32>
        %mul3A_979 = arith.mulf %sub3A_976, %sub3A_976 : vector<16xf32>
        %add3A_980 = arith.addf %add3A_930, %mul3A_979 : vector<16xf32>
        %get3A_981 = arith.constant 0 : i32
        %get3A_982 = arith.constant 0 : i32
        %get3A_983 = tpu.memref_slice %arg11[%scan3A_216, %get3A_981, %get3A_982] : memref<2x32x128xf32, #tpu.memory_space<vmem>> -> memref<1x32x128xf32, #tpu.memory_space<vmem>>
        %get3A_984 = tpu.memref_squeeze %get3A_983 : memref<1x32x128xf32, #tpu.memory_space<vmem>> -> memref<32x128xf32, #tpu.memory_space<vmem>>
        %get3A_985 = arith.index_cast %add3A_726 : i32 to index
        %get3A_986 = arith.constant 80 : index
        %get3A_987 = tpu.vector_load %get3A_984[%get3A_985, %get3A_986] {strides = array<i32>} : memref<32x128xf32, #tpu.memory_space<vmem>>, vector<16xf32>,
        %get3A_988 = arith.constant 0 : i32
        %get3A_989 = arith.constant 0 : i32
        %get3A_990 = tpu.memref_slice %arg13[%scan3A_217, %get3A_988, %get3A_989] : memref<2x32x128xf32, #tpu.memory_space<vmem>> -> memref<1x32x128xf32, #tpu.memory_space<vmem>>
        %get3A_991 = tpu.memref_squeeze %get3A_990 : memref<1x32x128xf32, #tpu.memory_space<vmem>> -> memref<32x128xf32, #tpu.memory_space<vmem>>
        %get3A_992 = arith.index_cast %add3A_726 : i32 to index
        %get3A_993 = arith.constant 80 : index
        %get3A_994 = tpu.vector_load %get3A_991[%get3A_992, %get3A_993] {strides = array<i32>} : memref<32x128xf32, #tpu.memory_space<vmem>>, vector<16xf32>,
        %add3A_995 = arith.addf %get3A_987, %get3A_994 : vector<16xf32>
        %get3A_996 = arith.constant 0 : i32
        %get3A_997 = arith.constant 0 : i32
        %get3A_998 = tpu.memref_slice %arg12[%scan3A_218, %get3A_996, %get3A_997] : memref<2x32x128xf32, #tpu.memory_space<vmem>> -> memref<1x32x128xf32, #tpu.memory_space<vmem>>
        %get3A_999 = tpu.memref_squeeze %get3A_998 : memref<1x32x128xf32, #tpu.memory_space<vmem>> -> memref<32x128xf32, #tpu.memory_space<vmem>>
        %get3A_1000 = arith.index_cast %add3A_726 : i32 to index
        %get3A_1001 = arith.constant 80 : index
        %get3A_1002 = tpu.vector_load %get3A_999[%get3A_1000, %get3A_1001] {strides = array<i32>} : memref<32x128xf32, #tpu.memory_space<vmem>>, vector<16xf32>,
        %sub3A_1003 = arith.subf %add3A_995, %get3A_1002 : vector<16xf32>
        %get3A_1004 = arith.constant 0 : i32
        %get3A_1005 = arith.constant 0 : i32
        %get3A_1006 = tpu.memref_slice %arg14[%scan3A_219, %get3A_1004, %get3A_1005] : memref<2x32x128xf32, #tpu.memory_space<vmem>> -> memref<1x32x128xf32, #tpu.memory_space<vmem>>
        %get3A_1007 = tpu.memref_squeeze %get3A_1006 : memref<1x32x128xf32, #tpu.memory_space<vmem>> -> memref<32x128xf32, #tpu.memory_space<vmem>>
        %get3A_1008 = arith.index_cast %add3A_726 : i32 to index
        %get3A_1009 = arith.constant 80 : index
        %get3A_1010 = tpu.vector_load %get3A_1007[%get3A_1008, %get3A_1009] {strides = array<i32>} : memref<32x128xf32, #tpu.memory_space<vmem>>, vector<16xf32>,
        %get3A_1011 = arith.constant 0 : i32
        %get3A_1012 = arith.constant 0 : i32
        %get3A_1013 = tpu.memref_slice %arg16[%scan3A_220, %get3A_1011, %get3A_1012] : memref<2x32x128xf32, #tpu.memory_space<vmem>> -> memref<1x32x128xf32, #tpu.memory_space<vmem>>
        %get3A_1014 = tpu.memref_squeeze %get3A_1013 : memref<1x32x128xf32, #tpu.memory_space<vmem>> -> memref<32x128xf32, #tpu.memory_space<vmem>>
        %get3A_1015 = arith.index_cast %add3A_726 : i32 to index
        %get3A_1016 = arith.constant 80 : index
        %get3A_1017 = tpu.vector_load %get3A_1014[%get3A_1015, %get3A_1016] {strides = array<i32>} : memref<32x128xf32, #tpu.memory_space<vmem>>, vector<16xf32>,
        %add3A_1018 = arith.addf %get3A_1010, %get3A_1017 : vector<16xf32>
        %get3A_1019 = arith.constant 0 : i32
        %get3A_1020 = arith.constant 0 : i32
        %get3A_1021 = tpu.memref_slice %arg15[%scan3A_221, %get3A_1019, %get3A_1020] : memref<2x32x128xf32, #tpu.memory_space<vmem>> -> memref<1x32x128xf32, #tpu.memory_space<vmem>>
        %get3A_1022 = tpu.memref_squeeze %get3A_1021 : memref<1x32x128xf32, #tpu.memory_space<vmem>> -> memref<32x128xf32, #tpu.memory_space<vmem>>
        %get3A_1023 = arith.index_cast %add3A_726 : i32 to index
        %get3A_1024 = arith.constant 80 : index
        %get3A_1025 = tpu.vector_load %get3A_1022[%get3A_1023, %get3A_1024] {strides = array<i32>} : memref<32x128xf32, #tpu.memory_space<vmem>>, vector<16xf32>,
        %sub3A_1026 = arith.subf %add3A_1018, %get3A_1025 : vector<16xf32>
        %mul3A_1027 = arith.mulf %sub3A_1003, %sub3A_1003 : vector<16xf32>
        %add3A_1028 = arith.addf %add3A_978, %mul3A_1027 : vector<16xf32>
        %mul3A_1029 = arith.mulf %sub3A_1026, %sub3A_1026 : vector<16xf32>
        %add3A_1030 = arith.addf %add3A_980, %mul3A_1029 : vector<16xf32>
        %get3A_1031 = arith.constant 0 : i32
        %get3A_1032 = arith.constant 0 : i32
        %get3A_1033 = tpu.memref_slice %arg11[%scan3A_216, %get3A_1031, %get3A_1032] : memref<2x32x128xf32, #tpu.memory_space<vmem>> -> memref<1x32x128xf32, #tpu.memory_space<vmem>>
        %get3A_1034 = tpu.memref_squeeze %get3A_1033 : memref<1x32x128xf32, #tpu.memory_space<vmem>> -> memref<32x128xf32, #tpu.memory_space<vmem>>
        %get3A_1035 = arith.index_cast %add3A_726 : i32 to index
        %get3A_1036 = arith.constant 96 : index
        %get3A_1037 = tpu.vector_load %get3A_1034[%get3A_1035, %get3A_1036] {strides = array<i32>} : memref<32x128xf32, #tpu.memory_space<vmem>>, vector<16xf32>,
        %get3A_1038 = arith.constant 0 : i32
        %get3A_1039 = arith.constant 0 : i32
        %get3A_1040 = tpu.memref_slice %arg13[%scan3A_217, %get3A_1038, %get3A_1039] : memref<2x32x128xf32, #tpu.memory_space<vmem>> -> memref<1x32x128xf32, #tpu.memory_space<vmem>>
        %get3A_1041 = tpu.memref_squeeze %get3A_1040 : memref<1x32x128xf32, #tpu.memory_space<vmem>> -> memref<32x128xf32, #tpu.memory_space<vmem>>
        %get3A_1042 = arith.index_cast %add3A_726 : i32 to index
        %get3A_1043 = arith.constant 96 : index
        %get3A_1044 = tpu.vector_load %get3A_1041[%get3A_1042, %get3A_1043] {strides = array<i32>} : memref<32x128xf32, #tpu.memory_space<vmem>>, vector<16xf32>,
        %add3A_1045 = arith.addf %get3A_1037, %get3A_1044 : vector<16xf32>
        %get3A_1046 = arith.constant 0 : i32
        %get3A_1047 = arith.constant 0 : i32
        %get3A_1048 = tpu.memref_slice %arg12[%scan3A_218, %get3A_1046, %get3A_1047] : memref<2x32x128xf32, #tpu.memory_space<vmem>> -> memref<1x32x128xf32, #tpu.memory_space<vmem>>
        %get3A_1049 = tpu.memref_squeeze %get3A_1048 : memref<1x32x128xf32, #tpu.memory_space<vmem>> -> memref<32x128xf32, #tpu.memory_space<vmem>>
        %get3A_1050 = arith.index_cast %add3A_726 : i32 to index
        %get3A_1051 = arith.constant 96 : index
        %get3A_1052 = tpu.vector_load %get3A_1049[%get3A_1050, %get3A_1051] {strides = array<i32>} : memref<32x128xf32, #tpu.memory_space<vmem>>, vector<16xf32>,
        %sub3A_1053 = arith.subf %add3A_1045, %get3A_1052 : vector<16xf32>
        %get3A_1054 = arith.constant 0 : i32
        %get3A_1055 = arith.constant 0 : i32
        %get3A_1056 = tpu.memref_slice %arg14[%scan3A_219, %get3A_1054, %get3A_1055] : memref<2x32x128xf32, #tpu.memory_space<vmem>> -> memref<1x32x128xf32, #tpu.memory_space<vmem>>
        %get3A_1057 = tpu.memref_squeeze %get3A_1056 : memref<1x32x128xf32, #tpu.memory_space<vmem>> -> memref<32x128xf32, #tpu.memory_space<vmem>>
        %get3A_1058 = arith.index_cast %add3A_726 : i32 to index
        %get3A_1059 = arith.constant 96 : index
        %get3A_1060 = tpu.vector_load %get3A_1057[%get3A_1058, %get3A_1059] {strides = array<i32>} : memref<32x128xf32, #tpu.memory_space<vmem>>, vector<16xf32>,
        %get3A_1061 = arith.constant 0 : i32
        %get3A_1062 = arith.constant 0 : i32
        %get3A_1063 = tpu.memref_slice %arg16[%scan3A_220, %get3A_1061, %get3A_1062] : memref<2x32x128xf32, #tpu.memory_space<vmem>> -> memref<1x32x128xf32, #tpu.memory_space<vmem>>
        %get3A_1064 = tpu.memref_squeeze %get3A_1063 : memref<1x32x128xf32, #tpu.memory_space<vmem>> -> memref<32x128xf32, #tpu.memory_space<vmem>>
        %get3A_1065 = arith.index_cast %add3A_726 : i32 to index
        %get3A_1066 = arith.constant 96 : index
        %get3A_1067 = tpu.vector_load %get3A_1064[%get3A_1065, %get3A_1066] {strides = array<i32>} : memref<32x128xf32, #tpu.memory_space<vmem>>, vector<16xf32>,
        %add3A_1068 = arith.addf %get3A_1060, %get3A_1067 : vector<16xf32>
        %get3A_1069 = arith.constant 0 : i32
        %get3A_1070 = arith.constant 0 : i32
        %get3A_1071 = tpu.memref_slice %arg15[%scan3A_221, %get3A_1069, %get3A_1070] : memref<2x32x128xf32, #tpu.memory_space<vmem>> -> memref<1x32x128xf32, #tpu.memory_space<vmem>>
        %get3A_1072 = tpu.memref_squeeze %get3A_1071 : memref<1x32x128xf32, #tpu.memory_space<vmem>> -> memref<32x128xf32, #tpu.memory_space<vmem>>
        %get3A_1073 = arith.index_cast %add3A_726 : i32 to index
        %get3A_1074 = arith.constant 96 : index
        %get3A_1075 = tpu.vector_load %get3A_1072[%get3A_1073, %get3A_1074] {strides = array<i32>} : memref<32x128xf32, #tpu.memory_space<vmem>>, vector<16xf32>,
        %sub3A_1076 = arith.subf %add3A_1068, %get3A_1075 : vector<16xf32>
        %mul3A_1077 = arith.mulf %sub3A_1053, %sub3A_1053 : vector<16xf32>
        %add3A_1078 = arith.addf %add3A_1028, %mul3A_1077 : vector<16xf32>
        %mul3A_1079 = arith.mulf %sub3A_1076, %sub3A_1076 : vector<16xf32>
        %add3A_1080 = arith.addf %add3A_1030, %mul3A_1079 : vector<16xf32>
        %get3A_1081 = arith.constant 0 : i32
        %get3A_1082 = arith.constant 0 : i32
        %get3A_1083 = tpu.memref_slice %arg11[%scan3A_216, %get3A_1081, %get3A_1082] : memref<2x32x128xf32, #tpu.memory_space<vmem>> -> memref<1x32x128xf32, #tpu.memory_space<vmem>>
        %get3A_1084 = tpu.memref_squeeze %get3A_1083 : memref<1x32x128xf32, #tpu.memory_space<vmem>> -> memref<32x128xf32, #tpu.memory_space<vmem>>
        %get3A_1085 = arith.index_cast %add3A_726 : i32 to index
        %get3A_1086 = arith.constant 112 : index
        %get3A_1087 = tpu.vector_load %get3A_1084[%get3A_1085, %get3A_1086] {strides = array<i32>} : memref<32x128xf32, #tpu.memory_space<vmem>>, vector<16xf32>,
        %get3A_1088 = arith.constant 0 : i32
        %get3A_1089 = arith.constant 0 : i32
        %get3A_1090 = tpu.memref_slice %arg13[%scan3A_217, %get3A_1088, %get3A_1089] : memref<2x32x128xf32, #tpu.memory_space<vmem>> -> memref<1x32x128xf32, #tpu.memory_space<vmem>>
        %get3A_1091 = tpu.memref_squeeze %get3A_1090 : memref<1x32x128xf32, #tpu.memory_space<vmem>> -> memref<32x128xf32, #tpu.memory_space<vmem>>
        %get3A_1092 = arith.index_cast %add3A_726 : i32 to index
        %get3A_1093 = arith.constant 112 : index
        %get3A_1094 = tpu.vector_load %get3A_1091[%get3A_1092, %get3A_1093] {strides = array<i32>} : memref<32x128xf32, #tpu.memory_space<vmem>>, vector<16xf32>,
        %add3A_1095 = arith.addf %get3A_1087, %get3A_1094 : vector<16xf32>
        %get3A_1096 = arith.constant 0 : i32
        %get3A_1097 = arith.constant 0 : i32
        %get3A_1098 = tpu.memref_slice %arg12[%scan3A_218, %get3A_1096, %get3A_1097] : memref<2x32x128xf32, #tpu.memory_space<vmem>> -> memref<1x32x128xf32, #tpu.memory_space<vmem>>
        %get3A_1099 = tpu.memref_squeeze %get3A_1098 : memref<1x32x128xf32, #tpu.memory_space<vmem>> -> memref<32x128xf32, #tpu.memory_space<vmem>>
        %get3A_1100 = arith.index_cast %add3A_726 : i32 to index
        %get3A_1101 = arith.constant 112 : index
        %get3A_1102 = tpu.vector_load %get3A_1099[%get3A_1100, %get3A_1101] {strides = array<i32>} : memref<32x128xf32, #tpu.memory_space<vmem>>, vector<16xf32>,
        %sub3A_1103 = arith.subf %add3A_1095, %get3A_1102 : vector<16xf32>
        %get3A_1104 = arith.constant 0 : i32
        %get3A_1105 = arith.constant 0 : i32
        %get3A_1106 = tpu.memref_slice %arg14[%scan3A_219, %get3A_1104, %get3A_1105] : memref<2x32x128xf32, #tpu.memory_space<vmem>> -> memref<1x32x128xf32, #tpu.memory_space<vmem>>
        %get3A_1107 = tpu.memref_squeeze %get3A_1106 : memref<1x32x128xf32, #tpu.memory_space<vmem>> -> memref<32x128xf32, #tpu.memory_space<vmem>>
        %get3A_1108 = arith.index_cast %add3A_726 : i32 to index
        %get3A_1109 = arith.constant 112 : index
        %get3A_1110 = tpu.vector_load %get3A_1107[%get3A_1108, %get3A_1109] {strides = array<i32>} : memref<32x128xf32, #tpu.memory_space<vmem>>, vector<16xf32>,
        %get3A_1111 = arith.constant 0 : i32
        %get3A_1112 = arith.constant 0 : i32
        %get3A_1113 = tpu.memref_slice %arg16[%scan3A_220, %get3A_1111, %get3A_1112] : memref<2x32x128xf32, #tpu.memory_space<vmem>> -> memref<1x32x128xf32, #tpu.memory_space<vmem>>
        %get3A_1114 = tpu.memref_squeeze %get3A_1113 : memref<1x32x128xf32, #tpu.memory_space<vmem>> -> memref<32x128xf32, #tpu.memory_space<vmem>>
        %get3A_1115 = arith.index_cast %add3A_726 : i32 to index
        %get3A_1116 = arith.constant 112 : index
        %get3A_1117 = tpu.vector_load %get3A_1114[%get3A_1115, %get3A_1116] {strides = array<i32>} : memref<32x128xf32, #tpu.memory_space<vmem>>, vector<16xf32>,
        %add3A_1118 = arith.addf %get3A_1110, %get3A_1117 : vector<16xf32>
        %get3A_1119 = arith.constant 0 : i32
        %get3A_1120 = arith.constant 0 : i32
        %get3A_1121 = tpu.memref_slice %arg15[%scan3A_221, %get3A_1119, %get3A_1120] : memref<2x32x128xf32, #tpu.memory_space<vmem>> -> memref<1x32x128xf32, #tpu.memory_space<vmem>>
        %get3A_1122 = tpu.memref_squeeze %get3A_1121 : memref<1x32x128xf32, #tpu.memory_space<vmem>> -> memref<32x128xf32, #tpu.memory_space<vmem>>
        %get3A_1123 = arith.index_cast %add3A_726 : i32 to index
        %get3A_1124 = arith.constant 112 : index
        %get3A_1125 = tpu.vector_load %get3A_1122[%get3A_1123, %get3A_1124] {strides = array<i32>} : memref<32x128xf32, #tpu.memory_space<vmem>>, vector<16xf32>,
        %sub3A_1126 = arith.subf %add3A_1118, %get3A_1125 : vector<16xf32>
        %mul3A_1127 = arith.mulf %sub3A_1103, %sub3A_1103 : vector<16xf32>
        %add3A_1128 = arith.addf %add3A_1078, %mul3A_1127 : vector<16xf32>
        %mul3A_1129 = arith.mulf %sub3A_1126, %sub3A_1126 : vector<16xf32>
        %add3A_1130 = arith.addf %add3A_1080, %mul3A_1129 : vector<16xf32>
        %swap3A_1131 = arith.index_cast %add3A_726 : i32 to index
        %swap3A_1132 = arith.constant 0 : index
        %swap3A_1133 = tpu.vector_load %arg17[%swap3A_1131, %swap3A_1132] {strides = array<i32>} : memref<32x16xf32, #tpu.memory_space<vmem>>, vector<16xf32>,
        tpu.vector_store %arg17[%swap3A_1131, %swap3A_1132], %add3A_1128 {strides = array<i32>} : memref<32x16xf32, #tpu.memory_space<vmem>>, vector<16xf32>,
        %swap3A_1134 = arith.index_cast %add3A_726 : i32 to index
        %swap3A_1135 = arith.constant 0 : index
        %swap3A_1136 = tpu.vector_load %arg18[%swap3A_1134, %swap3A_1135] {strides = array<i32>} : memref<32x16xf32, #tpu.memory_space<vmem>>, vector<16xf32>,
        tpu.vector_store %arg18[%swap3A_1134, %swap3A_1135], %add3A_1130 {strides = array<i32>} : memref<32x16xf32, #tpu.memory_space<vmem>>, vector<16xf32>,
      }
      %scan3A_226 = arith.constant 16 : i32
      %scan3A_227 = arith.constant 0 : i32
      %scan3A_228 = arith.constant 2 : i32
      %scan3A_229 = arith.addi %scan3A_227, %scan3A_228 : i32
      %scan3A_230 = arith.constant 1 : i32
      scf.for %scan3A_310 = %scan3A_227 to %scan3A_229 step %scan3A_230  : i32 {
        %mul3A_311 = arith.constant 1 : i32
        %mul3A_312 = arith.muli %scan3A_310, %mul3A_311 : i32
        %add3A_313 = arith.constant 0 : i32
        %add3A_314 = arith.addi %add3A_313, %mul3A_312 : i32
        %mul3A_315 = arith.constant 16 : i32
        %mul3A_316 = arith.muli %add3A_314, %mul3A_315 : i32
        %add3A_317 = vector.broadcast %mul3A_316 : i32 to vector<16xi32>
        %add3A_318 = arith.addi %iota3A, %add3A_317 : vector<16xi32>
        %broadcast_in_dim3A_319 = arith.constant 0 : i32
        %broadcast_in_dim3A_320 = vector.broadcast %broadcast_in_dim3A_319 : i32 to vector<16xi32>
        %gather3A = tpu.vector_load_idx %arg17[%add3A_318, %broadcast_in_dim3A_320] : memref<32x16xf32, #tpu.memory_space<vmem>>[vector<16xi32>, vector<16xi32>], vector<16xf32>,
        %broadcast_in_dim3A_321 = arith.constant 0 : i32
        %broadcast_in_dim3A_322 = vector.broadcast %broadcast_in_dim3A_321 : i32 to vector<16xi32>
        %gather3A_323 = tpu.vector_load_idx %arg18[%add3A_318, %broadcast_in_dim3A_322] : memref<32x16xf32, #tpu.memory_space<vmem>>[vector<16xi32>, vector<16xi32>], vector<16xf32>,
        %broadcast_in_dim3A_324 = arith.constant 1 : i32
        %broadcast_in_dim3A_325 = vector.broadcast %broadcast_in_dim3A_324 : i32 to vector<16xi32>
        %gather3A_326 = tpu.vector_load_idx %arg17[%add3A_318, %broadcast_in_dim3A_325] : memref<32x16xf32, #tpu.memory_space<vmem>>[vector<16xi32>, vector<16xi32>], vector<16xf32>,
        %add3A_327 = arith.addf %gather3A, %gather3A_326 : vector<16xf32>
        %gather3A_328 = tpu.vector_load_idx %arg18[%add3A_318, %broadcast_in_dim3A_325] : memref<32x16xf32, #tpu.memory_space<vmem>>[vector<16xi32>, vector<16xi32>], vector<16xf32>,
        %add3A_329 = arith.addf %gather3A_323, %gather3A_328 : vector<16xf32>
        %broadcast_in_dim3A_330 = arith.constant 2 : i32
        %broadcast_in_dim3A_331 = vector.broadcast %broadcast_in_dim3A_330 : i32 to vector<16xi32>
        %gather3A_332 = tpu.vector_load_idx %arg17[%add3A_318, %broadcast_in_dim3A_331] : memref<32x16xf32, #tpu.memory_space<vmem>>[vector<16xi32>, vector<16xi32>], vector<16xf32>,
        %add3A_333 = arith.addf %add3A_327, %gather3A_332 : vector<16xf32>
        %gather3A_334 = tpu.vector_load_idx %arg18[%add3A_318, %broadcast_in_dim3A_331] : memref<32x16xf32, #tpu.memory_space<vmem>>[vector<16xi32>, vector<16xi32>], vector<16xf32>,
        %add3A_335 = arith.addf %add3A_329, %gather3A_334 : vector<16xf32>
        %broadcast_in_dim3A_336 = arith.constant 3 : i32
        %broadcast_in_dim3A_337 = vector.broadcast %broadcast_in_dim3A_336 : i32 to vector<16xi32>
        %gather3A_338 = tpu.vector_load_idx %arg17[%add3A_318, %broadcast_in_dim3A_337] : memref<32x16xf32, #tpu.memory_space<vmem>>[vector<16xi32>, vector<16xi32>], vector<16xf32>,
        %add3A_339 = arith.addf %add3A_333, %gather3A_338 : vector<16xf32>
        %gather3A_340 = tpu.vector_load_idx %arg18[%add3A_318, %broadcast_in_dim3A_337] : memref<32x16xf32, #tpu.memory_space<vmem>>[vector<16xi32>, vector<16xi32>], vector<16xf32>,
        %add3A_341 = arith.addf %add3A_335, %gather3A_340 : vector<16xf32>
        %broadcast_in_dim3A_342 = arith.constant 4 : i32
        %broadcast_in_dim3A_343 = vector.broadcast %broadcast_in_dim3A_342 : i32 to vector<16xi32>
        %gather3A_344 = tpu.vector_load_idx %arg17[%add3A_318, %broadcast_in_dim3A_343] : memref<32x16xf32, #tpu.memory_space<vmem>>[vector<16xi32>, vector<16xi32>], vector<16xf32>,
        %add3A_345 = arith.addf %add3A_339, %gather3A_344 : vector<16xf32>
        %gather3A_346 = tpu.vector_load_idx %arg18[%add3A_318, %broadcast_in_dim3A_343] : memref<32x16xf32, #tpu.memory_space<vmem>>[vector<16xi32>, vector<16xi32>], vector<16xf32>,
        %add3A_347 = arith.addf %add3A_341, %gather3A_346 : vector<16xf32>
        %broadcast_in_dim3A_348 = arith.constant 5 : i32
        %broadcast_in_dim3A_349 = vector.broadcast %broadcast_in_dim3A_348 : i32 to vector<16xi32>
        %gather3A_350 = tpu.vector_load_idx %arg17[%add3A_318, %broadcast_in_dim3A_349] : memref<32x16xf32, #tpu.memory_space<vmem>>[vector<16xi32>, vector<16xi32>], vector<16xf32>,
        %add3A_351 = arith.addf %add3A_345, %gather3A_350 : vector<16xf32>
        %gather3A_352 = tpu.vector_load_idx %arg18[%add3A_318, %broadcast_in_dim3A_349] : memref<32x16xf32, #tpu.memory_space<vmem>>[vector<16xi32>, vector<16xi32>], vector<16xf32>,
        %add3A_353 = arith.addf %add3A_347, %gather3A_352 : vector<16xf32>
        %broadcast_in_dim3A_354 = arith.constant 6 : i32
        %broadcast_in_dim3A_355 = vector.broadcast %broadcast_in_dim3A_354 : i32 to vector<16xi32>
        %gather3A_356 = tpu.vector_load_idx %arg17[%add3A_318, %broadcast_in_dim3A_355] : memref<32x16xf32, #tpu.memory_space<vmem>>[vector<16xi32>, vector<16xi32>], vector<16xf32>,
        %add3A_357 = arith.addf %add3A_351, %gather3A_356 : vector<16xf32>
        %gather3A_358 = tpu.vector_load_idx %arg18[%add3A_318, %broadcast_in_dim3A_355] : memref<32x16xf32, #tpu.memory_space<vmem>>[vector<16xi32>, vector<16xi32>], vector<16xf32>,
        %add3A_359 = arith.addf %add3A_353, %gather3A_358 : vector<16xf32>
        %broadcast_in_dim3A_360 = arith.constant 7 : i32
        %broadcast_in_dim3A_361 = vector.broadcast %broadcast_in_dim3A_360 : i32 to vector<16xi32>
        %gather3A_362 = tpu.vector_load_idx %arg17[%add3A_318, %broadcast_in_dim3A_361] : memref<32x16xf32, #tpu.memory_space<vmem>>[vector<16xi32>, vector<16xi32>], vector<16xf32>,
        %add3A_363 = arith.addf %add3A_357, %gather3A_362 : vector<16xf32>
        %gather3A_364 = tpu.vector_load_idx %arg18[%add3A_318, %broadcast_in_dim3A_361] : memref<32x16xf32, #tpu.memory_space<vmem>>[vector<16xi32>, vector<16xi32>], vector<16xf32>,
        %add3A_365 = arith.addf %add3A_359, %gather3A_364 : vector<16xf32>
        %broadcast_in_dim3A_366 = arith.constant 8 : i32
        %broadcast_in_dim3A_367 = vector.broadcast %broadcast_in_dim3A_366 : i32 to vector<16xi32>
        %gather3A_368 = tpu.vector_load_idx %arg17[%add3A_318, %broadcast_in_dim3A_367] : memref<32x16xf32, #tpu.memory_space<vmem>>[vector<16xi32>, vector<16xi32>], vector<16xf32>,
        %add3A_369 = arith.addf %add3A_363, %gather3A_368 : vector<16xf32>
        %gather3A_370 = tpu.vector_load_idx %arg18[%add3A_318, %broadcast_in_dim3A_367] : memref<32x16xf32, #tpu.memory_space<vmem>>[vector<16xi32>, vector<16xi32>], vector<16xf32>,
        %add3A_371 = arith.addf %add3A_365, %gather3A_370 : vector<16xf32>
        %broadcast_in_dim3A_372 = arith.constant 9 : i32
        %broadcast_in_dim3A_373 = vector.broadcast %broadcast_in_dim3A_372 : i32 to vector<16xi32>
        %gather3A_374 = tpu.vector_load_idx %arg17[%add3A_318, %broadcast_in_dim3A_373] : memref<32x16xf32, #tpu.memory_space<vmem>>[vector<16xi32>, vector<16xi32>], vector<16xf32>,
        %add3A_375 = arith.addf %add3A_369, %gather3A_374 : vector<16xf32>
        %gather3A_376 = tpu.vector_load_idx %arg18[%add3A_318, %broadcast_in_dim3A_373] : memref<32x16xf32, #tpu.memory_space<vmem>>[vector<16xi32>, vector<16xi32>], vector<16xf32>,
        %add3A_377 = arith.addf %add3A_371, %gather3A_376 : vector<16xf32>
        %broadcast_in_dim3A_378 = arith.constant 10 : i32
        %broadcast_in_dim3A_379 = vector.broadcast %broadcast_in_dim3A_378 : i32 to vector<16xi32>
        %gather3A_380 = tpu.vector_load_idx %arg17[%add3A_318, %broadcast_in_dim3A_379] : memref<32x16xf32, #tpu.memory_space<vmem>>[vector<16xi32>, vector<16xi32>], vector<16xf32>,
        %add3A_381 = arith.addf %add3A_375, %gather3A_380 : vector<16xf32>
        %gather3A_382 = tpu.vector_load_idx %arg18[%add3A_318, %broadcast_in_dim3A_379] : memref<32x16xf32, #tpu.memory_space<vmem>>[vector<16xi32>, vector<16xi32>], vector<16xf32>,
        %add3A_383 = arith.addf %add3A_377, %gather3A_382 : vector<16xf32>
        %broadcast_in_dim3A_384 = arith.constant 11 : i32
        %broadcast_in_dim3A_385 = vector.broadcast %broadcast_in_dim3A_384 : i32 to vector<16xi32>
        %gather3A_386 = tpu.vector_load_idx %arg17[%add3A_318, %broadcast_in_dim3A_385] : memref<32x16xf32, #tpu.memory_space<vmem>>[vector<16xi32>, vector<16xi32>], vector<16xf32>,
        %add3A_387 = arith.addf %add3A_381, %gather3A_386 : vector<16xf32>
        %gather3A_388 = tpu.vector_load_idx %arg18[%add3A_318, %broadcast_in_dim3A_385] : memref<32x16xf32, #tpu.memory_space<vmem>>[vector<16xi32>, vector<16xi32>], vector<16xf32>,
        %add3A_389 = arith.addf %add3A_383, %gather3A_388 : vector<16xf32>
        %broadcast_in_dim3A_390 = arith.constant 12 : i32
        %broadcast_in_dim3A_391 = vector.broadcast %broadcast_in_dim3A_390 : i32 to vector<16xi32>
        %gather3A_392 = tpu.vector_load_idx %arg17[%add3A_318, %broadcast_in_dim3A_391] : memref<32x16xf32, #tpu.memory_space<vmem>>[vector<16xi32>, vector<16xi32>], vector<16xf32>,
        %add3A_393 = arith.addf %add3A_387, %gather3A_392 : vector<16xf32>
        %gather3A_394 = tpu.vector_load_idx %arg18[%add3A_318, %broadcast_in_dim3A_391] : memref<32x16xf32, #tpu.memory_space<vmem>>[vector<16xi32>, vector<16xi32>], vector<16xf32>,
        %add3A_395 = arith.addf %add3A_389, %gather3A_394 : vector<16xf32>
        %broadcast_in_dim3A_396 = arith.constant 13 : i32
        %broadcast_in_dim3A_397 = vector.broadcast %broadcast_in_dim3A_396 : i32 to vector<16xi32>
        %gather3A_398 = tpu.vector_load_idx %arg17[%add3A_318, %broadcast_in_dim3A_397] : memref<32x16xf32, #tpu.memory_space<vmem>>[vector<16xi32>, vector<16xi32>], vector<16xf32>,
        %add3A_399 = arith.addf %add3A_393, %gather3A_398 : vector<16xf32>
        %gather3A_400 = tpu.vector_load_idx %arg18[%add3A_318, %broadcast_in_dim3A_397] : memref<32x16xf32, #tpu.memory_space<vmem>>[vector<16xi32>, vector<16xi32>], vector<16xf32>,
        %add3A_401 = arith.addf %add3A_395, %gather3A_400 : vector<16xf32>
        %broadcast_in_dim3A_402 = arith.constant 14 : i32
        %broadcast_in_dim3A_403 = vector.broadcast %broadcast_in_dim3A_402 : i32 to vector<16xi32>
        %gather3A_404 = tpu.vector_load_idx %arg17[%add3A_318, %broadcast_in_dim3A_403] : memref<32x16xf32, #tpu.memory_space<vmem>>[vector<16xi32>, vector<16xi32>], vector<16xf32>,
        %add3A_405 = arith.addf %add3A_399, %gather3A_404 : vector<16xf32>
        %gather3A_406 = tpu.vector_load_idx %arg18[%add3A_318, %broadcast_in_dim3A_403] : memref<32x16xf32, #tpu.memory_space<vmem>>[vector<16xi32>, vector<16xi32>], vector<16xf32>,
        %add3A_407 = arith.addf %add3A_401, %gather3A_406 : vector<16xf32>
        %broadcast_in_dim3A_408 = arith.constant 15 : i32
        %broadcast_in_dim3A_409 = vector.broadcast %broadcast_in_dim3A_408 : i32 to vector<16xi32>
        %gather3A_410 = tpu.vector_load_idx %arg17[%add3A_318, %broadcast_in_dim3A_409] : memref<32x16xf32, #tpu.memory_space<vmem>>[vector<16xi32>, vector<16xi32>], vector<16xf32>,
        %add3A_411 = arith.addf %add3A_405, %gather3A_410 : vector<16xf32>
        %gather3A_412 = tpu.vector_load_idx %arg18[%add3A_318, %broadcast_in_dim3A_409] : memref<32x16xf32, #tpu.memory_space<vmem>>[vector<16xi32>, vector<16xi32>], vector<16xf32>,
        %add3A_413 = arith.addf %add3A_407, %gather3A_412 : vector<16xf32>
        %bitcast_convert_type3A = tpu.bitcast %add3A_411 : vector<16xf32> -> vector<16xi32>
        %shift_right_logical3A = arith.constant 1 : i32
        %shift_right_logical3A_414 = vector.broadcast %shift_right_logical3A : i32 to vector<16xi32>
        %shift_right_logical3A_415 = arith.shrui %bitcast_convert_type3A, %shift_right_logical3A_414 : vector<16xi32>
        %sub3A = arith.constant 1597463007 : i32
        %sub3A_416 = vector.broadcast %sub3A : i32 to vector<16xi32>
        %sub3A_417 = arith.subi %sub3A_416, %shift_right_logical3A_415 : vector<16xi32>
        %bitcast_convert_type3A_418 = tpu.bitcast %sub3A_417 : vector<16xi32> -> vector<16xf32>
        %mul3A_419 = arith.constant 5.000000e-01 : f32
        %mul3A_420 = vector.broadcast %mul3A_419 : f32 to vector<16xf32>
        %mul3A_421 = arith.mulf %mul3A_420, %add3A_411 : vector<16xf32>
        %mul3A_422 = arith.mulf %mul3A_421, %bitcast_convert_type3A_418 : vector<16xf32>
        %mul3A_423 = arith.mulf %mul3A_422, %bitcast_convert_type3A_418 : vector<16xf32>
        %sub3A_424 = arith.constant 1.500000e+00 : f32
        %sub3A_425 = vector.broadcast %sub3A_424 : f32 to vector<16xf32>
        %sub3A_426 = arith.subf %sub3A_425, %mul3A_423 : vector<16xf32>
        %mul3A_427 = arith.mulf %bitcast_convert_type3A_418, %sub3A_426 : vector<16xf32>
        %mul3A_428 = arith.mulf %mul3A_421, %mul3A_427 : vector<16xf32>
        %mul3A_429 = arith.mulf %mul3A_428, %mul3A_427 : vector<16xf32>
        %sub3A_430 = arith.constant 1.500000e+00 : f32
        %sub3A_431 = vector.broadcast %sub3A_430 : f32 to vector<16xf32>
        %sub3A_432 = arith.subf %sub3A_431, %mul3A_429 : vector<16xf32>
        %mul3A_433 = arith.mulf %mul3A_427, %sub3A_432 : vector<16xf32>
        %mul3A_434 = arith.mulf %mul3A_421, %mul3A_433 : vector<16xf32>
        %mul3A_435 = arith.mulf %mul3A_434, %mul3A_433 : vector<16xf32>
        %sub3A_436 = arith.constant 1.500000e+00 : f32
        %sub3A_437 = vector.broadcast %sub3A_436 : f32 to vector<16xf32>
        %sub3A_438 = arith.subf %sub3A_437, %mul3A_435 : vector<16xf32>
        %mul3A_439 = arith.mulf %mul3A_433, %sub3A_438 : vector<16xf32>
        %mul3A_440 = arith.mulf %add3A_411, %mul3A_439 : vector<16xf32>
        %add3A_441 = arith.constant 1.000000e+00 : f32
        %add3A_442 = vector.broadcast %add3A_441 : f32 to vector<16xf32>
        %add3A_443 = arith.addf %add3A_442, %mul3A_440 : vector<16xf32>
        %bitcast_convert_type3A_444 = tpu.bitcast %add3A_413 : vector<16xf32> -> vector<16xi32>
        %shift_right_logical3A_445 = arith.constant 1 : i32
        %shift_right_logical3A_446 = vector.broadcast %shift_right_logical3A_445 : i32 to vector<16xi32>
        %shift_right_logical3A_447 = arith.shrui %bitcast_convert_type3A_444, %shift_right_logical3A_446 : vector<16xi32>
        %sub3A_448 = arith.constant 1597463007 : i32
        %sub3A_449 = vector.broadcast %sub3A_448 : i32 to vector<16xi32>
        %sub3A_450 = arith.subi %sub3A_449, %shift_right_logical3A_447 : vector<16xi32>
        %bitcast_convert_type3A_451 = tpu.bitcast %sub3A_450 : vector<16xi32> -> vector<16xf32>
        %mul3A_452 = arith.constant 5.000000e-01 : f32
        %mul3A_453 = vector.broadcast %mul3A_452 : f32 to vector<16xf32>
        %mul3A_454 = arith.mulf %mul3A_453, %add3A_413 : vector<16xf32>
        %mul3A_455 = arith.mulf %mul3A_454, %bitcast_convert_type3A_451 : vector<16xf32>
        %mul3A_456 = arith.mulf %mul3A_455, %bitcast_convert_type3A_451 : vector<16xf32>
        %sub3A_457 = arith.constant 1.500000e+00 : f32
        %sub3A_458 = vector.broadcast %sub3A_457 : f32 to vector<16xf32>
        %sub3A_459 = arith.subf %sub3A_458, %mul3A_456 : vector<16xf32>
        %mul3A_460 = arith.mulf %bitcast_convert_type3A_451, %sub3A_459 : vector<16xf32>
        %mul3A_461 = arith.mulf %mul3A_454, %mul3A_460 : vector<16xf32>
        %mul3A_462 = arith.mulf %mul3A_461, %mul3A_460 : vector<16xf32>
        %sub3A_463 = arith.constant 1.500000e+00 : f32
        %sub3A_464 = vector.broadcast %sub3A_463 : f32 to vector<16xf32>
        %sub3A_465 = arith.subf %sub3A_464, %mul3A_462 : vector<16xf32>
        %mul3A_466 = arith.mulf %mul3A_460, %sub3A_465 : vector<16xf32>
        %mul3A_467 = arith.mulf %mul3A_454, %mul3A_466 : vector<16xf32>
        %mul3A_468 = arith.mulf %mul3A_467, %mul3A_466 : vector<16xf32>
        %sub3A_469 = arith.constant 1.500000e+00 : f32
        %sub3A_470 = vector.broadcast %sub3A_469 : f32 to vector<16xf32>
        %sub3A_471 = arith.subf %sub3A_470, %mul3A_468 : vector<16xf32>
        %mul3A_472 = arith.mulf %mul3A_466, %sub3A_471 : vector<16xf32>
        %mul3A_473 = arith.mulf %add3A_413, %mul3A_472 : vector<16xf32>
        %sub3A_474 = arith.subf %add3A_443, %mul3A_473 : vector<16xf32>
        %max3A = arith.constant 0.000000e+00 : f32
        %max3A_475 = vector.broadcast %max3A : f32 to vector<16xf32>
        %max3A_476 = arith.maximumf %sub3A_474, %max3A_475 : vector<16xf32>
        %get3A = arith.constant 0 : index
        %get3A_477 = tpu.vector_load %arg19[%get3A] {strides = array<i32>} : memref<16xf32, #tpu.memory_space<vmem>>, vector<16xf32>,
        %add3A_478 = arith.addf %get3A_477, %max3A_476 : vector<16xf32>
        %swap3A_479 = arith.constant 0 : index
        %swap3A_480 = tpu.vector_load %arg19[%swap3A_479] {strides = array<i32>} : memref<16xf32, #tpu.memory_space<vmem>>, vector<16xf32>,
        tpu.vector_store %arg19[%swap3A_479], %add3A_478 {strides = array<i32>} : memref<16xf32, #tpu.memory_space<vmem>>, vector<16xf32>,
      }
      %scan3A_231 = arith.constant 2 : i32
      %lt3A = arith.constant 7 : i32
      %lt3A_232 = arith.cmpi slt, %add3A_96, %lt3A : i32
      %convert_element_type3A = arith.extui %lt3A_232 : i1 to i32
      %cond3A = arith.constant 0 : i32
      %cond3A_233 = arith.cmpi ne, %convert_element_type3A, %cond3A : i32
      scf.if %cond3A_233 {
        %add3A_310 = arith.constant 2 : i32
        %add3A_311 = arith.addi %mul3A_98, %add3A_310 : i32
        %mul3A_312 = arith.constant 32 : i32
        %mul3A_313 = arith.muli %add3A_311, %mul3A_312 : i32
        %dma_start3A_314 = arith.constant 0 : i32
        %dma_start3A_315 = arith.constant 0 : i32
        %dma_start3A_316 = arith.constant 0 : i32
        %dma_start3A_317 = tpu.memref_slice %arg11[%dma_start3A_314, %dma_start3A_315, %dma_start3A_316] : memref<2x32x128xf32, #tpu.memory_space<vmem>> -> memref<1x32x128xf32, #tpu.memory_space<vmem>>
        %dma_start3A_318 = tpu.memref_squeeze %dma_start3A_317 : memref<1x32x128xf32, #tpu.memory_space<vmem>> -> memref<32x128xf32, #tpu.memory_space<vmem>>
        %dma_start3A_319 = tpu.memref_slice %arg5[%mul3A_313] : memref<512xi32, #tpu.memory_space<vmem>> -> memref<32xi32, #tpu.memory_space<vmem>>
        %dma_start3A_320 = arith.constant 0 : i32
        %dma_start3A_321 = arith.constant 0 : i32
        %dma_start3A_322 = tpu.memref_slice %arg2[%dma_start3A_320, %dma_start3A_321] : memref<101000x128xf32, #tpu.memory_space<hbm>> -> memref<101000x128xf32, #tpu.memory_space<hbm>>
        tpu.enqueue_indirect_dma source(%dma_start3A_322 : memref<101000x128xf32, #tpu.memory_space<hbm>>) target(%dma_start3A_318 : memref<32x128xf32, #tpu.memory_space<vmem>>) offsets(%dma_start3A_319 : memref<32xi32, #tpu.memory_space<vmem>>) semaphore(%arg20 : memref<!tpu.dma_semaphore, #tpu.memory_space<semaphore_mem>>)
        %dma_start3A_323 = arith.constant 0 : i32
        %dma_start3A_324 = arith.constant 0 : i32
        %dma_start3A_325 = arith.constant 0 : i32
        %dma_start3A_326 = tpu.memref_slice %arg12[%dma_start3A_323, %dma_start3A_324, %dma_start3A_325] : memref<2x32x128xf32, #tpu.memory_space<vmem>> -> memref<1x32x128xf32, #tpu.memory_space<vmem>>
        %dma_start3A_327 = tpu.memref_squeeze %dma_start3A_326 : memref<1x32x128xf32, #tpu.memory_space<vmem>> -> memref<32x128xf32, #tpu.memory_space<vmem>>
        %dma_start3A_328 = tpu.memref_slice %arg6[%mul3A_313] : memref<512xi32, #tpu.memory_space<vmem>> -> memref<32xi32, #tpu.memory_space<vmem>>
        %dma_start3A_329 = arith.constant 0 : i32
        %dma_start3A_330 = arith.constant 0 : i32
        %dma_start3A_331 = tpu.memref_slice %arg2[%dma_start3A_329, %dma_start3A_330] : memref<101000x128xf32, #tpu.memory_space<hbm>> -> memref<101000x128xf32, #tpu.memory_space<hbm>>
        tpu.enqueue_indirect_dma source(%dma_start3A_331 : memref<101000x128xf32, #tpu.memory_space<hbm>>) target(%dma_start3A_327 : memref<32x128xf32, #tpu.memory_space<vmem>>) offsets(%dma_start3A_328 : memref<32xi32, #tpu.memory_space<vmem>>) semaphore(%arg20 : memref<!tpu.dma_semaphore, #tpu.memory_space<semaphore_mem>>)
        %dma_start3A_332 = arith.constant 0 : i32
        %dma_start3A_333 = arith.constant 0 : i32
        %dma_start3A_334 = arith.constant 0 : i32
        %dma_start3A_335 = tpu.memref_slice %arg13[%dma_start3A_332, %dma_start3A_333, %dma_start3A_334] : memref<2x32x128xf32, #tpu.memory_space<vmem>> -> memref<1x32x128xf32, #tpu.memory_space<vmem>>
        %dma_start3A_336 = tpu.memref_squeeze %dma_start3A_335 : memref<1x32x128xf32, #tpu.memory_space<vmem>> -> memref<32x128xf32, #tpu.memory_space<vmem>>
        %dma_start3A_337 = tpu.memref_slice %arg7[%mul3A_313] : memref<512xi32, #tpu.memory_space<vmem>> -> memref<32xi32, #tpu.memory_space<vmem>>
        %dma_start3A_338 = arith.constant 0 : i32
        %dma_start3A_339 = arith.constant 0 : i32
        %dma_start3A_340 = tpu.memref_slice %arg2[%dma_start3A_338, %dma_start3A_339] : memref<101000x128xf32, #tpu.memory_space<hbm>> -> memref<101000x128xf32, #tpu.memory_space<hbm>>
        tpu.enqueue_indirect_dma source(%dma_start3A_340 : memref<101000x128xf32, #tpu.memory_space<hbm>>) target(%dma_start3A_336 : memref<32x128xf32, #tpu.memory_space<vmem>>) offsets(%dma_start3A_337 : memref<32xi32, #tpu.memory_space<vmem>>) semaphore(%arg20 : memref<!tpu.dma_semaphore, #tpu.memory_space<semaphore_mem>>)
        %dma_start3A_341 = arith.constant 0 : i32
        %dma_start3A_342 = arith.constant 0 : i32
        %dma_start3A_343 = arith.constant 0 : i32
        %dma_start3A_344 = tpu.memref_slice %arg14[%dma_start3A_341, %dma_start3A_342, %dma_start3A_343] : memref<2x32x128xf32, #tpu.memory_space<vmem>> -> memref<1x32x128xf32, #tpu.memory_space<vmem>>
        %dma_start3A_345 = tpu.memref_squeeze %dma_start3A_344 : memref<1x32x128xf32, #tpu.memory_space<vmem>> -> memref<32x128xf32, #tpu.memory_space<vmem>>
        %dma_start3A_346 = tpu.memref_slice %arg8[%mul3A_313] : memref<512xi32, #tpu.memory_space<vmem>> -> memref<32xi32, #tpu.memory_space<vmem>>
        %dma_start3A_347 = arith.constant 0 : i32
        %dma_start3A_348 = arith.constant 0 : i32
        %dma_start3A_349 = tpu.memref_slice %arg2[%dma_start3A_347, %dma_start3A_348] : memref<101000x128xf32, #tpu.memory_space<hbm>> -> memref<101000x128xf32, #tpu.memory_space<hbm>>
        tpu.enqueue_indirect_dma source(%dma_start3A_349 : memref<101000x128xf32, #tpu.memory_space<hbm>>) target(%dma_start3A_345 : memref<32x128xf32, #tpu.memory_space<vmem>>) offsets(%dma_start3A_346 : memref<32xi32, #tpu.memory_space<vmem>>) semaphore(%arg20 : memref<!tpu.dma_semaphore, #tpu.memory_space<semaphore_mem>>)
        %dma_start3A_350 = arith.constant 0 : i32
        %dma_start3A_351 = arith.constant 0 : i32
        %dma_start3A_352 = arith.constant 0 : i32
        %dma_start3A_353 = tpu.memref_slice %arg15[%dma_start3A_350, %dma_start3A_351, %dma_start3A_352] : memref<2x32x128xf32, #tpu.memory_space<vmem>> -> memref<1x32x128xf32, #tpu.memory_space<vmem>>
        %dma_start3A_354 = tpu.memref_squeeze %dma_start3A_353 : memref<1x32x128xf32, #tpu.memory_space<vmem>> -> memref<32x128xf32, #tpu.memory_space<vmem>>
        %dma_start3A_355 = tpu.memref_slice %arg9[%mul3A_313] : memref<512xi32, #tpu.memory_space<vmem>> -> memref<32xi32, #tpu.memory_space<vmem>>
        %dma_start3A_356 = arith.constant 0 : i32
        %dma_start3A_357 = arith.constant 0 : i32
        %dma_start3A_358 = tpu.memref_slice %arg2[%dma_start3A_356, %dma_start3A_357] : memref<101000x128xf32, #tpu.memory_space<hbm>> -> memref<101000x128xf32, #tpu.memory_space<hbm>>
        tpu.enqueue_indirect_dma source(%dma_start3A_358 : memref<101000x128xf32, #tpu.memory_space<hbm>>) target(%dma_start3A_354 : memref<32x128xf32, #tpu.memory_space<vmem>>) offsets(%dma_start3A_355 : memref<32xi32, #tpu.memory_space<vmem>>) semaphore(%arg20 : memref<!tpu.dma_semaphore, #tpu.memory_space<semaphore_mem>>)
        %dma_start3A_359 = arith.constant 0 : i32
        %dma_start3A_360 = arith.constant 0 : i32
        %dma_start3A_361 = arith.constant 0 : i32
        %dma_start3A_362 = tpu.memref_slice %arg16[%dma_start3A_359, %dma_start3A_360, %dma_start3A_361] : memref<2x32x128xf32, #tpu.memory_space<vmem>> -> memref<1x32x128xf32, #tpu.memory_space<vmem>>
        %dma_start3A_363 = tpu.memref_squeeze %dma_start3A_362 : memref<1x32x128xf32, #tpu.memory_space<vmem>> -> memref<32x128xf32, #tpu.memory_space<vmem>>
        %dma_start3A_364 = tpu.memref_slice %arg10[%mul3A_313] : memref<512xi32, #tpu.memory_space<vmem>> -> memref<32xi32, #tpu.memory_space<vmem>>
        %dma_start3A_365 = arith.constant 0 : i32
        %dma_start3A_366 = arith.constant 0 : i32
        %dma_start3A_367 = tpu.memref_slice %arg2[%dma_start3A_365, %dma_start3A_366] : memref<101000x128xf32, #tpu.memory_space<hbm>> -> memref<101000x128xf32, #tpu.memory_space<hbm>>
        tpu.enqueue_indirect_dma source(%dma_start3A_367 : memref<101000x128xf32, #tpu.memory_space<hbm>>) target(%dma_start3A_363 : memref<32x128xf32, #tpu.memory_space<vmem>>) offsets(%dma_start3A_364 : memref<32xi32, #tpu.memory_space<vmem>>) semaphore(%arg20 : memref<!tpu.dma_semaphore, #tpu.memory_space<semaphore_mem>>)
      } else {
      }
      %dma_wait3A_234 = arith.constant 1 : i32
      %dma_wait3A_235 = arith.constant 0 : i32
      %dma_wait3A_236 = arith.constant 0 : i32
      %dma_wait3A_237 = tpu.memref_slice %arg11[%dma_wait3A_234, %dma_wait3A_235, %dma_wait3A_236] : memref<2x32x128xf32, #tpu.memory_space<vmem>> -> memref<1x32x128xf32, #tpu.memory_space<vmem>>
      %dma_wait3A_238 = tpu.memref_squeeze %dma_wait3A_237 : memref<1x32x128xf32, #tpu.memory_space<vmem>> -> memref<32x128xf32, #tpu.memory_space<vmem>>
      %dma_wait3A_239 = arith.constant 0 : i32
      %dma_wait3A_240 = tpu.memref_slice %arg5[%dma_wait3A_239] : memref<512xi32, #tpu.memory_space<vmem>> -> memref<32xi32, #tpu.memory_space<vmem>>
      %dma_wait3A_241 = arith.constant 0 : i32
      %dma_wait3A_242 = arith.constant 0 : i32
      %dma_wait3A_243 = tpu.memref_slice %arg2[%dma_wait3A_241, %dma_wait3A_242] : memref<101000x128xf32, #tpu.memory_space<hbm>> -> memref<101000x128xf32, #tpu.memory_space<hbm>>
      tpu.wait_indirect_dma semaphore(%arg21 : memref<!tpu.dma_semaphore, #tpu.memory_space<semaphore_mem>>) src(%dma_wait3A_243 : memref<101000x128xf32, #tpu.memory_space<hbm>>) dst(%dma_wait3A_238 : memref<32x128xf32, #tpu.memory_space<vmem>>)
      %dma_wait3A_244 = arith.constant 1 : i32
      %dma_wait3A_245 = arith.constant 0 : i32
      %dma_wait3A_246 = arith.constant 0 : i32
      %dma_wait3A_247 = tpu.memref_slice %arg12[%dma_wait3A_244, %dma_wait3A_245, %dma_wait3A_246] : memref<2x32x128xf32, #tpu.memory_space<vmem>> -> memref<1x32x128xf32, #tpu.memory_space<vmem>>
      %dma_wait3A_248 = tpu.memref_squeeze %dma_wait3A_247 : memref<1x32x128xf32, #tpu.memory_space<vmem>> -> memref<32x128xf32, #tpu.memory_space<vmem>>
      %dma_wait3A_249 = arith.constant 0 : i32
      %dma_wait3A_250 = tpu.memref_slice %arg6[%dma_wait3A_249] : memref<512xi32, #tpu.memory_space<vmem>> -> memref<32xi32, #tpu.memory_space<vmem>>
      %dma_wait3A_251 = arith.constant 0 : i32
      %dma_wait3A_252 = arith.constant 0 : i32
      %dma_wait3A_253 = tpu.memref_slice %arg2[%dma_wait3A_251, %dma_wait3A_252] : memref<101000x128xf32, #tpu.memory_space<hbm>> -> memref<101000x128xf32, #tpu.memory_space<hbm>>
      tpu.wait_indirect_dma semaphore(%arg21 : memref<!tpu.dma_semaphore, #tpu.memory_space<semaphore_mem>>) src(%dma_wait3A_253 : memref<101000x128xf32, #tpu.memory_space<hbm>>) dst(%dma_wait3A_248 : memref<32x128xf32, #tpu.memory_space<vmem>>)
      %dma_wait3A_254 = arith.constant 1 : i32
      %dma_wait3A_255 = arith.constant 0 : i32
      %dma_wait3A_256 = arith.constant 0 : i32
      %dma_wait3A_257 = tpu.memref_slice %arg13[%dma_wait3A_254, %dma_wait3A_255, %dma_wait3A_256] : memref<2x32x128xf32, #tpu.memory_space<vmem>> -> memref<1x32x128xf32, #tpu.memory_space<vmem>>
      %dma_wait3A_258 = tpu.memref_squeeze %dma_wait3A_257 : memref<1x32x128xf32, #tpu.memory_space<vmem>> -> memref<32x128xf32, #tpu.memory_space<vmem>>
      %dma_wait3A_259 = arith.constant 0 : i32
      %dma_wait3A_260 = tpu.memref_slice %arg7[%dma_wait3A_259] : memref<512xi32, #tpu.memory_space<vmem>> -> memref<32xi32, #tpu.memory_space<vmem>>
      %dma_wait3A_261 = arith.constant 0 : i32
      %dma_wait3A_262 = arith.constant 0 : i32
      %dma_wait3A_263 = tpu.memref_slice %arg2[%dma_wait3A_261, %dma_wait3A_262] : memref<101000x128xf32, #tpu.memory_space<hbm>> -> memref<101000x128xf32, #tpu.memory_space<hbm>>
      tpu.wait_indirect_dma semaphore(%arg21 : memref<!tpu.dma_semaphore, #tpu.memory_space<semaphore_mem>>) src(%dma_wait3A_263 : memref<101000x128xf32, #tpu.memory_space<hbm>>) dst(%dma_wait3A_258 : memref<32x128xf32, #tpu.memory_space<vmem>>)
      %dma_wait3A_264 = arith.constant 1 : i32
      %dma_wait3A_265 = arith.constant 0 : i32
      %dma_wait3A_266 = arith.constant 0 : i32
      %dma_wait3A_267 = tpu.memref_slice %arg14[%dma_wait3A_264, %dma_wait3A_265, %dma_wait3A_266] : memref<2x32x128xf32, #tpu.memory_space<vmem>> -> memref<1x32x128xf32, #tpu.memory_space<vmem>>
      %dma_wait3A_268 = tpu.memref_squeeze %dma_wait3A_267 : memref<1x32x128xf32, #tpu.memory_space<vmem>> -> memref<32x128xf32, #tpu.memory_space<vmem>>
      %dma_wait3A_269 = arith.constant 0 : i32
      %dma_wait3A_270 = tpu.memref_slice %arg8[%dma_wait3A_269] : memref<512xi32, #tpu.memory_space<vmem>> -> memref<32xi32, #tpu.memory_space<vmem>>
      %dma_wait3A_271 = arith.constant 0 : i32
      %dma_wait3A_272 = arith.constant 0 : i32
      %dma_wait3A_273 = tpu.memref_slice %arg2[%dma_wait3A_271, %dma_wait3A_272] : memref<101000x128xf32, #tpu.memory_space<hbm>> -> memref<101000x128xf32, #tpu.memory_space<hbm>>
      tpu.wait_indirect_dma semaphore(%arg21 : memref<!tpu.dma_semaphore, #tpu.memory_space<semaphore_mem>>) src(%dma_wait3A_273 : memref<101000x128xf32, #tpu.memory_space<hbm>>) dst(%dma_wait3A_268 : memref<32x128xf32, #tpu.memory_space<vmem>>)
      %dma_wait3A_274 = arith.constant 1 : i32
      %dma_wait3A_275 = arith.constant 0 : i32
      %dma_wait3A_276 = arith.constant 0 : i32
      %dma_wait3A_277 = tpu.memref_slice %arg15[%dma_wait3A_274, %dma_wait3A_275, %dma_wait3A_276] : memref<2x32x128xf32, #tpu.memory_space<vmem>> -> memref<1x32x128xf32, #tpu.memory_space<vmem>>
      %dma_wait3A_278 = tpu.memref_squeeze %dma_wait3A_277 : memref<1x32x128xf32, #tpu.memory_space<vmem>> -> memref<32x128xf32, #tpu.memory_space<vmem>>
      %dma_wait3A_279 = arith.constant 0 : i32
      %dma_wait3A_280 = tpu.memref_slice %arg9[%dma_wait3A_279] : memref<512xi32, #tpu.memory_space<vmem>> -> memref<32xi32, #tpu.memory_space<vmem>>
      %dma_wait3A_281 = arith.constant 0 : i32
      %dma_wait3A_282 = arith.constant 0 : i32
      %dma_wait3A_283 = tpu.memref_slice %arg2[%dma_wait3A_281, %dma_wait3A_282] : memref<101000x128xf32, #tpu.memory_space<hbm>> -> memref<101000x128xf32, #tpu.memory_space<hbm>>
      tpu.wait_indirect_dma semaphore(%arg21 : memref<!tpu.dma_semaphore, #tpu.memory_space<semaphore_mem>>) src(%dma_wait3A_283 : memref<101000x128xf32, #tpu.memory_space<hbm>>) dst(%dma_wait3A_278 : memref<32x128xf32, #tpu.memory_space<vmem>>)
      %dma_wait3A_284 = arith.constant 1 : i32
      %dma_wait3A_285 = arith.constant 0 : i32
      %dma_wait3A_286 = arith.constant 0 : i32
      %dma_wait3A_287 = tpu.memref_slice %arg16[%dma_wait3A_284, %dma_wait3A_285, %dma_wait3A_286] : memref<2x32x128xf32, #tpu.memory_space<vmem>> -> memref<1x32x128xf32, #tpu.memory_space<vmem>>
      %dma_wait3A_288 = tpu.memref_squeeze %dma_wait3A_287 : memref<1x32x128xf32, #tpu.memory_space<vmem>> -> memref<32x128xf32, #tpu.memory_space<vmem>>
      %dma_wait3A_289 = arith.constant 0 : i32
      %dma_wait3A_290 = tpu.memref_slice %arg10[%dma_wait3A_289] : memref<512xi32, #tpu.memory_space<vmem>> -> memref<32xi32, #tpu.memory_space<vmem>>
      %dma_wait3A_291 = arith.constant 0 : i32
      %dma_wait3A_292 = arith.constant 0 : i32
      %dma_wait3A_293 = tpu.memref_slice %arg2[%dma_wait3A_291, %dma_wait3A_292] : memref<101000x128xf32, #tpu.memory_space<hbm>> -> memref<101000x128xf32, #tpu.memory_space<hbm>>
      tpu.wait_indirect_dma semaphore(%arg21 : memref<!tpu.dma_semaphore, #tpu.memory_space<semaphore_mem>>) src(%dma_wait3A_293 : memref<101000x128xf32, #tpu.memory_space<hbm>>) dst(%dma_wait3A_288 : memref<32x128xf32, #tpu.memory_space<vmem>>)
      %scan3A_294 = arith.constant 1 : i32
      %scan3A_295 = arith.constant 1 : i32
      %scan3A_296 = arith.constant 1 : i32
      %scan3A_297 = arith.constant 1 : i32
      %scan3A_298 = arith.constant 1 : i32
      %scan3A_299 = arith.constant 1 : i32
      %scan3A_300 = arith.constant 0 : i32
      %scan3A_301 = arith.constant 16 : i32
      %scan3A_302 = arith.addi %scan3A_300, %scan3A_301 : i32
      %scan3A_303 = arith.constant 1 : i32
      scf.for %scan3A_310 = %scan3A_300 to %scan3A_302 step %scan3A_303  : i32 {
        %mul3A_311 = arith.constant 2 : i32
        %mul3A_312 = arith.muli %scan3A_310, %mul3A_311 : i32
        %add3A_313 = arith.constant 0 : i32
        %add3A_314 = arith.addi %add3A_313, %mul3A_312 : i32
        %add3A_315 = arith.constant 0 : i32
        %add3A_316 = arith.addi %add3A_314, %add3A_315 : i32
        %broadcast_in_dim3A_317 = arith.constant 0.000000e+00 : f32
        %broadcast_in_dim3A_318 = vector.broadcast %broadcast_in_dim3A_317 : f32 to vector<16xf32>
        %broadcast_in_dim3A_319 = arith.constant 0.000000e+00 : f32
        %broadcast_in_dim3A_320 = vector.broadcast %broadcast_in_dim3A_319 : f32 to vector<16xf32>
        %get3A = arith.constant 0 : i32
        %get3A_321 = arith.constant 0 : i32
        %get3A_322 = tpu.memref_slice %arg11[%scan3A_294, %get3A, %get3A_321] : memref<2x32x128xf32, #tpu.memory_space<vmem>> -> memref<1x32x128xf32, #tpu.memory_space<vmem>>
        %get3A_323 = tpu.memref_squeeze %get3A_322 : memref<1x32x128xf32, #tpu.memory_space<vmem>> -> memref<32x128xf32, #tpu.memory_space<vmem>>
        %get3A_324 = arith.index_cast %add3A_316 : i32 to index
        %get3A_325 = arith.constant 0 : index
        %get3A_326 = tpu.vector_load %get3A_323[%get3A_324, %get3A_325] {strides = array<i32>} : memref<32x128xf32, #tpu.memory_space<vmem>>, vector<16xf32>,
        %get3A_327 = arith.constant 0 : i32
        %get3A_328 = arith.constant 0 : i32
        %get3A_329 = tpu.memref_slice %arg13[%scan3A_295, %get3A_327, %get3A_328] : memref<2x32x128xf32, #tpu.memory_space<vmem>> -> memref<1x32x128xf32, #tpu.memory_space<vmem>>
        %get3A_330 = tpu.memref_squeeze %get3A_329 : memref<1x32x128xf32, #tpu.memory_space<vmem>> -> memref<32x128xf32, #tpu.memory_space<vmem>>
        %get3A_331 = arith.index_cast %add3A_316 : i32 to index
        %get3A_332 = arith.constant 0 : index
        %get3A_333 = tpu.vector_load %get3A_330[%get3A_331, %get3A_332] {strides = array<i32>} : memref<32x128xf32, #tpu.memory_space<vmem>>, vector<16xf32>,
        %add3A_334 = arith.addf %get3A_326, %get3A_333 : vector<16xf32>
        %get3A_335 = arith.constant 0 : i32
        %get3A_336 = arith.constant 0 : i32
        %get3A_337 = tpu.memref_slice %arg12[%scan3A_296, %get3A_335, %get3A_336] : memref<2x32x128xf32, #tpu.memory_space<vmem>> -> memref<1x32x128xf32, #tpu.memory_space<vmem>>
        %get3A_338 = tpu.memref_squeeze %get3A_337 : memref<1x32x128xf32, #tpu.memory_space<vmem>> -> memref<32x128xf32, #tpu.memory_space<vmem>>
        %get3A_339 = arith.index_cast %add3A_316 : i32 to index
        %get3A_340 = arith.constant 0 : index
        %get3A_341 = tpu.vector_load %get3A_338[%get3A_339, %get3A_340] {strides = array<i32>} : memref<32x128xf32, #tpu.memory_space<vmem>>, vector<16xf32>,
        %sub3A = arith.subf %add3A_334, %get3A_341 : vector<16xf32>
        %get3A_342 = arith.constant 0 : i32
        %get3A_343 = arith.constant 0 : i32
        %get3A_344 = tpu.memref_slice %arg14[%scan3A_297, %get3A_342, %get3A_343] : memref<2x32x128xf32, #tpu.memory_space<vmem>> -> memref<1x32x128xf32, #tpu.memory_space<vmem>>
        %get3A_345 = tpu.memref_squeeze %get3A_344 : memref<1x32x128xf32, #tpu.memory_space<vmem>> -> memref<32x128xf32, #tpu.memory_space<vmem>>
        %get3A_346 = arith.index_cast %add3A_316 : i32 to index
        %get3A_347 = arith.constant 0 : index
        %get3A_348 = tpu.vector_load %get3A_345[%get3A_346, %get3A_347] {strides = array<i32>} : memref<32x128xf32, #tpu.memory_space<vmem>>, vector<16xf32>,
        %get3A_349 = arith.constant 0 : i32
        %get3A_350 = arith.constant 0 : i32
        %get3A_351 = tpu.memref_slice %arg16[%scan3A_298, %get3A_349, %get3A_350] : memref<2x32x128xf32, #tpu.memory_space<vmem>> -> memref<1x32x128xf32, #tpu.memory_space<vmem>>
        %get3A_352 = tpu.memref_squeeze %get3A_351 : memref<1x32x128xf32, #tpu.memory_space<vmem>> -> memref<32x128xf32, #tpu.memory_space<vmem>>
        %get3A_353 = arith.index_cast %add3A_316 : i32 to index
        %get3A_354 = arith.constant 0 : index
        %get3A_355 = tpu.vector_load %get3A_352[%get3A_353, %get3A_354] {strides = array<i32>} : memref<32x128xf32, #tpu.memory_space<vmem>>, vector<16xf32>,
        %add3A_356 = arith.addf %get3A_348, %get3A_355 : vector<16xf32>
        %get3A_357 = arith.constant 0 : i32
        %get3A_358 = arith.constant 0 : i32
        %get3A_359 = tpu.memref_slice %arg15[%scan3A_299, %get3A_357, %get3A_358] : memref<2x32x128xf32, #tpu.memory_space<vmem>> -> memref<1x32x128xf32, #tpu.memory_space<vmem>>
        %get3A_360 = tpu.memref_squeeze %get3A_359 : memref<1x32x128xf32, #tpu.memory_space<vmem>> -> memref<32x128xf32, #tpu.memory_space<vmem>>
        %get3A_361 = arith.index_cast %add3A_316 : i32 to index
        %get3A_362 = arith.constant 0 : index
        %get3A_363 = tpu.vector_load %get3A_360[%get3A_361, %get3A_362] {strides = array<i32>} : memref<32x128xf32, #tpu.memory_space<vmem>>, vector<16xf32>,
        %sub3A_364 = arith.subf %add3A_356, %get3A_363 : vector<16xf32>
        %mul3A_365 = arith.mulf %sub3A, %sub3A : vector<16xf32>
        %add3A_366 = arith.addf %broadcast_in_dim3A_318, %mul3A_365 : vector<16xf32>
        %mul3A_367 = arith.mulf %sub3A_364, %sub3A_364 : vector<16xf32>
        %add3A_368 = arith.addf %broadcast_in_dim3A_320, %mul3A_367 : vector<16xf32>
        %get3A_369 = arith.constant 0 : i32
        %get3A_370 = arith.constant 0 : i32
        %get3A_371 = tpu.memref_slice %arg11[%scan3A_294, %get3A_369, %get3A_370] : memref<2x32x128xf32, #tpu.memory_space<vmem>> -> memref<1x32x128xf32, #tpu.memory_space<vmem>>
        %get3A_372 = tpu.memref_squeeze %get3A_371 : memref<1x32x128xf32, #tpu.memory_space<vmem>> -> memref<32x128xf32, #tpu.memory_space<vmem>>
        %get3A_373 = arith.index_cast %add3A_316 : i32 to index
        %get3A_374 = arith.constant 16 : index
        %get3A_375 = tpu.vector_load %get3A_372[%get3A_373, %get3A_374] {strides = array<i32>} : memref<32x128xf32, #tpu.memory_space<vmem>>, vector<16xf32>,
        %get3A_376 = arith.constant 0 : i32
        %get3A_377 = arith.constant 0 : i32
        %get3A_378 = tpu.memref_slice %arg13[%scan3A_295, %get3A_376, %get3A_377] : memref<2x32x128xf32, #tpu.memory_space<vmem>> -> memref<1x32x128xf32, #tpu.memory_space<vmem>>
        %get3A_379 = tpu.memref_squeeze %get3A_378 : memref<1x32x128xf32, #tpu.memory_space<vmem>> -> memref<32x128xf32, #tpu.memory_space<vmem>>
        %get3A_380 = arith.index_cast %add3A_316 : i32 to index
        %get3A_381 = arith.constant 16 : index
        %get3A_382 = tpu.vector_load %get3A_379[%get3A_380, %get3A_381] {strides = array<i32>} : memref<32x128xf32, #tpu.memory_space<vmem>>, vector<16xf32>,
        %add3A_383 = arith.addf %get3A_375, %get3A_382 : vector<16xf32>
        %get3A_384 = arith.constant 0 : i32
        %get3A_385 = arith.constant 0 : i32
        %get3A_386 = tpu.memref_slice %arg12[%scan3A_296, %get3A_384, %get3A_385] : memref<2x32x128xf32, #tpu.memory_space<vmem>> -> memref<1x32x128xf32, #tpu.memory_space<vmem>>
        %get3A_387 = tpu.memref_squeeze %get3A_386 : memref<1x32x128xf32, #tpu.memory_space<vmem>> -> memref<32x128xf32, #tpu.memory_space<vmem>>
        %get3A_388 = arith.index_cast %add3A_316 : i32 to index
        %get3A_389 = arith.constant 16 : index
        %get3A_390 = tpu.vector_load %get3A_387[%get3A_388, %get3A_389] {strides = array<i32>} : memref<32x128xf32, #tpu.memory_space<vmem>>, vector<16xf32>,
        %sub3A_391 = arith.subf %add3A_383, %get3A_390 : vector<16xf32>
        %get3A_392 = arith.constant 0 : i32
        %get3A_393 = arith.constant 0 : i32
        %get3A_394 = tpu.memref_slice %arg14[%scan3A_297, %get3A_392, %get3A_393] : memref<2x32x128xf32, #tpu.memory_space<vmem>> -> memref<1x32x128xf32, #tpu.memory_space<vmem>>
        %get3A_395 = tpu.memref_squeeze %get3A_394 : memref<1x32x128xf32, #tpu.memory_space<vmem>> -> memref<32x128xf32, #tpu.memory_space<vmem>>
        %get3A_396 = arith.index_cast %add3A_316 : i32 to index
        %get3A_397 = arith.constant 16 : index
        %get3A_398 = tpu.vector_load %get3A_395[%get3A_396, %get3A_397] {strides = array<i32>} : memref<32x128xf32, #tpu.memory_space<vmem>>, vector<16xf32>,
        %get3A_399 = arith.constant 0 : i32
        %get3A_400 = arith.constant 0 : i32
        %get3A_401 = tpu.memref_slice %arg16[%scan3A_298, %get3A_399, %get3A_400] : memref<2x32x128xf32, #tpu.memory_space<vmem>> -> memref<1x32x128xf32, #tpu.memory_space<vmem>>
        %get3A_402 = tpu.memref_squeeze %get3A_401 : memref<1x32x128xf32, #tpu.memory_space<vmem>> -> memref<32x128xf32, #tpu.memory_space<vmem>>
        %get3A_403 = arith.index_cast %add3A_316 : i32 to index
        %get3A_404 = arith.constant 16 : index
        %get3A_405 = tpu.vector_load %get3A_402[%get3A_403, %get3A_404] {strides = array<i32>} : memref<32x128xf32, #tpu.memory_space<vmem>>, vector<16xf32>,
        %add3A_406 = arith.addf %get3A_398, %get3A_405 : vector<16xf32>
        %get3A_407 = arith.constant 0 : i32
        %get3A_408 = arith.constant 0 : i32
        %get3A_409 = tpu.memref_slice %arg15[%scan3A_299, %get3A_407, %get3A_408] : memref<2x32x128xf32, #tpu.memory_space<vmem>> -> memref<1x32x128xf32, #tpu.memory_space<vmem>>
        %get3A_410 = tpu.memref_squeeze %get3A_409 : memref<1x32x128xf32, #tpu.memory_space<vmem>> -> memref<32x128xf32, #tpu.memory_space<vmem>>
        %get3A_411 = arith.index_cast %add3A_316 : i32 to index
        %get3A_412 = arith.constant 16 : index
        %get3A_413 = tpu.vector_load %get3A_410[%get3A_411, %get3A_412] {strides = array<i32>} : memref<32x128xf32, #tpu.memory_space<vmem>>, vector<16xf32>,
        %sub3A_414 = arith.subf %add3A_406, %get3A_413 : vector<16xf32>
        %mul3A_415 = arith.mulf %sub3A_391, %sub3A_391 : vector<16xf32>
        %add3A_416 = arith.addf %add3A_366, %mul3A_415 : vector<16xf32>
        %mul3A_417 = arith.mulf %sub3A_414, %sub3A_414 : vector<16xf32>
        %add3A_418 = arith.addf %add3A_368, %mul3A_417 : vector<16xf32>
        %get3A_419 = arith.constant 0 : i32
        %get3A_420 = arith.constant 0 : i32
        %get3A_421 = tpu.memref_slice %arg11[%scan3A_294, %get3A_419, %get3A_420] : memref<2x32x128xf32, #tpu.memory_space<vmem>> -> memref<1x32x128xf32, #tpu.memory_space<vmem>>
        %get3A_422 = tpu.memref_squeeze %get3A_421 : memref<1x32x128xf32, #tpu.memory_space<vmem>> -> memref<32x128xf32, #tpu.memory_space<vmem>>
        %get3A_423 = arith.index_cast %add3A_316 : i32 to index
        %get3A_424 = arith.constant 32 : index
        %get3A_425 = tpu.vector_load %get3A_422[%get3A_423, %get3A_424] {strides = array<i32>} : memref<32x128xf32, #tpu.memory_space<vmem>>, vector<16xf32>,
        %get3A_426 = arith.constant 0 : i32
        %get3A_427 = arith.constant 0 : i32
        %get3A_428 = tpu.memref_slice %arg13[%scan3A_295, %get3A_426, %get3A_427] : memref<2x32x128xf32, #tpu.memory_space<vmem>> -> memref<1x32x128xf32, #tpu.memory_space<vmem>>
        %get3A_429 = tpu.memref_squeeze %get3A_428 : memref<1x32x128xf32, #tpu.memory_space<vmem>> -> memref<32x128xf32, #tpu.memory_space<vmem>>
        %get3A_430 = arith.index_cast %add3A_316 : i32 to index
        %get3A_431 = arith.constant 32 : index
        %get3A_432 = tpu.vector_load %get3A_429[%get3A_430, %get3A_431] {strides = array<i32>} : memref<32x128xf32, #tpu.memory_space<vmem>>, vector<16xf32>,
        %add3A_433 = arith.addf %get3A_425, %get3A_432 : vector<16xf32>
        %get3A_434 = arith.constant 0 : i32
        %get3A_435 = arith.constant 0 : i32
        %get3A_436 = tpu.memref_slice %arg12[%scan3A_296, %get3A_434, %get3A_435] : memref<2x32x128xf32, #tpu.memory_space<vmem>> -> memref<1x32x128xf32, #tpu.memory_space<vmem>>
        %get3A_437 = tpu.memref_squeeze %get3A_436 : memref<1x32x128xf32, #tpu.memory_space<vmem>> -> memref<32x128xf32, #tpu.memory_space<vmem>>
        %get3A_438 = arith.index_cast %add3A_316 : i32 to index
        %get3A_439 = arith.constant 32 : index
        %get3A_440 = tpu.vector_load %get3A_437[%get3A_438, %get3A_439] {strides = array<i32>} : memref<32x128xf32, #tpu.memory_space<vmem>>, vector<16xf32>,
        %sub3A_441 = arith.subf %add3A_433, %get3A_440 : vector<16xf32>
        %get3A_442 = arith.constant 0 : i32
        %get3A_443 = arith.constant 0 : i32
        %get3A_444 = tpu.memref_slice %arg14[%scan3A_297, %get3A_442, %get3A_443] : memref<2x32x128xf32, #tpu.memory_space<vmem>> -> memref<1x32x128xf32, #tpu.memory_space<vmem>>
        %get3A_445 = tpu.memref_squeeze %get3A_444 : memref<1x32x128xf32, #tpu.memory_space<vmem>> -> memref<32x128xf32, #tpu.memory_space<vmem>>
        %get3A_446 = arith.index_cast %add3A_316 : i32 to index
        %get3A_447 = arith.constant 32 : index
        %get3A_448 = tpu.vector_load %get3A_445[%get3A_446, %get3A_447] {strides = array<i32>} : memref<32x128xf32, #tpu.memory_space<vmem>>, vector<16xf32>,
        %get3A_449 = arith.constant 0 : i32
        %get3A_450 = arith.constant 0 : i32
        %get3A_451 = tpu.memref_slice %arg16[%scan3A_298, %get3A_449, %get3A_450] : memref<2x32x128xf32, #tpu.memory_space<vmem>> -> memref<1x32x128xf32, #tpu.memory_space<vmem>>
        %get3A_452 = tpu.memref_squeeze %get3A_451 : memref<1x32x128xf32, #tpu.memory_space<vmem>> -> memref<32x128xf32, #tpu.memory_space<vmem>>
        %get3A_453 = arith.index_cast %add3A_316 : i32 to index
        %get3A_454 = arith.constant 32 : index
        %get3A_455 = tpu.vector_load %get3A_452[%get3A_453, %get3A_454] {strides = array<i32>} : memref<32x128xf32, #tpu.memory_space<vmem>>, vector<16xf32>,
        %add3A_456 = arith.addf %get3A_448, %get3A_455 : vector<16xf32>
        %get3A_457 = arith.constant 0 : i32
        %get3A_458 = arith.constant 0 : i32
        %get3A_459 = tpu.memref_slice %arg15[%scan3A_299, %get3A_457, %get3A_458] : memref<2x32x128xf32, #tpu.memory_space<vmem>> -> memref<1x32x128xf32, #tpu.memory_space<vmem>>
        %get3A_460 = tpu.memref_squeeze %get3A_459 : memref<1x32x128xf32, #tpu.memory_space<vmem>> -> memref<32x128xf32, #tpu.memory_space<vmem>>
        %get3A_461 = arith.index_cast %add3A_316 : i32 to index
        %get3A_462 = arith.constant 32 : index
        %get3A_463 = tpu.vector_load %get3A_460[%get3A_461, %get3A_462] {strides = array<i32>} : memref<32x128xf32, #tpu.memory_space<vmem>>, vector<16xf32>,
        %sub3A_464 = arith.subf %add3A_456, %get3A_463 : vector<16xf32>
        %mul3A_465 = arith.mulf %sub3A_441, %sub3A_441 : vector<16xf32>
        %add3A_466 = arith.addf %add3A_416, %mul3A_465 : vector<16xf32>
        %mul3A_467 = arith.mulf %sub3A_464, %sub3A_464 : vector<16xf32>
        %add3A_468 = arith.addf %add3A_418, %mul3A_467 : vector<16xf32>
        %get3A_469 = arith.constant 0 : i32
        %get3A_470 = arith.constant 0 : i32
        %get3A_471 = tpu.memref_slice %arg11[%scan3A_294, %get3A_469, %get3A_470] : memref<2x32x128xf32, #tpu.memory_space<vmem>> -> memref<1x32x128xf32, #tpu.memory_space<vmem>>
        %get3A_472 = tpu.memref_squeeze %get3A_471 : memref<1x32x128xf32, #tpu.memory_space<vmem>> -> memref<32x128xf32, #tpu.memory_space<vmem>>
        %get3A_473 = arith.index_cast %add3A_316 : i32 to index
        %get3A_474 = arith.constant 48 : index
        %get3A_475 = tpu.vector_load %get3A_472[%get3A_473, %get3A_474] {strides = array<i32>} : memref<32x128xf32, #tpu.memory_space<vmem>>, vector<16xf32>,
        %get3A_476 = arith.constant 0 : i32
        %get3A_477 = arith.constant 0 : i32
        %get3A_478 = tpu.memref_slice %arg13[%scan3A_295, %get3A_476, %get3A_477] : memref<2x32x128xf32, #tpu.memory_space<vmem>> -> memref<1x32x128xf32, #tpu.memory_space<vmem>>
        %get3A_479 = tpu.memref_squeeze %get3A_478 : memref<1x32x128xf32, #tpu.memory_space<vmem>> -> memref<32x128xf32, #tpu.memory_space<vmem>>
        %get3A_480 = arith.index_cast %add3A_316 : i32 to index
        %get3A_481 = arith.constant 48 : index
        %get3A_482 = tpu.vector_load %get3A_479[%get3A_480, %get3A_481] {strides = array<i32>} : memref<32x128xf32, #tpu.memory_space<vmem>>, vector<16xf32>,
        %add3A_483 = arith.addf %get3A_475, %get3A_482 : vector<16xf32>
        %get3A_484 = arith.constant 0 : i32
        %get3A_485 = arith.constant 0 : i32
        %get3A_486 = tpu.memref_slice %arg12[%scan3A_296, %get3A_484, %get3A_485] : memref<2x32x128xf32, #tpu.memory_space<vmem>> -> memref<1x32x128xf32, #tpu.memory_space<vmem>>
        %get3A_487 = tpu.memref_squeeze %get3A_486 : memref<1x32x128xf32, #tpu.memory_space<vmem>> -> memref<32x128xf32, #tpu.memory_space<vmem>>
        %get3A_488 = arith.index_cast %add3A_316 : i32 to index
        %get3A_489 = arith.constant 48 : index
        %get3A_490 = tpu.vector_load %get3A_487[%get3A_488, %get3A_489] {strides = array<i32>} : memref<32x128xf32, #tpu.memory_space<vmem>>, vector<16xf32>,
        %sub3A_491 = arith.subf %add3A_483, %get3A_490 : vector<16xf32>
        %get3A_492 = arith.constant 0 : i32
        %get3A_493 = arith.constant 0 : i32
        %get3A_494 = tpu.memref_slice %arg14[%scan3A_297, %get3A_492, %get3A_493] : memref<2x32x128xf32, #tpu.memory_space<vmem>> -> memref<1x32x128xf32, #tpu.memory_space<vmem>>
        %get3A_495 = tpu.memref_squeeze %get3A_494 : memref<1x32x128xf32, #tpu.memory_space<vmem>> -> memref<32x128xf32, #tpu.memory_space<vmem>>
        %get3A_496 = arith.index_cast %add3A_316 : i32 to index
        %get3A_497 = arith.constant 48 : index
        %get3A_498 = tpu.vector_load %get3A_495[%get3A_496, %get3A_497] {strides = array<i32>} : memref<32x128xf32, #tpu.memory_space<vmem>>, vector<16xf32>,
        %get3A_499 = arith.constant 0 : i32
        %get3A_500 = arith.constant 0 : i32
        %get3A_501 = tpu.memref_slice %arg16[%scan3A_298, %get3A_499, %get3A_500] : memref<2x32x128xf32, #tpu.memory_space<vmem>> -> memref<1x32x128xf32, #tpu.memory_space<vmem>>
        %get3A_502 = tpu.memref_squeeze %get3A_501 : memref<1x32x128xf32, #tpu.memory_space<vmem>> -> memref<32x128xf32, #tpu.memory_space<vmem>>
        %get3A_503 = arith.index_cast %add3A_316 : i32 to index
        %get3A_504 = arith.constant 48 : index
        %get3A_505 = tpu.vector_load %get3A_502[%get3A_503, %get3A_504] {strides = array<i32>} : memref<32x128xf32, #tpu.memory_space<vmem>>, vector<16xf32>,
        %add3A_506 = arith.addf %get3A_498, %get3A_505 : vector<16xf32>
        %get3A_507 = arith.constant 0 : i32
        %get3A_508 = arith.constant 0 : i32
        %get3A_509 = tpu.memref_slice %arg15[%scan3A_299, %get3A_507, %get3A_508] : memref<2x32x128xf32, #tpu.memory_space<vmem>> -> memref<1x32x128xf32, #tpu.memory_space<vmem>>
        %get3A_510 = tpu.memref_squeeze %get3A_509 : memref<1x32x128xf32, #tpu.memory_space<vmem>> -> memref<32x128xf32, #tpu.memory_space<vmem>>
        %get3A_511 = arith.index_cast %add3A_316 : i32 to index
        %get3A_512 = arith.constant 48 : index
        %get3A_513 = tpu.vector_load %get3A_510[%get3A_511, %get3A_512] {strides = array<i32>} : memref<32x128xf32, #tpu.memory_space<vmem>>, vector<16xf32>,
        %sub3A_514 = arith.subf %add3A_506, %get3A_513 : vector<16xf32>
        %mul3A_515 = arith.mulf %sub3A_491, %sub3A_491 : vector<16xf32>
        %add3A_516 = arith.addf %add3A_466, %mul3A_515 : vector<16xf32>
        %mul3A_517 = arith.mulf %sub3A_514, %sub3A_514 : vector<16xf32>
        %add3A_518 = arith.addf %add3A_468, %mul3A_517 : vector<16xf32>
        %get3A_519 = arith.constant 0 : i32
        %get3A_520 = arith.constant 0 : i32
        %get3A_521 = tpu.memref_slice %arg11[%scan3A_294, %get3A_519, %get3A_520] : memref<2x32x128xf32, #tpu.memory_space<vmem>> -> memref<1x32x128xf32, #tpu.memory_space<vmem>>
        %get3A_522 = tpu.memref_squeeze %get3A_521 : memref<1x32x128xf32, #tpu.memory_space<vmem>> -> memref<32x128xf32, #tpu.memory_space<vmem>>
        %get3A_523 = arith.index_cast %add3A_316 : i32 to index
        %get3A_524 = arith.constant 64 : index
        %get3A_525 = tpu.vector_load %get3A_522[%get3A_523, %get3A_524] {strides = array<i32>} : memref<32x128xf32, #tpu.memory_space<vmem>>, vector<16xf32>,
        %get3A_526 = arith.constant 0 : i32
        %get3A_527 = arith.constant 0 : i32
        %get3A_528 = tpu.memref_slice %arg13[%scan3A_295, %get3A_526, %get3A_527] : memref<2x32x128xf32, #tpu.memory_space<vmem>> -> memref<1x32x128xf32, #tpu.memory_space<vmem>>
        %get3A_529 = tpu.memref_squeeze %get3A_528 : memref<1x32x128xf32, #tpu.memory_space<vmem>> -> memref<32x128xf32, #tpu.memory_space<vmem>>
        %get3A_530 = arith.index_cast %add3A_316 : i32 to index
        %get3A_531 = arith.constant 64 : index
        %get3A_532 = tpu.vector_load %get3A_529[%get3A_530, %get3A_531] {strides = array<i32>} : memref<32x128xf32, #tpu.memory_space<vmem>>, vector<16xf32>,
        %add3A_533 = arith.addf %get3A_525, %get3A_532 : vector<16xf32>
        %get3A_534 = arith.constant 0 : i32
        %get3A_535 = arith.constant 0 : i32
        %get3A_536 = tpu.memref_slice %arg12[%scan3A_296, %get3A_534, %get3A_535] : memref<2x32x128xf32, #tpu.memory_space<vmem>> -> memref<1x32x128xf32, #tpu.memory_space<vmem>>
        %get3A_537 = tpu.memref_squeeze %get3A_536 : memref<1x32x128xf32, #tpu.memory_space<vmem>> -> memref<32x128xf32, #tpu.memory_space<vmem>>
        %get3A_538 = arith.index_cast %add3A_316 : i32 to index
        %get3A_539 = arith.constant 64 : index
        %get3A_540 = tpu.vector_load %get3A_537[%get3A_538, %get3A_539] {strides = array<i32>} : memref<32x128xf32, #tpu.memory_space<vmem>>, vector<16xf32>,
        %sub3A_541 = arith.subf %add3A_533, %get3A_540 : vector<16xf32>
        %get3A_542 = arith.constant 0 : i32
        %get3A_543 = arith.constant 0 : i32
        %get3A_544 = tpu.memref_slice %arg14[%scan3A_297, %get3A_542, %get3A_543] : memref<2x32x128xf32, #tpu.memory_space<vmem>> -> memref<1x32x128xf32, #tpu.memory_space<vmem>>
        %get3A_545 = tpu.memref_squeeze %get3A_544 : memref<1x32x128xf32, #tpu.memory_space<vmem>> -> memref<32x128xf32, #tpu.memory_space<vmem>>
        %get3A_546 = arith.index_cast %add3A_316 : i32 to index
        %get3A_547 = arith.constant 64 : index
        %get3A_548 = tpu.vector_load %get3A_545[%get3A_546, %get3A_547] {strides = array<i32>} : memref<32x128xf32, #tpu.memory_space<vmem>>, vector<16xf32>,
        %get3A_549 = arith.constant 0 : i32
        %get3A_550 = arith.constant 0 : i32
        %get3A_551 = tpu.memref_slice %arg16[%scan3A_298, %get3A_549, %get3A_550] : memref<2x32x128xf32, #tpu.memory_space<vmem>> -> memref<1x32x128xf32, #tpu.memory_space<vmem>>
        %get3A_552 = tpu.memref_squeeze %get3A_551 : memref<1x32x128xf32, #tpu.memory_space<vmem>> -> memref<32x128xf32, #tpu.memory_space<vmem>>
        %get3A_553 = arith.index_cast %add3A_316 : i32 to index
        %get3A_554 = arith.constant 64 : index
        %get3A_555 = tpu.vector_load %get3A_552[%get3A_553, %get3A_554] {strides = array<i32>} : memref<32x128xf32, #tpu.memory_space<vmem>>, vector<16xf32>,
        %add3A_556 = arith.addf %get3A_548, %get3A_555 : vector<16xf32>
        %get3A_557 = arith.constant 0 : i32
        %get3A_558 = arith.constant 0 : i32
        %get3A_559 = tpu.memref_slice %arg15[%scan3A_299, %get3A_557, %get3A_558] : memref<2x32x128xf32, #tpu.memory_space<vmem>> -> memref<1x32x128xf32, #tpu.memory_space<vmem>>
        %get3A_560 = tpu.memref_squeeze %get3A_559 : memref<1x32x128xf32, #tpu.memory_space<vmem>> -> memref<32x128xf32, #tpu.memory_space<vmem>>
        %get3A_561 = arith.index_cast %add3A_316 : i32 to index
        %get3A_562 = arith.constant 64 : index
        %get3A_563 = tpu.vector_load %get3A_560[%get3A_561, %get3A_562] {strides = array<i32>} : memref<32x128xf32, #tpu.memory_space<vmem>>, vector<16xf32>,
        %sub3A_564 = arith.subf %add3A_556, %get3A_563 : vector<16xf32>
        %mul3A_565 = arith.mulf %sub3A_541, %sub3A_541 : vector<16xf32>
        %add3A_566 = arith.addf %add3A_516, %mul3A_565 : vector<16xf32>
        %mul3A_567 = arith.mulf %sub3A_564, %sub3A_564 : vector<16xf32>
        %add3A_568 = arith.addf %add3A_518, %mul3A_567 : vector<16xf32>
        %get3A_569 = arith.constant 0 : i32
        %get3A_570 = arith.constant 0 : i32
        %get3A_571 = tpu.memref_slice %arg11[%scan3A_294, %get3A_569, %get3A_570] : memref<2x32x128xf32, #tpu.memory_space<vmem>> -> memref<1x32x128xf32, #tpu.memory_space<vmem>>
        %get3A_572 = tpu.memref_squeeze %get3A_571 : memref<1x32x128xf32, #tpu.memory_space<vmem>> -> memref<32x128xf32, #tpu.memory_space<vmem>>
        %get3A_573 = arith.index_cast %add3A_316 : i32 to index
        %get3A_574 = arith.constant 80 : index
        %get3A_575 = tpu.vector_load %get3A_572[%get3A_573, %get3A_574] {strides = array<i32>} : memref<32x128xf32, #tpu.memory_space<vmem>>, vector<16xf32>,
        %get3A_576 = arith.constant 0 : i32
        %get3A_577 = arith.constant 0 : i32
        %get3A_578 = tpu.memref_slice %arg13[%scan3A_295, %get3A_576, %get3A_577] : memref<2x32x128xf32, #tpu.memory_space<vmem>> -> memref<1x32x128xf32, #tpu.memory_space<vmem>>
        %get3A_579 = tpu.memref_squeeze %get3A_578 : memref<1x32x128xf32, #tpu.memory_space<vmem>> -> memref<32x128xf32, #tpu.memory_space<vmem>>
        %get3A_580 = arith.index_cast %add3A_316 : i32 to index
        %get3A_581 = arith.constant 80 : index
        %get3A_582 = tpu.vector_load %get3A_579[%get3A_580, %get3A_581] {strides = array<i32>} : memref<32x128xf32, #tpu.memory_space<vmem>>, vector<16xf32>,
        %add3A_583 = arith.addf %get3A_575, %get3A_582 : vector<16xf32>
        %get3A_584 = arith.constant 0 : i32
        %get3A_585 = arith.constant 0 : i32
        %get3A_586 = tpu.memref_slice %arg12[%scan3A_296, %get3A_584, %get3A_585] : memref<2x32x128xf32, #tpu.memory_space<vmem>> -> memref<1x32x128xf32, #tpu.memory_space<vmem>>
        %get3A_587 = tpu.memref_squeeze %get3A_586 : memref<1x32x128xf32, #tpu.memory_space<vmem>> -> memref<32x128xf32, #tpu.memory_space<vmem>>
        %get3A_588 = arith.index_cast %add3A_316 : i32 to index
        %get3A_589 = arith.constant 80 : index
        %get3A_590 = tpu.vector_load %get3A_587[%get3A_588, %get3A_589] {strides = array<i32>} : memref<32x128xf32, #tpu.memory_space<vmem>>, vector<16xf32>,
        %sub3A_591 = arith.subf %add3A_583, %get3A_590 : vector<16xf32>
        %get3A_592 = arith.constant 0 : i32
        %get3A_593 = arith.constant 0 : i32
        %get3A_594 = tpu.memref_slice %arg14[%scan3A_297, %get3A_592, %get3A_593] : memref<2x32x128xf32, #tpu.memory_space<vmem>> -> memref<1x32x128xf32, #tpu.memory_space<vmem>>
        %get3A_595 = tpu.memref_squeeze %get3A_594 : memref<1x32x128xf32, #tpu.memory_space<vmem>> -> memref<32x128xf32, #tpu.memory_space<vmem>>
        %get3A_596 = arith.index_cast %add3A_316 : i32 to index
        %get3A_597 = arith.constant 80 : index
        %get3A_598 = tpu.vector_load %get3A_595[%get3A_596, %get3A_597] {strides = array<i32>} : memref<32x128xf32, #tpu.memory_space<vmem>>, vector<16xf32>,
        %get3A_599 = arith.constant 0 : i32
        %get3A_600 = arith.constant 0 : i32
        %get3A_601 = tpu.memref_slice %arg16[%scan3A_298, %get3A_599, %get3A_600] : memref<2x32x128xf32, #tpu.memory_space<vmem>> -> memref<1x32x128xf32, #tpu.memory_space<vmem>>
        %get3A_602 = tpu.memref_squeeze %get3A_601 : memref<1x32x128xf32, #tpu.memory_space<vmem>> -> memref<32x128xf32, #tpu.memory_space<vmem>>
        %get3A_603 = arith.index_cast %add3A_316 : i32 to index
        %get3A_604 = arith.constant 80 : index
        %get3A_605 = tpu.vector_load %get3A_602[%get3A_603, %get3A_604] {strides = array<i32>} : memref<32x128xf32, #tpu.memory_space<vmem>>, vector<16xf32>,
        %add3A_606 = arith.addf %get3A_598, %get3A_605 : vector<16xf32>
        %get3A_607 = arith.constant 0 : i32
        %get3A_608 = arith.constant 0 : i32
        %get3A_609 = tpu.memref_slice %arg15[%scan3A_299, %get3A_607, %get3A_608] : memref<2x32x128xf32, #tpu.memory_space<vmem>> -> memref<1x32x128xf32, #tpu.memory_space<vmem>>
        %get3A_610 = tpu.memref_squeeze %get3A_609 : memref<1x32x128xf32, #tpu.memory_space<vmem>> -> memref<32x128xf32, #tpu.memory_space<vmem>>
        %get3A_611 = arith.index_cast %add3A_316 : i32 to index
        %get3A_612 = arith.constant 80 : index
        %get3A_613 = tpu.vector_load %get3A_610[%get3A_611, %get3A_612] {strides = array<i32>} : memref<32x128xf32, #tpu.memory_space<vmem>>, vector<16xf32>,
        %sub3A_614 = arith.subf %add3A_606, %get3A_613 : vector<16xf32>
        %mul3A_615 = arith.mulf %sub3A_591, %sub3A_591 : vector<16xf32>
        %add3A_616 = arith.addf %add3A_566, %mul3A_615 : vector<16xf32>
        %mul3A_617 = arith.mulf %sub3A_614, %sub3A_614 : vector<16xf32>
        %add3A_618 = arith.addf %add3A_568, %mul3A_617 : vector<16xf32>
        %get3A_619 = arith.constant 0 : i32
        %get3A_620 = arith.constant 0 : i32
        %get3A_621 = tpu.memref_slice %arg11[%scan3A_294, %get3A_619, %get3A_620] : memref<2x32x128xf32, #tpu.memory_space<vmem>> -> memref<1x32x128xf32, #tpu.memory_space<vmem>>
        %get3A_622 = tpu.memref_squeeze %get3A_621 : memref<1x32x128xf32, #tpu.memory_space<vmem>> -> memref<32x128xf32, #tpu.memory_space<vmem>>
        %get3A_623 = arith.index_cast %add3A_316 : i32 to index
        %get3A_624 = arith.constant 96 : index
        %get3A_625 = tpu.vector_load %get3A_622[%get3A_623, %get3A_624] {strides = array<i32>} : memref<32x128xf32, #tpu.memory_space<vmem>>, vector<16xf32>,
        %get3A_626 = arith.constant 0 : i32
        %get3A_627 = arith.constant 0 : i32
        %get3A_628 = tpu.memref_slice %arg13[%scan3A_295, %get3A_626, %get3A_627] : memref<2x32x128xf32, #tpu.memory_space<vmem>> -> memref<1x32x128xf32, #tpu.memory_space<vmem>>
        %get3A_629 = tpu.memref_squeeze %get3A_628 : memref<1x32x128xf32, #tpu.memory_space<vmem>> -> memref<32x128xf32, #tpu.memory_space<vmem>>
        %get3A_630 = arith.index_cast %add3A_316 : i32 to index
        %get3A_631 = arith.constant 96 : index
        %get3A_632 = tpu.vector_load %get3A_629[%get3A_630, %get3A_631] {strides = array<i32>} : memref<32x128xf32, #tpu.memory_space<vmem>>, vector<16xf32>,
        %add3A_633 = arith.addf %get3A_625, %get3A_632 : vector<16xf32>
        %get3A_634 = arith.constant 0 : i32
        %get3A_635 = arith.constant 0 : i32
        %get3A_636 = tpu.memref_slice %arg12[%scan3A_296, %get3A_634, %get3A_635] : memref<2x32x128xf32, #tpu.memory_space<vmem>> -> memref<1x32x128xf32, #tpu.memory_space<vmem>>
        %get3A_637 = tpu.memref_squeeze %get3A_636 : memref<1x32x128xf32, #tpu.memory_space<vmem>> -> memref<32x128xf32, #tpu.memory_space<vmem>>
        %get3A_638 = arith.index_cast %add3A_316 : i32 to index
        %get3A_639 = arith.constant 96 : index
        %get3A_640 = tpu.vector_load %get3A_637[%get3A_638, %get3A_639] {strides = array<i32>} : memref<32x128xf32, #tpu.memory_space<vmem>>, vector<16xf32>,
        %sub3A_641 = arith.subf %add3A_633, %get3A_640 : vector<16xf32>
        %get3A_642 = arith.constant 0 : i32
        %get3A_643 = arith.constant 0 : i32
        %get3A_644 = tpu.memref_slice %arg14[%scan3A_297, %get3A_642, %get3A_643] : memref<2x32x128xf32, #tpu.memory_space<vmem>> -> memref<1x32x128xf32, #tpu.memory_space<vmem>>
        %get3A_645 = tpu.memref_squeeze %get3A_644 : memref<1x32x128xf32, #tpu.memory_space<vmem>> -> memref<32x128xf32, #tpu.memory_space<vmem>>
        %get3A_646 = arith.index_cast %add3A_316 : i32 to index
        %get3A_647 = arith.constant 96 : index
        %get3A_648 = tpu.vector_load %get3A_645[%get3A_646, %get3A_647] {strides = array<i32>} : memref<32x128xf32, #tpu.memory_space<vmem>>, vector<16xf32>,
        %get3A_649 = arith.constant 0 : i32
        %get3A_650 = arith.constant 0 : i32
        %get3A_651 = tpu.memref_slice %arg16[%scan3A_298, %get3A_649, %get3A_650] : memref<2x32x128xf32, #tpu.memory_space<vmem>> -> memref<1x32x128xf32, #tpu.memory_space<vmem>>
        %get3A_652 = tpu.memref_squeeze %get3A_651 : memref<1x32x128xf32, #tpu.memory_space<vmem>> -> memref<32x128xf32, #tpu.memory_space<vmem>>
        %get3A_653 = arith.index_cast %add3A_316 : i32 to index
        %get3A_654 = arith.constant 96 : index
        %get3A_655 = tpu.vector_load %get3A_652[%get3A_653, %get3A_654] {strides = array<i32>} : memref<32x128xf32, #tpu.memory_space<vmem>>, vector<16xf32>,
        %add3A_656 = arith.addf %get3A_648, %get3A_655 : vector<16xf32>
        %get3A_657 = arith.constant 0 : i32
        %get3A_658 = arith.constant 0 : i32
        %get3A_659 = tpu.memref_slice %arg15[%scan3A_299, %get3A_657, %get3A_658] : memref<2x32x128xf32, #tpu.memory_space<vmem>> -> memref<1x32x128xf32, #tpu.memory_space<vmem>>
        %get3A_660 = tpu.memref_squeeze %get3A_659 : memref<1x32x128xf32, #tpu.memory_space<vmem>> -> memref<32x128xf32, #tpu.memory_space<vmem>>
        %get3A_661 = arith.index_cast %add3A_316 : i32 to index
        %get3A_662 = arith.constant 96 : index
        %get3A_663 = tpu.vector_load %get3A_660[%get3A_661, %get3A_662] {strides = array<i32>} : memref<32x128xf32, #tpu.memory_space<vmem>>, vector<16xf32>,
        %sub3A_664 = arith.subf %add3A_656, %get3A_663 : vector<16xf32>
        %mul3A_665 = arith.mulf %sub3A_641, %sub3A_641 : vector<16xf32>
        %add3A_666 = arith.addf %add3A_616, %mul3A_665 : vector<16xf32>
        %mul3A_667 = arith.mulf %sub3A_664, %sub3A_664 : vector<16xf32>
        %add3A_668 = arith.addf %add3A_618, %mul3A_667 : vector<16xf32>
        %get3A_669 = arith.constant 0 : i32
        %get3A_670 = arith.constant 0 : i32
        %get3A_671 = tpu.memref_slice %arg11[%scan3A_294, %get3A_669, %get3A_670] : memref<2x32x128xf32, #tpu.memory_space<vmem>> -> memref<1x32x128xf32, #tpu.memory_space<vmem>>
        %get3A_672 = tpu.memref_squeeze %get3A_671 : memref<1x32x128xf32, #tpu.memory_space<vmem>> -> memref<32x128xf32, #tpu.memory_space<vmem>>
        %get3A_673 = arith.index_cast %add3A_316 : i32 to index
        %get3A_674 = arith.constant 112 : index
        %get3A_675 = tpu.vector_load %get3A_672[%get3A_673, %get3A_674] {strides = array<i32>} : memref<32x128xf32, #tpu.memory_space<vmem>>, vector<16xf32>,
        %get3A_676 = arith.constant 0 : i32
        %get3A_677 = arith.constant 0 : i32
        %get3A_678 = tpu.memref_slice %arg13[%scan3A_295, %get3A_676, %get3A_677] : memref<2x32x128xf32, #tpu.memory_space<vmem>> -> memref<1x32x128xf32, #tpu.memory_space<vmem>>
        %get3A_679 = tpu.memref_squeeze %get3A_678 : memref<1x32x128xf32, #tpu.memory_space<vmem>> -> memref<32x128xf32, #tpu.memory_space<vmem>>
        %get3A_680 = arith.index_cast %add3A_316 : i32 to index
        %get3A_681 = arith.constant 112 : index
        %get3A_682 = tpu.vector_load %get3A_679[%get3A_680, %get3A_681] {strides = array<i32>} : memref<32x128xf32, #tpu.memory_space<vmem>>, vector<16xf32>,
        %add3A_683 = arith.addf %get3A_675, %get3A_682 : vector<16xf32>
        %get3A_684 = arith.constant 0 : i32
        %get3A_685 = arith.constant 0 : i32
        %get3A_686 = tpu.memref_slice %arg12[%scan3A_296, %get3A_684, %get3A_685] : memref<2x32x128xf32, #tpu.memory_space<vmem>> -> memref<1x32x128xf32, #tpu.memory_space<vmem>>
        %get3A_687 = tpu.memref_squeeze %get3A_686 : memref<1x32x128xf32, #tpu.memory_space<vmem>> -> memref<32x128xf32, #tpu.memory_space<vmem>>
        %get3A_688 = arith.index_cast %add3A_316 : i32 to index
        %get3A_689 = arith.constant 112 : index
        %get3A_690 = tpu.vector_load %get3A_687[%get3A_688, %get3A_689] {strides = array<i32>} : memref<32x128xf32, #tpu.memory_space<vmem>>, vector<16xf32>,
        %sub3A_691 = arith.subf %add3A_683, %get3A_690 : vector<16xf32>
        %get3A_692 = arith.constant 0 : i32
        %get3A_693 = arith.constant 0 : i32
        %get3A_694 = tpu.memref_slice %arg14[%scan3A_297, %get3A_692, %get3A_693] : memref<2x32x128xf32, #tpu.memory_space<vmem>> -> memref<1x32x128xf32, #tpu.memory_space<vmem>>
        %get3A_695 = tpu.memref_squeeze %get3A_694 : memref<1x32x128xf32, #tpu.memory_space<vmem>> -> memref<32x128xf32, #tpu.memory_space<vmem>>
        %get3A_696 = arith.index_cast %add3A_316 : i32 to index
        %get3A_697 = arith.constant 112 : index
        %get3A_698 = tpu.vector_load %get3A_695[%get3A_696, %get3A_697] {strides = array<i32>} : memref<32x128xf32, #tpu.memory_space<vmem>>, vector<16xf32>,
        %get3A_699 = arith.constant 0 : i32
        %get3A_700 = arith.constant 0 : i32
        %get3A_701 = tpu.memref_slice %arg16[%scan3A_298, %get3A_699, %get3A_700] : memref<2x32x128xf32, #tpu.memory_space<vmem>> -> memref<1x32x128xf32, #tpu.memory_space<vmem>>
        %get3A_702 = tpu.memref_squeeze %get3A_701 : memref<1x32x128xf32, #tpu.memory_space<vmem>> -> memref<32x128xf32, #tpu.memory_space<vmem>>
        %get3A_703 = arith.index_cast %add3A_316 : i32 to index
        %get3A_704 = arith.constant 112 : index
        %get3A_705 = tpu.vector_load %get3A_702[%get3A_703, %get3A_704] {strides = array<i32>} : memref<32x128xf32, #tpu.memory_space<vmem>>, vector<16xf32>,
        %add3A_706 = arith.addf %get3A_698, %get3A_705 : vector<16xf32>
        %get3A_707 = arith.constant 0 : i32
        %get3A_708 = arith.constant 0 : i32
        %get3A_709 = tpu.memref_slice %arg15[%scan3A_299, %get3A_707, %get3A_708] : memref<2x32x128xf32, #tpu.memory_space<vmem>> -> memref<1x32x128xf32, #tpu.memory_space<vmem>>
        %get3A_710 = tpu.memref_squeeze %get3A_709 : memref<1x32x128xf32, #tpu.memory_space<vmem>> -> memref<32x128xf32, #tpu.memory_space<vmem>>
        %get3A_711 = arith.index_cast %add3A_316 : i32 to index
        %get3A_712 = arith.constant 112 : index
        %get3A_713 = tpu.vector_load %get3A_710[%get3A_711, %get3A_712] {strides = array<i32>} : memref<32x128xf32, #tpu.memory_space<vmem>>, vector<16xf32>,
        %sub3A_714 = arith.subf %add3A_706, %get3A_713 : vector<16xf32>
        %mul3A_715 = arith.mulf %sub3A_691, %sub3A_691 : vector<16xf32>
        %add3A_716 = arith.addf %add3A_666, %mul3A_715 : vector<16xf32>
        %mul3A_717 = arith.mulf %sub3A_714, %sub3A_714 : vector<16xf32>
        %add3A_718 = arith.addf %add3A_668, %mul3A_717 : vector<16xf32>
        %swap3A_719 = arith.index_cast %add3A_316 : i32 to index
        %swap3A_720 = arith.constant 0 : index
        %swap3A_721 = tpu.vector_load %arg17[%swap3A_719, %swap3A_720] {strides = array<i32>} : memref<32x16xf32, #tpu.memory_space<vmem>>, vector<16xf32>,
        tpu.vector_store %arg17[%swap3A_719, %swap3A_720], %add3A_716 {strides = array<i32>} : memref<32x16xf32, #tpu.memory_space<vmem>>, vector<16xf32>,
        %swap3A_722 = arith.index_cast %add3A_316 : i32 to index
        %swap3A_723 = arith.constant 0 : index
        %swap3A_724 = tpu.vector_load %arg18[%swap3A_722, %swap3A_723] {strides = array<i32>} : memref<32x16xf32, #tpu.memory_space<vmem>>, vector<16xf32>,
        tpu.vector_store %arg18[%swap3A_722, %swap3A_723], %add3A_718 {strides = array<i32>} : memref<32x16xf32, #tpu.memory_space<vmem>>, vector<16xf32>,
        %add3A_725 = arith.constant 1 : i32
        %add3A_726 = arith.addi %add3A_314, %add3A_725 : i32
        %broadcast_in_dim3A_727 = arith.constant 0.000000e+00 : f32
        %broadcast_in_dim3A_728 = vector.broadcast %broadcast_in_dim3A_727 : f32 to vector<16xf32>
        %broadcast_in_dim3A_729 = arith.constant 0.000000e+00 : f32
        %broadcast_in_dim3A_730 = vector.broadcast %broadcast_in_dim3A_729 : f32 to vector<16xf32>
        %get3A_731 = arith.constant 0 : i32
        %get3A_732 = arith.constant 0 : i32
        %get3A_733 = tpu.memref_slice %arg11[%scan3A_294, %get3A_731, %get3A_732] : memref<2x32x128xf32, #tpu.memory_space<vmem>> -> memref<1x32x128xf32, #tpu.memory_space<vmem>>
        %get3A_734 = tpu.memref_squeeze %get3A_733 : memref<1x32x128xf32, #tpu.memory_space<vmem>> -> memref<32x128xf32, #tpu.memory_space<vmem>>
        %get3A_735 = arith.index_cast %add3A_726 : i32 to index
        %get3A_736 = arith.constant 0 : index
        %get3A_737 = tpu.vector_load %get3A_734[%get3A_735, %get3A_736] {strides = array<i32>} : memref<32x128xf32, #tpu.memory_space<vmem>>, vector<16xf32>,
        %get3A_738 = arith.constant 0 : i32
        %get3A_739 = arith.constant 0 : i32
        %get3A_740 = tpu.memref_slice %arg13[%scan3A_295, %get3A_738, %get3A_739] : memref<2x32x128xf32, #tpu.memory_space<vmem>> -> memref<1x32x128xf32, #tpu.memory_space<vmem>>
        %get3A_741 = tpu.memref_squeeze %get3A_740 : memref<1x32x128xf32, #tpu.memory_space<vmem>> -> memref<32x128xf32, #tpu.memory_space<vmem>>
        %get3A_742 = arith.index_cast %add3A_726 : i32 to index
        %get3A_743 = arith.constant 0 : index
        %get3A_744 = tpu.vector_load %get3A_741[%get3A_742, %get3A_743] {strides = array<i32>} : memref<32x128xf32, #tpu.memory_space<vmem>>, vector<16xf32>,
        %add3A_745 = arith.addf %get3A_737, %get3A_744 : vector<16xf32>
        %get3A_746 = arith.constant 0 : i32
        %get3A_747 = arith.constant 0 : i32
        %get3A_748 = tpu.memref_slice %arg12[%scan3A_296, %get3A_746, %get3A_747] : memref<2x32x128xf32, #tpu.memory_space<vmem>> -> memref<1x32x128xf32, #tpu.memory_space<vmem>>
        %get3A_749 = tpu.memref_squeeze %get3A_748 : memref<1x32x128xf32, #tpu.memory_space<vmem>> -> memref<32x128xf32, #tpu.memory_space<vmem>>
        %get3A_750 = arith.index_cast %add3A_726 : i32 to index
        %get3A_751 = arith.constant 0 : index
        %get3A_752 = tpu.vector_load %get3A_749[%get3A_750, %get3A_751] {strides = array<i32>} : memref<32x128xf32, #tpu.memory_space<vmem>>, vector<16xf32>,
        %sub3A_753 = arith.subf %add3A_745, %get3A_752 : vector<16xf32>
        %get3A_754 = arith.constant 0 : i32
        %get3A_755 = arith.constant 0 : i32
        %get3A_756 = tpu.memref_slice %arg14[%scan3A_297, %get3A_754, %get3A_755] : memref<2x32x128xf32, #tpu.memory_space<vmem>> -> memref<1x32x128xf32, #tpu.memory_space<vmem>>
        %get3A_757 = tpu.memref_squeeze %get3A_756 : memref<1x32x128xf32, #tpu.memory_space<vmem>> -> memref<32x128xf32, #tpu.memory_space<vmem>>
        %get3A_758 = arith.index_cast %add3A_726 : i32 to index
        %get3A_759 = arith.constant 0 : index
        %get3A_760 = tpu.vector_load %get3A_757[%get3A_758, %get3A_759] {strides = array<i32>} : memref<32x128xf32, #tpu.memory_space<vmem>>, vector<16xf32>,
        %get3A_761 = arith.constant 0 : i32
        %get3A_762 = arith.constant 0 : i32
        %get3A_763 = tpu.memref_slice %arg16[%scan3A_298, %get3A_761, %get3A_762] : memref<2x32x128xf32, #tpu.memory_space<vmem>> -> memref<1x32x128xf32, #tpu.memory_space<vmem>>
        %get3A_764 = tpu.memref_squeeze %get3A_763 : memref<1x32x128xf32, #tpu.memory_space<vmem>> -> memref<32x128xf32, #tpu.memory_space<vmem>>
        %get3A_765 = arith.index_cast %add3A_726 : i32 to index
        %get3A_766 = arith.constant 0 : index
        %get3A_767 = tpu.vector_load %get3A_764[%get3A_765, %get3A_766] {strides = array<i32>} : memref<32x128xf32, #tpu.memory_space<vmem>>, vector<16xf32>,
        %add3A_768 = arith.addf %get3A_760, %get3A_767 : vector<16xf32>
        %get3A_769 = arith.constant 0 : i32
        %get3A_770 = arith.constant 0 : i32
        %get3A_771 = tpu.memref_slice %arg15[%scan3A_299, %get3A_769, %get3A_770] : memref<2x32x128xf32, #tpu.memory_space<vmem>> -> memref<1x32x128xf32, #tpu.memory_space<vmem>>
        %get3A_772 = tpu.memref_squeeze %get3A_771 : memref<1x32x128xf32, #tpu.memory_space<vmem>> -> memref<32x128xf32, #tpu.memory_space<vmem>>
        %get3A_773 = arith.index_cast %add3A_726 : i32 to index
        %get3A_774 = arith.constant 0 : index
        %get3A_775 = tpu.vector_load %get3A_772[%get3A_773, %get3A_774] {strides = array<i32>} : memref<32x128xf32, #tpu.memory_space<vmem>>, vector<16xf32>,
        %sub3A_776 = arith.subf %add3A_768, %get3A_775 : vector<16xf32>
        %mul3A_777 = arith.mulf %sub3A_753, %sub3A_753 : vector<16xf32>
        %add3A_778 = arith.addf %broadcast_in_dim3A_728, %mul3A_777 : vector<16xf32>
        %mul3A_779 = arith.mulf %sub3A_776, %sub3A_776 : vector<16xf32>
        %add3A_780 = arith.addf %broadcast_in_dim3A_730, %mul3A_779 : vector<16xf32>
        %get3A_781 = arith.constant 0 : i32
        %get3A_782 = arith.constant 0 : i32
        %get3A_783 = tpu.memref_slice %arg11[%scan3A_294, %get3A_781, %get3A_782] : memref<2x32x128xf32, #tpu.memory_space<vmem>> -> memref<1x32x128xf32, #tpu.memory_space<vmem>>
        %get3A_784 = tpu.memref_squeeze %get3A_783 : memref<1x32x128xf32, #tpu.memory_space<vmem>> -> memref<32x128xf32, #tpu.memory_space<vmem>>
        %get3A_785 = arith.index_cast %add3A_726 : i32 to index
        %get3A_786 = arith.constant 16 : index
        %get3A_787 = tpu.vector_load %get3A_784[%get3A_785, %get3A_786] {strides = array<i32>} : memref<32x128xf32, #tpu.memory_space<vmem>>, vector<16xf32>,
        %get3A_788 = arith.constant 0 : i32
        %get3A_789 = arith.constant 0 : i32
        %get3A_790 = tpu.memref_slice %arg13[%scan3A_295, %get3A_788, %get3A_789] : memref<2x32x128xf32, #tpu.memory_space<vmem>> -> memref<1x32x128xf32, #tpu.memory_space<vmem>>
        %get3A_791 = tpu.memref_squeeze %get3A_790 : memref<1x32x128xf32, #tpu.memory_space<vmem>> -> memref<32x128xf32, #tpu.memory_space<vmem>>
        %get3A_792 = arith.index_cast %add3A_726 : i32 to index
        %get3A_793 = arith.constant 16 : index
        %get3A_794 = tpu.vector_load %get3A_791[%get3A_792, %get3A_793] {strides = array<i32>} : memref<32x128xf32, #tpu.memory_space<vmem>>, vector<16xf32>,
        %add3A_795 = arith.addf %get3A_787, %get3A_794 : vector<16xf32>
        %get3A_796 = arith.constant 0 : i32
        %get3A_797 = arith.constant 0 : i32
        %get3A_798 = tpu.memref_slice %arg12[%scan3A_296, %get3A_796, %get3A_797] : memref<2x32x128xf32, #tpu.memory_space<vmem>> -> memref<1x32x128xf32, #tpu.memory_space<vmem>>
        %get3A_799 = tpu.memref_squeeze %get3A_798 : memref<1x32x128xf32, #tpu.memory_space<vmem>> -> memref<32x128xf32, #tpu.memory_space<vmem>>
        %get3A_800 = arith.index_cast %add3A_726 : i32 to index
        %get3A_801 = arith.constant 16 : index
        %get3A_802 = tpu.vector_load %get3A_799[%get3A_800, %get3A_801] {strides = array<i32>} : memref<32x128xf32, #tpu.memory_space<vmem>>, vector<16xf32>,
        %sub3A_803 = arith.subf %add3A_795, %get3A_802 : vector<16xf32>
        %get3A_804 = arith.constant 0 : i32
        %get3A_805 = arith.constant 0 : i32
        %get3A_806 = tpu.memref_slice %arg14[%scan3A_297, %get3A_804, %get3A_805] : memref<2x32x128xf32, #tpu.memory_space<vmem>> -> memref<1x32x128xf32, #tpu.memory_space<vmem>>
        %get3A_807 = tpu.memref_squeeze %get3A_806 : memref<1x32x128xf32, #tpu.memory_space<vmem>> -> memref<32x128xf32, #tpu.memory_space<vmem>>
        %get3A_808 = arith.index_cast %add3A_726 : i32 to index
        %get3A_809 = arith.constant 16 : index
        %get3A_810 = tpu.vector_load %get3A_807[%get3A_808, %get3A_809] {strides = array<i32>} : memref<32x128xf32, #tpu.memory_space<vmem>>, vector<16xf32>,
        %get3A_811 = arith.constant 0 : i32
        %get3A_812 = arith.constant 0 : i32
        %get3A_813 = tpu.memref_slice %arg16[%scan3A_298, %get3A_811, %get3A_812] : memref<2x32x128xf32, #tpu.memory_space<vmem>> -> memref<1x32x128xf32, #tpu.memory_space<vmem>>
        %get3A_814 = tpu.memref_squeeze %get3A_813 : memref<1x32x128xf32, #tpu.memory_space<vmem>> -> memref<32x128xf32, #tpu.memory_space<vmem>>
        %get3A_815 = arith.index_cast %add3A_726 : i32 to index
        %get3A_816 = arith.constant 16 : index
        %get3A_817 = tpu.vector_load %get3A_814[%get3A_815, %get3A_816] {strides = array<i32>} : memref<32x128xf32, #tpu.memory_space<vmem>>, vector<16xf32>,
        %add3A_818 = arith.addf %get3A_810, %get3A_817 : vector<16xf32>
        %get3A_819 = arith.constant 0 : i32
        %get3A_820 = arith.constant 0 : i32
        %get3A_821 = tpu.memref_slice %arg15[%scan3A_299, %get3A_819, %get3A_820] : memref<2x32x128xf32, #tpu.memory_space<vmem>> -> memref<1x32x128xf32, #tpu.memory_space<vmem>>
        %get3A_822 = tpu.memref_squeeze %get3A_821 : memref<1x32x128xf32, #tpu.memory_space<vmem>> -> memref<32x128xf32, #tpu.memory_space<vmem>>
        %get3A_823 = arith.index_cast %add3A_726 : i32 to index
        %get3A_824 = arith.constant 16 : index
        %get3A_825 = tpu.vector_load %get3A_822[%get3A_823, %get3A_824] {strides = array<i32>} : memref<32x128xf32, #tpu.memory_space<vmem>>, vector<16xf32>,
        %sub3A_826 = arith.subf %add3A_818, %get3A_825 : vector<16xf32>
        %mul3A_827 = arith.mulf %sub3A_803, %sub3A_803 : vector<16xf32>
        %add3A_828 = arith.addf %add3A_778, %mul3A_827 : vector<16xf32>
        %mul3A_829 = arith.mulf %sub3A_826, %sub3A_826 : vector<16xf32>
        %add3A_830 = arith.addf %add3A_780, %mul3A_829 : vector<16xf32>
        %get3A_831 = arith.constant 0 : i32
        %get3A_832 = arith.constant 0 : i32
        %get3A_833 = tpu.memref_slice %arg11[%scan3A_294, %get3A_831, %get3A_832] : memref<2x32x128xf32, #tpu.memory_space<vmem>> -> memref<1x32x128xf32, #tpu.memory_space<vmem>>
        %get3A_834 = tpu.memref_squeeze %get3A_833 : memref<1x32x128xf32, #tpu.memory_space<vmem>> -> memref<32x128xf32, #tpu.memory_space<vmem>>
        %get3A_835 = arith.index_cast %add3A_726 : i32 to index
        %get3A_836 = arith.constant 32 : index
        %get3A_837 = tpu.vector_load %get3A_834[%get3A_835, %get3A_836] {strides = array<i32>} : memref<32x128xf32, #tpu.memory_space<vmem>>, vector<16xf32>,
        %get3A_838 = arith.constant 0 : i32
        %get3A_839 = arith.constant 0 : i32
        %get3A_840 = tpu.memref_slice %arg13[%scan3A_295, %get3A_838, %get3A_839] : memref<2x32x128xf32, #tpu.memory_space<vmem>> -> memref<1x32x128xf32, #tpu.memory_space<vmem>>
        %get3A_841 = tpu.memref_squeeze %get3A_840 : memref<1x32x128xf32, #tpu.memory_space<vmem>> -> memref<32x128xf32, #tpu.memory_space<vmem>>
        %get3A_842 = arith.index_cast %add3A_726 : i32 to index
        %get3A_843 = arith.constant 32 : index
        %get3A_844 = tpu.vector_load %get3A_841[%get3A_842, %get3A_843] {strides = array<i32>} : memref<32x128xf32, #tpu.memory_space<vmem>>, vector<16xf32>,
        %add3A_845 = arith.addf %get3A_837, %get3A_844 : vector<16xf32>
        %get3A_846 = arith.constant 0 : i32
        %get3A_847 = arith.constant 0 : i32
        %get3A_848 = tpu.memref_slice %arg12[%scan3A_296, %get3A_846, %get3A_847] : memref<2x32x128xf32, #tpu.memory_space<vmem>> -> memref<1x32x128xf32, #tpu.memory_space<vmem>>
        %get3A_849 = tpu.memref_squeeze %get3A_848 : memref<1x32x128xf32, #tpu.memory_space<vmem>> -> memref<32x128xf32, #tpu.memory_space<vmem>>
        %get3A_850 = arith.index_cast %add3A_726 : i32 to index
        %get3A_851 = arith.constant 32 : index
        %get3A_852 = tpu.vector_load %get3A_849[%get3A_850, %get3A_851] {strides = array<i32>} : memref<32x128xf32, #tpu.memory_space<vmem>>, vector<16xf32>,
        %sub3A_853 = arith.subf %add3A_845, %get3A_852 : vector<16xf32>
        %get3A_854 = arith.constant 0 : i32
        %get3A_855 = arith.constant 0 : i32
        %get3A_856 = tpu.memref_slice %arg14[%scan3A_297, %get3A_854, %get3A_855] : memref<2x32x128xf32, #tpu.memory_space<vmem>> -> memref<1x32x128xf32, #tpu.memory_space<vmem>>
        %get3A_857 = tpu.memref_squeeze %get3A_856 : memref<1x32x128xf32, #tpu.memory_space<vmem>> -> memref<32x128xf32, #tpu.memory_space<vmem>>
        %get3A_858 = arith.index_cast %add3A_726 : i32 to index
        %get3A_859 = arith.constant 32 : index
        %get3A_860 = tpu.vector_load %get3A_857[%get3A_858, %get3A_859] {strides = array<i32>} : memref<32x128xf32, #tpu.memory_space<vmem>>, vector<16xf32>,
        %get3A_861 = arith.constant 0 : i32
        %get3A_862 = arith.constant 0 : i32
        %get3A_863 = tpu.memref_slice %arg16[%scan3A_298, %get3A_861, %get3A_862] : memref<2x32x128xf32, #tpu.memory_space<vmem>> -> memref<1x32x128xf32, #tpu.memory_space<vmem>>
        %get3A_864 = tpu.memref_squeeze %get3A_863 : memref<1x32x128xf32, #tpu.memory_space<vmem>> -> memref<32x128xf32, #tpu.memory_space<vmem>>
        %get3A_865 = arith.index_cast %add3A_726 : i32 to index
        %get3A_866 = arith.constant 32 : index
        %get3A_867 = tpu.vector_load %get3A_864[%get3A_865, %get3A_866] {strides = array<i32>} : memref<32x128xf32, #tpu.memory_space<vmem>>, vector<16xf32>,
        %add3A_868 = arith.addf %get3A_860, %get3A_867 : vector<16xf32>
        %get3A_869 = arith.constant 0 : i32
        %get3A_870 = arith.constant 0 : i32
        %get3A_871 = tpu.memref_slice %arg15[%scan3A_299, %get3A_869, %get3A_870] : memref<2x32x128xf32, #tpu.memory_space<vmem>> -> memref<1x32x128xf32, #tpu.memory_space<vmem>>
        %get3A_872 = tpu.memref_squeeze %get3A_871 : memref<1x32x128xf32, #tpu.memory_space<vmem>> -> memref<32x128xf32, #tpu.memory_space<vmem>>
        %get3A_873 = arith.index_cast %add3A_726 : i32 to index
        %get3A_874 = arith.constant 32 : index
        %get3A_875 = tpu.vector_load %get3A_872[%get3A_873, %get3A_874] {strides = array<i32>} : memref<32x128xf32, #tpu.memory_space<vmem>>, vector<16xf32>,
        %sub3A_876 = arith.subf %add3A_868, %get3A_875 : vector<16xf32>
        %mul3A_877 = arith.mulf %sub3A_853, %sub3A_853 : vector<16xf32>
        %add3A_878 = arith.addf %add3A_828, %mul3A_877 : vector<16xf32>
        %mul3A_879 = arith.mulf %sub3A_876, %sub3A_876 : vector<16xf32>
        %add3A_880 = arith.addf %add3A_830, %mul3A_879 : vector<16xf32>
        %get3A_881 = arith.constant 0 : i32
        %get3A_882 = arith.constant 0 : i32
        %get3A_883 = tpu.memref_slice %arg11[%scan3A_294, %get3A_881, %get3A_882] : memref<2x32x128xf32, #tpu.memory_space<vmem>> -> memref<1x32x128xf32, #tpu.memory_space<vmem>>
        %get3A_884 = tpu.memref_squeeze %get3A_883 : memref<1x32x128xf32, #tpu.memory_space<vmem>> -> memref<32x128xf32, #tpu.memory_space<vmem>>
        %get3A_885 = arith.index_cast %add3A_726 : i32 to index
        %get3A_886 = arith.constant 48 : index
        %get3A_887 = tpu.vector_load %get3A_884[%get3A_885, %get3A_886] {strides = array<i32>} : memref<32x128xf32, #tpu.memory_space<vmem>>, vector<16xf32>,
        %get3A_888 = arith.constant 0 : i32
        %get3A_889 = arith.constant 0 : i32
        %get3A_890 = tpu.memref_slice %arg13[%scan3A_295, %get3A_888, %get3A_889] : memref<2x32x128xf32, #tpu.memory_space<vmem>> -> memref<1x32x128xf32, #tpu.memory_space<vmem>>
        %get3A_891 = tpu.memref_squeeze %get3A_890 : memref<1x32x128xf32, #tpu.memory_space<vmem>> -> memref<32x128xf32, #tpu.memory_space<vmem>>
        %get3A_892 = arith.index_cast %add3A_726 : i32 to index
        %get3A_893 = arith.constant 48 : index
        %get3A_894 = tpu.vector_load %get3A_891[%get3A_892, %get3A_893] {strides = array<i32>} : memref<32x128xf32, #tpu.memory_space<vmem>>, vector<16xf32>,
        %add3A_895 = arith.addf %get3A_887, %get3A_894 : vector<16xf32>
        %get3A_896 = arith.constant 0 : i32
        %get3A_897 = arith.constant 0 : i32
        %get3A_898 = tpu.memref_slice %arg12[%scan3A_296, %get3A_896, %get3A_897] : memref<2x32x128xf32, #tpu.memory_space<vmem>> -> memref<1x32x128xf32, #tpu.memory_space<vmem>>
        %get3A_899 = tpu.memref_squeeze %get3A_898 : memref<1x32x128xf32, #tpu.memory_space<vmem>> -> memref<32x128xf32, #tpu.memory_space<vmem>>
        %get3A_900 = arith.index_cast %add3A_726 : i32 to index
        %get3A_901 = arith.constant 48 : index
        %get3A_902 = tpu.vector_load %get3A_899[%get3A_900, %get3A_901] {strides = array<i32>} : memref<32x128xf32, #tpu.memory_space<vmem>>, vector<16xf32>,
        %sub3A_903 = arith.subf %add3A_895, %get3A_902 : vector<16xf32>
        %get3A_904 = arith.constant 0 : i32
        %get3A_905 = arith.constant 0 : i32
        %get3A_906 = tpu.memref_slice %arg14[%scan3A_297, %get3A_904, %get3A_905] : memref<2x32x128xf32, #tpu.memory_space<vmem>> -> memref<1x32x128xf32, #tpu.memory_space<vmem>>
        %get3A_907 = tpu.memref_squeeze %get3A_906 : memref<1x32x128xf32, #tpu.memory_space<vmem>> -> memref<32x128xf32, #tpu.memory_space<vmem>>
        %get3A_908 = arith.index_cast %add3A_726 : i32 to index
        %get3A_909 = arith.constant 48 : index
        %get3A_910 = tpu.vector_load %get3A_907[%get3A_908, %get3A_909] {strides = array<i32>} : memref<32x128xf32, #tpu.memory_space<vmem>>, vector<16xf32>,
        %get3A_911 = arith.constant 0 : i32
        %get3A_912 = arith.constant 0 : i32
        %get3A_913 = tpu.memref_slice %arg16[%scan3A_298, %get3A_911, %get3A_912] : memref<2x32x128xf32, #tpu.memory_space<vmem>> -> memref<1x32x128xf32, #tpu.memory_space<vmem>>
        %get3A_914 = tpu.memref_squeeze %get3A_913 : memref<1x32x128xf32, #tpu.memory_space<vmem>> -> memref<32x128xf32, #tpu.memory_space<vmem>>
        %get3A_915 = arith.index_cast %add3A_726 : i32 to index
        %get3A_916 = arith.constant 48 : index
        %get3A_917 = tpu.vector_load %get3A_914[%get3A_915, %get3A_916] {strides = array<i32>} : memref<32x128xf32, #tpu.memory_space<vmem>>, vector<16xf32>,
        %add3A_918 = arith.addf %get3A_910, %get3A_917 : vector<16xf32>
        %get3A_919 = arith.constant 0 : i32
        %get3A_920 = arith.constant 0 : i32
        %get3A_921 = tpu.memref_slice %arg15[%scan3A_299, %get3A_919, %get3A_920] : memref<2x32x128xf32, #tpu.memory_space<vmem>> -> memref<1x32x128xf32, #tpu.memory_space<vmem>>
        %get3A_922 = tpu.memref_squeeze %get3A_921 : memref<1x32x128xf32, #tpu.memory_space<vmem>> -> memref<32x128xf32, #tpu.memory_space<vmem>>
        %get3A_923 = arith.index_cast %add3A_726 : i32 to index
        %get3A_924 = arith.constant 48 : index
        %get3A_925 = tpu.vector_load %get3A_922[%get3A_923, %get3A_924] {strides = array<i32>} : memref<32x128xf32, #tpu.memory_space<vmem>>, vector<16xf32>,
        %sub3A_926 = arith.subf %add3A_918, %get3A_925 : vector<16xf32>
        %mul3A_927 = arith.mulf %sub3A_903, %sub3A_903 : vector<16xf32>
        %add3A_928 = arith.addf %add3A_878, %mul3A_927 : vector<16xf32>
        %mul3A_929 = arith.mulf %sub3A_926, %sub3A_926 : vector<16xf32>
        %add3A_930 = arith.addf %add3A_880, %mul3A_929 : vector<16xf32>
        %get3A_931 = arith.constant 0 : i32
        %get3A_932 = arith.constant 0 : i32
        %get3A_933 = tpu.memref_slice %arg11[%scan3A_294, %get3A_931, %get3A_932] : memref<2x32x128xf32, #tpu.memory_space<vmem>> -> memref<1x32x128xf32, #tpu.memory_space<vmem>>
        %get3A_934 = tpu.memref_squeeze %get3A_933 : memref<1x32x128xf32, #tpu.memory_space<vmem>> -> memref<32x128xf32, #tpu.memory_space<vmem>>
        %get3A_935 = arith.index_cast %add3A_726 : i32 to index
        %get3A_936 = arith.constant 64 : index
        %get3A_937 = tpu.vector_load %get3A_934[%get3A_935, %get3A_936] {strides = array<i32>} : memref<32x128xf32, #tpu.memory_space<vmem>>, vector<16xf32>,
        %get3A_938 = arith.constant 0 : i32
        %get3A_939 = arith.constant 0 : i32
        %get3A_940 = tpu.memref_slice %arg13[%scan3A_295, %get3A_938, %get3A_939] : memref<2x32x128xf32, #tpu.memory_space<vmem>> -> memref<1x32x128xf32, #tpu.memory_space<vmem>>
        %get3A_941 = tpu.memref_squeeze %get3A_940 : memref<1x32x128xf32, #tpu.memory_space<vmem>> -> memref<32x128xf32, #tpu.memory_space<vmem>>
        %get3A_942 = arith.index_cast %add3A_726 : i32 to index
        %get3A_943 = arith.constant 64 : index
        %get3A_944 = tpu.vector_load %get3A_941[%get3A_942, %get3A_943] {strides = array<i32>} : memref<32x128xf32, #tpu.memory_space<vmem>>, vector<16xf32>,
        %add3A_945 = arith.addf %get3A_937, %get3A_944 : vector<16xf32>
        %get3A_946 = arith.constant 0 : i32
        %get3A_947 = arith.constant 0 : i32
        %get3A_948 = tpu.memref_slice %arg12[%scan3A_296, %get3A_946, %get3A_947] : memref<2x32x128xf32, #tpu.memory_space<vmem>> -> memref<1x32x128xf32, #tpu.memory_space<vmem>>
        %get3A_949 = tpu.memref_squeeze %get3A_948 : memref<1x32x128xf32, #tpu.memory_space<vmem>> -> memref<32x128xf32, #tpu.memory_space<vmem>>
        %get3A_950 = arith.index_cast %add3A_726 : i32 to index
        %get3A_951 = arith.constant 64 : index
        %get3A_952 = tpu.vector_load %get3A_949[%get3A_950, %get3A_951] {strides = array<i32>} : memref<32x128xf32, #tpu.memory_space<vmem>>, vector<16xf32>,
        %sub3A_953 = arith.subf %add3A_945, %get3A_952 : vector<16xf32>
        %get3A_954 = arith.constant 0 : i32
        %get3A_955 = arith.constant 0 : i32
        %get3A_956 = tpu.memref_slice %arg14[%scan3A_297, %get3A_954, %get3A_955] : memref<2x32x128xf32, #tpu.memory_space<vmem>> -> memref<1x32x128xf32, #tpu.memory_space<vmem>>
        %get3A_957 = tpu.memref_squeeze %get3A_956 : memref<1x32x128xf32, #tpu.memory_space<vmem>> -> memref<32x128xf32, #tpu.memory_space<vmem>>
        %get3A_958 = arith.index_cast %add3A_726 : i32 to index
        %get3A_959 = arith.constant 64 : index
        %get3A_960 = tpu.vector_load %get3A_957[%get3A_958, %get3A_959] {strides = array<i32>} : memref<32x128xf32, #tpu.memory_space<vmem>>, vector<16xf32>,
        %get3A_961 = arith.constant 0 : i32
        %get3A_962 = arith.constant 0 : i32
        %get3A_963 = tpu.memref_slice %arg16[%scan3A_298, %get3A_961, %get3A_962] : memref<2x32x128xf32, #tpu.memory_space<vmem>> -> memref<1x32x128xf32, #tpu.memory_space<vmem>>
        %get3A_964 = tpu.memref_squeeze %get3A_963 : memref<1x32x128xf32, #tpu.memory_space<vmem>> -> memref<32x128xf32, #tpu.memory_space<vmem>>
        %get3A_965 = arith.index_cast %add3A_726 : i32 to index
        %get3A_966 = arith.constant 64 : index
        %get3A_967 = tpu.vector_load %get3A_964[%get3A_965, %get3A_966] {strides = array<i32>} : memref<32x128xf32, #tpu.memory_space<vmem>>, vector<16xf32>,
        %add3A_968 = arith.addf %get3A_960, %get3A_967 : vector<16xf32>
        %get3A_969 = arith.constant 0 : i32
        %get3A_970 = arith.constant 0 : i32
        %get3A_971 = tpu.memref_slice %arg15[%scan3A_299, %get3A_969, %get3A_970] : memref<2x32x128xf32, #tpu.memory_space<vmem>> -> memref<1x32x128xf32, #tpu.memory_space<vmem>>
        %get3A_972 = tpu.memref_squeeze %get3A_971 : memref<1x32x128xf32, #tpu.memory_space<vmem>> -> memref<32x128xf32, #tpu.memory_space<vmem>>
        %get3A_973 = arith.index_cast %add3A_726 : i32 to index
        %get3A_974 = arith.constant 64 : index
        %get3A_975 = tpu.vector_load %get3A_972[%get3A_973, %get3A_974] {strides = array<i32>} : memref<32x128xf32, #tpu.memory_space<vmem>>, vector<16xf32>,
        %sub3A_976 = arith.subf %add3A_968, %get3A_975 : vector<16xf32>
        %mul3A_977 = arith.mulf %sub3A_953, %sub3A_953 : vector<16xf32>
        %add3A_978 = arith.addf %add3A_928, %mul3A_977 : vector<16xf32>
        %mul3A_979 = arith.mulf %sub3A_976, %sub3A_976 : vector<16xf32>
        %add3A_980 = arith.addf %add3A_930, %mul3A_979 : vector<16xf32>
        %get3A_981 = arith.constant 0 : i32
        %get3A_982 = arith.constant 0 : i32
        %get3A_983 = tpu.memref_slice %arg11[%scan3A_294, %get3A_981, %get3A_982] : memref<2x32x128xf32, #tpu.memory_space<vmem>> -> memref<1x32x128xf32, #tpu.memory_space<vmem>>
        %get3A_984 = tpu.memref_squeeze %get3A_983 : memref<1x32x128xf32, #tpu.memory_space<vmem>> -> memref<32x128xf32, #tpu.memory_space<vmem>>
        %get3A_985 = arith.index_cast %add3A_726 : i32 to index
        %get3A_986 = arith.constant 80 : index
        %get3A_987 = tpu.vector_load %get3A_984[%get3A_985, %get3A_986] {strides = array<i32>} : memref<32x128xf32, #tpu.memory_space<vmem>>, vector<16xf32>,
        %get3A_988 = arith.constant 0 : i32
        %get3A_989 = arith.constant 0 : i32
        %get3A_990 = tpu.memref_slice %arg13[%scan3A_295, %get3A_988, %get3A_989] : memref<2x32x128xf32, #tpu.memory_space<vmem>> -> memref<1x32x128xf32, #tpu.memory_space<vmem>>
        %get3A_991 = tpu.memref_squeeze %get3A_990 : memref<1x32x128xf32, #tpu.memory_space<vmem>> -> memref<32x128xf32, #tpu.memory_space<vmem>>
        %get3A_992 = arith.index_cast %add3A_726 : i32 to index
        %get3A_993 = arith.constant 80 : index
        %get3A_994 = tpu.vector_load %get3A_991[%get3A_992, %get3A_993] {strides = array<i32>} : memref<32x128xf32, #tpu.memory_space<vmem>>, vector<16xf32>,
        %add3A_995 = arith.addf %get3A_987, %get3A_994 : vector<16xf32>
        %get3A_996 = arith.constant 0 : i32
        %get3A_997 = arith.constant 0 : i32
        %get3A_998 = tpu.memref_slice %arg12[%scan3A_296, %get3A_996, %get3A_997] : memref<2x32x128xf32, #tpu.memory_space<vmem>> -> memref<1x32x128xf32, #tpu.memory_space<vmem>>
        %get3A_999 = tpu.memref_squeeze %get3A_998 : memref<1x32x128xf32, #tpu.memory_space<vmem>> -> memref<32x128xf32, #tpu.memory_space<vmem>>
        %get3A_1000 = arith.index_cast %add3A_726 : i32 to index
        %get3A_1001 = arith.constant 80 : index
        %get3A_1002 = tpu.vector_load %get3A_999[%get3A_1000, %get3A_1001] {strides = array<i32>} : memref<32x128xf32, #tpu.memory_space<vmem>>, vector<16xf32>,
        %sub3A_1003 = arith.subf %add3A_995, %get3A_1002 : vector<16xf32>
        %get3A_1004 = arith.constant 0 : i32
        %get3A_1005 = arith.constant 0 : i32
        %get3A_1006 = tpu.memref_slice %arg14[%scan3A_297, %get3A_1004, %get3A_1005] : memref<2x32x128xf32, #tpu.memory_space<vmem>> -> memref<1x32x128xf32, #tpu.memory_space<vmem>>
        %get3A_1007 = tpu.memref_squeeze %get3A_1006 : memref<1x32x128xf32, #tpu.memory_space<vmem>> -> memref<32x128xf32, #tpu.memory_space<vmem>>
        %get3A_1008 = arith.index_cast %add3A_726 : i32 to index
        %get3A_1009 = arith.constant 80 : index
        %get3A_1010 = tpu.vector_load %get3A_1007[%get3A_1008, %get3A_1009] {strides = array<i32>} : memref<32x128xf32, #tpu.memory_space<vmem>>, vector<16xf32>,
        %get3A_1011 = arith.constant 0 : i32
        %get3A_1012 = arith.constant 0 : i32
        %get3A_1013 = tpu.memref_slice %arg16[%scan3A_298, %get3A_1011, %get3A_1012] : memref<2x32x128xf32, #tpu.memory_space<vmem>> -> memref<1x32x128xf32, #tpu.memory_space<vmem>>
        %get3A_1014 = tpu.memref_squeeze %get3A_1013 : memref<1x32x128xf32, #tpu.memory_space<vmem>> -> memref<32x128xf32, #tpu.memory_space<vmem>>
        %get3A_1015 = arith.index_cast %add3A_726 : i32 to index
        %get3A_1016 = arith.constant 80 : index
        %get3A_1017 = tpu.vector_load %get3A_1014[%get3A_1015, %get3A_1016] {strides = array<i32>} : memref<32x128xf32, #tpu.memory_space<vmem>>, vector<16xf32>,
        %add3A_1018 = arith.addf %get3A_1010, %get3A_1017 : vector<16xf32>
        %get3A_1019 = arith.constant 0 : i32
        %get3A_1020 = arith.constant 0 : i32
        %get3A_1021 = tpu.memref_slice %arg15[%scan3A_299, %get3A_1019, %get3A_1020] : memref<2x32x128xf32, #tpu.memory_space<vmem>> -> memref<1x32x128xf32, #tpu.memory_space<vmem>>
        %get3A_1022 = tpu.memref_squeeze %get3A_1021 : memref<1x32x128xf32, #tpu.memory_space<vmem>> -> memref<32x128xf32, #tpu.memory_space<vmem>>
        %get3A_1023 = arith.index_cast %add3A_726 : i32 to index
        %get3A_1024 = arith.constant 80 : index
        %get3A_1025 = tpu.vector_load %get3A_1022[%get3A_1023, %get3A_1024] {strides = array<i32>} : memref<32x128xf32, #tpu.memory_space<vmem>>, vector<16xf32>,
        %sub3A_1026 = arith.subf %add3A_1018, %get3A_1025 : vector<16xf32>
        %mul3A_1027 = arith.mulf %sub3A_1003, %sub3A_1003 : vector<16xf32>
        %add3A_1028 = arith.addf %add3A_978, %mul3A_1027 : vector<16xf32>
        %mul3A_1029 = arith.mulf %sub3A_1026, %sub3A_1026 : vector<16xf32>
        %add3A_1030 = arith.addf %add3A_980, %mul3A_1029 : vector<16xf32>
        %get3A_1031 = arith.constant 0 : i32
        %get3A_1032 = arith.constant 0 : i32
        %get3A_1033 = tpu.memref_slice %arg11[%scan3A_294, %get3A_1031, %get3A_1032] : memref<2x32x128xf32, #tpu.memory_space<vmem>> -> memref<1x32x128xf32, #tpu.memory_space<vmem>>
        %get3A_1034 = tpu.memref_squeeze %get3A_1033 : memref<1x32x128xf32, #tpu.memory_space<vmem>> -> memref<32x128xf32, #tpu.memory_space<vmem>>
        %get3A_1035 = arith.index_cast %add3A_726 : i32 to index
        %get3A_1036 = arith.constant 96 : index
        %get3A_1037 = tpu.vector_load %get3A_1034[%get3A_1035, %get3A_1036] {strides = array<i32>} : memref<32x128xf32, #tpu.memory_space<vmem>>, vector<16xf32>,
        %get3A_1038 = arith.constant 0 : i32
        %get3A_1039 = arith.constant 0 : i32
        %get3A_1040 = tpu.memref_slice %arg13[%scan3A_295, %get3A_1038, %get3A_1039] : memref<2x32x128xf32, #tpu.memory_space<vmem>> -> memref<1x32x128xf32, #tpu.memory_space<vmem>>
        %get3A_1041 = tpu.memref_squeeze %get3A_1040 : memref<1x32x128xf32, #tpu.memory_space<vmem>> -> memref<32x128xf32, #tpu.memory_space<vmem>>
        %get3A_1042 = arith.index_cast %add3A_726 : i32 to index
        %get3A_1043 = arith.constant 96 : index
        %get3A_1044 = tpu.vector_load %get3A_1041[%get3A_1042, %get3A_1043] {strides = array<i32>} : memref<32x128xf32, #tpu.memory_space<vmem>>, vector<16xf32>,
        %add3A_1045 = arith.addf %get3A_1037, %get3A_1044 : vector<16xf32>
        %get3A_1046 = arith.constant 0 : i32
        %get3A_1047 = arith.constant 0 : i32
        %get3A_1048 = tpu.memref_slice %arg12[%scan3A_296, %get3A_1046, %get3A_1047] : memref<2x32x128xf32, #tpu.memory_space<vmem>> -> memref<1x32x128xf32, #tpu.memory_space<vmem>>
        %get3A_1049 = tpu.memref_squeeze %get3A_1048 : memref<1x32x128xf32, #tpu.memory_space<vmem>> -> memref<32x128xf32, #tpu.memory_space<vmem>>
        %get3A_1050 = arith.index_cast %add3A_726 : i32 to index
        %get3A_1051 = arith.constant 96 : index
        %get3A_1052 = tpu.vector_load %get3A_1049[%get3A_1050, %get3A_1051] {strides = array<i32>} : memref<32x128xf32, #tpu.memory_space<vmem>>, vector<16xf32>,
        %sub3A_1053 = arith.subf %add3A_1045, %get3A_1052 : vector<16xf32>
        %get3A_1054 = arith.constant 0 : i32
        %get3A_1055 = arith.constant 0 : i32
        %get3A_1056 = tpu.memref_slice %arg14[%scan3A_297, %get3A_1054, %get3A_1055] : memref<2x32x128xf32, #tpu.memory_space<vmem>> -> memref<1x32x128xf32, #tpu.memory_space<vmem>>
        %get3A_1057 = tpu.memref_squeeze %get3A_1056 : memref<1x32x128xf32, #tpu.memory_space<vmem>> -> memref<32x128xf32, #tpu.memory_space<vmem>>
        %get3A_1058 = arith.index_cast %add3A_726 : i32 to index
        %get3A_1059 = arith.constant 96 : index
        %get3A_1060 = tpu.vector_load %get3A_1057[%get3A_1058, %get3A_1059] {strides = array<i32>} : memref<32x128xf32, #tpu.memory_space<vmem>>, vector<16xf32>,
        %get3A_1061 = arith.constant 0 : i32
        %get3A_1062 = arith.constant 0 : i32
        %get3A_1063 = tpu.memref_slice %arg16[%scan3A_298, %get3A_1061, %get3A_1062] : memref<2x32x128xf32, #tpu.memory_space<vmem>> -> memref<1x32x128xf32, #tpu.memory_space<vmem>>
        %get3A_1064 = tpu.memref_squeeze %get3A_1063 : memref<1x32x128xf32, #tpu.memory_space<vmem>> -> memref<32x128xf32, #tpu.memory_space<vmem>>
        %get3A_1065 = arith.index_cast %add3A_726 : i32 to index
        %get3A_1066 = arith.constant 96 : index
        %get3A_1067 = tpu.vector_load %get3A_1064[%get3A_1065, %get3A_1066] {strides = array<i32>} : memref<32x128xf32, #tpu.memory_space<vmem>>, vector<16xf32>,
        %add3A_1068 = arith.addf %get3A_1060, %get3A_1067 : vector<16xf32>
        %get3A_1069 = arith.constant 0 : i32
        %get3A_1070 = arith.constant 0 : i32
        %get3A_1071 = tpu.memref_slice %arg15[%scan3A_299, %get3A_1069, %get3A_1070] : memref<2x32x128xf32, #tpu.memory_space<vmem>> -> memref<1x32x128xf32, #tpu.memory_space<vmem>>
        %get3A_1072 = tpu.memref_squeeze %get3A_1071 : memref<1x32x128xf32, #tpu.memory_space<vmem>> -> memref<32x128xf32, #tpu.memory_space<vmem>>
        %get3A_1073 = arith.index_cast %add3A_726 : i32 to index
        %get3A_1074 = arith.constant 96 : index
        %get3A_1075 = tpu.vector_load %get3A_1072[%get3A_1073, %get3A_1074] {strides = array<i32>} : memref<32x128xf32, #tpu.memory_space<vmem>>, vector<16xf32>,
        %sub3A_1076 = arith.subf %add3A_1068, %get3A_1075 : vector<16xf32>
        %mul3A_1077 = arith.mulf %sub3A_1053, %sub3A_1053 : vector<16xf32>
        %add3A_1078 = arith.addf %add3A_1028, %mul3A_1077 : vector<16xf32>
        %mul3A_1079 = arith.mulf %sub3A_1076, %sub3A_1076 : vector<16xf32>
        %add3A_1080 = arith.addf %add3A_1030, %mul3A_1079 : vector<16xf32>
        %get3A_1081 = arith.constant 0 : i32
        %get3A_1082 = arith.constant 0 : i32
        %get3A_1083 = tpu.memref_slice %arg11[%scan3A_294, %get3A_1081, %get3A_1082] : memref<2x32x128xf32, #tpu.memory_space<vmem>> -> memref<1x32x128xf32, #tpu.memory_space<vmem>>
        %get3A_1084 = tpu.memref_squeeze %get3A_1083 : memref<1x32x128xf32, #tpu.memory_space<vmem>> -> memref<32x128xf32, #tpu.memory_space<vmem>>
        %get3A_1085 = arith.index_cast %add3A_726 : i32 to index
        %get3A_1086 = arith.constant 112 : index
        %get3A_1087 = tpu.vector_load %get3A_1084[%get3A_1085, %get3A_1086] {strides = array<i32>} : memref<32x128xf32, #tpu.memory_space<vmem>>, vector<16xf32>,
        %get3A_1088 = arith.constant 0 : i32
        %get3A_1089 = arith.constant 0 : i32
        %get3A_1090 = tpu.memref_slice %arg13[%scan3A_295, %get3A_1088, %get3A_1089] : memref<2x32x128xf32, #tpu.memory_space<vmem>> -> memref<1x32x128xf32, #tpu.memory_space<vmem>>
        %get3A_1091 = tpu.memref_squeeze %get3A_1090 : memref<1x32x128xf32, #tpu.memory_space<vmem>> -> memref<32x128xf32, #tpu.memory_space<vmem>>
        %get3A_1092 = arith.index_cast %add3A_726 : i32 to index
        %get3A_1093 = arith.constant 112 : index
        %get3A_1094 = tpu.vector_load %get3A_1091[%get3A_1092, %get3A_1093] {strides = array<i32>} : memref<32x128xf32, #tpu.memory_space<vmem>>, vector<16xf32>,
        %add3A_1095 = arith.addf %get3A_1087, %get3A_1094 : vector<16xf32>
        %get3A_1096 = arith.constant 0 : i32
        %get3A_1097 = arith.constant 0 : i32
        %get3A_1098 = tpu.memref_slice %arg12[%scan3A_296, %get3A_1096, %get3A_1097] : memref<2x32x128xf32, #tpu.memory_space<vmem>> -> memref<1x32x128xf32, #tpu.memory_space<vmem>>
        %get3A_1099 = tpu.memref_squeeze %get3A_1098 : memref<1x32x128xf32, #tpu.memory_space<vmem>> -> memref<32x128xf32, #tpu.memory_space<vmem>>
        %get3A_1100 = arith.index_cast %add3A_726 : i32 to index
        %get3A_1101 = arith.constant 112 : index
        %get3A_1102 = tpu.vector_load %get3A_1099[%get3A_1100, %get3A_1101] {strides = array<i32>} : memref<32x128xf32, #tpu.memory_space<vmem>>, vector<16xf32>,
        %sub3A_1103 = arith.subf %add3A_1095, %get3A_1102 : vector<16xf32>
        %get3A_1104 = arith.constant 0 : i32
        %get3A_1105 = arith.constant 0 : i32
        %get3A_1106 = tpu.memref_slice %arg14[%scan3A_297, %get3A_1104, %get3A_1105] : memref<2x32x128xf32, #tpu.memory_space<vmem>> -> memref<1x32x128xf32, #tpu.memory_space<vmem>>
        %get3A_1107 = tpu.memref_squeeze %get3A_1106 : memref<1x32x128xf32, #tpu.memory_space<vmem>> -> memref<32x128xf32, #tpu.memory_space<vmem>>
        %get3A_1108 = arith.index_cast %add3A_726 : i32 to index
        %get3A_1109 = arith.constant 112 : index
        %get3A_1110 = tpu.vector_load %get3A_1107[%get3A_1108, %get3A_1109] {strides = array<i32>} : memref<32x128xf32, #tpu.memory_space<vmem>>, vector<16xf32>,
        %get3A_1111 = arith.constant 0 : i32
        %get3A_1112 = arith.constant 0 : i32
        %get3A_1113 = tpu.memref_slice %arg16[%scan3A_298, %get3A_1111, %get3A_1112] : memref<2x32x128xf32, #tpu.memory_space<vmem>> -> memref<1x32x128xf32, #tpu.memory_space<vmem>>
        %get3A_1114 = tpu.memref_squeeze %get3A_1113 : memref<1x32x128xf32, #tpu.memory_space<vmem>> -> memref<32x128xf32, #tpu.memory_space<vmem>>
        %get3A_1115 = arith.index_cast %add3A_726 : i32 to index
        %get3A_1116 = arith.constant 112 : index
        %get3A_1117 = tpu.vector_load %get3A_1114[%get3A_1115, %get3A_1116] {strides = array<i32>} : memref<32x128xf32, #tpu.memory_space<vmem>>, vector<16xf32>,
        %add3A_1118 = arith.addf %get3A_1110, %get3A_1117 : vector<16xf32>
        %get3A_1119 = arith.constant 0 : i32
        %get3A_1120 = arith.constant 0 : i32
        %get3A_1121 = tpu.memref_slice %arg15[%scan3A_299, %get3A_1119, %get3A_1120] : memref<2x32x128xf32, #tpu.memory_space<vmem>> -> memref<1x32x128xf32, #tpu.memory_space<vmem>>
        %get3A_1122 = tpu.memref_squeeze %get3A_1121 : memref<1x32x128xf32, #tpu.memory_space<vmem>> -> memref<32x128xf32, #tpu.memory_space<vmem>>
        %get3A_1123 = arith.index_cast %add3A_726 : i32 to index
        %get3A_1124 = arith.constant 112 : index
        %get3A_1125 = tpu.vector_load %get3A_1122[%get3A_1123, %get3A_1124] {strides = array<i32>} : memref<32x128xf32, #tpu.memory_space<vmem>>, vector<16xf32>,
        %sub3A_1126 = arith.subf %add3A_1118, %get3A_1125 : vector<16xf32>
        %mul3A_1127 = arith.mulf %sub3A_1103, %sub3A_1103 : vector<16xf32>
        %add3A_1128 = arith.addf %add3A_1078, %mul3A_1127 : vector<16xf32>
        %mul3A_1129 = arith.mulf %sub3A_1126, %sub3A_1126 : vector<16xf32>
        %add3A_1130 = arith.addf %add3A_1080, %mul3A_1129 : vector<16xf32>
        %swap3A_1131 = arith.index_cast %add3A_726 : i32 to index
        %swap3A_1132 = arith.constant 0 : index
        %swap3A_1133 = tpu.vector_load %arg17[%swap3A_1131, %swap3A_1132] {strides = array<i32>} : memref<32x16xf32, #tpu.memory_space<vmem>>, vector<16xf32>,
        tpu.vector_store %arg17[%swap3A_1131, %swap3A_1132], %add3A_1128 {strides = array<i32>} : memref<32x16xf32, #tpu.memory_space<vmem>>, vector<16xf32>,
        %swap3A_1134 = arith.index_cast %add3A_726 : i32 to index
        %swap3A_1135 = arith.constant 0 : index
        %swap3A_1136 = tpu.vector_load %arg18[%swap3A_1134, %swap3A_1135] {strides = array<i32>} : memref<32x16xf32, #tpu.memory_space<vmem>>, vector<16xf32>,
        tpu.vector_store %arg18[%swap3A_1134, %swap3A_1135], %add3A_1130 {strides = array<i32>} : memref<32x16xf32, #tpu.memory_space<vmem>>, vector<16xf32>,
      }
      %scan3A_304 = arith.constant 16 : i32
      %scan3A_305 = arith.constant 0 : i32
      %scan3A_306 = arith.constant 2 : i32
      %scan3A_307 = arith.addi %scan3A_305, %scan3A_306 : i32
      %scan3A_308 = arith.constant 1 : i32
      scf.for %scan3A_310 = %scan3A_305 to %scan3A_307 step %scan3A_308  : i32 {
        %mul3A_311 = arith.constant 1 : i32
        %mul3A_312 = arith.muli %scan3A_310, %mul3A_311 : i32
        %add3A_313 = arith.constant 0 : i32
        %add3A_314 = arith.addi %add3A_313, %mul3A_312 : i32
        %mul3A_315 = arith.constant 16 : i32
        %mul3A_316 = arith.muli %add3A_314, %mul3A_315 : i32
        %add3A_317 = vector.broadcast %mul3A_316 : i32 to vector<16xi32>
        %add3A_318 = arith.addi %iota3A, %add3A_317 : vector<16xi32>
        %broadcast_in_dim3A_319 = arith.constant 0 : i32
        %broadcast_in_dim3A_320 = vector.broadcast %broadcast_in_dim3A_319 : i32 to vector<16xi32>
        %gather3A = tpu.vector_load_idx %arg17[%add3A_318, %broadcast_in_dim3A_320] : memref<32x16xf32, #tpu.memory_space<vmem>>[vector<16xi32>, vector<16xi32>], vector<16xf32>,
        %broadcast_in_dim3A_321 = arith.constant 0 : i32
        %broadcast_in_dim3A_322 = vector.broadcast %broadcast_in_dim3A_321 : i32 to vector<16xi32>
        %gather3A_323 = tpu.vector_load_idx %arg18[%add3A_318, %broadcast_in_dim3A_322] : memref<32x16xf32, #tpu.memory_space<vmem>>[vector<16xi32>, vector<16xi32>], vector<16xf32>,
        %broadcast_in_dim3A_324 = arith.constant 1 : i32
        %broadcast_in_dim3A_325 = vector.broadcast %broadcast_in_dim3A_324 : i32 to vector<16xi32>
        %gather3A_326 = tpu.vector_load_idx %arg17[%add3A_318, %broadcast_in_dim3A_325] : memref<32x16xf32, #tpu.memory_space<vmem>>[vector<16xi32>, vector<16xi32>], vector<16xf32>,
        %add3A_327 = arith.addf %gather3A, %gather3A_326 : vector<16xf32>
        %gather3A_328 = tpu.vector_load_idx %arg18[%add3A_318, %broadcast_in_dim3A_325] : memref<32x16xf32, #tpu.memory_space<vmem>>[vector<16xi32>, vector<16xi32>], vector<16xf32>,
        %add3A_329 = arith.addf %gather3A_323, %gather3A_328 : vector<16xf32>
        %broadcast_in_dim3A_330 = arith.constant 2 : i32
        %broadcast_in_dim3A_331 = vector.broadcast %broadcast_in_dim3A_330 : i32 to vector<16xi32>
        %gather3A_332 = tpu.vector_load_idx %arg17[%add3A_318, %broadcast_in_dim3A_331] : memref<32x16xf32, #tpu.memory_space<vmem>>[vector<16xi32>, vector<16xi32>], vector<16xf32>,
        %add3A_333 = arith.addf %add3A_327, %gather3A_332 : vector<16xf32>
        %gather3A_334 = tpu.vector_load_idx %arg18[%add3A_318, %broadcast_in_dim3A_331] : memref<32x16xf32, #tpu.memory_space<vmem>>[vector<16xi32>, vector<16xi32>], vector<16xf32>,
        %add3A_335 = arith.addf %add3A_329, %gather3A_334 : vector<16xf32>
        %broadcast_in_dim3A_336 = arith.constant 3 : i32
        %broadcast_in_dim3A_337 = vector.broadcast %broadcast_in_dim3A_336 : i32 to vector<16xi32>
        %gather3A_338 = tpu.vector_load_idx %arg17[%add3A_318, %broadcast_in_dim3A_337] : memref<32x16xf32, #tpu.memory_space<vmem>>[vector<16xi32>, vector<16xi32>], vector<16xf32>,
        %add3A_339 = arith.addf %add3A_333, %gather3A_338 : vector<16xf32>
        %gather3A_340 = tpu.vector_load_idx %arg18[%add3A_318, %broadcast_in_dim3A_337] : memref<32x16xf32, #tpu.memory_space<vmem>>[vector<16xi32>, vector<16xi32>], vector<16xf32>,
        %add3A_341 = arith.addf %add3A_335, %gather3A_340 : vector<16xf32>
        %broadcast_in_dim3A_342 = arith.constant 4 : i32
        %broadcast_in_dim3A_343 = vector.broadcast %broadcast_in_dim3A_342 : i32 to vector<16xi32>
        %gather3A_344 = tpu.vector_load_idx %arg17[%add3A_318, %broadcast_in_dim3A_343] : memref<32x16xf32, #tpu.memory_space<vmem>>[vector<16xi32>, vector<16xi32>], vector<16xf32>,
        %add3A_345 = arith.addf %add3A_339, %gather3A_344 : vector<16xf32>
        %gather3A_346 = tpu.vector_load_idx %arg18[%add3A_318, %broadcast_in_dim3A_343] : memref<32x16xf32, #tpu.memory_space<vmem>>[vector<16xi32>, vector<16xi32>], vector<16xf32>,
        %add3A_347 = arith.addf %add3A_341, %gather3A_346 : vector<16xf32>
        %broadcast_in_dim3A_348 = arith.constant 5 : i32
        %broadcast_in_dim3A_349 = vector.broadcast %broadcast_in_dim3A_348 : i32 to vector<16xi32>
        %gather3A_350 = tpu.vector_load_idx %arg17[%add3A_318, %broadcast_in_dim3A_349] : memref<32x16xf32, #tpu.memory_space<vmem>>[vector<16xi32>, vector<16xi32>], vector<16xf32>,
        %add3A_351 = arith.addf %add3A_345, %gather3A_350 : vector<16xf32>
        %gather3A_352 = tpu.vector_load_idx %arg18[%add3A_318, %broadcast_in_dim3A_349] : memref<32x16xf32, #tpu.memory_space<vmem>>[vector<16xi32>, vector<16xi32>], vector<16xf32>,
        %add3A_353 = arith.addf %add3A_347, %gather3A_352 : vector<16xf32>
        %broadcast_in_dim3A_354 = arith.constant 6 : i32
        %broadcast_in_dim3A_355 = vector.broadcast %broadcast_in_dim3A_354 : i32 to vector<16xi32>
        %gather3A_356 = tpu.vector_load_idx %arg17[%add3A_318, %broadcast_in_dim3A_355] : memref<32x16xf32, #tpu.memory_space<vmem>>[vector<16xi32>, vector<16xi32>], vector<16xf32>,
        %add3A_357 = arith.addf %add3A_351, %gather3A_356 : vector<16xf32>
        %gather3A_358 = tpu.vector_load_idx %arg18[%add3A_318, %broadcast_in_dim3A_355] : memref<32x16xf32, #tpu.memory_space<vmem>>[vector<16xi32>, vector<16xi32>], vector<16xf32>,
        %add3A_359 = arith.addf %add3A_353, %gather3A_358 : vector<16xf32>
        %broadcast_in_dim3A_360 = arith.constant 7 : i32
        %broadcast_in_dim3A_361 = vector.broadcast %broadcast_in_dim3A_360 : i32 to vector<16xi32>
        %gather3A_362 = tpu.vector_load_idx %arg17[%add3A_318, %broadcast_in_dim3A_361] : memref<32x16xf32, #tpu.memory_space<vmem>>[vector<16xi32>, vector<16xi32>], vector<16xf32>,
        %add3A_363 = arith.addf %add3A_357, %gather3A_362 : vector<16xf32>
        %gather3A_364 = tpu.vector_load_idx %arg18[%add3A_318, %broadcast_in_dim3A_361] : memref<32x16xf32, #tpu.memory_space<vmem>>[vector<16xi32>, vector<16xi32>], vector<16xf32>,
        %add3A_365 = arith.addf %add3A_359, %gather3A_364 : vector<16xf32>
        %broadcast_in_dim3A_366 = arith.constant 8 : i32
        %broadcast_in_dim3A_367 = vector.broadcast %broadcast_in_dim3A_366 : i32 to vector<16xi32>
        %gather3A_368 = tpu.vector_load_idx %arg17[%add3A_318, %broadcast_in_dim3A_367] : memref<32x16xf32, #tpu.memory_space<vmem>>[vector<16xi32>, vector<16xi32>], vector<16xf32>,
        %add3A_369 = arith.addf %add3A_363, %gather3A_368 : vector<16xf32>
        %gather3A_370 = tpu.vector_load_idx %arg18[%add3A_318, %broadcast_in_dim3A_367] : memref<32x16xf32, #tpu.memory_space<vmem>>[vector<16xi32>, vector<16xi32>], vector<16xf32>,
        %add3A_371 = arith.addf %add3A_365, %gather3A_370 : vector<16xf32>
        %broadcast_in_dim3A_372 = arith.constant 9 : i32
        %broadcast_in_dim3A_373 = vector.broadcast %broadcast_in_dim3A_372 : i32 to vector<16xi32>
        %gather3A_374 = tpu.vector_load_idx %arg17[%add3A_318, %broadcast_in_dim3A_373] : memref<32x16xf32, #tpu.memory_space<vmem>>[vector<16xi32>, vector<16xi32>], vector<16xf32>,
        %add3A_375 = arith.addf %add3A_369, %gather3A_374 : vector<16xf32>
        %gather3A_376 = tpu.vector_load_idx %arg18[%add3A_318, %broadcast_in_dim3A_373] : memref<32x16xf32, #tpu.memory_space<vmem>>[vector<16xi32>, vector<16xi32>], vector<16xf32>,
        %add3A_377 = arith.addf %add3A_371, %gather3A_376 : vector<16xf32>
        %broadcast_in_dim3A_378 = arith.constant 10 : i32
        %broadcast_in_dim3A_379 = vector.broadcast %broadcast_in_dim3A_378 : i32 to vector<16xi32>
        %gather3A_380 = tpu.vector_load_idx %arg17[%add3A_318, %broadcast_in_dim3A_379] : memref<32x16xf32, #tpu.memory_space<vmem>>[vector<16xi32>, vector<16xi32>], vector<16xf32>,
        %add3A_381 = arith.addf %add3A_375, %gather3A_380 : vector<16xf32>
        %gather3A_382 = tpu.vector_load_idx %arg18[%add3A_318, %broadcast_in_dim3A_379] : memref<32x16xf32, #tpu.memory_space<vmem>>[vector<16xi32>, vector<16xi32>], vector<16xf32>,
        %add3A_383 = arith.addf %add3A_377, %gather3A_382 : vector<16xf32>
        %broadcast_in_dim3A_384 = arith.constant 11 : i32
        %broadcast_in_dim3A_385 = vector.broadcast %broadcast_in_dim3A_384 : i32 to vector<16xi32>
        %gather3A_386 = tpu.vector_load_idx %arg17[%add3A_318, %broadcast_in_dim3A_385] : memref<32x16xf32, #tpu.memory_space<vmem>>[vector<16xi32>, vector<16xi32>], vector<16xf32>,
        %add3A_387 = arith.addf %add3A_381, %gather3A_386 : vector<16xf32>
        %gather3A_388 = tpu.vector_load_idx %arg18[%add3A_318, %broadcast_in_dim3A_385] : memref<32x16xf32, #tpu.memory_space<vmem>>[vector<16xi32>, vector<16xi32>], vector<16xf32>,
        %add3A_389 = arith.addf %add3A_383, %gather3A_388 : vector<16xf32>
        %broadcast_in_dim3A_390 = arith.constant 12 : i32
        %broadcast_in_dim3A_391 = vector.broadcast %broadcast_in_dim3A_390 : i32 to vector<16xi32>
        %gather3A_392 = tpu.vector_load_idx %arg17[%add3A_318, %broadcast_in_dim3A_391] : memref<32x16xf32, #tpu.memory_space<vmem>>[vector<16xi32>, vector<16xi32>], vector<16xf32>,
        %add3A_393 = arith.addf %add3A_387, %gather3A_392 : vector<16xf32>
        %gather3A_394 = tpu.vector_load_idx %arg18[%add3A_318, %broadcast_in_dim3A_391] : memref<32x16xf32, #tpu.memory_space<vmem>>[vector<16xi32>, vector<16xi32>], vector<16xf32>,
        %add3A_395 = arith.addf %add3A_389, %gather3A_394 : vector<16xf32>
        %broadcast_in_dim3A_396 = arith.constant 13 : i32
        %broadcast_in_dim3A_397 = vector.broadcast %broadcast_in_dim3A_396 : i32 to vector<16xi32>
        %gather3A_398 = tpu.vector_load_idx %arg17[%add3A_318, %broadcast_in_dim3A_397] : memref<32x16xf32, #tpu.memory_space<vmem>>[vector<16xi32>, vector<16xi32>], vector<16xf32>,
        %add3A_399 = arith.addf %add3A_393, %gather3A_398 : vector<16xf32>
        %gather3A_400 = tpu.vector_load_idx %arg18[%add3A_318, %broadcast_in_dim3A_397] : memref<32x16xf32, #tpu.memory_space<vmem>>[vector<16xi32>, vector<16xi32>], vector<16xf32>,
        %add3A_401 = arith.addf %add3A_395, %gather3A_400 : vector<16xf32>
        %broadcast_in_dim3A_402 = arith.constant 14 : i32
        %broadcast_in_dim3A_403 = vector.broadcast %broadcast_in_dim3A_402 : i32 to vector<16xi32>
        %gather3A_404 = tpu.vector_load_idx %arg17[%add3A_318, %broadcast_in_dim3A_403] : memref<32x16xf32, #tpu.memory_space<vmem>>[vector<16xi32>, vector<16xi32>], vector<16xf32>,
        %add3A_405 = arith.addf %add3A_399, %gather3A_404 : vector<16xf32>
        %gather3A_406 = tpu.vector_load_idx %arg18[%add3A_318, %broadcast_in_dim3A_403] : memref<32x16xf32, #tpu.memory_space<vmem>>[vector<16xi32>, vector<16xi32>], vector<16xf32>,
        %add3A_407 = arith.addf %add3A_401, %gather3A_406 : vector<16xf32>
        %broadcast_in_dim3A_408 = arith.constant 15 : i32
        %broadcast_in_dim3A_409 = vector.broadcast %broadcast_in_dim3A_408 : i32 to vector<16xi32>
        %gather3A_410 = tpu.vector_load_idx %arg17[%add3A_318, %broadcast_in_dim3A_409] : memref<32x16xf32, #tpu.memory_space<vmem>>[vector<16xi32>, vector<16xi32>], vector<16xf32>,
        %add3A_411 = arith.addf %add3A_405, %gather3A_410 : vector<16xf32>
        %gather3A_412 = tpu.vector_load_idx %arg18[%add3A_318, %broadcast_in_dim3A_409] : memref<32x16xf32, #tpu.memory_space<vmem>>[vector<16xi32>, vector<16xi32>], vector<16xf32>,
        %add3A_413 = arith.addf %add3A_407, %gather3A_412 : vector<16xf32>
        %bitcast_convert_type3A = tpu.bitcast %add3A_411 : vector<16xf32> -> vector<16xi32>
        %shift_right_logical3A = arith.constant 1 : i32
        %shift_right_logical3A_414 = vector.broadcast %shift_right_logical3A : i32 to vector<16xi32>
        %shift_right_logical3A_415 = arith.shrui %bitcast_convert_type3A, %shift_right_logical3A_414 : vector<16xi32>
        %sub3A = arith.constant 1597463007 : i32
        %sub3A_416 = vector.broadcast %sub3A : i32 to vector<16xi32>
        %sub3A_417 = arith.subi %sub3A_416, %shift_right_logical3A_415 : vector<16xi32>
        %bitcast_convert_type3A_418 = tpu.bitcast %sub3A_417 : vector<16xi32> -> vector<16xf32>
        %mul3A_419 = arith.constant 5.000000e-01 : f32
        %mul3A_420 = vector.broadcast %mul3A_419 : f32 to vector<16xf32>
        %mul3A_421 = arith.mulf %mul3A_420, %add3A_411 : vector<16xf32>
        %mul3A_422 = arith.mulf %mul3A_421, %bitcast_convert_type3A_418 : vector<16xf32>
        %mul3A_423 = arith.mulf %mul3A_422, %bitcast_convert_type3A_418 : vector<16xf32>
        %sub3A_424 = arith.constant 1.500000e+00 : f32
        %sub3A_425 = vector.broadcast %sub3A_424 : f32 to vector<16xf32>
        %sub3A_426 = arith.subf %sub3A_425, %mul3A_423 : vector<16xf32>
        %mul3A_427 = arith.mulf %bitcast_convert_type3A_418, %sub3A_426 : vector<16xf32>
        %mul3A_428 = arith.mulf %mul3A_421, %mul3A_427 : vector<16xf32>
        %mul3A_429 = arith.mulf %mul3A_428, %mul3A_427 : vector<16xf32>
        %sub3A_430 = arith.constant 1.500000e+00 : f32
        %sub3A_431 = vector.broadcast %sub3A_430 : f32 to vector<16xf32>
        %sub3A_432 = arith.subf %sub3A_431, %mul3A_429 : vector<16xf32>
        %mul3A_433 = arith.mulf %mul3A_427, %sub3A_432 : vector<16xf32>
        %mul3A_434 = arith.mulf %mul3A_421, %mul3A_433 : vector<16xf32>
        %mul3A_435 = arith.mulf %mul3A_434, %mul3A_433 : vector<16xf32>
        %sub3A_436 = arith.constant 1.500000e+00 : f32
        %sub3A_437 = vector.broadcast %sub3A_436 : f32 to vector<16xf32>
        %sub3A_438 = arith.subf %sub3A_437, %mul3A_435 : vector<16xf32>
        %mul3A_439 = arith.mulf %mul3A_433, %sub3A_438 : vector<16xf32>
        %mul3A_440 = arith.mulf %add3A_411, %mul3A_439 : vector<16xf32>
        %add3A_441 = arith.constant 1.000000e+00 : f32
        %add3A_442 = vector.broadcast %add3A_441 : f32 to vector<16xf32>
        %add3A_443 = arith.addf %add3A_442, %mul3A_440 : vector<16xf32>
        %bitcast_convert_type3A_444 = tpu.bitcast %add3A_413 : vector<16xf32> -> vector<16xi32>
        %shift_right_logical3A_445 = arith.constant 1 : i32
        %shift_right_logical3A_446 = vector.broadcast %shift_right_logical3A_445 : i32 to vector<16xi32>
        %shift_right_logical3A_447 = arith.shrui %bitcast_convert_type3A_444, %shift_right_logical3A_446 : vector<16xi32>
        %sub3A_448 = arith.constant 1597463007 : i32
        %sub3A_449 = vector.broadcast %sub3A_448 : i32 to vector<16xi32>
        %sub3A_450 = arith.subi %sub3A_449, %shift_right_logical3A_447 : vector<16xi32>
        %bitcast_convert_type3A_451 = tpu.bitcast %sub3A_450 : vector<16xi32> -> vector<16xf32>
        %mul3A_452 = arith.constant 5.000000e-01 : f32
        %mul3A_453 = vector.broadcast %mul3A_452 : f32 to vector<16xf32>
        %mul3A_454 = arith.mulf %mul3A_453, %add3A_413 : vector<16xf32>
        %mul3A_455 = arith.mulf %mul3A_454, %bitcast_convert_type3A_451 : vector<16xf32>
        %mul3A_456 = arith.mulf %mul3A_455, %bitcast_convert_type3A_451 : vector<16xf32>
        %sub3A_457 = arith.constant 1.500000e+00 : f32
        %sub3A_458 = vector.broadcast %sub3A_457 : f32 to vector<16xf32>
        %sub3A_459 = arith.subf %sub3A_458, %mul3A_456 : vector<16xf32>
        %mul3A_460 = arith.mulf %bitcast_convert_type3A_451, %sub3A_459 : vector<16xf32>
        %mul3A_461 = arith.mulf %mul3A_454, %mul3A_460 : vector<16xf32>
        %mul3A_462 = arith.mulf %mul3A_461, %mul3A_460 : vector<16xf32>
        %sub3A_463 = arith.constant 1.500000e+00 : f32
        %sub3A_464 = vector.broadcast %sub3A_463 : f32 to vector<16xf32>
        %sub3A_465 = arith.subf %sub3A_464, %mul3A_462 : vector<16xf32>
        %mul3A_466 = arith.mulf %mul3A_460, %sub3A_465 : vector<16xf32>
        %mul3A_467 = arith.mulf %mul3A_454, %mul3A_466 : vector<16xf32>
        %mul3A_468 = arith.mulf %mul3A_467, %mul3A_466 : vector<16xf32>
        %sub3A_469 = arith.constant 1.500000e+00 : f32
        %sub3A_470 = vector.broadcast %sub3A_469 : f32 to vector<16xf32>
        %sub3A_471 = arith.subf %sub3A_470, %mul3A_468 : vector<16xf32>
        %mul3A_472 = arith.mulf %mul3A_466, %sub3A_471 : vector<16xf32>
        %mul3A_473 = arith.mulf %add3A_413, %mul3A_472 : vector<16xf32>
        %sub3A_474 = arith.subf %add3A_443, %mul3A_473 : vector<16xf32>
        %max3A = arith.constant 0.000000e+00 : f32
        %max3A_475 = vector.broadcast %max3A : f32 to vector<16xf32>
        %max3A_476 = arith.maximumf %sub3A_474, %max3A_475 : vector<16xf32>
        %get3A = arith.constant 0 : index
        %get3A_477 = tpu.vector_load %arg19[%get3A] {strides = array<i32>} : memref<16xf32, #tpu.memory_space<vmem>>, vector<16xf32>,
        %add3A_478 = arith.addf %get3A_477, %max3A_476 : vector<16xf32>
        %swap3A_479 = arith.constant 0 : index
        %swap3A_480 = tpu.vector_load %arg19[%swap3A_479] {strides = array<i32>} : memref<16xf32, #tpu.memory_space<vmem>>, vector<16xf32>,
        tpu.vector_store %arg19[%swap3A_479], %add3A_478 {strides = array<i32>} : memref<16xf32, #tpu.memory_space<vmem>>, vector<16xf32>,
      }
      %scan3A_309 = arith.constant 2 : i32
    }
    %scan3A_89 = arith.constant 8 : i32
    %mul3A_90 = arith.constant 16 : i32
    %mul3A_91 = arith.muli %add3A, %mul3A_90 : i32
    "tpu.region"() ({
      %run_scoped3A = tpu.sem_alloc : memref<!tpu.dma_semaphore, #tpu.memory_space<semaphore_mem>>
      %dma_start3A_92 = tpu.memref_slice %arg4[%mul3A_91] : memref<512xf32, #tpu.memory_space<hbm>> -> memref<16xf32, #tpu.memory_space<hbm>>
      %dma_start3A_93 = tpu.memref_slice %arg4[%mul3A_91] : memref<512xf32, #tpu.memory_space<hbm>> -> memref<16xf32, #tpu.memory_space<hbm>>
      tpu.enqueue_dma source(%arg19 : memref<16xf32, #tpu.memory_space<vmem>>) target(%dma_start3A_93 : memref<16xf32, #tpu.memory_space<hbm>>) target_semaphore(%run_scoped3A : memref<!tpu.dma_semaphore, #tpu.memory_space<semaphore_mem>>)
      %dma_wait3A = tpu.memref_slice %arg4[%mul3A_91] : memref<512xf32, #tpu.memory_space<hbm>> -> memref<16xf32, #tpu.memory_space<hbm>>
      %dma_wait3A_94 = tpu.memref_slice %arg4[%mul3A_91] : memref<512xf32, #tpu.memory_space<hbm>> -> memref<16xf32, #tpu.memory_space<hbm>>
      tpu.wait_dma2 semaphore(%run_scoped3A : memref<!tpu.dma_semaphore, #tpu.memory_space<semaphore_mem>>) src(%arg19 : memref<16xf32, #tpu.memory_space<vmem>>) dst(%dma_wait3A_94 : memref<16xf32, #tpu.memory_space<hbm>>)
      tpu.yield
    }) : () -> ()
    return
  }
}

module attributes {stable_mosaic.version = 14 : i64} {
  func.func @body(%arg0: memref<512xf32, #tpu.memory_space<vmem>>, %arg1: memref<1x1xf32, #tpu.memory_space<vmem>>) attributes {dimension_semantics = [], scalar_prefetch = 0 : i64, scratch_operands = 0 : i64, tpu.core_type = #tpu.core_type<tc>} {
    %get3A = arith.constant 0 : index
    %get3A_0 = vector.load %arg0[%get3A] : memref<512xf32, #tpu.memory_space<vmem>>, vector<512xf32>
    %reduce_sum3A = vector.shape_cast %get3A_0 : vector<512xf32> to vector<1x512xf32>
    %reduce_sum3A_1 = arith.constant dense<0.000000e+00> : vector<1xf32>
    %reduce_sum3A_2 = vector.multi_reduction <add>, %reduce_sum3A, %reduce_sum3A_1 [1] : vector<1x512xf32> to vector<1xf32>
    %reduce_sum3A_3 = vector.shape_cast %reduce_sum3A_2 : vector<1xf32> to vector<1x1xf32>
    %reduce_sum3A_4 = vector.extract %reduce_sum3A_3[0, 0] : f32 from vector<1x1xf32>
    %broadcast_in_dim3A = vector.broadcast %reduce_sum3A_4 : f32 to vector<1x1xf32>
    %swap3A = arith.constant 0 : index
    %swap3A_5 = arith.constant 0 : index
    %swap3A_6 = vector.load %arg1[%swap3A, %swap3A_5] : memref<1x1xf32, #tpu.memory_space<vmem>>, vector<1x1xf32>
    tpu.vector_store %arg1[%swap3A, %swap3A_5], %broadcast_in_dim3A {strides = array<i32>} : memref<1x1xf32, #tpu.memory_space<vmem>>, vector<1x1xf32>,
    return
  }
}

</mosaic_0001>

<sc_bundles>
// kernel: kernel.4.cloned.1.call-start
scs
__scs_entry_jumppad:
0x0: {  	(pc) =	sbr.rel $0x88, $3  }
0x1: {  	(tag) =	ssettag $0x0;
	lr =	simm.s32 $0x1  }
0x2: {  	[smem:$0x3F9E] =	sst lr;
	_ =	strace $0xD0000000  }
0x3: {  	_ = 	snop  }
0x4: {  	_ = 	snop  }
0x5: {  	_ = 	snop  }
0x6: {  	_ = 	snop  }
0x7: {  	_ = 	snop  }
__scs_overlays_trampoline_lowered:
0x8: {  	[smem:$0x3FAD] =	sst s0  }
0x9: {  	[smem:$0x3FAE] =	sst s1  }
0xa: {  	[smem:$0x3FAF] =	sst s2  }
0xb: {  	[smem:$0x3FB0] =	sst s3  }
0xc: {  	[smem:$0x3FB1] =	sst s4  }
0xd: {  	[smem:$0x3FB2] =	sst s5  }
0xe: {  	[smem:$0x3FB3] =	sst s6  }
0xf: {  	[smem:$0x3FB4] =	sst s7  }
0x10: {  	[smem:$0x3FB5] =	sst s8  }
0x11: {  	[smem:$0x3FB6] =	sst s9;
	s0 =	simm.s32 @!p0 $0x0  }
0x12: {  	s1 =	sld [smem:$0x3F9C];
	s0 =	simm.s32 @p0 $0x1  }
0x13: {  	[smem:$0x3FB7] =	sst s0;
	s0 =	simm.s32 @!p1 $0x0  }
0x14: {  	s2 =	sld [smem:$0x3F9B];
	s0 =	simm.s32 @p1 $0x1  }
0x15: {  	[smem:$0x3FB8] =	sst s0;
	s0 =	simm.s32 @!p2 $0x0  }
0x16: {  	s3 =	sld [smem:$0x3FDB];
	s0 =	simm.s32 @p2 $0x1  }
0x17: {  	s4 =	simm.s32 $0x1BF5;
	[smem:$0x3FBA] =	sst s0  }
0x18: {  	s0 =	sld [smem:$0x3F9D];
	_ =	swait.ge [sflag:s4], $0x0  }
0x19: {  	s7 =	sld [smem:$0x3F9E]  }
0x1a: {  	s8 =	sadd.s32 $0xFFFFE003, lr  }
0x1b: {  	s9 =	sadd.s32 $0xFFFFFEF7, lr;
	s5 =	simm.s32 $0xFFFFFFFF;
	p2 =	slt.u32 s8, $0xFFFFF086  }
0x1c: {  	p1 =	slt.u32 s9, $0xF7A;
	s5 =	simm.s32 @!p2 $0x0  }
0x1d: {  	s5 =	simm.s32 @p1 $0x1;
	p0 =	seq.s32 s7, s2  }
0x1e: {  	s7 =	smul.u32 @!p0 $0xF7A, s2;
	p2 =	seq.s32 @!p0 s5, $0x0  }
0x1f: {  	s9 =	smul.u32 $0xF7A, s1;
	s8 =	simm.s32 @!p0 $0x1BF5;
	p2 =	por !p2, p0  }
0x20: {  	[sflag:s8] =	ssyncset.s32 @!p0 $0xFFFFF086;
	s6 =	sadd.s32 @!p0 s3, s7;
	s7 =	simm.s32 @!p0 $0x108  }
0x21: {  	s3 =	sadd.s32 s3, s9;
	s6 =	sadd.s32 @!p0 $0x88, s6;
	s7 =	simm.s32 @p2 $0x1082  }
0x22: {  	[simem:s7], [sflag:s8] =	dma.local @!p0 [hbm:s6], $0xF7A  }
0x23: {  	s9 =	sor.u32 $0xD0000000, s2;
	s6 =	simm.s32 $0x108;
	_ =	swait.ge @!p0 [sflag:s8], $0x0  }
0x24: {  	s3 =	sadd.s32 $0x88, s3;
	s6 =	simm.s32 @!p1 $0x1082;
	[sflag:s4] =	ssyncset.s32 $0xFFFFF086  }
0x25: {  	[simem:s6], [sflag:s4] =	dma.local [hbm:s3], $0xF7A  }
0x26: {  	[smem:$0x3F9E] =	sst s1;
	(tag) =	ssettag s2;
	_ =	strace s9  }
0x27: {  	s1 =	sld [smem:$0x3FAE]  }
0x28: {  	s2 =	sld [smem:$0x3FAF]  }
0x29: {  	s4 =	sld [smem:$0x3FB1]  }
0x2a: {  	p0 =	seq.s32 s5, $0x0;
	s5 =	sld [smem:$0x3FB2]  }
0x2b: {  	s6 =	sld [smem:$0x3FB3]  }
0x2c: {  	s7 =	sld [smem:$0x3FB4]  }
0x2d: {  	s3 =	simm.s32 $0x108;
	s8 =	sld [smem:$0x3FB5]  }
0x2e: {  	s3 =	simm.s32 @!p0 $0x1082;
	s9 =	sld [smem:$0x3FB6]  }
0x2f: {  	lr =	sadd.s32 s0, s3;
	s0 =	sld [smem:$0x3FAD]  }
0x30: {  	s3 =	sld [smem:$0x3FB0]  }
0x31: {  	[smem:$0x3FB9] =	sst s10  }
0x32: {  	s10 =	sld [smem:$0x3FB7];
	_ =	sdelay $0x3  }
0x33: {  	p0 =	seq.s32 s10, $0x1;
	s10 =	sld [smem:$0x3FB9];
	_ =	sdelay $0x3  }
0x34: {  	[smem:$0x3FB9] =	sst s10  }
0x35: {  	s10 =	sld [smem:$0x3FB8];
	_ =	sdelay $0x3  }
0x36: {  	p1 =	seq.s32 s10, $0x1;
	s10 =	sld [smem:$0x3FB9];
	_ =	sdelay $0x3  }
0x37: {  	[smem:$0x3FB9] =	sst s10  }
0x38: {  	s10 =	sld [smem:$0x3FBA]  }
0x39: {  	_ = 	snop;
	(pc) =	sbr.ind lr, $3  }
0x3a: {  	_ = 	snop  }
0x3b: {  	_ = 	snop  }
0x3c: {  	p2 =	seq.s32 s10, $0x1;
	s10 =	sld [smem:$0x3FB9]  }
0x3d: {  	_ =	shalt  }
0x3e: {  	_ =	shalt  }
0x3f: {  	_ =	shalt  }
0x40: {  	_ =	shalt  }
0x41: {  	_ =	shalt  }
0x42: {  	_ =	shalt  }
0x43: {  	_ =	shalt  }
0x44: {  	_ =	shalt  }
0x45: {  	_ =	shalt  }
0x46: {  	_ =	shalt  }
0x47: {  	_ =	shalt  }
0x48: {  	_ =	shalt  }
0x49: {  	_ =	shalt  }
0x4a: {  	_ =	shalt  }
0x4b: {  	_ =	shalt  }
0x4c: {  	_ =	shalt  }
0x4d: {  	_ =	shalt  }
0x4e: {  	_ =	shalt  }
0x4f: {  	_ =	shalt  }
0x50: {  	_ =	shalt  }
0x51: {  	_ =	shalt  }
0x52: {  	_ =	shalt  }
0x53: {  	_ =	shalt  }
0x54: {  	_ =	shalt  }
0x55: {  	_ =	shalt  }
0x56: {  	_ =	shalt  }
0x57: {  	_ =	shalt  }
0x58: {  	_ =	shalt  }
0x59: {  	_ =	shalt  }
0x5a: {  	_ =	shalt  }
0x5b: {  	_ =	shalt  }
0x5c: {  	_ =	shalt  }
0x5d: {  	_ =	shalt  }
0x5e: {  	_ =	shalt  }
0x5f: {  	_ =	shalt  }
0x60: {  	_ =	shalt  }
0x61: {  	_ =	shalt  }
0x62: {  	_ =	shalt  }
0x63: {  	_ =	shalt  }
0x64: {  	_ =	shalt  }
0x65: {  	_ =	shalt  }
0x66: {  	_ =	shalt  }
0x67: {  	_ =	shalt  }
0x68: {  	_ =	shalt  }
0x69: {  	_ =	shalt  }
0x6a: {  	_ =	shalt  }
0x6b: {  	_ =	shalt  }
0x6c: {  	_ =	shalt  }
0x6d: {  	_ =	shalt  }
0x6e: {  	_ =	shalt  }
0x6f: {  	_ =	shalt  }
0x70: {  	_ =	shalt  }
0x71: {  	_ =	shalt  }
0x72: {  	_ =	shalt  }
0x73: {  	_ =	shalt  }
0x74: {  	_ =	shalt  }
0x75: {  	_ =	shalt  }
0x76: {  	_ =	shalt  }
0x77: {  	_ =	shalt  }
0x78: {  	_ =	shalt  }
0x79: {  	_ =	shalt  }
0x7a: {  	_ =	shalt  }
0x7b: {  	_ =	shalt  }
0x7c: {  	_ =	shalt  }
0x7d: {  	_ =	shalt  }
0x7e: {  	_ =	shalt  }
0x7f: {  	_ =	shalt  }
0x80: {  	_ =	shalt  }
0x81: {  	_ =	shalt  }
0x82: {  	_ =	shalt  }
0x83: {  	_ =	shalt  }
0x84: {  	_ =	shalt  }
0x85: {  	_ =	shalt  }
0x86: {  	_ =	shalt  }
0x87: {  	_ =	shalt  }
.Lfunc_end0:
.L_simem_size_0:
called_computation_lowered:
.L_overlay_start_0:
0x88: {  	s2 =	sld [smem:$0x3FD9]  }
0x89: {  	s3 =	sld [smem:$0x3FFE];
	_ =	sdelay $0x1  }
0x8a: {  	s1 =	srdreg.scid  }
0x8b: {  	s0 =	sand.u32 $0x1, s1  }
0x8c: {  	s17 =	sshll.u32 s0, $0xA;
	s2 =	sadd.s32 s3, s2  }
0x8d: {  	s2 =	sadd.s32 s2, s17  }
0x8e: {  	[smem:$0x3FC5] =	sst s2  }
0x8f: {  	_ = 	snop  }
0x90: {  	s2 =	sld [smem:$0x3FC7];
	(tm) =	ssettm $0x1  }
0x91: {  	s18 =	sld [smem:$0x3FFB];
	_ =	sdelay $0x3  }
0x92: {  	_ =	strace s18  }
0x93: {  	s3 =	sld [smem:$0x3FFC];
	_ =	sdelay $0x3  }
0x94: {  	_ =	strace s3  }
0x95: {  	s3 =	sld [smem:$0x3FFD];
	_ =	sdelay $0x3  }
0x96: {  	_ =	strace s3  }
0x97: {  	_ =	strace $0x8FFFFFFF  }
0x98: {  	s19 =	sld [smem:$0x3FDB];
	_ =	sdelay $0x1  }
0x99: {  	s4 =	simm.s32 $_scs_section_size  }
0x9a: {  	s5 =	simm.s32 $_size__tile_overlayer_lowered;
	s6 =	simm.s32 $_tile_overlayer_lowered  }
0x9b: {  	s22 =	simm.s32 $0x1BFF;
	s21 =	sshll.u32 s6, $0x1;
	s3 =	sadd.s32 s4, s19  }
0x9c: {  	s7 =	simm.s32 $0x0;
	s20 =	sshll.u32 s5, $0x1;
	s5 =	sadd.s32 s21, s3  }
0x9d: {  	[timem:s7], [sflag:s22] =	dma.local [hbm:s5], s20  }
0x9e: {  	_ =	swait.ge [sflag:s22], s20  }
0x9f: {  	s4 =	ssub.s32 $0x0, s20;
	[sflag:s22] =	ssyncset.done $0x0  }
0xa0: {  	[sflag:s22] =	ssyncadd.s32 s4;
	_ =	sdelay $0x1  }
0xa1: {  	s23 =	simm.s32 $0x1B8B  }
0xa2: {  	_ =	swait.ge [sflag:s23], $0x1  }
0xa3: {  	[sflag:s23] =	ssyncset.done $0x0  }
0xa4: {  	s25 =	simm.s32 $0x1B8E;
	s24 =	sld [smem:$0x3FFE];
	[sflag:s23] =	ssyncadd.s32 $0xFFFFFFFF  }
0xa5: {  	s26 =	simm.s32 $execute0_lowered;
	[smem:$0x3FD2] =	sst s25  }
0xa6: {  	s5 =	sshll.u32 s26, $0x1;
	_ =	strace $0x80000046;
	[dreg:$0x1] =	wrdreg $0xFFFFFFFF  }
0xa7: {  	s28 =	simm.s32 $_size_execute0_lowered;
	s3 =	sadd.s32 s3, s5;
	[dreg:$0x0] =	wrdreg $0x0  }
0xa8: {  	s5 =	sshll.u32 s28, $0x1;
	[dreg:$0x2] =	wrdreg s3  }
0xa9: {  	[dreg:$0x3] =	wrdreg s5  }
0xaa: {  	[dreg:$0x4] =	wrdreg $0xC0  }
0xab: {  	_ =	task [dreg:s7], $0x5FFFF  }
0xac: {  	[dreg:$0x1] =	wrdreg $0xFFFFFFFF  }
0xad: {  	[dreg:$0x0] =	wrdreg $0x60  }
0xae: {  	[dreg:$0x2] =	wrdreg s2  }
0xaf: {  	[dreg:$0x3] =	wrdreg s24  }
0xb0: {  	[dreg:$0x4] =	wrdreg $0x9  }
0xb1: {  	_ =	task.clear_ibuf [dreg:s7], $0x5FFFF;
	_ =	strace $0x90000046  }
0xb2: {  	s29 =	simm.s32 $0x9;
	_ =	strace $0x80000048  }
0xb3: {  	_ =	swait.ge [sflag:s29], $0x1  }
0xb4: {  	[sflag:s29] =	ssyncadd.s32 $0xFFFFFFFF  }
0xb5: {  	_ =	strace $0x90000048  }
0xb6: {  	_ =	sfence  }
0xb7: {  	s30 =	sld [smem:$0x0];
	_ =	sdelay $0x2  }
0xb8: {  	s31 =	sshll.u32 s1, $0xD;
	s1 =	sshrl.u32 s1, $0x2  }
0xb9: {  	s3 =	sand.u32 $0x4000, s31;
	s1 =	sadd.s32 s1, s30  }
0xba: {  	s0 =	sor.u32 s3, s0;
	s1 =	sshll.u32 s1, $0x11  }
0xbb: {  	s0 =	sor.u32 s1, s0  }
0xbc: {  	s0 =	sadd.s32 $0x8F2B, s0  }
0xbd: {  	[sflag:s0] =	ssyncadd.remote.s32 $0x1  }
0xbe: {  	_ =	sfence.sel $0xFFFF  }
0xbf: {  	[dreg:$0x0] =	wrdreg $0xFFFFFFFF;
	(pc) =	sbr.abs _section_cstart, $3  }
0xc0: {  	[dreg:$0x1] =	wrdreg $0xFFFFFFFF  }
0xc1: {  	_ =	task.clear_ibuf [dreg:s7], $0x2FFFF;
	_ =	strace $0x9FFFFFFF  }
0xc2: {  	(tm) =	ssettm $0x7FFFFFFF  }
0xc3: {  	_ =	shalt  }
tec
execute0_lowered:
.L_overlay_start_1:
0x0: {  	(tag) =	ssettag $0x1  }
0x1: {  	s1 =	rddreg [dreg:$0x0]  }
0x2: {  	s0 =	rddreg [dreg:$0x1];
	s3 =	simm.s32 $0x0;
	s2 =	srdreg.scid  }
0x3: {  	s4 =	stileid.u32;
	s12 =	simm.s32 $0x3;
	s16 =	simm.s32 $0x800  }
0x4: {  	s17 =	simm.s32 $0xA00;
	s18 =	simm.s32 $0x20;
	s25 =	simm.s32 $0x1C00  }
0x5: {  	s26 =	simm.s32 $0x3C00;
	s28 =	simm.s32 $0x5C00;
	s29 =	simm.s32 $0x7C00  }
0x6: {  	s30 =	simm.s32 $0x9C00;
	s31 =	simm.s32 $0xBC00;
	s19 =	simm.s32 $0xDC00  }
0x7: {  	s20 =	simm.s32 $0x2;
	s2 =	sand.u32 $0x1, s2;
	s4 =	sshll.u32 s4, $0x1  }
0x8: {  	s22 =	simm.s32 $0x0;
	[smem:$0x7FF] =	sst s3;
	s4 =	sor.u32 s2, s4  }
0x9: {  	_ =	strace $0x80000047;
	s2 =	ssub.s32 $0x2, s2;
	s5 =	sshll.u32 s4, $0x6  }
0xa: {  	s4 =	sshll.u32 s4, $0x1;
	s6 =	sshrl.u32 s2, $0x1;
	s9 =	sadd.s32 s5, s0  }
0xb: {  	s0 =	sadd.s32 s4, s0;
	s2 =	ssub.s32 s2, s6;
	s4 =	sadd.s32 $0xC00, s9  }
0xc: {  	s5 =	sadd.s32 $0x1400, s9;
	s6 =	sadd.s32 $0x1C00, s9;
	s7 =	sadd.s32 $0x2400, s9  }
0xd: {  	v1 =	vlaneseq.u32;
	s8 =	sadd.s32 $0x2C00, s9;
	s9 =	sadd.s32 $0x3400, s9;
	s10 =	sadd.s32 $0x3C00, s0  }
0xe: {  	v0 =	vimm.f32 $0.0e+00;
	v1 =	vmul.u32 $0x80, v1;
	s11 =	smax.u32 s2, $0x1;
	s0 =	simm.s32 $0x1;
	s2 =	simm.s32 $0xCC00  }
.LBB2_1:
0xf: {  	[tilespmem:s3], [sflag:$0x3] =	stream.linear.gather [hbm4b:s4+s3], $0x200, $0x38;
	[tilespmem:$0xEC80] =	vst v63  }
0x10: {  	_ =	swait.ge [sflag:s12], $0x200  }
0x11: {  	[sflag:s12] =	ssyncset.done $0x0  }
0x12: {  	s13 =	simm.s32 $0x200;
	[sflag:s12] =	ssyncadd.s32 $0xFFFFFE00  }
0x13: {  	[tilespmem:s13], [sflag:$0x3] =	stream.linear.gather [hbm4b:s5+s3], $0x200, $0x38;
	[tilespmem:$0xEC80] =	vst v63  }
0x14: {  	_ =	swait.ge [sflag:s12], $0x200  }
0x15: {  	[sflag:s12] =	ssyncset.done $0x0  }
0x16: {  	s14 =	simm.s32 $0x400;
	[sflag:s12] =	ssyncadd.s32 $0xFFFFFE00  }
0x17: {  	[tilespmem:s14], [sflag:$0x3] =	stream.linear.gather [hbm4b:s6+s3], $0x200, $0x38;
	[tilespmem:$0xEC80] =	vst v63  }
0x18: {  	_ =	swait.ge [sflag:s12], $0x200  }
0x19: {  	[sflag:s12] =	ssyncset.done $0x0  }
0x1a: {  	s15 =	simm.s32 $0x600;
	[sflag:s12] =	ssyncadd.s32 $0xFFFFFE00  }
0x1b: {  	[tilespmem:s15], [sflag:$0x3] =	stream.linear.gather [hbm4b:s7+s3], $0x200, $0x38;
	[tilespmem:$0xEC80] =	vst v63  }
0x1c: {  	_ =	swait.ge [sflag:s12], $0x200  }
0x1d: {  	[sflag:s12] =	ssyncset.done $0x0  }
0x1e: {  	[sflag:s12] =	ssyncadd.s32 $0xFFFFFE00  }
0x1f: {  	[tilespmem:s16], [sflag:$0x3] =	stream.linear.gather [hbm4b:s8+s3], $0x200, $0x38;
	[tilespmem:$0xEC80] =	vst v63  }
0x20: {  	_ =	swait.ge [sflag:s12], $0x200  }
0x21: {  	[sflag:s12] =	ssyncset.done $0x0  }
0x22: {  	[sflag:s12] =	ssyncadd.s32 $0xFFFFFE00  }
0x23: {  	[tilespmem:s17], [sflag:$0x3] =	stream.linear.gather [hbm4b:s9+s3], $0x200, $0x38;
	[tilespmem:$0xEC80] =	vst v63  }
0x24: {  	_ =	swait.ge [sflag:s12], $0x200  }
0x25: {  	[sflag:s12] =	ssyncset.done $0x0  }
0x26: {  	[sflag:s12] =	ssyncadd.s32 $0xFFFFFE00  }
0x27: {  	s21 =	simm.s32 $0xC00;
	[tilespmem:$0xEC00] =	vst v0  }
0x28: {  	[tilespmem:s21], [sflag:$0x1] =	stream.indirect.gather [hbm4b:s1+s18], $0x80, s3, s18, $0xb8;
	[tilespmem:$0xEC80] =	vst v63  }
0x29: {  	s23 =	simm.s32 $0x2C00  }
0x2a: {  	[tilespmem:s23], [sflag:$0x1] =	stream.indirect.gather [hbm4b:s1+s18], $0x80, s13, s18, $0xb8;
	[tilespmem:$0xEC80] =	vst v63  }
0x2b: {  	s24 =	simm.s32 $0x4C00  }
0x2c: {  	[tilespmem:s24], [sflag:$0x1] =	stream.indirect.gather [hbm4b:s1+s18], $0x80, s14, s18, $0xb8;
	[tilespmem:$0xEC80] =	vst v63  }
0x2d: {  	s21 =	simm.s32 $0x6C00  }
0x2e: {  	[tilespmem:s21], [sflag:$0x1] =	stream.indirect.gather [hbm4b:s1+s18], $0x80, s15, s18, $0xb8;
	[tilespmem:$0xEC80] =	vst v63  }
0x2f: {  	s23 =	simm.s32 $0x8C00  }
0x30: {  	[tilespmem:s23], [sflag:$0x1] =	stream.indirect.gather [hbm4b:s1+s18], $0x80, s16, s18, $0xb8;
	[tilespmem:$0xEC80] =	vst v63  }
0x31: {  	s24 =	simm.s32 $0xAC00;
	s23 =	simm.s32 $0x0  }
0x32: {  	[tilespmem:s24], [sflag:$0x1] =	stream.indirect.gather [hbm4b:s1+s18], $0x80, s17, s18, $0xb8;
	[tilespmem:$0xEC80] =	vst v63  }
.LBB2_2:
0x33: {  	s24 =	sshll.u32 s23, $0x6  }
0x34: {  	s13 =	sor.u32 $0x20, s24  }
0x35: {  	[tilespmem:s25], [sflag:$0x2] =	stream.indirect.gather [hbm4b:s1+s18], $0x80, s13, s18, $0xb8;
	[tilespmem:$0xEC80] =	vst v63  }
0x36: {  	s15 =	sadd.s32 $0x220, s24  }
0x37: {  	[tilespmem:s26], [sflag:$0x2] =	stream.indirect.gather [hbm4b:s1+s18], $0x80, s15, s18, $0xb8;
	[tilespmem:$0xEC80] =	vst v63  }
0x38: {  	s21 =	sadd.s32 $0x420, s24  }
0x39: {  	[tilespmem:s28], [sflag:$0x2] =	stream.indirect.gather [hbm4b:s1+s18], $0x80, s21, s18, $0xb8;
	[tilespmem:$0xEC80] =	vst v63  }
0x3a: {  	s14 =	sadd.s32 $0x620, s24  }
0x3b: {  	[tilespmem:s29], [sflag:$0x2] =	stream.indirect.gather [hbm4b:s1+s18], $0x80, s14, s18, $0xb8;
	[tilespmem:$0xEC80] =	vst v63  }
0x3c: {  	s15 =	sadd.s32 $0x820, s24  }
0x3d: {  	[tilespmem:s30], [sflag:$0x2] =	stream.indirect.gather [hbm4b:s1+s18], $0x80, s15, s18, $0xb8;
	[tilespmem:$0xEC80] =	vst v63  }
0x3e: {  	s21 =	sadd.s32 $0xA20, s24  }
0x3f: {  	[tilespmem:s31], [sflag:$0x2] =	stream.indirect.gather [hbm4b:s1+s18], $0x80, s21, s18, $0xb8;
	[tilespmem:$0xEC80] =	vst v63  }
0x40: {  	_ =	swait.ge [sflag:s0], $0x1000  }
0x41: {  	[sflag:s0] =	ssyncset.done $0x0  }
0x42: {  	[sflag:s0] =	ssyncadd.s32 $0xFFFFF000  }
0x43: {  	_ =	swait.ge [sflag:s0], $0x1000  }
0x44: {  	[sflag:s0] =	ssyncset.done $0x0  }
0x45: {  	[sflag:s0] =	ssyncadd.s32 $0xFFFFF000  }
0x46: {  	_ =	swait.ge [sflag:s0], $0x1000  }
0x47: {  	[sflag:s0] =	ssyncset.done $0x0  }
0x48: {  	[sflag:s0] =	ssyncadd.s32 $0xFFFFF000  }
0x49: {  	_ =	swait.ge [sflag:s0], $0x1000  }
0x4a: {  	[sflag:s0] =	ssyncset.done $0x0  }
0x4b: {  	[sflag:s0] =	ssyncadd.s32 $0xFFFFF000  }
0x4c: {  	_ =	swait.ge [sflag:s0], $0x1000  }
0x4d: {  	[sflag:s0] =	ssyncset.done $0x0  }
0x4e: {  	[sflag:s0] =	ssyncadd.s32 $0xFFFFF000  }
0x4f: {  	_ =	swait.ge [sflag:s0], $0x1000  }
0x50: {  	[sflag:s0] =	ssyncset.done $0x0  }
0x51: {  	s21 =	simm.s32 $0x0;
	[sflag:s0] =	ssyncadd.s32 $0xFFFFF000  }
0x52: {  	v2 =	vld [tilespmem:s21+$0x6CF0]  }
0x53: {  	v3 =	vld [tilespmem:s21+$0x6CE0]  }
0x54: {  	v4 =	vld [tilespmem:s21+$0x6CD0]  }
0x55: {  	v5 =	vld [tilespmem:s21+$0x6CC0]  }
0x56: {  	v6 =	vld [tilespmem:s21+$0x6CB0]  }
0x57: {  	v7 =	vld [tilespmem:s21+$0x8C80]  }
0x58: {  	v8 =	vld [tilespmem:s21+$0x6CA0]  }
0x59: {  	v9 =	vld [tilespmem:s21+$0x6C80]  }
0x5a: {  	v10 =	vld [tilespmem:s21+$0xAC80]  }
0x5b: {  	v11 =	vld [tilespmem:s21+$0x6C90]  }
0x5c: {  	v12 =	vld [tilespmem:s21+$0xAC90]  }
0x5d: {  	v13 =	vld [tilespmem:s21+$0xACA0]  }
0x5e: {  	v14 =	vld [tilespmem:s21+$0x8C90]  }
0x5f: {  	v15 =	vld [tilespmem:s21+$0xACB0]  }
0x60: {  	v16 =	vld [tilespmem:s21+$0x8CA0]  }
0x61: {  	v17 =	vld [tilespmem:s21+$0xACC0]  }
0x62: {  	v57 =	vld [tilespmem:s21+$0x2C10]  }
0x63: {  	v58 =	vld [tilespmem:s21+$0x8C10]  }
0x64: {  	v18 =	vld [tilespmem:s21+$0xC20]  }
0x65: {  	v19 =	vld [tilespmem:s21+$0x4C20]  }
0x66: {  	v20 =	vld [tilespmem:s21+$0x6C20]  }
0x67: {  	v21 =	vld [tilespmem:s21+$0xAC20]  }
0x68: {  	v22 =	vld [tilespmem:s21+$0x2C80]  }
0x69: {  	v23 =	vld [tilespmem:s21+$0x2C90]  }
0x6a: {  	v24 =	vld [tilespmem:s21+$0xCA0]  }
0x6b: {  	v25 =	vld [tilespmem:s21+$0x4CA0]  }
0x6c: {  	v26 =	vld [tilespmem:s21+$0x2C20]  }
0x6d: {  	v27 =	vld [tilespmem:s21+$0x8C20]  }
0x6e: {  	v28 =	vld [tilespmem:s21+$0xC30]  }
0x6f: {  	v29 =	vld [tilespmem:s21+$0x4C30]  }
0x70: {  	v30 =	vld [tilespmem:s21+$0x6C30]  }
0x71: {  	v31 =	vld [tilespmem:s21+$0xAC30]  }
0x72: {  	v32 =	vld [tilespmem:s21+$0x2CA0]  }
0x73: {  	v33 =	vld [tilespmem:s21+$0xCB0]  }
0x74: {  	v34 =	vld [tilespmem:s21+$0x4CB0]  }
0x75: {  	v35 =	vld [tilespmem:s21+$0x2C30]  }
0x76: {  	v36 =	vld [tilespmem:s21+$0x8C30]  }
0x77: {  	v37 =	vld [tilespmem:s21+$0xC40]  }
0x78: {  	v38 =	vld [tilespmem:s21+$0x4C40]  }
0x79: {  	v39 =	vld [tilespmem:s21+$0x6C40]  }
0x7a: {  	v40 =	vld [tilespmem:s21+$0xAC40]  }
0x7b: {  	v41 =	vld [tilespmem:s21+$0x2CB0]  }
0x7c: {  	v42 =	vld [tilespmem:s21+$0xCC0]  }
0x7d: {  	v43 =	vld [tilespmem:s21+$0x4CC0]  }
0x7e: {  	v44 =	vld [tilespmem:s21+$0x2C40]  }
0x7f: {  	v45 =	vld [tilespmem:s21+$0x8C40]  }
0x80: {  	v60 =	vld [tilespmem:s21+$0x8C50]  }
0x81: {  	v62 =	vld [tilespmem:s21+$0x4C60]  }
0x82: {  	v63 =	vld [tilespmem:s21+$0x6C60]  }
0x83: {  	v47 =	vld [tilespmem:s21+$0xAC60]  }
0x84: {  	v54 =	vld [tilespmem:s21+$0xC70]  }
0x85: {  	v9 =	vadd.f32 v10, v9;
	v10 =	vadd.f32 v12, v11;
	v11 =	vld [tilespmem:s21+$0x8CB0]  }
0x86: {  	v12 =	vld [tilespmem:s21+$0xACD0]  }
0x87: {  	v8 =	vadd.f32 v13, v8;
	v6 =	vadd.f32 v15, v6;
	v13 =	vld [tilespmem:s21+$0xACE0]  }
0x88: {  	v15 =	vld [tilespmem:s21+$0xACF0];
	v7 =	vsub.f32 v9, v7;
	v9 =	vsub.f32 v10, v14  }
0x89: {  	v10 =	vld [tilespmem:s21+$0x8CC0]  }
0x8a: {  	v8 =	vsub.f32 v8, v16;
	v14 =	vld [tilespmem:s21+$0x8CD0];
	v7 =	vmul.f32 v7, v7;
	v9 =	vmul.f32 v9, v9  }
0x8b: {  	v5 =	vadd.f32 v17, v5;
	v6 =	vsub.f32 v6, v11;
	v11 =	vld [tilespmem:s21+$0xC00]  }
0x8c: {  	v8 =	vmul.f32 v8, v8;
	v4 =	vadd.f32 v12, v4;
	v12 =	vld [tilespmem:s21+$0xAC00];
	v7 =	vadd.f32 v9, v7  }
0x8d: {  	v3 =	vadd.f32 v13, v3;
	v9 =	vld [tilespmem:s21+$0x8CE0]  }
0x8e: {  	v13 =	vld [tilespmem:s21+$0x4C80];
	v6 =	vmul.f32 v6, v6;
	v5 =	vsub.f32 v5, v10;
	v7 =	vadd.f32 v8, v7  }
0x8f: {  	v2 =	vadd.f32 v15, v2;
	v8 =	vld [tilespmem:s21+$0x8CF0]  }
0x90: {  	v15 =	vld [tilespmem:s21+$0x8C00];
	v4 =	vsub.f32 v4, v14;
	v5 =	vmul.f32 v5, v5;
	v6 =	vadd.f32 v6, v7  }
0x91: {  	v10 =	vld [tilespmem:s21+$0x4C00]  }
0x92: {  	v14 =	vld [tilespmem:s21+$0x4C90];
	v4 =	vmul.f32 v4, v4;
	v3 =	vsub.f32 v3, v9;
	v5 =	vadd.f32 v5, v6  }
0x93: {  	v7 =	vld [tilespmem:s21+$0x6C00]  }
0x94: {  	v9 =	vld [tilespmem:s21+$0x4C10];
	v3 =	vmul.f32 v3, v3;
	v2 =	vsub.f32 v2, v8;
	v4 =	vadd.f32 v4, v5  }
0x95: {  	v59 =	vadd.f32 v21, v20;
	v6 =	vld [tilespmem:s21+$0xC10]  }
0x96: {  	v61 =	vadd.f32 v25, v24;
	v8 =	vld [tilespmem:s21+$0xAC10];
	v2 =	vmul.f32 v2, v2;
	v3 =	vadd.f32 v3, v4  }
0x97: {  	v46 =	vadd.f32 v31, v30;
	v51 =	vadd.f32 v38, v37;
	v5 =	vld [tilespmem:s21+$0x6C10]  }
0x98: {  	v7 =	vadd.f32 v12, v7;
	v12 =	vld [tilespmem:s21+$0x2CC0];
	v2 =	vadd.f32 v2, v3  }
0x99: {  	v53 =	vadd.f32 v40, v39;
	v55 =	vadd.f32 v43, v42;
	v4 =	vld [tilespmem:s21+$0xC80]  }
0x9a: {  	v16 =	vsub.f32 v59, v27;
	v25 =	vsub.f32 v51, v44;
	[tilespmem:s21+$0xDC80] =	vst v2;
	v2 =	vld [tilespmem:s21+$0x2C00]  }
0x9b: {  	v10 =	vadd.f32 v10, v11;
	v6 =	vadd.f32 v9, v6;
	v3 =	vld [tilespmem:s21+$0xC90]  }
0x9c: {  	v56 =	vld [tilespmem:s21+$0x4C70];
	v7 =	vsub.f32 v7, v15;
	v5 =	vadd.f32 v8, v5  }
0x9d: {  	v9 =	vld [tilespmem:s21+$0xC50];
	v6 =	vsub.f32 v6, v57;
	v12 =	vsub.f32 v55, v12  }
0x9e: {  	v8 =	vld [tilespmem:s21+$0x4C50];
	v4 =	vadd.f32 v13, v4;
	v5 =	vsub.f32 v5, v58  }
0x9f: {  	v48 =	vld [tilespmem:s21+$0x2CD0];
	v7 =	vmul.f32 v7, v7;
	v13 =	vadd.f32 v19, v18;
	v2 =	vsub.f32 v10, v2  }
0xa0: {  	v15 =	vld [tilespmem:s21+$0x2C50];
	v6 =	vmul.f32 v6, v6;
	v18 =	vsub.f32 v61, v32;
	v3 =	vadd.f32 v14, v3  }
0xa1: {  	v49 =	vld [tilespmem:s21+$0xCE0];
	v61 =	vadd.f32 v56, v54;
	v13 =	vsub.f32 v13, v26;
	v2 =	vmul.f32 v2, v2  }
0xa2: {  	v11 =	vld [tilespmem:s21+$0xAC50];
	v4 =	vsub.f32 v4, v22;
	v5 =	vmul.f32 v5, v5;
	v3 =	vsub.f32 v3, v23  }
0xa3: {  	v8 =	vadd.f32 v8, v9;
	v10 =	vld [tilespmem:s21+$0x6C50];
	v13 =	vmul.f32 v13, v13;
	v2 =	vadd.f32 v6, v2  }
0xa4: {  	v50 =	vld [tilespmem:s21+$0x4CE0];
	v5 =	vadd.f32 v5, v7;
	v4 =	vmul.f32 v4, v4;
	v3 =	vmul.f32 v3, v3  }
0xa5: {  	v52 =	vld [tilespmem:s21+$0x2C60];
	v8 =	vsub.f32 v8, v15;
	v2 =	vadd.f32 v13, v2;
	v13 =	vmul.f32 v16, v16  }
0xa6: {  	v7 =	vld [tilespmem:s21+$0xC60];
	v3 =	vadd.f32 v3, v4;
	v4 =	vadd.f32 v29, v28  }
0xa7: {  	v57 =	vld [tilespmem:s21+$0x6C70];
	v5 =	vadd.f32 v13, v5;
	v13 =	vadd.f32 v34, v33  }
0xa8: {  	v58 =	vld [tilespmem:s21+$0x2CF0];
	v18 =	vmul.f32 v18, v18;
	v9 =	vadd.f32 v11, v10;
	v16 =	vsub.f32 v46, v36  }
0xa9: {  	v14 =	vld [tilespmem:s21+$0xCD0];
	v4 =	vsub.f32 v4, v35;
	v13 =	vsub.f32 v13, v41  }
0xaa: {  	v6 =	vld [tilespmem:s21+$0x4CD0];
	v3 =	vadd.f32 v18, v3;
	v18 =	vsub.f32 v53, v45;
	v16 =	vmul.f32 v16, v16  }
0xab: {  	v15 =	vld [tilespmem:s21+$0xCF0];
	v7 =	vadd.f32 v62, v7;
	v4 =	vmul.f32 v4, v4;
	v13 =	vmul.f32 v13, v13  }
0xac: {  	v10 =	vld [tilespmem:s21+$0xAC70];
	v9 =	vsub.f32 v9, v60;
	v11 =	vmul.f32 v18, v18;
	v5 =	vadd.f32 v16, v5  }
0xad: {  	v2 =	vadd.f32 v4, v2;
	v4 =	vld [tilespmem:s21+$0x8C60];
	v3 =	vadd.f32 v13, v3;
	v13 =	vmul.f32 v25, v25  }
0xae: {  	v60 =	vadd.f32 v50, v49;
	v5 =	vadd.f32 v11, v5;
	v11 =	vmul.f32 v12, v12;
	v12 =	vld [tilespmem:s21+$0x4CF0]  }
0xaf: {  	v6 =	vadd.f32 v6, v14;
	v9 =	vmul.f32 v9, v9;
	v14 =	vld [tilespmem:s21+$0x2C70];
	v2 =	vadd.f32 v13, v2  }
0xb0: {  	v8 =	vmul.f32 v8, v8;
	v13 =	vld [tilespmem:s21+$0x2CE0];
	v11 =	vadd.f32 v11, v3;
	v3 =	vsub.f32 v7, v52  }
0xb1: {  	v9 =	vadd.f32 v9, v5;
	v5 =	vadd.f32 v47, v63;
	v7 =	vld [tilespmem:s21+$0x8C70]  }
0xb2: {  	s15 =	simm.s32 $0x100;
	v6 =	vsub.f32 v6, v48;
	v8 =	vadd.f32 v8, v2;
	v59 =	vmul.f32 v3, v3  }
0xb3: {  	v20 =	vsub.f32 v5, v4;
	v4 =	vld [tilespmem:s15+$0x6CD0];
	v12 =	vadd.f32 v12, v15  }
0xb4: {  	v5 =	vld [tilespmem:s15+$0x6CC0];
	v17 =	vadd.f32 v59, v8;
	v8 =	vadd.f32 v10, v57  }
0xb5: {  	v2 =	vld [tilespmem:s15+$0x6CF0];
	v10 =	vsub.f32 v61, v14;
	v14 =	vmul.f32 v6, v6;
	v13 =	vsub.f32 v60, v13  }
0xb6: {  	v3 =	vld [tilespmem:s15+$0x6CE0];
	v62 =	vmul.f32 v20, v20;
	v12 =	vsub.f32 v12, v58;
	v15 =	vsub.f32 v8, v7  }
0xb7: {  	v6 =	vld [tilespmem:s15+$0x6CB0];
	v10 =	vmul.f32 v10, v10;
	v11 =	vadd.f32 v14, v11;
	v13 =	vmul.f32 v13, v13  }
0xb8: {  	v7 =	vld [tilespmem:s15+$0x8C80];
	v14 =	vadd.f32 v62, v9;
	v15 =	vmul.f32 v15, v15  }
0xb9: {  	v12 =	vmul.f32 v12, v12;
	v8 =	vld [tilespmem:s15+$0x6CA0];
	v63 =	vadd.f32 v10, v17;
	v13 =	vadd.f32 v13, v11  }
0xba: {  	v9 =	vld [tilespmem:s15+$0x6C80];
	v14 =	vadd.f32 v15, v14  }
0xbb: {  	v10 =	vld [tilespmem:s15+$0xAC80];
	[tilespmem:s21+$0xCC00] =	vst v63;
	v12 =	vadd.f32 v12, v13  }
0xbc: {  	s13 =	simm.s32 $0x0;
	s14 =	simm.s32 $0x800;
	v11 =	vld [tilespmem:s15+$0x6C90];
	[tilespmem:s21+$0xDC00] =	vst v14  }
.LBB2_3:
0xbd: {  	p0 =	sne.s32 s14, $0x3C00;
	v13 =	vld [tilespmem:s15+$0xAC90];
	[tilespmem:s21+$0xCC80] =	vst v12;
	s21 =	smov.u32 s15  }
0xbe: {  	v12 =	vld [tilespmem:s21+$0xACA0]  }
0xbf: {  	v14 =	vld [tilespmem:s21+$0x8C90]  }
0xc0: {  	v15 =	vld [tilespmem:s21+$0xACB0]  }
0xc1: {  	v16 =	vld [tilespmem:s21+$0x8CA0]  }
0xc2: {  	v9 =	vadd.f32 v10, v9;
	v10 =	vadd.f32 v13, v11;
	v11 =	vld [tilespmem:s21+$0xACC0]  }
0xc3: {  	v8 =	vadd.f32 v12, v8;
	v12 =	vld [tilespmem:s21+$0x8CB0]  }
0xc4: {  	v7 =	vsub.f32 v9, v7;
	v9 =	vsub.f32 v10, v14;
	v10 =	vld [tilespmem:s21+$0xACD0]  }
0xc5: {  	v6 =	vadd.f32 v15, v6;
	v13 =	vld [tilespmem:s21+$0x8CC0]  }
0xc6: {  	v7 =	vmul.f32 v7, v7;
	v9 =	vmul.f32 v9, v9;
	v8 =	vsub.f32 v8, v16;
	v14 =	vld [tilespmem:s21+$0xACE0]  }
0xc7: {  	v5 =	vadd.f32 v11, v5;
	v11 =	vld [tilespmem:s21+$0x8CD0]  }
0xc8: {  	v7 =	vadd.f32 v9, v7;
	v8 =	vmul.f32 v8, v8;
	v6 =	vsub.f32 v6, v12;
	v9 =	vld [tilespmem:s21+$0xACF0]  }
0xc9: {  	v4 =	vadd.f32 v10, v4;
	v10 =	vld [tilespmem:s21+$0x8CE0]  }
0xca: {  	v12 =	vld [tilespmem:s21+$0xC00];
	v7 =	vadd.f32 v8, v7;
	v6 =	vmul.f32 v6, v6;
	v5 =	vsub.f32 v5, v13  }
0xcb: {  	v3 =	vadd.f32 v14, v3;
	v8 =	vld [tilespmem:s21+$0x8CF0]  }
0xcc: {  	v13 =	vld [tilespmem:s21+$0x4C00];
	v6 =	vadd.f32 v6, v7;
	v5 =	vmul.f32 v5, v5;
	v4 =	vsub.f32 v4, v11  }
0xcd: {  	v7 =	vld [tilespmem:s21+$0x6C00];
	v2 =	vadd.f32 v9, v2  }
0xce: {  	v9 =	vld [tilespmem:s21+$0xAC00];
	v5 =	vadd.f32 v5, v6;
	v4 =	vmul.f32 v4, v4;
	v3 =	vsub.f32 v3, v10  }
0xcf: {  	v6 =	vld [tilespmem:s21+$0xC10]  }
0xd0: {  	v10 =	vld [tilespmem:s21+$0x4C10];
	v4 =	vadd.f32 v4, v5;
	v3 =	vmul.f32 v3, v3;
	v2 =	vsub.f32 v2, v8  }
0xd1: {  	v5 =	vadd.f32 v13, v12;
	v8 =	vld [tilespmem:s21+$0x6C10]  }
0xd2: {  	v11 =	vld [tilespmem:s21+$0xAC10];
	v3 =	vadd.f32 v3, v4;
	v2 =	vmul.f32 v2, v2  }
0xd3: {  	v4 =	vadd.f32 v9, v7;
	v7 =	vld [tilespmem:s21+$0xC80]  }
0xd4: {  	v9 =	vld [tilespmem:s21+$0x4C80];
	v2 =	vadd.f32 v2, v3  }
0xd5: {  	v3 =	vadd.f32 v10, v6;
	v6 =	vld [tilespmem:s21+$0xC90]  }
0xd6: {  	v10 =	vld [tilespmem:s21+$0x4C90];
	[tilespmem:s21+$0xDC80] =	vst v2  }
0xd7: {  	v2 =	vld [tilespmem:s21+$0x2C00];
	v8 =	vadd.f32 v11, v8  }
0xd8: {  	v11 =	vld [tilespmem:s21+$0x8C00]  }
0xd9: {  	v12 =	vld [tilespmem:s21+$0x2C10];
	v7 =	vadd.f32 v9, v7  }
0xda: {  	v9 =	vld [tilespmem:s21+$0x8C10]  }
0xdb: {  	v13 =	vld [tilespmem:s21+$0xC20];
	v6 =	vadd.f32 v10, v6  }
0xdc: {  	v2 =	vsub.f32 v5, v2;
	v5 =	vld [tilespmem:s21+$0x4C20]  }
0xdd: {  	v4 =	vsub.f32 v4, v11;
	v10 =	vld [tilespmem:s21+$0x6C20]  }
0xde: {  	v2 =	vmul.f32 v2, v2;
	v3 =	vsub.f32 v3, v12;
	v11 =	vld [tilespmem:s21+$0xAC20]  }
0xdf: {  	v4 =	vmul.f32 v4, v4;
	v8 =	vsub.f32 v8, v9;
	v9 =	vld [tilespmem:s21+$0x2C80]  }
0xe0: {  	v3 =	vmul.f32 v3, v3;
	v12 =	vld [tilespmem:s21+$0x2C90]  }
0xe1: {  	v8 =	vmul.f32 v8, v8;
	v5 =	vadd.f32 v5, v13;
	v13 =	vld [tilespmem:s21+$0xCA0]  }
0xe2: {  	v2 =	vadd.f32 v3, v2;
	v3 =	vld [tilespmem:s21+$0x4CA0]  }
0xe3: {  	v4 =	vadd.f32 v8, v4;
	v8 =	vld [tilespmem:s21+$0x2C20];
	v10 =	vadd.f32 v11, v10  }
0xe4: {  	v11 =	vld [tilespmem:s21+$0x8C20];
	v7 =	vsub.f32 v7, v9  }
0xe5: {  	v9 =	vld [tilespmem:s21+$0xC30];
	v6 =	vsub.f32 v6, v12  }
0xe6: {  	v12 =	vld [tilespmem:s21+$0x4C30];
	v7 =	vmul.f32 v7, v7  }
0xe7: {  	v14 =	vld [tilespmem:s21+$0x6C30];
	v6 =	vmul.f32 v6, v6;
	v3 =	vadd.f32 v3, v13  }
0xe8: {  	v5 =	vsub.f32 v5, v8;
	v8 =	vld [tilespmem:s21+$0xAC30]  }
0xe9: {  	v10 =	vsub.f32 v10, v11;
	v6 =	vadd.f32 v6, v7;
	v7 =	vld [tilespmem:s21+$0x2CA0]  }
0xea: {  	v5 =	vmul.f32 v5, v5;
	v11 =	vld [tilespmem:s21+$0xCB0]  }
0xeb: {  	v10 =	vmul.f32 v10, v10;
	v9 =	vadd.f32 v12, v9;
	v12 =	vld [tilespmem:s21+$0x4CB0]  }
0xec: {  	v2 =	vadd.f32 v5, v2;
	v5 =	vld [tilespmem:s21+$0x2C30]  }
0xed: {  	v4 =	vadd.f32 v10, v4;
	v8 =	vadd.f32 v8, v14;
	v10 =	vld [tilespmem:s21+$0x8C30]  }
0xee: {  	v13 =	vld [tilespmem:s21+$0xC40];
	v3 =	vsub.f32 v3, v7  }
0xef: {  	v7 =	vld [tilespmem:s21+$0x4C40]  }
0xf0: {  	v14 =	vld [tilespmem:s21+$0x6C40];
	v3 =	vmul.f32 v3, v3;
	v11 =	vadd.f32 v12, v11  }
0xf1: {  	v5 =	vsub.f32 v9, v5;
	v9 =	vld [tilespmem:s21+$0xAC40]  }
0xf2: {  	v8 =	vsub.f32 v8, v10;
	v3 =	vadd.f32 v3, v6;
	v6 =	vld [tilespmem:s21+$0x2CB0]  }
0xf3: {  	v5 =	vmul.f32 v5, v5;
	v10 =	vld [tilespmem:s21+$0xCC0]  }
0xf4: {  	v8 =	vmul.f32 v8, v8;
	v7 =	vadd.f32 v7, v13;
	v12 =	vld [tilespmem:s21+$0x4CC0]  }
0xf5: {  	v2 =	vadd.f32 v5, v2;
	v5 =	vld [tilespmem:s21+$0x2C40]  }
0xf6: {  	v4 =	vadd.f32 v8, v4;
	v8 =	vadd.f32 v9, v14;
	v9 =	vld [tilespmem:s21+$0x8C40]  }
0xf7: {  	v13 =	vld [tilespmem:s21+$0xC50];
	v6 =	vsub.f32 v11, v6  }
0xf8: {  	v11 =	vld [tilespmem:s21+$0x4C50]  }
0xf9: {  	v14 =	vld [tilespmem:s21+$0x6C50];
	v6 =	vmul.f32 v6, v6;
	v10 =	vadd.f32 v12, v10  }
0xfa: {  	v5 =	vsub.f32 v7, v5;
	v7 =	vld [tilespmem:s21+$0xAC50]  }
0xfb: {  	v8 =	vsub.f32 v8, v9;
	v3 =	vadd.f32 v6, v3;
	v6 =	vld [tilespmem:s21+$0x2CC0]  }
0xfc: {  	v5 =	vmul.f32 v5, v5;
	v9 =	vld [tilespmem:s21+$0xCD0]  }
0xfd: {  	v8 =	vmul.f32 v8, v8;
	v11 =	vadd.f32 v11, v13;
	v12 =	vld [tilespmem:s21+$0x4CD0]  }
0xfe: {  	v2 =	vadd.f32 v5, v2;
	v5 =	vld [tilespmem:s21+$0x2C50]  }
0xff: {  	v4 =	vadd.f32 v8, v4;
	v7 =	vadd.f32 v7, v14;
	v8 =	vld [tilespmem:s21+$0x8C50]  }
0x100: {  	v13 =	vld [tilespmem:s21+$0xC60];
	v6 =	vsub.f32 v10, v6  }
0x101: {  	v10 =	vld [tilespmem:s21+$0x4C60]  }
0x102: {  	v14 =	vld [tilespmem:s21+$0x6C60];
	v6 =	vmul.f32 v6, v6;
	v9 =	vadd.f32 v12, v9  }
0x103: {  	v5 =	vsub.f32 v11, v5;
	v11 =	vld [tilespmem:s21+$0xAC60]  }
0x104: {  	v7 =	vsub.f32 v7, v8;
	v3 =	vadd.f32 v6, v3;
	v6 =	vld [tilespmem:s21+$0x2CD0]  }
0x105: {  	v5 =	vmul.f32 v5, v5;
	v8 =	vld [tilespmem:s21+$0xCE0]  }
0x106: {  	v7 =	vmul.f32 v7, v7;
	v10 =	vadd.f32 v10, v13;
	v12 =	vld [tilespmem:s21+$0x4CE0]  }
0x107: {  	v2 =	vadd.f32 v5, v2;
	v5 =	vld [tilespmem:s21+$0x2C60]  }
0x108: {  	v4 =	vadd.f32 v7, v4;
	v7 =	vadd.f32 v11, v14;
	v11 =	vld [tilespmem:s21+$0x8C60]  }
0x109: {  	v13 =	vld [tilespmem:s21+$0xC70];
	v6 =	vsub.f32 v9, v6  }
0x10a: {  	v9 =	vld [tilespmem:s21+$0x4C70]  }
0x10b: {  	v14 =	vld [tilespmem:s21+$0x6C70];
	v6 =	vmul.f32 v6, v6;
	v8 =	vadd.f32 v12, v8  }
0x10c: {  	v5 =	vsub.f32 v10, v5;
	v10 =	vld [tilespmem:s21+$0xAC70]  }
0x10d: {  	v7 =	vsub.f32 v7, v11;
	v6 =	vadd.f32 v6, v3;
	v3 =	vld [tilespmem:s21+$0x2CE0]  }
0x10e: {  	v5 =	vmul.f32 v5, v5;
	v11 =	vld [tilespmem:s21+$0xCF0]  }
0x10f: {  	v7 =	vmul.f32 v7, v7;
	v9 =	vadd.f32 v9, v13;
	v12 =	vld [tilespmem:s21+$0x4CF0]  }
0x110: {  	v13 =	vadd.f32 v5, v2;
	v5 =	vld [tilespmem:s21+$0x2C70]  }
0x111: {  	v15 =	vadd.f32 v7, v4;
	v7 =	vadd.f32 v10, v14;
	v10 =	vld [tilespmem:s21+$0x8C70]  }
0x112: {  	s15 =	sshra.s32 s14, $0x2;
	v4 =	vsub.f32 v8, v3;
	v8 =	vld [tilespmem:s21+$0x2CF0]  }
0x113: {  	v2 =	vld [tilespmem:s15+$0x6CF0]  }
0x114: {  	v3 =	vld [tilespmem:s15+$0x6CE0];
	v14 =	vmul.f32 v4, v4;
	v11 =	vadd.f32 v12, v11  }
0x115: {  	v4 =	vld [tilespmem:s15+$0x6CD0];
	v9 =	vsub.f32 v9, v5  }
0x116: {  	v5 =	vld [tilespmem:s15+$0x6CC0];
	v10 =	vsub.f32 v7, v10;
	v12 =	vadd.f32 v14, v6  }
0x117: {  	v6 =	vld [tilespmem:s15+$0x6CB0];
	v9 =	vmul.f32 v9, v9;
	v11 =	vsub.f32 v11, v8  }
.Ltmp0:
0x118: {  	v7 =	vld [tilespmem:s15+$0x8C80];
	v10 =	vmul.f32 v10, v10;
	(pc) =	sbr.rel @p0 .LBB2_3-.Ltmp0, $4  }
0x119: {  	v8 =	vld [tilespmem:s15+$0x6CA0];
	v13 =	vadd.f32 v9, v13;
	v11 =	vmul.f32 v11, v11  }
0x11a: {  	v9 =	vld [tilespmem:s15+$0x6C80];
	v14 =	vadd.f32 v10, v15  }
0x11b: {  	v10 =	vld [tilespmem:s15+$0xAC80];
	[tilespmem:s21+$0xCC00] =	vst v13;
	v12 =	vadd.f32 v11, v12  }
0x11c: {  	s14 =	sadd.s32 $0x400, s14;
	v11 =	vld [tilespmem:s15+$0x6C90];
	[tilespmem:s21+$0xDC00] =	vst v14  }
0x11d: {  	v13 =	vld [tilespmem:s15+$0xAC90];
	[tilespmem:s21+$0xCC80] =	vst v12  }
0x11e: {  	v12 =	vld [tilespmem:s15+$0xACA0]  }
0x11f: {  	v14 =	vld [tilespmem:s15+$0x8C90]  }
0x120: {  	v15 =	vld [tilespmem:s15+$0xACB0]  }
0x121: {  	v16 =	vld [tilespmem:s15+$0x8CA0]  }
0x122: {  	v17 =	vld [tilespmem:s15+$0xACC0]  }
0x123: {  	v44 =	vld [tilespmem:s15+$0x8CB0]  }
0x124: {  	v45 =	vld [tilespmem:s15+$0xACD0]  }
0x125: {  	v47 =	vld [tilespmem:s15+$0x8CC0]  }
0x126: {  	v48 =	vld [tilespmem:s15+$0xACE0]  }
0x127: {  	v49 =	vld [tilespmem:s15+$0x8CD0]  }
0x128: {  	v50 =	vld [tilespmem:s15+$0xACF0]  }
0x129: {  	v51 =	vld [tilespmem:s15+$0x8CE0]  }
0x12a: {  	v52 =	vld [tilespmem:s15+$0xC00]  }
0x12b: {  	v53 =	vld [tilespmem:s15+$0x8CF0]  }
0x12c: {  	v54 =	vld [tilespmem:s15+$0x4C00]  }
0x12d: {  	v55 =	vld [tilespmem:s15+$0x6C00]  }
0x12e: {  	v56 =	vld [tilespmem:s15+$0xAC00]  }
0x12f: {  	v57 =	vld [tilespmem:s15+$0xC10]  }
0x130: {  	v58 =	vld [tilespmem:s15+$0x4C10]  }
0x131: {  	v59 =	vld [tilespmem:s15+$0x6C10]  }
0x132: {  	v60 =	vld [tilespmem:s15+$0xAC10]  }
0x133: {  	v61 =	vld [tilespmem:s15+$0xC80]  }
0x134: {  	v62 =	vld [tilespmem:s15+$0x4C80]  }
0x135: {  	v63 =	vld [tilespmem:s15+$0x4C90]  }
0x136: {  	v18 =	vld [tilespmem:s15+$0xC20]  }
0x137: {  	v19 =	vld [tilespmem:s15+$0x4C20]  }
0x138: {  	v20 =	vld [tilespmem:s15+$0x6C20]  }
0x139: {  	v21 =	vld [tilespmem:s15+$0xAC20]  }
0x13a: {  	v22 =	vld [tilespmem:s15+$0x2C80]  }
0x13b: {  	v23 =	vld [tilespmem:s15+$0x2C90]  }
0x13c: {  	v24 =	vld [tilespmem:s15+$0xCA0]  }
0x13d: {  	v25 =	vld [tilespmem:s15+$0x4CA0]  }
0x13e: {  	v26 =	vld [tilespmem:s15+$0x2C20]  }
0x13f: {  	v27 =	vld [tilespmem:s15+$0x8C20]  }
0x140: {  	v28 =	vld [tilespmem:s15+$0xC30]  }
0x141: {  	v29 =	vld [tilespmem:s15+$0x4C30]  }
0x142: {  	v30 =	vld [tilespmem:s15+$0x6C30]  }
0x143: {  	v31 =	vld [tilespmem:s15+$0xAC30]  }
0x144: {  	v32 =	vld [tilespmem:s15+$0x2CA0]  }
0x145: {  	v33 =	vld [tilespmem:s15+$0xCB0]  }
0x146: {  	v34 =	vld [tilespmem:s15+$0x4CB0]  }
0x147: {  	v35 =	vld [tilespmem:s15+$0x2C30]  }
0x148: {  	v36 =	vld [tilespmem:s15+$0x8C30]  }
0x149: {  	v37 =	vld [tilespmem:s15+$0xC40]  }
0x14a: {  	v38 =	vld [tilespmem:s15+$0x4C40];
	v9 =	vadd.f32 v10, v9  }
0x14b: {  	v39 =	vld [tilespmem:s15+$0x6C40]  }
0x14c: {  	v40 =	vld [tilespmem:s15+$0xAC40];
	v43 =	vadd.f32 v13, v11;
	v7 =	vsub.f32 v9, v7  }
0x14d: {  	v41 =	vld [tilespmem:s15+$0x2CB0];
	v8 =	vadd.f32 v12, v8;
	v6 =	vadd.f32 v15, v6  }
0x14e: {  	v42 =	vld [tilespmem:s15+$0xCC0];
	v5 =	vadd.f32 v17, v5;
	v4 =	vadd.f32 v45, v4  }
0x14f: {  	v3 =	vadd.f32 v48, v3;
	v45 =	vld [tilespmem:s15+$0x8C00];
	v46 =	vsub.f32 v43, v14  }
0x150: {  	v2 =	vadd.f32 v50, v2;
	v10 =	vadd.f32 v54, v52;
	v48 =	vld [tilespmem:s15+$0x2C40]  }
0x151: {  	v50 =	vld [tilespmem:s15+$0xC50];
	v7 =	vmul.f32 v7, v7;
	v8 =	vsub.f32 v8, v16;
	v9 =	vmul.f32 v46, v46  }
0x152: {  	v52 =	vld [tilespmem:s15+$0x6C50];
	v30 =	vadd.f32 v31, v30;
	v33 =	vadd.f32 v34, v33  }
0x153: {  	v43 =	vld [tilespmem:s15+$0x4CC0];
	v6 =	vsub.f32 v6, v44;
	v8 =	vmul.f32 v8, v8;
	v7 =	vadd.f32 v9, v7  }
0x154: {  	v54 =	vld [tilespmem:s15+$0xAC50];
	v40 =	vadd.f32 v40, v39;
	v5 =	vsub.f32 v5, v47  }
0x155: {  	v4 =	vsub.f32 v4, v49;
	v49 =	vld [tilespmem:s15+$0x8C40];
	v6 =	vmul.f32 v6, v6;
	v7 =	vadd.f32 v8, v7  }
0x156: {  	v31 =	vld [tilespmem:s15+$0x4C60];
	v2 =	vsub.f32 v2, v53;
	v53 =	vadd.f32 v19, v18  }
0x157: {  	v34 =	vld [tilespmem:s15+$0xAC60];
	v3 =	vsub.f32 v3, v51;
	v5 =	vmul.f32 v5, v5;
	v6 =	vadd.f32 v6, v7  }
0x158: {  	v46 =	vld [tilespmem:s15+$0x2C10];
	v13 =	vsub.f32 v53, v26;
	v42 =	vadd.f32 v43, v42  }
0x159: {  	v47 =	vld [tilespmem:s15+$0x8C10];
	v4 =	vmul.f32 v4, v4;
	v7 =	vadd.f32 v56, v55;
	v5 =	vadd.f32 v5, v6  }
0x15a: {  	v51 =	vld [tilespmem:s15+$0x4C50];
	v8 =	vsub.f32 v40, v49;
	v6 =	vadd.f32 v58, v57  }
0x15b: {  	v44 =	vld [tilespmem:s15+$0xC70];
	v3 =	vmul.f32 v3, v3;
	v7 =	vsub.f32 v7, v45;
	v4 =	vadd.f32 v4, v5  }
0x15c: {  	v55 =	vld [tilespmem:s15+$0x2CC0];
	v57 =	vadd.f32 v21, v20;
	v5 =	vadd.f32 v60, v59  }
0x15d: {  	v2 =	vmul.f32 v2, v2;
	v56 =	vld [tilespmem:s15+$0xCD0];
	v6 =	vsub.f32 v6, v46;
	v3 =	vadd.f32 v3, v4  }
0x15e: {  	v58 =	vld [tilespmem:s15+$0x4CD0];
	v60 =	vadd.f32 v25, v24;
	v5 =	vsub.f32 v5, v47  }
0x15f: {  	v45 =	vld [tilespmem:s15+$0x4C70];
	v7 =	vmul.f32 v7, v7;
	v16 =	vsub.f32 v57, v27;
	v2 =	vadd.f32 v2, v3  }
0x160: {  	v46 =	vadd.f32 v54, v52;
	v4 =	vadd.f32 v62, v61;
	v3 =	vld [tilespmem:s15+$0xC90];
	v5 =	vmul.f32 v5, v5  }
0x161: {  	v62 =	vadd.f32 v29, v28;
	v29 =	vmul.f32 v16, v16;
	v16 =	vsub.f32 v30, v36;
	[tilespmem:s15+$0xDC80] =	vst v2;
	v2 =	vld [tilespmem:s15+$0x2C00]  }
0x162: {  	v59 =	vld [tilespmem:s15+$0x2C50];
	v36 =	vadd.f32 v38, v37;
	v5 =	vadd.f32 v5, v7  }
0x163: {  	v18 =	vsub.f32 v60, v32;
	v47 =	vld [tilespmem:s15+$0x6C70];
	v49 =	vadd.f32 v58, v56  }
0x164: {  	v16 =	vmul.f32 v16, v16;
	v9 =	vsub.f32 v36, v48;
	v48 =	vld [tilespmem:s15+$0xAC70];
	v5 =	vadd.f32 v29, v5  }
0x165: {  	v4 =	vsub.f32 v4, v22;
	v3 =	vadd.f32 v63, v3;
	v63 =	vld [tilespmem:s15+$0xC60]  }
0x166: {  	v8 =	vmul.f32 v8, v8;
	v52 =	vld [tilespmem:s15+$0xCF0];
	v5 =	vadd.f32 v16, v5;
	v2 =	vsub.f32 v10, v2  }
0x167: {  	v54 =	vld [tilespmem:s15+$0x4CF0];
	v6 =	vmul.f32 v6, v6;
	v3 =	vsub.f32 v3, v23;
	v10 =	vadd.f32 v51, v50  }
0x168: {  	v61 =	vld [tilespmem:s15+$0x8C50];
	v60 =	vadd.f32 v45, v44;
	v4 =	vmul.f32 v4, v4;
	v5 =	vadd.f32 v8, v5  }
0x169: {  	v32 =	vld [tilespmem:s15+$0x6C60];
	v2 =	vmul.f32 v2, v2;
	v3 =	vmul.f32 v3, v3;
	v7 =	vsub.f32 v10, v59  }
0x16a: {  	v37 =	vld [tilespmem:s15+$0xCE0];
	v10 =	vadd.f32 v48, v47;
	v53 =	vadd.f32 v31, v63  }
0x16b: {  	v13 =	vmul.f32 v13, v13;
	v59 =	vld [tilespmem:s15+$0x2CF0];
	v2 =	vadd.f32 v6, v2;
	v3 =	vadd.f32 v3, v4  }
0x16c: {  	v38 =	vld [tilespmem:s15+$0x4CE0];
	v4 =	vsub.f32 v62, v35;
	v6 =	vsub.f32 v42, v55  }
0x16d: {  	v18 =	vmul.f32 v18, v18;
	v50 =	vld [tilespmem:s15+$0x2CE0];
	v2 =	vadd.f32 v13, v2;
	v13 =	vsub.f32 v33, v41  }
0x16e: {  	v35 =	vld [tilespmem:s15+$0x2CD0];
	v51 =	vmul.f32 v7, v7;
	v7 =	vadd.f32 v54, v52;
	v4 =	vmul.f32 v4, v4  }
0x16f: {  	v55 =	vadd.f32 v34, v32;
	v3 =	vadd.f32 v18, v3;
	v41 =	vld [tilespmem:s15+$0x2C60];
	v13 =	vmul.f32 v13, v13  }
0x170: {  	v43 =	vld [tilespmem:s15+$0x8C60];
	v9 =	vmul.f32 v9, v9;
	v7 =	vsub.f32 v7, v59;
	v2 =	vadd.f32 v4, v2  }
0x171: {  	v56 =	vld [tilespmem:s15+$0x2C70];
	v4 =	vadd.f32 v38, v37;
	v3 =	vadd.f32 v13, v3  }
0x172: {  	v58 =	vld [tilespmem:s15+$0x8C70];
	v6 =	vmul.f32 v6, v6;
	v2 =	vadd.f32 v9, v2;
	v9 =	vsub.f32 v46, v61  }
0x173: {  	v14 =	vsub.f32 v49, v35;
	v4 =	vsub.f32 v4, v50  }
0x174: {  	v8 =	vsub.f32 v53, v41;
	v3 =	vadd.f32 v6, v3;
	v9 =	vmul.f32 v9, v9  }
0x175: {  	v57 =	vmul.f32 v14, v14;
	v2 =	vadd.f32 v51, v2;
	v6 =	vsub.f32 v55, v43  }
0x176: {  	v8 =	vmul.f32 v8, v8;
	v5 =	vadd.f32 v9, v5;
	v9 =	vsub.f32 v60, v56  }
0x177: {  	v61 =	vsub.f32 v10, v58;
	v4 =	vmul.f32 v4, v4;
	v6 =	vmul.f32 v6, v6  }
0x178: {  	v3 =	vadd.f32 v57, v3;
	v2 =	vadd.f32 v8, v2;
	v9 =	vmul.f32 v9, v9  }
0x179: {  	v62 =	vmul.f32 v61, v61;
	v5 =	vadd.f32 v6, v5  }
0x17a: {  	v63 =	vmul.f32 v7, v7;
	v3 =	vadd.f32 v4, v3;
	v2 =	vadd.f32 v9, v2  }
0x17b: {  	v5 =	vadd.f32 v62, v5  }
0x17c: {  	[tilespmem:s15+$0xCC00] =	vst v2;
	v2 =	vadd.f32 v63, v3  }
0x17d: {  	[tilespmem:s15+$0xDC00] =	vst v5  }
0x17e: {  	p0 =	por $0x1, $0x1;
	[tilespmem:s15+$0xCC80] =	vst v2  }
.LBB2_5:
0x17f: {  	v2 =	vmov s13  }
0x180: {  	v2 =	vshll.u32 v2, $0x7  }
0x181: {  	v2 =	vor.u32 v1, v2;
	_ =	sdelay $0x1  }
0x182: {  	v3 =	vor.u32 $0x1, v2;
	_ =	sdelay $0x1  }
0x183: {  	v4 =	vor.u32 $0x2, v2  }
0x184: {  	v5 =	vld.idx.msk [tilespmem:v2+s2+$0x0], $0xffff  }
0x185: {  	v7 =	vor.u32 $0x3, v2;
	v6 =	vld.idx.msk [tilespmem:v2+s19+$0x0], $0xffff  }
0x186: {  	v8 =	vld.idx.msk [tilespmem:v3+s2+$0x0], $0xffff  }
0x187: {  	v9 =	vor.u32 $0x4, v2;
	v3 =	vld.idx.msk [tilespmem:v3+s19+$0x0], $0xffff  }
0x188: {  	v10 =	vld.idx.msk [tilespmem:v4+s2+$0x0], $0xffff  }
0x189: {  	v11 =	vor.u32 $0x5, v2;
	v4 =	vld.idx.msk [tilespmem:v4+s19+$0x0], $0xffff  }
0x18a: {  	v12 =	vld.idx.msk [tilespmem:v7+s2+$0x0], $0xffff  }
0x18b: {  	v19 =	vor.u32 $0x6, v2;
	v7 =	vld.idx.msk [tilespmem:v7+s19+$0x0], $0xffff;
	v5 =	vadd.f32 v8, v5  }
0x18c: {  	v13 =	vld.idx.msk [tilespmem:v9+s2+$0x0], $0xffff  }
0x18d: {  	v21 =	vor.u32 $0x7, v2;
	v20 =	vld.idx.msk [tilespmem:v9+s19+$0x0], $0xffff;
	v3 =	vadd.f32 v3, v6;
	v5 =	vadd.f32 v10, v5  }
0x18e: {  	v22 =	vld.idx.msk [tilespmem:v11+s2+$0x0], $0xffff  }
0x18f: {  	v25 =	vor.u32 $0x8, v2;
	v24 =	vld.idx.msk [tilespmem:v11+s19+$0x0], $0xffff;
	v3 =	vadd.f32 v4, v3;
	v23 =	vadd.f32 v12, v5  }
0x190: {  	v26 =	vld.idx.msk [tilespmem:v19+s2+$0x0], $0xffff  }
0x191: {  	v28 =	vor.u32 $0x9, v2;
	v27 =	vld.idx.msk [tilespmem:v19+s19+$0x0], $0xffff;
	v3 =	vadd.f32 v7, v3;
	v4 =	vadd.f32 v13, v23  }
0x192: {  	v29 =	vld.idx.msk [tilespmem:v21+s2+$0x0], $0xffff  }
0x193: {  	v31 =	vor.u32 $0xA, v2;
	v30 =	vld.idx.msk [tilespmem:v21+s19+$0x0], $0xffff;
	v3 =	vadd.f32 v20, v3;
	v4 =	vadd.f32 v22, v4  }
0x194: {  	v32 =	vld.idx.msk [tilespmem:v25+s2+$0x0], $0xffff  }
0x195: {  	v34 =	vor.u32 $0xB, v2;
	v33 =	vld.idx.msk [tilespmem:v25+s19+$0x0], $0xffff;
	v3 =	vadd.f32 v24, v3;
	v4 =	vadd.f32 v26, v4  }
0x196: {  	v35 =	vld.idx.msk [tilespmem:v28+s2+$0x0], $0xffff  }
0x197: {  	v37 =	vor.u32 $0xC, v2;
	v36 =	vld.idx.msk [tilespmem:v28+s19+$0x0], $0xffff;
	v3 =	vadd.f32 v27, v3;
	v4 =	vadd.f32 v29, v4  }
0x198: {  	v38 =	vld.idx.msk [tilespmem:v31+s2+$0x0], $0xffff  }
0x199: {  	v40 =	vor.u32 $0xD, v2;
	v39 =	vld.idx.msk [tilespmem:v31+s19+$0x0], $0xffff;
	v3 =	vadd.f32 v30, v3;
	v4 =	vadd.f32 v32, v4  }
0x19a: {  	v41 =	vld.idx.msk [tilespmem:v34+s2+$0x0], $0xffff  }
0x19b: {  	v43 =	vor.u32 $0xE, v2;
	v42 =	vld.idx.msk [tilespmem:v34+s19+$0x0], $0xffff;
	v3 =	vadd.f32 v33, v3;
	v4 =	vadd.f32 v35, v4  }
0x19c: {  	v44 =	vld.idx.msk [tilespmem:v37+s2+$0x0], $0xffff  }
0x19d: {  	v2 =	vor.u32 $0xF, v2;
	v45 =	vld.idx.msk [tilespmem:v37+s19+$0x0], $0xffff;
	v3 =	vadd.f32 v36, v3;
	v4 =	vadd.f32 v38, v4  }
0x19e: {  	v46 =	vld.idx.msk [tilespmem:v40+s2+$0x0], $0xffff  }
0x19f: {  	v47 =	vld.idx.msk [tilespmem:v40+s19+$0x0], $0xffff;
	v3 =	vadd.f32 v39, v3;
	v4 =	vadd.f32 v41, v4  }
0x1a0: {  	v48 =	vld.idx.msk [tilespmem:v43+s2+$0x0], $0xffff  }
0x1a1: {  	v49 =	vld.idx.msk [tilespmem:v43+s19+$0x0], $0xffff;
	v3 =	vadd.f32 v42, v3;
	v4 =	vadd.f32 v44, v4  }
0x1a2: {  	v50 =	vld.idx.msk [tilespmem:v2+s2+$0x0], $0xffff  }
0x1a3: {  	v3 =	vadd.f32 v45, v3;
	v4 =	vadd.f32 v46, v4  }
0x1a4: {  	v2 =	vld.idx.msk [tilespmem:v2+s19+$0x0], $0xffff  }
0x1a5: {  	v3 =	vadd.f32 v47, v3;
	v4 =	vadd.f32 v48, v4;
	_ =	sdelay $0x1  }
0x1a6: {  	v3 =	vadd.f32 v49, v3;
	v4 =	vadd.f32 v50, v4;
	_ =	sdelay $0x1  }
0x1a7: {  	v2 =	vadd.f32 v2, v3;
	v3 =	vshrl.u32 v4, $0x1;
	v51 =	vmul.f32 $5.000000000e-01, v4  }
0x1a8: {  	v3 =	vsub.s32 $0x5F3759DF, v3  }
0x1a9: {  	v53 =	vshrl.u32 v2, $0x1;
	v54 =	vmul.f32 $5.000000000e-01, v2;
	v52 =	vmul.f32 v3, v51  }
0x1aa: {  	v7 =	vsub.s32 $0x5F3759DF, v53  }
0x1ab: {  	v55 =	vmul.f32 v7, v54;
	v6 =	vmul.f32 v3, v52;
	_ =	sdelay $0x1  }
0x1ac: {  	v9 =	vmul.f32 v7, v55;
	v6 =	vsub.f32 $1.500000000e+00, v6;
	_ =	sdelay $0x1  }
0x1ad: {  	v56 =	vsub.f32 $1.500000000e+00, v9;
	v3 =	vmul.f32 v3, v6;
	_ =	sdelay $0x1  }
0x1ae: {  	v6 =	vmul.f32 v7, v56;
	v57 =	vmul.f32 v3, v51;
	_ =	sdelay $0x1  }
0x1af: {  	v59 =	vmul.f32 v6, v54;
	v58 =	vmul.f32 v57, v3;
	_ =	sdelay $0x1  }
0x1b0: {  	v9 =	vmul.f32 v59, v6;
	v7 =	vsub.f32 $1.500000000e+00, v58;
	_ =	sdelay $0x1  }
0x1b1: {  	v60 =	vsub.f32 $1.500000000e+00, v9;
	v3 =	vmul.f32 v7, v3;
	_ =	sdelay $0x1  }
0x1b2: {  	v6 =	vmul.f32 v60, v6;
	v5 =	vmul.f32 v3, v51;
	_ =	sdelay $0x1  }
0x1b3: {  	v7 =	vmul.f32 v6, v54;
	v5 =	vmul.f32 v5, v3;
	_ =	sdelay $0x1  }
0x1b4: {  	v7 =	vmul.f32 v7, v6;
	v5 =	vsub.f32 $1.500000000e+00, v5;
	_ =	sdelay $0x1  }
0x1b5: {  	v61 =	vsub.f32 $1.500000000e+00, v7;
	v3 =	vmul.f32 v5, v3;
	_ =	sdelay $0x1  }
0x1b6: {  	v62 =	vmul.f32 v61, v6;
	v3 =	vmul.f32 v3, v4;
	_ =	sdelay $0x1  }
0x1b7: {  	v63 =	vld [tilespmem:$0xEC00];
	v2 =	vmul.f32 v62, v2;
	v3 =	vadd.f32 $1.000000000e+00, v3;
	_ =	sdelay $0x1  }
0x1b8: {  	p1 =	por p0, p0;
	v2 =	vsub.f32 v3, v2  }
.Ltmp1:
0x1b9: {  	_ = 	snop;
	(pc) =	sbr.rel @p1 .LBB2_5-.Ltmp1, $3  }
0x1ba: {  	v2 =	vmax.f32 v2, $0.0e+00  }
0x1bb: {  	v2 =	vadd.f32 v2, v63;
	_ =	sdelay $0x1  }
0x1bc: {  	s13 =	simm.s32 $0x10;
	p0 =	por $0x0, $0x0;
	[tilespmem:$0xEC00] =	vst v2  }
0x1bd: {  	p0 =	seq.s32 s23, $0x7  }
0x1be: {  	s13 =	sadd.s32 @!p0 $0x40, s24;
	s14 =	simm.s32 @!p0 $0x20;
	s15 =	simm.s32 @!p0 $0xC00  }
0x1bf: {  	[tilespmem:s15], [sflag:$0x1] =	stream.indirect.gather @!p0 [hbm4b:s1+s14], $0x80, s13, s14, $0xb8;
	[tilespmem:$0xEC80] =	vst v63  }
0x1c0: {  	s13 =	sadd.s32 @!p0 $0x240, s24;
	s15 =	simm.s32 @!p0 $0x2C00  }
0x1c1: {  	[tilespmem:s15], [sflag:$0x1] =	stream.indirect.gather @!p0 [hbm4b:s1+s14], $0x80, s13, s14, $0xb8;
	[tilespmem:$0xEC80] =	vst v63  }
0x1c2: {  	s13 =	sadd.s32 @!p0 $0x440, s24;
	s15 =	simm.s32 @!p0 $0x4C00  }
0x1c3: {  	[tilespmem:s15], [sflag:$0x1] =	stream.indirect.gather @!p0 [hbm4b:s1+s14], $0x80, s13, s14, $0xb8;
	[tilespmem:$0xEC80] =	vst v63  }
0x1c4: {  	s13 =	sadd.s32 @!p0 $0x640, s24;
	s15 =	simm.s32 @!p0 $0x6C00  }
0x1c5: {  	[tilespmem:s15], [sflag:$0x1] =	stream.indirect.gather @!p0 [hbm4b:s1+s14], $0x80, s13, s14, $0xb8;
	[tilespmem:$0xEC80] =	vst v63  }
0x1c6: {  	s13 =	sadd.s32 @!p0 $0x840, s24;
	s15 =	simm.s32 @!p0 $0x8C00  }
0x1c7: {  	[tilespmem:s15], [sflag:$0x1] =	stream.indirect.gather @!p0 [hbm4b:s1+s14], $0x80, s13, s14, $0xb8;
	[tilespmem:$0xEC80] =	vst v63  }
0x1c8: {  	s13 =	sadd.s32 @!p0 $0xA40, s24;
	s15 =	simm.s32 @!p0 $0xAC00  }
0x1c9: {  	[tilespmem:s15], [sflag:$0x1] =	stream.indirect.gather @!p0 [hbm4b:s1+s14], $0x80, s13, s14, $0xb8;
	[tilespmem:$0xEC80] =	vst v63  }
0x1ca: {  	_ =	swait.ge [sflag:s20], $0x1000  }
0x1cb: {  	[sflag:s20] =	ssyncset.done $0x0  }
0x1cc: {  	[sflag:s20] =	ssyncadd.s32 $0xFFFFF000  }
0x1cd: {  	_ =	swait.ge [sflag:s20], $0x1000  }
0x1ce: {  	[sflag:s20] =	ssyncset.done $0x0  }
0x1cf: {  	[sflag:s20] =	ssyncadd.s32 $0xFFFFF000  }
0x1d0: {  	_ =	swait.ge [sflag:s20], $0x1000  }
0x1d1: {  	[sflag:s20] =	ssyncset.done $0x0  }
0x1d2: {  	[sflag:s20] =	ssyncadd.s32 $0xFFFFF000  }
0x1d3: {  	_ =	swait.ge [sflag:s20], $0x1000  }
0x1d4: {  	[sflag:s20] =	ssyncset.done $0x0  }
0x1d5: {  	[sflag:s20] =	ssyncadd.s32 $0xFFFFF000  }
0x1d6: {  	_ =	swait.ge [sflag:s20], $0x1000  }
0x1d7: {  	[sflag:s20] =	ssyncset.done $0x0  }
0x1d8: {  	[sflag:s20] =	ssyncadd.s32 $0xFFFFF000  }
0x1d9: {  	_ =	swait.ge [sflag:s20], $0x1000  }
0x1da: {  	[sflag:s20] =	ssyncset.done $0x0  }
0x1db: {  	s21 =	simm.s32 $0x0;
	[sflag:s20] =	ssyncadd.s32 $0xFFFFF000  }
0x1dc: {  	v2 =	vld [tilespmem:s21+$0x7CF0]  }
0x1dd: {  	v3 =	vld [tilespmem:s21+$0x7CE0]  }
0x1de: {  	v4 =	vld [tilespmem:s21+$0x7CD0]  }
0x1df: {  	v5 =	vld [tilespmem:s21+$0x7CC0]  }
0x1e0: {  	v6 =	vld [tilespmem:s21+$0x7CB0]  }
0x1e1: {  	v7 =	vld [tilespmem:s21+$0x9C80]  }
0x1e2: {  	v8 =	vld [tilespmem:s21+$0x7CA0]  }
0x1e3: {  	v9 =	vld [tilespmem:s21+$0x7C80]  }
0x1e4: {  	v10 =	vld [tilespmem:s21+$0xBC80]  }
0x1e5: {  	v11 =	vld [tilespmem:s21+$0x7C90]  }
0x1e6: {  	v12 =	vld [tilespmem:s21+$0xBC90]  }
0x1e7: {  	v13 =	vld [tilespmem:s21+$0xBCA0]  }
0x1e8: {  	v14 =	vld [tilespmem:s21+$0x9C90]  }
0x1e9: {  	v15 =	vld [tilespmem:s21+$0xBCB0]  }
0x1ea: {  	v16 =	vld [tilespmem:s21+$0x9CA0]  }
0x1eb: {  	v17 =	vld [tilespmem:s21+$0xBCC0]  }
0x1ec: {  	v57 =	vld [tilespmem:s21+$0x3C10]  }
0x1ed: {  	v58 =	vld [tilespmem:s21+$0x9C10]  }
0x1ee: {  	v18 =	vld [tilespmem:s21+$0x1C20]  }
0x1ef: {  	v19 =	vld [tilespmem:s21+$0x5C20]  }
0x1f0: {  	v20 =	vld [tilespmem:s21+$0x7C20]  }
0x1f1: {  	v21 =	vld [tilespmem:s21+$0xBC20]  }
0x1f2: {  	v22 =	vld [tilespmem:s21+$0x3C80]  }
0x1f3: {  	v23 =	vld [tilespmem:s21+$0x3C90]  }
0x1f4: {  	v24 =	vld [tilespmem:s21+$0x1CA0]  }
0x1f5: {  	v25 =	vld [tilespmem:s21+$0x5CA0]  }
0x1f6: {  	v26 =	vld [tilespmem:s21+$0x3C20]  }
0x1f7: {  	v27 =	vld [tilespmem:s21+$0x9C20]  }
0x1f8: {  	v28 =	vld [tilespmem:s21+$0x1C30]  }
0x1f9: {  	v29 =	vld [tilespmem:s21+$0x5C30]  }
0x1fa: {  	v30 =	vld [tilespmem:s21+$0x7C30]  }
0x1fb: {  	v31 =	vld [tilespmem:s21+$0xBC30]  }
0x1fc: {  	v32 =	vld [tilespmem:s21+$0x3CA0]  }
0x1fd: {  	v33 =	vld [tilespmem:s21+$0x1CB0]  }
0x1fe: {  	v34 =	vld [tilespmem:s21+$0x5CB0]  }
0x1ff: {  	v35 =	vld [tilespmem:s21+$0x3C30]  }
0x200: {  	v36 =	vld [tilespmem:s21+$0x9C30]  }
0x201: {  	v37 =	vld [tilespmem:s21+$0x1C40]  }
0x202: {  	v38 =	vld [tilespmem:s21+$0x5C40]  }
0x203: {  	v39 =	vld [tilespmem:s21+$0x7C40]  }
0x204: {  	v40 =	vld [tilespmem:s21+$0xBC40]  }
0x205: {  	v41 =	vld [tilespmem:s21+$0x3CB0]  }
0x206: {  	v42 =	vld [tilespmem:s21+$0x1CC0]  }
0x207: {  	v43 =	vld [tilespmem:s21+$0x5CC0]  }
0x208: {  	v44 =	vld [tilespmem:s21+$0x3C40]  }
0x209: {  	v45 =	vld [tilespmem:s21+$0x9C40]  }
0x20a: {  	v60 =	vld [tilespmem:s21+$0x9C50]  }
0x20b: {  	v62 =	vld [tilespmem:s21+$0x5C60]  }
0x20c: {  	v63 =	vld [tilespmem:s21+$0x7C60]  }
0x20d: {  	v47 =	vld [tilespmem:s21+$0xBC60]  }
0x20e: {  	v54 =	vld [tilespmem:s21+$0x1C70]  }
0x20f: {  	v9 =	vadd.f32 v10, v9;
	v10 =	vadd.f32 v12, v11;
	v11 =	vld [tilespmem:s21+$0x9CB0]  }
0x210: {  	v12 =	vld [tilespmem:s21+$0xBCD0]  }
0x211: {  	v8 =	vadd.f32 v13, v8;
	v6 =	vadd.f32 v15, v6;
	v13 =	vld [tilespmem:s21+$0xBCE0]  }
0x212: {  	v15 =	vld [tilespmem:s21+$0xBCF0];
	v7 =	vsub.f32 v9, v7;
	v9 =	vsub.f32 v10, v14  }
0x213: {  	v10 =	vld [tilespmem:s21+$0x9CC0]  }
0x214: {  	v8 =	vsub.f32 v8, v16;
	v14 =	vld [tilespmem:s21+$0x9CD0];
	v7 =	vmul.f32 v7, v7;
	v9 =	vmul.f32 v9, v9  }
0x215: {  	v5 =	vadd.f32 v17, v5;
	v6 =	vsub.f32 v6, v11;
	v11 =	vld [tilespmem:s21+$0x1C00]  }
0x216: {  	v8 =	vmul.f32 v8, v8;
	v4 =	vadd.f32 v12, v4;
	v12 =	vld [tilespmem:s21+$0xBC00];
	v7 =	vadd.f32 v9, v7  }
0x217: {  	v3 =	vadd.f32 v13, v3;
	v9 =	vld [tilespmem:s21+$0x9CE0]  }
0x218: {  	v13 =	vld [tilespmem:s21+$0x5C80];
	v6 =	vmul.f32 v6, v6;
	v5 =	vsub.f32 v5, v10;
	v7 =	vadd.f32 v8, v7  }
0x219: {  	v2 =	vadd.f32 v15, v2;
	v8 =	vld [tilespmem:s21+$0x9CF0]  }
0x21a: {  	v15 =	vld [tilespmem:s21+$0x9C00];
	v4 =	vsub.f32 v4, v14;
	v5 =	vmul.f32 v5, v5;
	v6 =	vadd.f32 v6, v7  }
0x21b: {  	v10 =	vld [tilespmem:s21+$0x5C00]  }
0x21c: {  	v14 =	vld [tilespmem:s21+$0x5C90];
	v4 =	vmul.f32 v4, v4;
	v3 =	vsub.f32 v3, v9;
	v5 =	vadd.f32 v5, v6  }
0x21d: {  	v7 =	vld [tilespmem:s21+$0x7C00]  }
0x21e: {  	v9 =	vld [tilespmem:s21+$0x5C10];
	v3 =	vmul.f32 v3, v3;
	v2 =	vsub.f32 v2, v8;
	v4 =	vadd.f32 v4, v5  }
0x21f: {  	v59 =	vadd.f32 v21, v20;
	v6 =	vld [tilespmem:s21+$0x1C10]  }
0x220: {  	v61 =	vadd.f32 v25, v24;
	v8 =	vld [tilespmem:s21+$0xBC10];
	v2 =	vmul.f32 v2, v2;
	v3 =	vadd.f32 v3, v4  }
0x221: {  	v46 =	vadd.f32 v31, v30;
	v51 =	vadd.f32 v38, v37;
	v5 =	vld [tilespmem:s21+$0x7C10]  }
0x222: {  	v7 =	vadd.f32 v12, v7;
	v12 =	vld [tilespmem:s21+$0x3CC0];
	v2 =	vadd.f32 v2, v3  }
0x223: {  	v53 =	vadd.f32 v40, v39;
	v55 =	vadd.f32 v43, v42;
	v4 =	vld [tilespmem:s21+$0x1C80]  }
0x224: {  	v16 =	vsub.f32 v59, v27;
	v25 =	vsub.f32 v51, v44;
	[tilespmem:s21+$0xDC80] =	vst v2;
	v2 =	vld [tilespmem:s21+$0x3C00]  }
0x225: {  	v10 =	vadd.f32 v10, v11;
	v6 =	vadd.f32 v9, v6;
	v3 =	vld [tilespmem:s21+$0x1C90]  }
0x226: {  	v56 =	vld [tilespmem:s21+$0x5C70];
	v7 =	vsub.f32 v7, v15;
	v5 =	vadd.f32 v8, v5  }
0x227: {  	v9 =	vld [tilespmem:s21+$0x1C50];
	v6 =	vsub.f32 v6, v57;
	v12 =	vsub.f32 v55, v12  }
0x228: {  	v8 =	vld [tilespmem:s21+$0x5C50];
	v4 =	vadd.f32 v13, v4;
	v5 =	vsub.f32 v5, v58  }
0x229: {  	v48 =	vld [tilespmem:s21+$0x3CD0];
	v7 =	vmul.f32 v7, v7;
	v13 =	vadd.f32 v19, v18;
	v2 =	vsub.f32 v10, v2  }
0x22a: {  	v15 =	vld [tilespmem:s21+$0x3C50];
	v6 =	vmul.f32 v6, v6;
	v18 =	vsub.f32 v61, v32;
	v3 =	vadd.f32 v14, v3  }
0x22b: {  	v49 =	vld [tilespmem:s21+$0x1CE0];
	v61 =	vadd.f32 v56, v54;
	v13 =	vsub.f32 v13, v26;
	v2 =	vmul.f32 v2, v2  }
0x22c: {  	v11 =	vld [tilespmem:s21+$0xBC50];
	v4 =	vsub.f32 v4, v22;
	v5 =	vmul.f32 v5, v5;
	v3 =	vsub.f32 v3, v23  }
0x22d: {  	v8 =	vadd.f32 v8, v9;
	v10 =	vld [tilespmem:s21+$0x7C50];
	v13 =	vmul.f32 v13, v13;
	v2 =	vadd.f32 v6, v2  }
0x22e: {  	v50 =	vld [tilespmem:s21+$0x5CE0];
	v5 =	vadd.f32 v5, v7;
	v4 =	vmul.f32 v4, v4;
	v3 =	vmul.f32 v3, v3  }
0x22f: {  	v52 =	vld [tilespmem:s21+$0x3C60];
	v8 =	vsub.f32 v8, v15;
	v2 =	vadd.f32 v13, v2;
	v13 =	vmul.f32 v16, v16  }
0x230: {  	v7 =	vld [tilespmem:s21+$0x1C60];
	v3 =	vadd.f32 v3, v4;
	v4 =	vadd.f32 v29, v28  }
0x231: {  	v57 =	vld [tilespmem:s21+$0x7C70];
	v5 =	vadd.f32 v13, v5;
	v13 =	vadd.f32 v34, v33  }
0x232: {  	v58 =	vld [tilespmem:s21+$0x3CF0];
	v18 =	vmul.f32 v18, v18;
	v9 =	vadd.f32 v11, v10;
	v16 =	vsub.f32 v46, v36  }
0x233: {  	v14 =	vld [tilespmem:s21+$0x1CD0];
	v4 =	vsub.f32 v4, v35;
	v13 =	vsub.f32 v13, v41  }
0x234: {  	v6 =	vld [tilespmem:s21+$0x5CD0];
	v3 =	vadd.f32 v18, v3;
	v18 =	vsub.f32 v53, v45;
	v16 =	vmul.f32 v16, v16  }
0x235: {  	v15 =	vld [tilespmem:s21+$0x1CF0];
	v7 =	vadd.f32 v62, v7;
	v4 =	vmul.f32 v4, v4;
	v13 =	vmul.f32 v13, v13  }
0x236: {  	v10 =	vld [tilespmem:s21+$0xBC70];
	v9 =	vsub.f32 v9, v60;
	v11 =	vmul.f32 v18, v18;
	v5 =	vadd.f32 v16, v5  }
0x237: {  	v2 =	vadd.f32 v4, v2;
	v4 =	vld [tilespmem:s21+$0x9C60];
	v3 =	vadd.f32 v13, v3;
	v13 =	vmul.f32 v25, v25  }
0x238: {  	v60 =	vadd.f32 v50, v49;
	v5 =	vadd.f32 v11, v5;
	v11 =	vmul.f32 v12, v12;
	v12 =	vld [tilespmem:s21+$0x5CF0]  }
0x239: {  	v6 =	vadd.f32 v6, v14;
	v9 =	vmul.f32 v9, v9;
	v14 =	vld [tilespmem:s21+$0x3C70];
	v2 =	vadd.f32 v13, v2  }
0x23a: {  	v8 =	vmul.f32 v8, v8;
	v13 =	vld [tilespmem:s21+$0x3CE0];
	v11 =	vadd.f32 v11, v3;
	v3 =	vsub.f32 v7, v52  }
0x23b: {  	v9 =	vadd.f32 v9, v5;
	v5 =	vadd.f32 v47, v63;
	v7 =	vld [tilespmem:s21+$0x9C70]  }
0x23c: {  	s15 =	simm.s32 $0x100;
	v6 =	vsub.f32 v6, v48;
	v8 =	vadd.f32 v8, v2;
	v59 =	vmul.f32 v3, v3  }
0x23d: {  	v20 =	vsub.f32 v5, v4;
	v4 =	vld [tilespmem:s15+$0x7CD0];
	v12 =	vadd.f32 v12, v15  }
0x23e: {  	v5 =	vld [tilespmem:s15+$0x7CC0];
	v17 =	vadd.f32 v59, v8;
	v8 =	vadd.f32 v10, v57  }
0x23f: {  	v2 =	vld [tilespmem:s15+$0x7CF0];
	v10 =	vsub.f32 v61, v14;
	v14 =	vmul.f32 v6, v6;
	v13 =	vsub.f32 v60, v13  }
0x240: {  	v3 =	vld [tilespmem:s15+$0x7CE0];
	v62 =	vmul.f32 v20, v20;
	v12 =	vsub.f32 v12, v58;
	v15 =	vsub.f32 v8, v7  }
0x241: {  	v6 =	vld [tilespmem:s15+$0x7CB0];
	v10 =	vmul.f32 v10, v10;
	v11 =	vadd.f32 v14, v11;
	v13 =	vmul.f32 v13, v13  }
0x242: {  	v7 =	vld [tilespmem:s15+$0x9C80];
	v14 =	vadd.f32 v62, v9;
	v15 =	vmul.f32 v15, v15  }
0x243: {  	v12 =	vmul.f32 v12, v12;
	v8 =	vld [tilespmem:s15+$0x7CA0];
	v63 =	vadd.f32 v10, v17;
	v13 =	vadd.f32 v13, v11  }
0x244: {  	v9 =	vld [tilespmem:s15+$0x7C80];
	v14 =	vadd.f32 v15, v14  }
0x245: {  	v10 =	vld [tilespmem:s15+$0xBC80];
	[tilespmem:s21+$0xCC00] =	vst v63;
	v12 =	vadd.f32 v12, v13  }
0x246: {  	s13 =	simm.s32 $0x0;
	s14 =	simm.s32 $0x800;
	v11 =	vld [tilespmem:s15+$0x7C90];
	[tilespmem:s21+$0xDC00] =	vst v14  }
.LBB2_7:
0x247: {  	p0 =	sne.s32 s14, $0x3C00;
	v13 =	vld [tilespmem:s15+$0xBC90];
	[tilespmem:s21+$0xCC80] =	vst v12;
	s21 =	smov.u32 s15  }
0x248: {  	v12 =	vld [tilespmem:s21+$0xBCA0]  }
0x249: {  	v14 =	vld [tilespmem:s21+$0x9C90]  }
0x24a: {  	v15 =	vld [tilespmem:s21+$0xBCB0]  }
0x24b: {  	v16 =	vld [tilespmem:s21+$0x9CA0]  }
0x24c: {  	v9 =	vadd.f32 v10, v9;
	v10 =	vadd.f32 v13, v11;
	v11 =	vld [tilespmem:s21+$0xBCC0]  }
0x24d: {  	v8 =	vadd.f32 v12, v8;
	v12 =	vld [tilespmem:s21+$0x9CB0]  }
0x24e: {  	v7 =	vsub.f32 v9, v7;
	v9 =	vsub.f32 v10, v14;
	v10 =	vld [tilespmem:s21+$0xBCD0]  }
0x24f: {  	v6 =	vadd.f32 v15, v6;
	v13 =	vld [tilespmem:s21+$0x9CC0]  }
0x250: {  	v7 =	vmul.f32 v7, v7;
	v9 =	vmul.f32 v9, v9;
	v8 =	vsub.f32 v8, v16;
	v14 =	vld [tilespmem:s21+$0xBCE0]  }
0x251: {  	v5 =	vadd.f32 v11, v5;
	v11 =	vld [tilespmem:s21+$0x9CD0]  }
0x252: {  	v7 =	vadd.f32 v9, v7;
	v8 =	vmul.f32 v8, v8;
	v6 =	vsub.f32 v6, v12;
	v9 =	vld [tilespmem:s21+$0xBCF0]  }
0x253: {  	v4 =	vadd.f32 v10, v4;
	v10 =	vld [tilespmem:s21+$0x9CE0]  }
0x254: {  	v12 =	vld [tilespmem:s21+$0x1C00];
	v7 =	vadd.f32 v8, v7;
	v6 =	vmul.f32 v6, v6;
	v5 =	vsub.f32 v5, v13  }
0x255: {  	v3 =	vadd.f32 v14, v3;
	v8 =	vld [tilespmem:s21+$0x9CF0]  }
0x256: {  	v13 =	vld [tilespmem:s21+$0x5C00];
	v6 =	vadd.f32 v6, v7;
	v5 =	vmul.f32 v5, v5;
	v4 =	vsub.f32 v4, v11  }
0x257: {  	v7 =	vld [tilespmem:s21+$0x7C00];
	v2 =	vadd.f32 v9, v2  }
0x258: {  	v9 =	vld [tilespmem:s21+$0xBC00];
	v5 =	vadd.f32 v5, v6;
	v4 =	vmul.f32 v4, v4;
	v3 =	vsub.f32 v3, v10  }
0x259: {  	v6 =	vld [tilespmem:s21+$0x1C10]  }
0x25a: {  	v10 =	vld [tilespmem:s21+$0x5C10];
	v4 =	vadd.f32 v4, v5;
	v3 =	vmul.f32 v3, v3;
	v2 =	vsub.f32 v2, v8  }
0x25b: {  	v5 =	vadd.f32 v13, v12;
	v8 =	vld [tilespmem:s21+$0x7C10]  }
0x25c: {  	v11 =	vld [tilespmem:s21+$0xBC10];
	v3 =	vadd.f32 v3, v4;
	v2 =	vmul.f32 v2, v2  }
0x25d: {  	v4 =	vadd.f32 v9, v7;
	v7 =	vld [tilespmem:s21+$0x1C80]  }
0x25e: {  	v9 =	vld [tilespmem:s21+$0x5C80];
	v2 =	vadd.f32 v2, v3  }
0x25f: {  	v3 =	vadd.f32 v10, v6;
	v6 =	vld [tilespmem:s21+$0x1C90]  }
0x260: {  	v10 =	vld [tilespmem:s21+$0x5C90];
	[tilespmem:s21+$0xDC80] =	vst v2  }
0x261: {  	v2 =	vld [tilespmem:s21+$0x3C00];
	v8 =	vadd.f32 v11, v8  }
0x262: {  	v11 =	vld [tilespmem:s21+$0x9C00]  }
0x263: {  	v12 =	vld [tilespmem:s21+$0x3C10];
	v7 =	vadd.f32 v9, v7  }
0x264: {  	v9 =	vld [tilespmem:s21+$0x9C10]  }
0x265: {  	v13 =	vld [tilespmem:s21+$0x1C20];
	v6 =	vadd.f32 v10, v6  }
0x266: {  	v2 =	vsub.f32 v5, v2;
	v5 =	vld [tilespmem:s21+$0x5C20]  }
0x267: {  	v4 =	vsub.f32 v4, v11;
	v10 =	vld [tilespmem:s21+$0x7C20]  }
0x268: {  	v2 =	vmul.f32 v2, v2;
	v3 =	vsub.f32 v3, v12;
	v11 =	vld [tilespmem:s21+$0xBC20]  }
0x269: {  	v4 =	vmul.f32 v4, v4;
	v8 =	vsub.f32 v8, v9;
	v9 =	vld [tilespmem:s21+$0x3C80]  }
0x26a: {  	v3 =	vmul.f32 v3, v3;
	v12 =	vld [tilespmem:s21+$0x3C90]  }
0x26b: {  	v8 =	vmul.f32 v8, v8;
	v5 =	vadd.f32 v5, v13;
	v13 =	vld [tilespmem:s21+$0x1CA0]  }
0x26c: {  	v2 =	vadd.f32 v3, v2;
	v3 =	vld [tilespmem:s21+$0x5CA0]  }
0x26d: {  	v4 =	vadd.f32 v8, v4;
	v8 =	vld [tilespmem:s21+$0x3C20];
	v10 =	vadd.f32 v11, v10  }
0x26e: {  	v11 =	vld [tilespmem:s21+$0x9C20];
	v7 =	vsub.f32 v7, v9  }
0x26f: {  	v9 =	vld [tilespmem:s21+$0x1C30];
	v6 =	vsub.f32 v6, v12  }
0x270: {  	v12 =	vld [tilespmem:s21+$0x5C30];
	v7 =	vmul.f32 v7, v7  }
0x271: {  	v14 =	vld [tilespmem:s21+$0x7C30];
	v6 =	vmul.f32 v6, v6;
	v3 =	vadd.f32 v3, v13  }
0x272: {  	v5 =	vsub.f32 v5, v8;
	v8 =	vld [tilespmem:s21+$0xBC30]  }
0x273: {  	v10 =	vsub.f32 v10, v11;
	v6 =	vadd.f32 v6, v7;
	v7 =	vld [tilespmem:s21+$0x3CA0]  }
0x274: {  	v5 =	vmul.f32 v5, v5;
	v11 =	vld [tilespmem:s21+$0x1CB0]  }
0x275: {  	v10 =	vmul.f32 v10, v10;
	v9 =	vadd.f32 v12, v9;
	v12 =	vld [tilespmem:s21+$0x5CB0]  }
0x276: {  	v2 =	vadd.f32 v5, v2;
	v5 =	vld [tilespmem:s21+$0x3C30]  }
0x277: {  	v4 =	vadd.f32 v10, v4;
	v8 =	vadd.f32 v8, v14;
	v10 =	vld [tilespmem:s21+$0x9C30]  }
0x278: {  	v13 =	vld [tilespmem:s21+$0x1C40];
	v3 =	vsub.f32 v3, v7  }
0x279: {  	v7 =	vld [tilespmem:s21+$0x5C40]  }
0x27a: {  	v14 =	vld [tilespmem:s21+$0x7C40];
	v3 =	vmul.f32 v3, v3;
	v11 =	vadd.f32 v12, v11  }
0x27b: {  	v5 =	vsub.f32 v9, v5;
	v9 =	vld [tilespmem:s21+$0xBC40]  }
0x27c: {  	v8 =	vsub.f32 v8, v10;
	v3 =	vadd.f32 v3, v6;
	v6 =	vld [tilespmem:s21+$0x3CB0]  }
0x27d: {  	v5 =	vmul.f32 v5, v5;
	v10 =	vld [tilespmem:s21+$0x1CC0]  }
0x27e: {  	v8 =	vmul.f32 v8, v8;
	v7 =	vadd.f32 v7, v13;
	v12 =	vld [tilespmem:s21+$0x5CC0]  }
0x27f: {  	v2 =	vadd.f32 v5, v2;
	v5 =	vld [tilespmem:s21+$0x3C40]  }
0x280: {  	v4 =	vadd.f32 v8, v4;
	v8 =	vadd.f32 v9, v14;
	v9 =	vld [tilespmem:s21+$0x9C40]  }
0x281: {  	v13 =	vld [tilespmem:s21+$0x1C50];
	v6 =	vsub.f32 v11, v6  }
0x282: {  	v11 =	vld [tilespmem:s21+$0x5C50]  }
0x283: {  	v14 =	vld [tilespmem:s21+$0x7C50];
	v6 =	vmul.f32 v6, v6;
	v10 =	vadd.f32 v12, v10  }
0x284: {  	v5 =	vsub.f32 v7, v5;
	v7 =	vld [tilespmem:s21+$0xBC50]  }
0x285: {  	v8 =	vsub.f32 v8, v9;
	v3 =	vadd.f32 v6, v3;
	v6 =	vld [tilespmem:s21+$0x3CC0]  }
0x286: {  	v5 =	vmul.f32 v5, v5;
	v9 =	vld [tilespmem:s21+$0x1CD0]  }
0x287: {  	v8 =	vmul.f32 v8, v8;
	v11 =	vadd.f32 v11, v13;
	v12 =	vld [tilespmem:s21+$0x5CD0]  }
0x288: {  	v2 =	vadd.f32 v5, v2;
	v5 =	vld [tilespmem:s21+$0x3C50]  }
0x289: {  	v4 =	vadd.f32 v8, v4;
	v7 =	vadd.f32 v7, v14;
	v8 =	vld [tilespmem:s21+$0x9C50]  }
0x28a: {  	v13 =	vld [tilespmem:s21+$0x1C60];
	v6 =	vsub.f32 v10, v6  }
0x28b: {  	v10 =	vld [tilespmem:s21+$0x5C60]  }
0x28c: {  	v14 =	vld [tilespmem:s21+$0x7C60];
	v6 =	vmul.f32 v6, v6;
	v9 =	vadd.f32 v12, v9  }
0x28d: {  	v5 =	vsub.f32 v11, v5;
	v11 =	vld [tilespmem:s21+$0xBC60]  }
0x28e: {  	v7 =	vsub.f32 v7, v8;
	v3 =	vadd.f32 v6, v3;
	v6 =	vld [tilespmem:s21+$0x3CD0]  }
0x28f: {  	v5 =	vmul.f32 v5, v5;
	v8 =	vld [tilespmem:s21+$0x1CE0]  }
0x290: {  	v7 =	vmul.f32 v7, v7;
	v10 =	vadd.f32 v10, v13;
	v12 =	vld [tilespmem:s21+$0x5CE0]  }
0x291: {  	v2 =	vadd.f32 v5, v2;
	v5 =	vld [tilespmem:s21+$0x3C60]  }
0x292: {  	v4 =	vadd.f32 v7, v4;
	v7 =	vadd.f32 v11, v14;
	v11 =	vld [tilespmem:s21+$0x9C60]  }
0x293: {  	v13 =	vld [tilespmem:s21+$0x1C70];
	v6 =	vsub.f32 v9, v6  }
0x294: {  	v9 =	vld [tilespmem:s21+$0x5C70]  }
0x295: {  	v14 =	vld [tilespmem:s21+$0x7C70];
	v6 =	vmul.f32 v6, v6;
	v8 =	vadd.f32 v12, v8  }
0x296: {  	v5 =	vsub.f32 v10, v5;
	v10 =	vld [tilespmem:s21+$0xBC70]  }
0x297: {  	v7 =	vsub.f32 v7, v11;
	v6 =	vadd.f32 v6, v3;
	v3 =	vld [tilespmem:s21+$0x3CE0]  }
0x298: {  	v5 =	vmul.f32 v5, v5;
	v11 =	vld [tilespmem:s21+$0x1CF0]  }
0x299: {  	v7 =	vmul.f32 v7, v7;
	v9 =	vadd.f32 v9, v13;
	v12 =	vld [tilespmem:s21+$0x5CF0]  }
0x29a: {  	v13 =	vadd.f32 v5, v2;
	v5 =	vld [tilespmem:s21+$0x3C70]  }
0x29b: {  	v15 =	vadd.f32 v7, v4;
	v7 =	vadd.f32 v10, v14;
	v10 =	vld [tilespmem:s21+$0x9C70]  }
0x29c: {  	s15 =	sshra.s32 s14, $0x2;
	v4 =	vsub.f32 v8, v3;
	v8 =	vld [tilespmem:s21+$0x3CF0]  }
0x29d: {  	v2 =	vld [tilespmem:s15+$0x7CF0]  }
0x29e: {  	v3 =	vld [tilespmem:s15+$0x7CE0];
	v14 =	vmul.f32 v4, v4;
	v11 =	vadd.f32 v12, v11  }
0x29f: {  	v4 =	vld [tilespmem:s15+$0x7CD0];
	v9 =	vsub.f32 v9, v5  }
0x2a0: {  	v5 =	vld [tilespmem:s15+$0x7CC0];
	v10 =	vsub.f32 v7, v10;
	v12 =	vadd.f32 v14, v6  }
0x2a1: {  	v6 =	vld [tilespmem:s15+$0x7CB0];
	v9 =	vmul.f32 v9, v9;
	v11 =	vsub.f32 v11, v8  }
.Ltmp2:
0x2a2: {  	v7 =	vld [tilespmem:s15+$0x9C80];
	v10 =	vmul.f32 v10, v10;
	(pc) =	sbr.rel @p0 .LBB2_7-.Ltmp2, $4  }
0x2a3: {  	v8 =	vld [tilespmem:s15+$0x7CA0];
	v13 =	vadd.f32 v9, v13;
	v11 =	vmul.f32 v11, v11  }
0x2a4: {  	v9 =	vld [tilespmem:s15+$0x7C80];
	v14 =	vadd.f32 v10, v15  }
0x2a5: {  	v10 =	vld [tilespmem:s15+$0xBC80];
	[tilespmem:s21+$0xCC00] =	vst v13;
	v12 =	vadd.f32 v11, v12  }
0x2a6: {  	s14 =	sadd.s32 $0x400, s14;
	v11 =	vld [tilespmem:s15+$0x7C90];
	[tilespmem:s21+$0xDC00] =	vst v14  }
0x2a7: {  	v13 =	vld [tilespmem:s15+$0xBC90];
	[tilespmem:s21+$0xCC80] =	vst v12  }
0x2a8: {  	v12 =	vld [tilespmem:s15+$0xBCA0]  }
0x2a9: {  	v14 =	vld [tilespmem:s15+$0x9C90]  }
0x2aa: {  	v15 =	vld [tilespmem:s15+$0xBCB0]  }
0x2ab: {  	v16 =	vld [tilespmem:s15+$0x9CA0]  }
0x2ac: {  	v17 =	vld [tilespmem:s15+$0xBCC0]  }
0x2ad: {  	v44 =	vld [tilespmem:s15+$0x9CB0]  }
0x2ae: {  	v45 =	vld [tilespmem:s15+$0xBCD0]  }
0x2af: {  	v47 =	vld [tilespmem:s15+$0x9CC0]  }
0x2b0: {  	v48 =	vld [tilespmem:s15+$0xBCE0]  }
0x2b1: {  	v49 =	vld [tilespmem:s15+$0x9CD0]  }
0x2b2: {  	v50 =	vld [tilespmem:s15+$0xBCF0]  }
0x2b3: {  	v51 =	vld [tilespmem:s15+$0x9CE0]  }
0x2b4: {  	v52 =	vld [tilespmem:s15+$0x1C00]  }
0x2b5: {  	v53 =	vld [tilespmem:s15+$0x9CF0]  }
0x2b6: {  	v54 =	vld [tilespmem:s15+$0x5C00]  }
0x2b7: {  	v55 =	vld [tilespmem:s15+$0x7C00]  }
0x2b8: {  	v56 =	vld [tilespmem:s15+$0xBC00]  }
0x2b9: {  	v57 =	vld [tilespmem:s15+$0x1C10]  }
0x2ba: {  	v58 =	vld [tilespmem:s15+$0x5C10]  }
0x2bb: {  	v59 =	vld [tilespmem:s15+$0x7C10]  }
0x2bc: {  	v60 =	vld [tilespmem:s15+$0xBC10]  }
0x2bd: {  	v61 =	vld [tilespmem:s15+$0x1C80]  }
0x2be: {  	v62 =	vld [tilespmem:s15+$0x5C80]  }
0x2bf: {  	v63 =	vld [tilespmem:s15+$0x5C90]  }
0x2c0: {  	v18 =	vld [tilespmem:s15+$0x1C20]  }
0x2c1: {  	v19 =	vld [tilespmem:s15+$0x5C20]  }
0x2c2: {  	v20 =	vld [tilespmem:s15+$0x7C20]  }
0x2c3: {  	v21 =	vld [tilespmem:s15+$0xBC20]  }
0x2c4: {  	v22 =	vld [tilespmem:s15+$0x3C80]  }
0x2c5: {  	v23 =	vld [tilespmem:s15+$0x3C90]  }
0x2c6: {  	v24 =	vld [tilespmem:s15+$0x1CA0]  }
0x2c7: {  	v25 =	vld [tilespmem:s15+$0x5CA0]  }
0x2c8: {  	v26 =	vld [tilespmem:s15+$0x3C20]  }
0x2c9: {  	v27 =	vld [tilespmem:s15+$0x9C20]  }
0x2ca: {  	v28 =	vld [tilespmem:s15+$0x1C30]  }
0x2cb: {  	v29 =	vld [tilespmem:s15+$0x5C30]  }
0x2cc: {  	v30 =	vld [tilespmem:s15+$0x7C30]  }
0x2cd: {  	v31 =	vld [tilespmem:s15+$0xBC30]  }
0x2ce: {  	v32 =	vld [tilespmem:s15+$0x3CA0]  }
0x2cf: {  	v33 =	vld [tilespmem:s15+$0x1CB0]  }
0x2d0: {  	v34 =	vld [tilespmem:s15+$0x5CB0]  }
0x2d1: {  	v35 =	vld [tilespmem:s15+$0x3C30]  }
0x2d2: {  	v36 =	vld [tilespmem:s15+$0x9C30]  }
0x2d3: {  	v37 =	vld [tilespmem:s15+$0x1C40]  }
0x2d4: {  	v38 =	vld [tilespmem:s15+$0x5C40];
	v9 =	vadd.f32 v10, v9  }
0x2d5: {  	v39 =	vld [tilespmem:s15+$0x7C40]  }
0x2d6: {  	v40 =	vld [tilespmem:s15+$0xBC40];
	v43 =	vadd.f32 v13, v11;
	v7 =	vsub.f32 v9, v7  }
0x2d7: {  	v41 =	vld [tilespmem:s15+$0x3CB0];
	v8 =	vadd.f32 v12, v8;
	v6 =	vadd.f32 v15, v6  }
0x2d8: {  	v42 =	vld [tilespmem:s15+$0x1CC0];
	v5 =	vadd.f32 v17, v5;
	v4 =	vadd.f32 v45, v4  }
0x2d9: {  	v3 =	vadd.f32 v48, v3;
	v45 =	vld [tilespmem:s15+$0x9C00];
	v46 =	vsub.f32 v43, v14  }
0x2da: {  	v2 =	vadd.f32 v50, v2;
	v10 =	vadd.f32 v54, v52;
	v48 =	vld [tilespmem:s15+$0x3C40]  }
0x2db: {  	v50 =	vld [tilespmem:s15+$0x1C50];
	v7 =	vmul.f32 v7, v7;
	v8 =	vsub.f32 v8, v16;
	v9 =	vmul.f32 v46, v46  }
0x2dc: {  	v52 =	vld [tilespmem:s15+$0x7C50];
	v30 =	vadd.f32 v31, v30;
	v33 =	vadd.f32 v34, v33  }
0x2dd: {  	v43 =	vld [tilespmem:s15+$0x5CC0];
	v6 =	vsub.f32 v6, v44;
	v8 =	vmul.f32 v8, v8;
	v7 =	vadd.f32 v9, v7  }
0x2de: {  	v54 =	vld [tilespmem:s15+$0xBC50];
	v40 =	vadd.f32 v40, v39;
	v5 =	vsub.f32 v5, v47  }
0x2df: {  	v4 =	vsub.f32 v4, v49;
	v49 =	vld [tilespmem:s15+$0x9C40];
	v6 =	vmul.f32 v6, v6;
	v7 =	vadd.f32 v8, v7  }
0x2e0: {  	v31 =	vld [tilespmem:s15+$0x5C60];
	v2 =	vsub.f32 v2, v53;
	v53 =	vadd.f32 v19, v18  }
0x2e1: {  	v34 =	vld [tilespmem:s15+$0xBC60];
	v3 =	vsub.f32 v3, v51;
	v5 =	vmul.f32 v5, v5;
	v6 =	vadd.f32 v6, v7  }
0x2e2: {  	v46 =	vld [tilespmem:s15+$0x3C10];
	v13 =	vsub.f32 v53, v26;
	v42 =	vadd.f32 v43, v42  }
0x2e3: {  	v47 =	vld [tilespmem:s15+$0x9C10];
	v4 =	vmul.f32 v4, v4;
	v7 =	vadd.f32 v56, v55;
	v5 =	vadd.f32 v5, v6  }
0x2e4: {  	v51 =	vld [tilespmem:s15+$0x5C50];
	v8 =	vsub.f32 v40, v49;
	v6 =	vadd.f32 v58, v57  }
0x2e5: {  	v44 =	vld [tilespmem:s15+$0x1C70];
	v3 =	vmul.f32 v3, v3;
	v7 =	vsub.f32 v7, v45;
	v4 =	vadd.f32 v4, v5  }
0x2e6: {  	v55 =	vld [tilespmem:s15+$0x3CC0];
	v57 =	vadd.f32 v21, v20;
	v5 =	vadd.f32 v60, v59  }
0x2e7: {  	v2 =	vmul.f32 v2, v2;
	v56 =	vld [tilespmem:s15+$0x1CD0];
	v6 =	vsub.f32 v6, v46;
	v3 =	vadd.f32 v3, v4  }
0x2e8: {  	v58 =	vld [tilespmem:s15+$0x5CD0];
	v60 =	vadd.f32 v25, v24;
	v5 =	vsub.f32 v5, v47  }
0x2e9: {  	v45 =	vld [tilespmem:s15+$0x5C70];
	v7 =	vmul.f32 v7, v7;
	v16 =	vsub.f32 v57, v27;
	v2 =	vadd.f32 v2, v3  }
0x2ea: {  	v46 =	vadd.f32 v54, v52;
	v4 =	vadd.f32 v62, v61;
	v3 =	vld [tilespmem:s15+$0x1C90];
	v5 =	vmul.f32 v5, v5  }
0x2eb: {  	v62 =	vadd.f32 v29, v28;
	v29 =	vmul.f32 v16, v16;
	v16 =	vsub.f32 v30, v36;
	[tilespmem:s15+$0xDC80] =	vst v2;
	v2 =	vld [tilespmem:s15+$0x3C00]  }
0x2ec: {  	v59 =	vld [tilespmem:s15+$0x3C50];
	v36 =	vadd.f32 v38, v37;
	v5 =	vadd.f32 v5, v7  }
0x2ed: {  	v18 =	vsub.f32 v60, v32;
	v47 =	vld [tilespmem:s15+$0x7C70];
	v49 =	vadd.f32 v58, v56  }
0x2ee: {  	v16 =	vmul.f32 v16, v16;
	v9 =	vsub.f32 v36, v48;
	v48 =	vld [tilespmem:s15+$0xBC70];
	v5 =	vadd.f32 v29, v5  }
0x2ef: {  	v4 =	vsub.f32 v4, v22;
	v3 =	vadd.f32 v63, v3;
	v63 =	vld [tilespmem:s15+$0x1C60]  }
0x2f0: {  	v8 =	vmul.f32 v8, v8;
	v52 =	vld [tilespmem:s15+$0x1CF0];
	v5 =	vadd.f32 v16, v5;
	v2 =	vsub.f32 v10, v2  }
0x2f1: {  	v54 =	vld [tilespmem:s15+$0x5CF0];
	v6 =	vmul.f32 v6, v6;
	v3 =	vsub.f32 v3, v23;
	v10 =	vadd.f32 v51, v50  }
0x2f2: {  	v61 =	vld [tilespmem:s15+$0x9C50];
	v60 =	vadd.f32 v45, v44;
	v4 =	vmul.f32 v4, v4;
	v5 =	vadd.f32 v8, v5  }
0x2f3: {  	v32 =	vld [tilespmem:s15+$0x7C60];
	v2 =	vmul.f32 v2, v2;
	v3 =	vmul.f32 v3, v3;
	v7 =	vsub.f32 v10, v59  }
0x2f4: {  	v37 =	vld [tilespmem:s15+$0x1CE0];
	v10 =	vadd.f32 v48, v47;
	v53 =	vadd.f32 v31, v63  }
0x2f5: {  	v13 =	vmul.f32 v13, v13;
	v59 =	vld [tilespmem:s15+$0x3CF0];
	v2 =	vadd.f32 v6, v2;
	v3 =	vadd.f32 v3, v4  }
0x2f6: {  	v38 =	vld [tilespmem:s15+$0x5CE0];
	v4 =	vsub.f32 v62, v35;
	v6 =	vsub.f32 v42, v55  }
0x2f7: {  	v18 =	vmul.f32 v18, v18;
	v50 =	vld [tilespmem:s15+$0x3CE0];
	v2 =	vadd.f32 v13, v2;
	v13 =	vsub.f32 v33, v41  }
0x2f8: {  	v35 =	vld [tilespmem:s15+$0x3CD0];
	v51 =	vmul.f32 v7, v7;
	v7 =	vadd.f32 v54, v52;
	v4 =	vmul.f32 v4, v4  }
0x2f9: {  	v55 =	vadd.f32 v34, v32;
	v3 =	vadd.f32 v18, v3;
	v41 =	vld [tilespmem:s15+$0x3C60];
	v13 =	vmul.f32 v13, v13  }
0x2fa: {  	v43 =	vld [tilespmem:s15+$0x9C60];
	v9 =	vmul.f32 v9, v9;
	v7 =	vsub.f32 v7, v59;
	v2 =	vadd.f32 v4, v2  }
0x2fb: {  	v56 =	vld [tilespmem:s15+$0x3C70];
	v4 =	vadd.f32 v38, v37;
	v3 =	vadd.f32 v13, v3  }
0x2fc: {  	v58 =	vld [tilespmem:s15+$0x9C70];
	v6 =	vmul.f32 v6, v6;
	v2 =	vadd.f32 v9, v2;
	v9 =	vsub.f32 v46, v61  }
0x2fd: {  	v14 =	vsub.f32 v49, v35;
	v4 =	vsub.f32 v4, v50  }
0x2fe: {  	v8 =	vsub.f32 v53, v41;
	v3 =	vadd.f32 v6, v3;
	v9 =	vmul.f32 v9, v9  }
0x2ff: {  	v57 =	vmul.f32 v14, v14;
	v2 =	vadd.f32 v51, v2;
	v6 =	vsub.f32 v55, v43  }
0x300: {  	v8 =	vmul.f32 v8, v8;
	v5 =	vadd.f32 v9, v5;
	v9 =	vsub.f32 v60, v56  }
0x301: {  	v61 =	vsub.f32 v10, v58;
	v4 =	vmul.f32 v4, v4;
	v6 =	vmul.f32 v6, v6  }
0x302: {  	v3 =	vadd.f32 v57, v3;
	v2 =	vadd.f32 v8, v2;
	v9 =	vmul.f32 v9, v9  }
0x303: {  	v62 =	vmul.f32 v61, v61;
	v5 =	vadd.f32 v6, v5  }
0x304: {  	v63 =	vmul.f32 v7, v7;
	v3 =	vadd.f32 v4, v3;
	v2 =	vadd.f32 v9, v2  }
0x305: {  	v5 =	vadd.f32 v62, v5  }
0x306: {  	[tilespmem:s15+$0xCC00] =	vst v2;
	v2 =	vadd.f32 v63, v3  }
0x307: {  	[tilespmem:s15+$0xDC00] =	vst v5  }
0x308: {  	p0 =	por $0x1, $0x1;
	[tilespmem:s15+$0xCC80] =	vst v2  }
.LBB2_9:
0x309: {  	v2 =	vmov s13  }
0x30a: {  	v2 =	vshll.u32 v2, $0x7  }
0x30b: {  	v2 =	vor.u32 v1, v2;
	_ =	sdelay $0x1  }
0x30c: {  	v3 =	vor.u32 $0x1, v2;
	_ =	sdelay $0x1  }
0x30d: {  	v4 =	vor.u32 $0x2, v2  }
0x30e: {  	v5 =	vld.idx.msk [tilespmem:v2+s2+$0x0], $0xffff  }
0x30f: {  	v7 =	vor.u32 $0x3, v2;
	v6 =	vld.idx.msk [tilespmem:v2+s19+$0x0], $0xffff  }
0x310: {  	v8 =	vld.idx.msk [tilespmem:v3+s2+$0x0], $0xffff  }
0x311: {  	v9 =	vor.u32 $0x4, v2;
	v3 =	vld.idx.msk [tilespmem:v3+s19+$0x0], $0xffff  }
0x312: {  	v10 =	vld.idx.msk [tilespmem:v4+s2+$0x0], $0xffff  }
0x313: {  	v11 =	vor.u32 $0x5, v2;
	v4 =	vld.idx.msk [tilespmem:v4+s19+$0x0], $0xffff  }
0x314: {  	v12 =	vld.idx.msk [tilespmem:v7+s2+$0x0], $0xffff  }
0x315: {  	v19 =	vor.u32 $0x6, v2;
	v7 =	vld.idx.msk [tilespmem:v7+s19+$0x0], $0xffff;
	v5 =	vadd.f32 v8, v5  }
0x316: {  	v13 =	vld.idx.msk [tilespmem:v9+s2+$0x0], $0xffff  }
0x317: {  	v21 =	vor.u32 $0x7, v2;
	v20 =	vld.idx.msk [tilespmem:v9+s19+$0x0], $0xffff;
	v3 =	vadd.f32 v3, v6;
	v5 =	vadd.f32 v10, v5  }
0x318: {  	v22 =	vld.idx.msk [tilespmem:v11+s2+$0x0], $0xffff  }
0x319: {  	v25 =	vor.u32 $0x8, v2;
	v24 =	vld.idx.msk [tilespmem:v11+s19+$0x0], $0xffff;
	v3 =	vadd.f32 v4, v3;
	v23 =	vadd.f32 v12, v5  }
0x31a: {  	v26 =	vld.idx.msk [tilespmem:v19+s2+$0x0], $0xffff  }
0x31b: {  	v28 =	vor.u32 $0x9, v2;
	v27 =	vld.idx.msk [tilespmem:v19+s19+$0x0], $0xffff;
	v3 =	vadd.f32 v7, v3;
	v4 =	vadd.f32 v13, v23  }
0x31c: {  	v29 =	vld.idx.msk [tilespmem:v21+s2+$0x0], $0xffff  }
0x31d: {  	v31 =	vor.u32 $0xA, v2;
	v30 =	vld.idx.msk [tilespmem:v21+s19+$0x0], $0xffff;
	v3 =	vadd.f32 v20, v3;
	v4 =	vadd.f32 v22, v4  }
0x31e: {  	v32 =	vld.idx.msk [tilespmem:v25+s2+$0x0], $0xffff  }
0x31f: {  	v34 =	vor.u32 $0xB, v2;
	v33 =	vld.idx.msk [tilespmem:v25+s19+$0x0], $0xffff;
	v3 =	vadd.f32 v24, v3;
	v4 =	vadd.f32 v26, v4  }
0x320: {  	v35 =	vld.idx.msk [tilespmem:v28+s2+$0x0], $0xffff  }
0x321: {  	v37 =	vor.u32 $0xC, v2;
	v36 =	vld.idx.msk [tilespmem:v28+s19+$0x0], $0xffff;
	v3 =	vadd.f32 v27, v3;
	v4 =	vadd.f32 v29, v4  }
0x322: {  	v38 =	vld.idx.msk [tilespmem:v31+s2+$0x0], $0xffff  }
0x323: {  	v40 =	vor.u32 $0xD, v2;
	v39 =	vld.idx.msk [tilespmem:v31+s19+$0x0], $0xffff;
	v3 =	vadd.f32 v30, v3;
	v4 =	vadd.f32 v32, v4  }
0x324: {  	v41 =	vld.idx.msk [tilespmem:v34+s2+$0x0], $0xffff  }
0x325: {  	v43 =	vor.u32 $0xE, v2;
	v42 =	vld.idx.msk [tilespmem:v34+s19+$0x0], $0xffff;
	v3 =	vadd.f32 v33, v3;
	v4 =	vadd.f32 v35, v4  }
0x326: {  	v44 =	vld.idx.msk [tilespmem:v37+s2+$0x0], $0xffff  }
0x327: {  	v2 =	vor.u32 $0xF, v2;
	v45 =	vld.idx.msk [tilespmem:v37+s19+$0x0], $0xffff;
	v3 =	vadd.f32 v36, v3;
	v4 =	vadd.f32 v38, v4  }
0x328: {  	v46 =	vld.idx.msk [tilespmem:v40+s2+$0x0], $0xffff  }
0x329: {  	v47 =	vld.idx.msk [tilespmem:v40+s19+$0x0], $0xffff;
	v3 =	vadd.f32 v39, v3;
	v4 =	vadd.f32 v41, v4  }
0x32a: {  	v48 =	vld.idx.msk [tilespmem:v43+s2+$0x0], $0xffff  }
0x32b: {  	v49 =	vld.idx.msk [tilespmem:v43+s19+$0x0], $0xffff;
	v3 =	vadd.f32 v42, v3;
	v4 =	vadd.f32 v44, v4  }
0x32c: {  	v50 =	vld.idx.msk [tilespmem:v2+s2+$0x0], $0xffff  }
0x32d: {  	v3 =	vadd.f32 v45, v3;
	v4 =	vadd.f32 v46, v4  }
0x32e: {  	v2 =	vld.idx.msk [tilespmem:v2+s19+$0x0], $0xffff  }
0x32f: {  	v3 =	vadd.f32 v47, v3;
	v4 =	vadd.f32 v48, v4;
	_ =	sdelay $0x1  }
0x330: {  	v3 =	vadd.f32 v49, v3;
	v4 =	vadd.f32 v50, v4;
	_ =	sdelay $0x1  }
0x331: {  	v2 =	vadd.f32 v2, v3;
	v3 =	vshrl.u32 v4, $0x1;
	v51 =	vmul.f32 $5.000000000e-01, v4  }
0x332: {  	v3 =	vsub.s32 $0x5F3759DF, v3  }
0x333: {  	v53 =	vshrl.u32 v2, $0x1;
	v54 =	vmul.f32 $5.000000000e-01, v2;
	v52 =	vmul.f32 v3, v51  }
0x334: {  	v7 =	vsub.s32 $0x5F3759DF, v53  }
0x335: {  	v55 =	vmul.f32 v7, v54;
	v6 =	vmul.f32 v3, v52;
	_ =	sdelay $0x1  }
0x336: {  	v9 =	vmul.f32 v7, v55;
	v6 =	vsub.f32 $1.500000000e+00, v6;
	_ =	sdelay $0x1  }
0x337: {  	v56 =	vsub.f32 $1.500000000e+00, v9;
	v3 =	vmul.f32 v3, v6;
	_ =	sdelay $0x1  }
0x338: {  	v6 =	vmul.f32 v7, v56;
	v57 =	vmul.f32 v3, v51;
	_ =	sdelay $0x1  }
0x339: {  	v59 =	vmul.f32 v6, v54;
	v58 =	vmul.f32 v57, v3;
	_ =	sdelay $0x1  }
0x33a: {  	v9 =	vmul.f32 v59, v6;
	v7 =	vsub.f32 $1.500000000e+00, v58;
	_ =	sdelay $0x1  }
0x33b: {  	v60 =	vsub.f32 $1.500000000e+00, v9;
	v3 =	vmul.f32 v7, v3;
	_ =	sdelay $0x1  }
0x33c: {  	v6 =	vmul.f32 v60, v6;
	v5 =	vmul.f32 v3, v51;
	_ =	sdelay $0x1  }
0x33d: {  	v7 =	vmul.f32 v6, v54;
	v5 =	vmul.f32 v5, v3;
	_ =	sdelay $0x1  }
0x33e: {  	v7 =	vmul.f32 v7, v6;
	v5 =	vsub.f32 $1.500000000e+00, v5;
	_ =	sdelay $0x1  }
0x33f: {  	v61 =	vsub.f32 $1.500000000e+00, v7;
	v3 =	vmul.f32 v5, v3;
	_ =	sdelay $0x1  }
0x340: {  	v62 =	vmul.f32 v61, v6;
	v3 =	vmul.f32 v3, v4;
	_ =	sdelay $0x1  }
0x341: {  	v63 =	vld [tilespmem:$0xEC00];
	v2 =	vmul.f32 v62, v2;
	v3 =	vadd.f32 $1.000000000e+00, v3;
	_ =	sdelay $0x1  }
0x342: {  	p1 =	por p0, p0;
	v2 =	vsub.f32 v3, v2  }
.Ltmp3:
0x343: {  	_ = 	snop;
	(pc) =	sbr.rel @p1 .LBB2_9-.Ltmp3, $3  }
0x344: {  	v2 =	vmax.f32 v2, $0.0e+00  }
0x345: {  	v2 =	vadd.f32 v2, v63;
	_ =	sdelay $0x1  }
0x346: {  	s13 =	simm.s32 $0x10;
	p0 =	por $0x0, $0x0;
	[tilespmem:$0xEC00] =	vst v2  }
0x347: {  	s23 =	sadd.s32 $0x1, s23  }
0x348: {  	p0 =	sne.s32 s23, $0x8  }
.Ltmp4:
0x349: {  	_ = 	snop;
	(pc) =	sbr.rel @p0 .LBB2_2-.Ltmp4, $1  }
0x34a: {  	_ =	sdelay $0x3  }
0x34b: {  	s22 =	sadd.s32 $0x1, s22  }
0x34c: {  	p0 =	sne.s32 s22, s11  }
.Ltmp5:
0x34d: {  	s13 =	simm.s32 $0xEC00;
	(pc) =	sbr.rel @p0 .LBB2_1-.Ltmp5, $4  }
0x34e: {  	[hbm4b:s10+s3] =	stream.linear.scatter [tilespmem:s13], [sflag:$0x3], $0x10, $0x38;
	[tilespmem:$0xEC80] =	vst v63  }
0x34f: {  	_ =	swait.ge [sflag:s12], $0x10  }
0x350: {  	[sflag:s12] =	ssyncset.done $0x0  }
0x351: {  	[sflag:s12] =	ssyncadd.s32 $0xFFFFFFF0  }
0x352: {  	_ =	sfence.sel $0x180000  }
0x353: {  	[bflag:$0x0] =	sbarrier.arrive $0xFFFF  }
0x354: {  	_ =	strace $0x90000047  }
0x355: {  	s0 =	stileid.u32;
	[bflag:$0x2] =	sbarrier.arrive $0xFFFF  }
0x356: {  	p0 =	sne.s32 s0, $0x0;
	s0 =	rddreg [dreg:$0x2]  }
0x357: {  	s0 =	sadd.s32 @!p0 $0x100000, s0  }
0x358: {  	[sflag:s0] =	ssyncadd.tile.s32 @!p0 $0x1;
	_ =	shalt  }
.Lfunc_end2:
_tile_overlayer_lowered:
.L_overlay_start_2:
0x359: {  	(tag) =	ssettag $0x2  }
0x35a: {  	s0 =	rddreg [dreg:$0x0];
	s2 =	stileid.u32  }
0x35b: {  	s1 =	rddreg [dreg:$0x1];
	p0 =	sne.s32 s2, $0x0  }
0x35c: {  	s3 =	rddreg [dreg:$0x2];
	[bflag:$0x3] =	sbarrier.arrive $0xFFFF;
	s2 =	simm.s32 @!p0 $0x1C03  }
0x35d: {  	[timem:s3], [sflag:s2] =	dma.local @!p0 [hbm:s0], s1  }
0x35e: {  	s0 =	simm.s32 @!p0 $0x3  }
0x35f: {  	_ =	swait.ge @!p0 [sflag:s0], s1  }
0x360: {  	s1 =	ssub.s32 @!p0 $0x0, s1;
	[sflag:s0] =	ssyncset.done @!p0 $0x0  }
0x361: {  	[sflag:s0] =	ssyncadd.s32 @!p0 s1  }
0x362: {  	[bflag:$0x3] =	sbarrier.arrive $0xFFFF  }
0x363: {  	_ =	shalt  }

</sc_bundles>
